<compile_context>
chip_gen: v7x
topology: tpu7x:2x2x1
jax: 0.10.2.dev20260603
libtpu: 0.0.44.dev20260713+nightly
codegen_flags: <defaults>
</compile_context>

<pallas_src>
import functools

import jax
import jax.numpy as jnp
from jax import lax
from jax.experimental import pallas as pl
from jax.experimental.pallas import tpu as pltpu
from jax.experimental.pallas import tpu_sc as plsc

N = 10000
E = 320000
D = 128
BS = 1024
NEG_SLOPE = 0.1

NC = 2
NS = 16
NW = NC * NS
CHUNK = 128
WROWS = 80
G = 40
EPAD = NW * WROWS * CHUNK
NROWS = EPAD // CHUNK
NACC = 10112
ZR = NACC // NS


def _mesh():
    return plsc.VectorSubcoreMesh(
        core_axis_name="c", subcore_axis_name="s", num_cores=NC, num_subcores=NS
    )


@functools.lru_cache(maxsize=None)
def _sc_segsum_build(out_rows=NACC):
    ZRo = out_rows // NS
    scratch = [
        pltpu.VMEM((G, CHUNK), jnp.int32),
        pltpu.VMEM((G, CHUNK), jnp.int32),
        pltpu.VMEM((CHUNK, D), jnp.float32),
        pltpu.VMEM((CHUNK, D), jnp.float32),
        pltpu.VMEM_SHARED((NACC, D), jnp.float32),
        pltpu.SemaphoreType.DMA,
        pltpu.SemaphoreType.DMA,
    ]

    @functools.partial(
        pl.kernel,
        out_type=(jax.ShapeDtypeStruct((out_rows, D), jnp.float32),
                  jax.ShapeDtypeStruct((out_rows, D), jnp.float32)),
        mesh=_mesh(),
        scratch_types=scratch,
    )
    def k(x_hbm, src_hbm, dst_hbm, sums0_hbm, sums1_hbm,
          sidx, didx, rows_a, rows_b, acc_sh, sem_a, sem_b):
        c = lax.axis_index("c")
        s = lax.axis_index("s")
        wid = c * NS + s

        zeros16 = jnp.zeros((16,), jnp.float32)

        def zrow(i, carry):
            for j in range(D // 16):
                rows_a[i, pl.ds(j * 16, 16)] = zeros16
            return carry

        lax.fori_loop(0, min(CHUNK, ZRo), zrow, 0)
        for i in range(ZRo // CHUNK):
            pltpu.sync_copy(rows_a, acc_sh.at[pl.ds(s * ZRo + i * CHUNK, CHUNK)])
        rem = ZRo % CHUNK
        if rem:
            pltpu.sync_copy(
                rows_a.at[pl.ds(0, rem)],
                acc_sh.at[pl.ds(s * ZRo + (ZRo // CHUNK) * CHUNK, rem)],
            )
        plsc.subcore_barrier()

        for g in range(WROWS // G):
            gbase = wid * WROWS + g * G
            pltpu.sync_copy(src_hbm.at[pl.ds(gbase, G)], sidx)
            pltpu.sync_copy(dst_hbm.at[pl.ds(gbase, G)], didx)

            pltpu.async_copy(x_hbm.at[sidx.at[0]], rows_a, sem_a)

            def pair(t, carry):
                k0 = 2 * t
                pltpu.async_copy(x_hbm.at[sidx.at[k0 + 1]], rows_b, sem_b)
                pltpu.make_async_copy(x_hbm.at[sidx.at[k0]], rows_a, sem_a).wait()
                pltpu.sync_copy(rows_a, acc_sh.at[didx.at[k0]], add=True)
                pltpu.async_copy(x_hbm.at[sidx.at[k0 + 2]], rows_a, sem_a)
                pltpu.make_async_copy(x_hbm.at[sidx.at[k0 + 1]], rows_b, sem_b).wait()
                pltpu.sync_copy(rows_b, acc_sh.at[didx.at[k0 + 1]], add=True)
                return carry

            lax.fori_loop(0, G // 2 - 1, pair, 0)
            pltpu.async_copy(x_hbm.at[sidx.at[G - 1]], rows_b, sem_b)
            pltpu.make_async_copy(x_hbm.at[sidx.at[G - 2]], rows_a, sem_a).wait()
            pltpu.sync_copy(rows_a, acc_sh.at[didx.at[G - 2]], add=True)
            pltpu.make_async_copy(x_hbm.at[sidx.at[G - 1]], rows_b, sem_b).wait()
            pltpu.sync_copy(rows_b, acc_sh.at[didx.at[G - 1]], add=True)

        plsc.subcore_barrier()

        @pl.when(c == 0)
        def _():
            pltpu.sync_copy(acc_sh.at[pl.ds(s * ZRo, ZRo)],
                            sums0_hbm.at[pl.ds(s * ZRo, ZRo)])

        @pl.when(c == 1)
        def _():
            pltpu.sync_copy(acc_sh.at[pl.ds(s * ZRo, ZRo)],
                            sums1_hbm.at[pl.ds(s * ZRo, ZRo)])

    return k


@functools.lru_cache(maxsize=None)
def _sc_deg_build():
    scratch = [
        pltpu.VMEM((WROWS, CHUNK), jnp.int32),
        pltpu.VMEM((CHUNK, D), jnp.float32),
        pltpu.VMEM_SHARED((NACC, D), jnp.float32),
    ]

    @functools.partial(
        pl.kernel,
        out_type=(jax.ShapeDtypeStruct((NACC, D), jnp.float32),
                  jax.ShapeDtypeStruct((NACC, D), jnp.float32)),
        mesh=_mesh(),
        scratch_types=scratch,
    )
    def k(dst_hbm, deg0_hbm, deg1_hbm, didx, ones_v, deg_sh):
        c = lax.axis_index("c")
        s = lax.axis_index("s")
        wid = c * NS + s

        pltpu.sync_copy(dst_hbm.at[pl.ds(wid * WROWS, WROWS)], didx)

        zeros16 = jnp.zeros((16,), jnp.float32)
        ones16 = jnp.ones((16,), jnp.float32)

        def fill(val):
            def row(i, carry):
                for j in range(D // 16):
                    ones_v[i, pl.ds(j * 16, 16)] = val
                return carry
            lax.fori_loop(0, CHUNK, row, 0)

        fill(zeros16)
        for i in range(ZR // CHUNK):
            pltpu.sync_copy(ones_v, deg_sh.at[pl.ds(s * ZR + i * CHUNK, CHUNK)])
        rem = ZR % CHUNK
        if rem:
            pltpu.sync_copy(
                ones_v.at[pl.ds(0, rem)],
                deg_sh.at[pl.ds(s * ZR + (ZR // CHUNK) * CHUNK, rem)],
            )
        fill(ones16)
        plsc.subcore_barrier()

        def body(t, carry):
            pltpu.sync_copy(ones_v, deg_sh.at[didx.at[t]], add=True)
            return carry

        lax.fori_loop(0, WROWS, body, 0)

        plsc.subcore_barrier()

        @pl.when(c == 0)
        def _():
            pltpu.sync_copy(deg_sh.at[pl.ds(s * ZR, ZR)],
                            deg0_hbm.at[pl.ds(s * ZR, ZR)])

        @pl.when(c == 1)
        def _():
            pltpu.sync_copy(deg_sh.at[pl.ds(s * ZR, ZR)],
                            deg1_hbm.at[pl.ds(s * ZR, ZR)])

    return k


def _mm_body(s0, s1, g0, g1, x, wl, wr, b, o, *, act):
    deg = g0[:, :1] + g1[:, :1]
    r = 1.0 / jnp.maximum(deg, 1.0)
    agg = (s0[...] + s1[...]) * r
    v = jnp.dot(agg, wl[...], preferred_element_type=jnp.float32)
    v = v + jnp.dot(x[...], wr[...], preferred_element_type=jnp.float32)
    v = v + b[0:1, :]
    if act:
        v = jnp.where(v >= 0.0, v, NEG_SLOPE * v)
    o[...] = v


def _mm(s0, s1, g0, g1, x, wl_t, wr_t, b8, *, act, blk, rows):
    grid = (rows // blk,)
    row_spec = pl.BlockSpec((blk, D), lambda i: (i, 0))
    deg_spec = pl.BlockSpec((blk, D), lambda i: (i, 0))
    full_spec = pl.BlockSpec((D, D), lambda i: (0, 0))
    b_spec = pl.BlockSpec((8, D), lambda i: (0, 0))
    return pl.pallas_call(
        functools.partial(_mm_body, act=act),
        grid=grid,
        in_specs=[row_spec, row_spec, deg_spec, deg_spec, row_spec,
                  full_spec, full_spec, b_spec],
        out_specs=row_spec,
        out_shape=jax.ShapeDtypeStruct((rows, D), jnp.float32),
    )(s0, s1, g0, g1, x, wl_t, wr_t, b8)


def kernel(count, x, edge_index, y, batch_size,
           W_enc_l, b_enc_l, W_enc_r,
           W1_l, b1_l, W1_r,
           W_dec_l, b_dec_l, W_dec_r):
    src = edge_index[0]
    dst = edge_index[1]
    pad = EPAD - E
    pad_src = (jnp.arange(pad, dtype=jnp.int32) * 37) % N
    pad_dst = N + (jnp.arange(pad, dtype=jnp.int32) % (NACC - N))
    src2 = jnp.concatenate([src, pad_src]).reshape(NROWS, CHUNK)
    dst2 = jnp.concatenate([dst, pad_dst]).reshape(NROWS, CHUNK)

    def b8(b):
        return jnp.broadcast_to(b[None, :], (8, D))

    segsum = _sc_segsum_build()

    g0, g1 = _sc_deg_build()(dst2)

    s10, s11 = segsum(x, src2, dst2)
    h1 = _mm(s10, s11, g0, g1, x,
             W_enc_l.T, W_enc_r.T, b8(b_enc_l), act=True, blk=2000, rows=N)

    s20, s21 = segsum(h1, src2, dst2)
    h2 = _mm(s20, s21, g0, g1, h1,
             W1_l.T, W1_r.T, b8(b1_l), act=True, blk=2000, rows=N)

    s30, s31 = _sc_segsum_build(BS)(h2, src2, dst2)
    pred = _mm(s30, s31, g0, g1, h2,
               W_dec_l.T, W_dec_r.T, b8(b_dec_l), act=False, blk=1024, rows=BS)

    return (pred, y[:BS])

# --- scband reference (transcript-rebuilt; emitter-appended) ---
"""Pipeline reference for scband-ogb-batch-24773371363390 (READ-ONLY COPY).

The authoritative reference and input builder live on the scoring server;
editing this copy changes nothing except your own understanding.
"""

import jax, jax.numpy as jnp
import numpy as np

N = 10000
E = 320000
D = 128
H = 128
BS = 1024
NEG_SLOPE = 0.1


def _lin_init(key, out_dim, in_dim):
    s = 1.0 / np.sqrt(in_dim)
    return jax.random.uniform(key, (out_dim, in_dim), minval=-s, maxval=s, dtype=jnp.float32)


def setup_inputs(seed: int = 0) -> dict:
    key = jax.random.key(seed)
    ks = jax.random.split(key, 16)
    x = jax.random.normal(ks[0], (N, D), dtype=jnp.float32)
    edge_index = jax.random.randint(ks[1], (2, E), 0, N, dtype=jnp.int32)
    y = jax.random.randint(ks[2], (BS,), 0, H, dtype=jnp.int32)
    inp = {
        'count': 0,
        'x': x,
        'edge_index': edge_index,
        'y': y,
        'batch_size': BS,
        # SAGEConv enc (D -> H): lin_l (applied to aggregated neighbors, has bias), lin_r (root)
        'W_enc_l': _lin_init(ks[3], H, D),
        'b_enc_l': jnp.zeros((H,), dtype=jnp.float32),
        'W_enc_r': _lin_init(ks[4], H, D),
        # SAGEConv hidden layer (H -> H)
        'W1_l': _lin_init(ks[5], H, H),
        'b1_l': jnp.zeros((H,), dtype=jnp.float32),
        'W1_r': _lin_init(ks[6], H, H),
        # SAGEConv dec (H -> out_dim=H, since Single_Hetero passes hidden as out_dim)
        'W_dec_l': _lin_init(ks[7], H, H),
        'b_dec_l': jnp.zeros((H,), dtype=jnp.float32),
        'W_dec_r': _lin_init(ks[8], H, H),
    }
    return inp


def _sage_conv(x, src, dst, W_l, b_l, W_r):
    # PyG SAGEConv with mean aggregation:
    # out = lin_l(mean_{j in N(i)} x_j) + lin_r(x_i)
    msg = jnp.take(x, src, axis=0)                       # gather: [E, d]
    aggr = jax.ops.segment_sum(msg, dst, num_segments=N)  # scatter-add: [N, d]
    deg = jax.ops.segment_sum(jnp.ones((src.shape[0],), dtype=x.dtype), dst, num_segments=N)
    aggr = aggr / jnp.clip(deg, 1.0, None)[:, None]
    return aggr @ W_l.T + b_l + x @ W_r.T


def reference(count, x, edge_index, y, batch_size,
              W_enc_l, b_enc_l, W_enc_r,
              W1_l, b1_l, W1_r,
              W_dec_l, b_dec_l, W_dec_r):
    src = edge_index[0]
    dst = edge_index[1]
    # dropout is a no-op in eval mode
    h = jax.nn.leaky_relu(_sage_conv(x, src, dst, W_enc_l, b_enc_l, W_enc_r), NEG_SLOPE)
    h = jax.nn.leaky_relu(_sage_conv(h, src, dst, W1_l, b1_l, W1_r), NEG_SLOPE)
    h = _sage_conv(h, src, dst, W_dec_l, b_dec_l, W_dec_r)
    # mode == 'att': pred = pred[target]; return pred[:batch_size], labels
    pred = h[:BS]
    labels = y[:BS]
    return (pred, labels)

if __name__ == "__main__":
    import jax
    _d = setup_inputs()
    print(jax.jit(kernel)(*tuple(_d.values())))

</pallas_src>

<mosaic_0001>
#map = affine_map<(d0, d1) -> (0, 0)>
module attributes {stable_mosaic.version = 14 : i64} {
  func.func @k(%arg0: i32, %arg1: i32, %arg2: memref<10000x128xf32, #tpu.memory_space<hbm>>, %arg3: memref<2560x128xi32, #tpu.memory_space<hbm>>, %arg4: memref<2560x128xi32, #tpu.memory_space<hbm>>, %arg5: memref<10112x128xf32, #tpu.memory_space<hbm>>, %arg6: memref<10112x128xf32, #tpu.memory_space<hbm>>, %arg7: memref<40x128xi32, #tpu.memory_space<vmem>>, %arg8: memref<40x128xi32, #tpu.memory_space<vmem>>, %arg9: memref<128x128xf32, #tpu.memory_space<vmem>>, %arg10: memref<128x128xf32, #tpu.memory_space<vmem>>, %arg11: memref<10112x128xf32, #tpu.memory_space<vmem_shared>>, %arg12: memref<!tpu.dma_semaphore, #tpu.memory_space<semaphore_mem>>, %arg13: memref<!tpu.dma_semaphore, #tpu.memory_space<semaphore_mem>>) attributes {dimension_semantics = [#tpu.dimension_semantics<core_parallel>, #tpu.dimension_semantics<subcore_parallel>], iteration_bounds = array<i64: 2, 16>, scalar_prefetch = 0 : i64, scratch_operands = 7 : i64, tpu.core_type = #tpu.core_type<sc_vector_subcore>, window_params = [{transform_indices = #map}, {transform_indices = #map}, {transform_indices = #map}, {transform_indices = #map}, {transform_indices = #map}]} {
    %mul3A = arith.constant 16 : i32
    %mul3A_0 = arith.muli %arg0, %mul3A : i32
    %add3A = arith.addi %mul3A_0, %arg1 : i32
    %broadcast_in_dim3A = arith.constant 0.000000e+00 : f32
    %broadcast_in_dim3A_1 = vector.broadcast %broadcast_in_dim3A : f32 to vector<16xf32>
    %scan3A = arith.constant 0 : i32
    %scan3A_2 = arith.constant 0 : i32
    %scan3A_3 = arith.constant 128 : i32
    %scan3A_4 = arith.addi %scan3A_2, %scan3A_3 : i32
    %scan3A_5 = arith.constant 1 : i32
    scf.for %scan3A_112 = %scan3A_2 to %scan3A_4 step %scan3A_5  : i32 {
      %swap3A = arith.index_cast %scan3A_112 : i32 to index
      %swap3A_113 = arith.constant 0 : index
      %swap3A_114 = tpu.vector_load %arg9[%swap3A, %swap3A_113] {strides = array<i32>} : memref<128x128xf32, #tpu.memory_space<vmem>>, vector<1x16xf32>,
      %swap3A_115 = vector.shape_cast %swap3A_114 : vector<1x16xf32> to vector<16xf32>
      %swap3A_116 = vector.shape_cast %broadcast_in_dim3A_1 : vector<16xf32> to vector<1x16xf32>
      tpu.vector_store %arg9[%swap3A, %swap3A_113], %swap3A_116 {strides = array<i32>} : memref<128x128xf32, #tpu.memory_space<vmem>>, vector<1x16xf32>,
      %swap3A_117 = arith.index_cast %scan3A_112 : i32 to index
      %swap3A_118 = arith.constant 16 : index
      %swap3A_119 = tpu.vector_load %arg9[%swap3A_117, %swap3A_118] {strides = array<i32>} : memref<128x128xf32, #tpu.memory_space<vmem>>, vector<1x16xf32>,
      %swap3A_120 = vector.shape_cast %swap3A_119 : vector<1x16xf32> to vector<16xf32>
      %swap3A_121 = vector.shape_cast %broadcast_in_dim3A_1 : vector<16xf32> to vector<1x16xf32>
      tpu.vector_store %arg9[%swap3A_117, %swap3A_118], %swap3A_121 {strides = array<i32>} : memref<128x128xf32, #tpu.memory_space<vmem>>, vector<1x16xf32>,
      %swap3A_122 = arith.index_cast %scan3A_112 : i32 to index
      %swap3A_123 = arith.constant 32 : index
      %swap3A_124 = tpu.vector_load %arg9[%swap3A_122, %swap3A_123] {strides = array<i32>} : memref<128x128xf32, #tpu.memory_space<vmem>>, vector<1x16xf32>,
      %swap3A_125 = vector.shape_cast %swap3A_124 : vector<1x16xf32> to vector<16xf32>
      %swap3A_126 = vector.shape_cast %broadcast_in_dim3A_1 : vector<16xf32> to vector<1x16xf32>
      tpu.vector_store %arg9[%swap3A_122, %swap3A_123], %swap3A_126 {strides = array<i32>} : memref<128x128xf32, #tpu.memory_space<vmem>>, vector<1x16xf32>,
      %swap3A_127 = arith.index_cast %scan3A_112 : i32 to index
      %swap3A_128 = arith.constant 48 : index
      %swap3A_129 = tpu.vector_load %arg9[%swap3A_127, %swap3A_128] {strides = array<i32>} : memref<128x128xf32, #tpu.memory_space<vmem>>, vector<1x16xf32>,
      %swap3A_130 = vector.shape_cast %swap3A_129 : vector<1x16xf32> to vector<16xf32>
      %swap3A_131 = vector.shape_cast %broadcast_in_dim3A_1 : vector<16xf32> to vector<1x16xf32>
      tpu.vector_store %arg9[%swap3A_127, %swap3A_128], %swap3A_131 {strides = array<i32>} : memref<128x128xf32, #tpu.memory_space<vmem>>, vector<1x16xf32>,
      %swap3A_132 = arith.index_cast %scan3A_112 : i32 to index
      %swap3A_133 = arith.constant 64 : index
      %swap3A_134 = tpu.vector_load %arg9[%swap3A_132, %swap3A_133] {strides = array<i32>} : memref<128x128xf32, #tpu.memory_space<vmem>>, vector<1x16xf32>,
      %swap3A_135 = vector.shape_cast %swap3A_134 : vector<1x16xf32> to vector<16xf32>
      %swap3A_136 = vector.shape_cast %broadcast_in_dim3A_1 : vector<16xf32> to vector<1x16xf32>
      tpu.vector_store %arg9[%swap3A_132, %swap3A_133], %swap3A_136 {strides = array<i32>} : memref<128x128xf32, #tpu.memory_space<vmem>>, vector<1x16xf32>,
      %swap3A_137 = arith.index_cast %scan3A_112 : i32 to index
      %swap3A_138 = arith.constant 80 : index
      %swap3A_139 = tpu.vector_load %arg9[%swap3A_137, %swap3A_138] {strides = array<i32>} : memref<128x128xf32, #tpu.memory_space<vmem>>, vector<1x16xf32>,
      %swap3A_140 = vector.shape_cast %swap3A_139 : vector<1x16xf32> to vector<16xf32>
      %swap3A_141 = vector.shape_cast %broadcast_in_dim3A_1 : vector<16xf32> to vector<1x16xf32>
      tpu.vector_store %arg9[%swap3A_137, %swap3A_138], %swap3A_141 {strides = array<i32>} : memref<128x128xf32, #tpu.memory_space<vmem>>, vector<1x16xf32>,
      %swap3A_142 = arith.index_cast %scan3A_112 : i32 to index
      %swap3A_143 = arith.constant 96 : index
      %swap3A_144 = tpu.vector_load %arg9[%swap3A_142, %swap3A_143] {strides = array<i32>} : memref<128x128xf32, #tpu.memory_space<vmem>>, vector<1x16xf32>,
      %swap3A_145 = vector.shape_cast %swap3A_144 : vector<1x16xf32> to vector<16xf32>
      %swap3A_146 = vector.shape_cast %broadcast_in_dim3A_1 : vector<16xf32> to vector<1x16xf32>
      tpu.vector_store %arg9[%swap3A_142, %swap3A_143], %swap3A_146 {strides = array<i32>} : memref<128x128xf32, #tpu.memory_space<vmem>>, vector<1x16xf32>,
      %swap3A_147 = arith.index_cast %scan3A_112 : i32 to index
      %swap3A_148 = arith.constant 112 : index
      %swap3A_149 = tpu.vector_load %arg9[%swap3A_147, %swap3A_148] {strides = array<i32>} : memref<128x128xf32, #tpu.memory_space<vmem>>, vector<1x16xf32>,
      %swap3A_150 = vector.shape_cast %swap3A_149 : vector<1x16xf32> to vector<16xf32>
      %swap3A_151 = vector.shape_cast %broadcast_in_dim3A_1 : vector<16xf32> to vector<1x16xf32>
      tpu.vector_store %arg9[%swap3A_147, %swap3A_148], %swap3A_151 {strides = array<i32>} : memref<128x128xf32, #tpu.memory_space<vmem>>, vector<1x16xf32>,
    }
    %scan3A_6 = arith.constant 128 : i32
    %mul3A_7 = arith.constant 632 : i32
    %mul3A_8 = arith.muli %arg1, %mul3A_7 : i32
    %add3A_9 = arith.constant 0 : i32
    %add3A_10 = arith.addi %mul3A_8, %add3A_9 : i32
    "tpu.region"() ({
      %run_scoped3A_112 = tpu.sem_alloc : memref<!tpu.dma_semaphore, #tpu.memory_space<semaphore_mem>>
      %dma_start3A_113 = arith.constant 0 : i32
      %dma_start3A_114 = tpu.memref_slice %arg11[%add3A_10, %dma_start3A_113] : memref<10112x128xf32, #tpu.memory_space<vmem_shared>> -> memref<128x128xf32, #tpu.memory_space<vmem_shared>>
      %dma_start3A_115 = arith.constant 0 : i32
      %dma_start3A_116 = tpu.memref_slice %arg11[%add3A_10, %dma_start3A_115] : memref<10112x128xf32, #tpu.memory_space<vmem_shared>> -> memref<128x128xf32, #tpu.memory_space<vmem_shared>>
      tpu.enqueue_dma source(%arg9 : memref<128x128xf32, #tpu.memory_space<vmem>>) target(%dma_start3A_116 : memref<128x128xf32, #tpu.memory_space<vmem_shared>>) target_semaphore(%run_scoped3A_112 : memref<!tpu.dma_semaphore, #tpu.memory_space<semaphore_mem>>)
      %dma_wait3A_117 = arith.constant 0 : i32
      %dma_wait3A_118 = tpu.memref_slice %arg11[%add3A_10, %dma_wait3A_117] : memref<10112x128xf32, #tpu.memory_space<vmem_shared>> -> memref<128x128xf32, #tpu.memory_space<vmem_shared>>
      %dma_wait3A_119 = arith.constant 0 : i32
      %dma_wait3A_120 = tpu.memref_slice %arg11[%add3A_10, %dma_wait3A_119] : memref<10112x128xf32, #tpu.memory_space<vmem_shared>> -> memref<128x128xf32, #tpu.memory_space<vmem_shared>>
      tpu.wait_dma2 semaphore(%run_scoped3A_112 : memref<!tpu.dma_semaphore, #tpu.memory_space<semaphore_mem>>) src(%arg9 : memref<128x128xf32, #tpu.memory_space<vmem>>) dst(%dma_wait3A_120 : memref<128x128xf32, #tpu.memory_space<vmem_shared>>)
      tpu.yield
    }) : () -> ()
    %mul3A_11 = arith.constant 632 : i32
    %mul3A_12 = arith.muli %arg1, %mul3A_11 : i32
    %add3A_13 = arith.constant 128 : i32
    %add3A_14 = arith.addi %mul3A_12, %add3A_13 : i32
    "tpu.region"() ({
      %run_scoped3A_112 = tpu.sem_alloc : memref<!tpu.dma_semaphore, #tpu.memory_space<semaphore_mem>>
      %dma_start3A_113 = arith.constant 0 : i32
      %dma_start3A_114 = tpu.memref_slice %arg11[%add3A_14, %dma_start3A_113] : memref<10112x128xf32, #tpu.memory_space<vmem_shared>> -> memref<128x128xf32, #tpu.memory_space<vmem_shared>>
      %dma_start3A_115 = arith.constant 0 : i32
      %dma_start3A_116 = tpu.memref_slice %arg11[%add3A_14, %dma_start3A_115] : memref<10112x128xf32, #tpu.memory_space<vmem_shared>> -> memref<128x128xf32, #tpu.memory_space<vmem_shared>>
      tpu.enqueue_dma source(%arg9 : memref<128x128xf32, #tpu.memory_space<vmem>>) target(%dma_start3A_116 : memref<128x128xf32, #tpu.memory_space<vmem_shared>>) target_semaphore(%run_scoped3A_112 : memref<!tpu.dma_semaphore, #tpu.memory_space<semaphore_mem>>)
      %dma_wait3A_117 = arith.constant 0 : i32
      %dma_wait3A_118 = tpu.memref_slice %arg11[%add3A_14, %dma_wait3A_117] : memref<10112x128xf32, #tpu.memory_space<vmem_shared>> -> memref<128x128xf32, #tpu.memory_space<vmem_shared>>
      %dma_wait3A_119 = arith.constant 0 : i32
      %dma_wait3A_120 = tpu.memref_slice %arg11[%add3A_14, %dma_wait3A_119] : memref<10112x128xf32, #tpu.memory_space<vmem_shared>> -> memref<128x128xf32, #tpu.memory_space<vmem_shared>>
      tpu.wait_dma2 semaphore(%run_scoped3A_112 : memref<!tpu.dma_semaphore, #tpu.memory_space<semaphore_mem>>) src(%arg9 : memref<128x128xf32, #tpu.memory_space<vmem>>) dst(%dma_wait3A_120 : memref<128x128xf32, #tpu.memory_space<vmem_shared>>)
      tpu.yield
    }) : () -> ()
    %mul3A_15 = arith.constant 632 : i32
    %mul3A_16 = arith.muli %arg1, %mul3A_15 : i32
    %add3A_17 = arith.constant 256 : i32
    %add3A_18 = arith.addi %mul3A_16, %add3A_17 : i32
    "tpu.region"() ({
      %run_scoped3A_112 = tpu.sem_alloc : memref<!tpu.dma_semaphore, #tpu.memory_space<semaphore_mem>>
      %dma_start3A_113 = arith.constant 0 : i32
      %dma_start3A_114 = tpu.memref_slice %arg11[%add3A_18, %dma_start3A_113] : memref<10112x128xf32, #tpu.memory_space<vmem_shared>> -> memref<128x128xf32, #tpu.memory_space<vmem_shared>>
      %dma_start3A_115 = arith.constant 0 : i32
      %dma_start3A_116 = tpu.memref_slice %arg11[%add3A_18, %dma_start3A_115] : memref<10112x128xf32, #tpu.memory_space<vmem_shared>> -> memref<128x128xf32, #tpu.memory_space<vmem_shared>>
      tpu.enqueue_dma source(%arg9 : memref<128x128xf32, #tpu.memory_space<vmem>>) target(%dma_start3A_116 : memref<128x128xf32, #tpu.memory_space<vmem_shared>>) target_semaphore(%run_scoped3A_112 : memref<!tpu.dma_semaphore, #tpu.memory_space<semaphore_mem>>)
      %dma_wait3A_117 = arith.constant 0 : i32
      %dma_wait3A_118 = tpu.memref_slice %arg11[%add3A_18, %dma_wait3A_117] : memref<10112x128xf32, #tpu.memory_space<vmem_shared>> -> memref<128x128xf32, #tpu.memory_space<vmem_shared>>
      %dma_wait3A_119 = arith.constant 0 : i32
      %dma_wait3A_120 = tpu.memref_slice %arg11[%add3A_18, %dma_wait3A_119] : memref<10112x128xf32, #tpu.memory_space<vmem_shared>> -> memref<128x128xf32, #tpu.memory_space<vmem_shared>>
      tpu.wait_dma2 semaphore(%run_scoped3A_112 : memref<!tpu.dma_semaphore, #tpu.memory_space<semaphore_mem>>) src(%arg9 : memref<128x128xf32, #tpu.memory_space<vmem>>) dst(%dma_wait3A_120 : memref<128x128xf32, #tpu.memory_space<vmem_shared>>)
      tpu.yield
    }) : () -> ()
    %mul3A_19 = arith.constant 632 : i32
    %mul3A_20 = arith.muli %arg1, %mul3A_19 : i32
    %add3A_21 = arith.constant 384 : i32
    %add3A_22 = arith.addi %mul3A_20, %add3A_21 : i32
    "tpu.region"() ({
      %run_scoped3A_112 = tpu.sem_alloc : memref<!tpu.dma_semaphore, #tpu.memory_space<semaphore_mem>>
      %dma_start3A_113 = arith.constant 0 : i32
      %dma_start3A_114 = tpu.memref_slice %arg11[%add3A_22, %dma_start3A_113] : memref<10112x128xf32, #tpu.memory_space<vmem_shared>> -> memref<128x128xf32, #tpu.memory_space<vmem_shared>>
      %dma_start3A_115 = arith.constant 0 : i32
      %dma_start3A_116 = tpu.memref_slice %arg11[%add3A_22, %dma_start3A_115] : memref<10112x128xf32, #tpu.memory_space<vmem_shared>> -> memref<128x128xf32, #tpu.memory_space<vmem_shared>>
      tpu.enqueue_dma source(%arg9 : memref<128x128xf32, #tpu.memory_space<vmem>>) target(%dma_start3A_116 : memref<128x128xf32, #tpu.memory_space<vmem_shared>>) target_semaphore(%run_scoped3A_112 : memref<!tpu.dma_semaphore, #tpu.memory_space<semaphore_mem>>)
      %dma_wait3A_117 = arith.constant 0 : i32
      %dma_wait3A_118 = tpu.memref_slice %arg11[%add3A_22, %dma_wait3A_117] : memref<10112x128xf32, #tpu.memory_space<vmem_shared>> -> memref<128x128xf32, #tpu.memory_space<vmem_shared>>
      %dma_wait3A_119 = arith.constant 0 : i32
      %dma_wait3A_120 = tpu.memref_slice %arg11[%add3A_22, %dma_wait3A_119] : memref<10112x128xf32, #tpu.memory_space<vmem_shared>> -> memref<128x128xf32, #tpu.memory_space<vmem_shared>>
      tpu.wait_dma2 semaphore(%run_scoped3A_112 : memref<!tpu.dma_semaphore, #tpu.memory_space<semaphore_mem>>) src(%arg9 : memref<128x128xf32, #tpu.memory_space<vmem>>) dst(%dma_wait3A_120 : memref<128x128xf32, #tpu.memory_space<vmem_shared>>)
      tpu.yield
    }) : () -> ()
    %mul3A_23 = arith.constant 632 : i32
    %mul3A_24 = arith.muli %arg1, %mul3A_23 : i32
    %add3A_25 = arith.constant 512 : i32
    %add3A_26 = arith.addi %mul3A_24, %add3A_25 : i32
    "tpu.region"() ({
      %run_scoped3A_112 = tpu.sem_alloc : memref<!tpu.dma_semaphore, #tpu.memory_space<semaphore_mem>>
      %dma_start3A_113 = arith.constant 0 : i32
      %dma_start3A_114 = arith.constant 0 : i32
      %dma_start3A_115 = tpu.memref_slice %arg9[%dma_start3A_113, %dma_start3A_114] : memref<128x128xf32, #tpu.memory_space<vmem>> -> memref<120x128xf32, #tpu.memory_space<vmem>>
      %dma_start3A_116 = arith.constant 0 : i32
      %dma_start3A_117 = tpu.memref_slice %arg11[%add3A_26, %dma_start3A_116] : memref<10112x128xf32, #tpu.memory_space<vmem_shared>> -> memref<120x128xf32, #tpu.memory_space<vmem_shared>>
      %dma_start3A_118 = arith.constant 0 : i32
      %dma_start3A_119 = tpu.memref_slice %arg11[%add3A_26, %dma_start3A_118] : memref<10112x128xf32, #tpu.memory_space<vmem_shared>> -> memref<120x128xf32, #tpu.memory_space<vmem_shared>>
      %dma_start3A_120 = arith.constant 0 : i32
      %dma_start3A_121 = arith.constant 0 : i32
      %dma_start3A_122 = tpu.memref_slice %arg9[%dma_start3A_120, %dma_start3A_121] : memref<128x128xf32, #tpu.memory_space<vmem>> -> memref<120x128xf32, #tpu.memory_space<vmem>>
      tpu.enqueue_dma source(%dma_start3A_122 : memref<120x128xf32, #tpu.memory_space<vmem>>) target(%dma_start3A_119 : memref<120x128xf32, #tpu.memory_space<vmem_shared>>) target_semaphore(%run_scoped3A_112 : memref<!tpu.dma_semaphore, #tpu.memory_space<semaphore_mem>>)
      %dma_wait3A_123 = arith.constant 0 : i32
      %dma_wait3A_124 = arith.constant 0 : i32
      %dma_wait3A_125 = tpu.memref_slice %arg9[%dma_wait3A_123, %dma_wait3A_124] : memref<128x128xf32, #tpu.memory_space<vmem>> -> memref<120x128xf32, #tpu.memory_space<vmem>>
      %dma_wait3A_126 = arith.constant 0 : i32
      %dma_wait3A_127 = tpu.memref_slice %arg11[%add3A_26, %dma_wait3A_126] : memref<10112x128xf32, #tpu.memory_space<vmem_shared>> -> memref<120x128xf32, #tpu.memory_space<vmem_shared>>
      %dma_wait3A_128 = arith.constant 0 : i32
      %dma_wait3A_129 = tpu.memref_slice %arg11[%add3A_26, %dma_wait3A_128] : memref<10112x128xf32, #tpu.memory_space<vmem_shared>> -> memref<120x128xf32, #tpu.memory_space<vmem_shared>>
      %dma_wait3A_130 = arith.constant 0 : i32
      %dma_wait3A_131 = arith.constant 0 : i32
      %dma_wait3A_132 = tpu.memref_slice %arg9[%dma_wait3A_130, %dma_wait3A_131] : memref<128x128xf32, #tpu.memory_space<vmem>> -> memref<120x128xf32, #tpu.memory_space<vmem>>
      tpu.wait_dma2 semaphore(%run_scoped3A_112 : memref<!tpu.dma_semaphore, #tpu.memory_space<semaphore_mem>>) src(%dma_wait3A_132 : memref<120x128xf32, #tpu.memory_space<vmem>>) dst(%dma_wait3A_129 : memref<120x128xf32, #tpu.memory_space<vmem_shared>>)
      tpu.yield
    }) : () -> ()
    %barrier3A = arith.constant 0 : index
    tpu.barrier barrier_id(%barrier3A)
    %mul3A_27 = arith.constant 80 : i32
    %mul3A_28 = arith.muli %add3A, %mul3A_27 : i32
    %add3A_29 = arith.constant 0 : i32
    %add3A_30 = arith.addi %mul3A_28, %add3A_29 : i32
    "tpu.region"() ({
      %run_scoped3A_112 = tpu.sem_alloc : memref<!tpu.dma_semaphore, #tpu.memory_space<semaphore_mem>>
      %dma_start3A_113 = arith.constant 0 : i32
      %dma_start3A_114 = tpu.memref_slice %arg3[%add3A_30, %dma_start3A_113] : memref<2560x128xi32, #tpu.memory_space<hbm>> -> memref<40x128xi32, #tpu.memory_space<hbm>>
      %dma_start3A_115 = arith.constant 0 : i32
      %dma_start3A_116 = tpu.memref_slice %arg3[%add3A_30, %dma_start3A_115] : memref<2560x128xi32, #tpu.memory_space<hbm>> -> memref<40x128xi32, #tpu.memory_space<hbm>>
      tpu.enqueue_dma source(%dma_start3A_116 : memref<40x128xi32, #tpu.memory_space<hbm>>) target(%arg7 : memref<40x128xi32, #tpu.memory_space<vmem>>) target_semaphore(%run_scoped3A_112 : memref<!tpu.dma_semaphore, #tpu.memory_space<semaphore_mem>>)
      %dma_wait3A_117 = arith.constant 0 : i32
      %dma_wait3A_118 = tpu.memref_slice %arg3[%add3A_30, %dma_wait3A_117] : memref<2560x128xi32, #tpu.memory_space<hbm>> -> memref<40x128xi32, #tpu.memory_space<hbm>>
      %dma_wait3A_119 = arith.constant 0 : i32
      %dma_wait3A_120 = tpu.memref_slice %arg3[%add3A_30, %dma_wait3A_119] : memref<2560x128xi32, #tpu.memory_space<hbm>> -> memref<40x128xi32, #tpu.memory_space<hbm>>
      tpu.wait_dma2 semaphore(%run_scoped3A_112 : memref<!tpu.dma_semaphore, #tpu.memory_space<semaphore_mem>>) src(%dma_wait3A_120 : memref<40x128xi32, #tpu.memory_space<hbm>>) dst(%arg7 : memref<40x128xi32, #tpu.memory_space<vmem>>)
      tpu.yield
    }) : () -> ()
    "tpu.region"() ({
      %run_scoped3A_112 = tpu.sem_alloc : memref<!tpu.dma_semaphore, #tpu.memory_space<semaphore_mem>>
      %dma_start3A_113 = arith.constant 0 : i32
      %dma_start3A_114 = tpu.memref_slice %arg4[%add3A_30, %dma_start3A_113] : memref<2560x128xi32, #tpu.memory_space<hbm>> -> memref<40x128xi32, #tpu.memory_space<hbm>>
      %dma_start3A_115 = arith.constant 0 : i32
      %dma_start3A_116 = tpu.memref_slice %arg4[%add3A_30, %dma_start3A_115] : memref<2560x128xi32, #tpu.memory_space<hbm>> -> memref<40x128xi32, #tpu.memory_space<hbm>>
      tpu.enqueue_dma source(%dma_start3A_116 : memref<40x128xi32, #tpu.memory_space<hbm>>) target(%arg8 : memref<40x128xi32, #tpu.memory_space<vmem>>) target_semaphore(%run_scoped3A_112 : memref<!tpu.dma_semaphore, #tpu.memory_space<semaphore_mem>>)
      %dma_wait3A_117 = arith.constant 0 : i32
      %dma_wait3A_118 = tpu.memref_slice %arg4[%add3A_30, %dma_wait3A_117] : memref<2560x128xi32, #tpu.memory_space<hbm>> -> memref<40x128xi32, #tpu.memory_space<hbm>>
      %dma_wait3A_119 = arith.constant 0 : i32
      %dma_wait3A_120 = tpu.memref_slice %arg4[%add3A_30, %dma_wait3A_119] : memref<2560x128xi32, #tpu.memory_space<hbm>> -> memref<40x128xi32, #tpu.memory_space<hbm>>
      tpu.wait_dma2 semaphore(%run_scoped3A_112 : memref<!tpu.dma_semaphore, #tpu.memory_space<semaphore_mem>>) src(%dma_wait3A_120 : memref<40x128xi32, #tpu.memory_space<hbm>>) dst(%arg8 : memref<40x128xi32, #tpu.memory_space<vmem>>)
      tpu.yield
    }) : () -> ()
    %dma_start3A = arith.constant 0 : i32
    %dma_start3A_31 = arith.constant 0 : i32
    %dma_start3A_32 = tpu.memref_slice %arg7[%dma_start3A, %dma_start3A_31] : memref<40x128xi32, #tpu.memory_space<vmem>> -> memref<1x128xi32, #tpu.memory_space<vmem>>
    %dma_start3A_33 = tpu.memref_squeeze %dma_start3A_32 : memref<1x128xi32, #tpu.memory_space<vmem>> -> memref<128xi32, #tpu.memory_space<vmem>>
    %dma_start3A_34 = arith.constant 0 : i32
    %dma_start3A_35 = arith.constant 0 : i32
    %dma_start3A_36 = tpu.memref_slice %arg2[%dma_start3A_34, %dma_start3A_35] : memref<10000x128xf32, #tpu.memory_space<hbm>> -> memref<10000x128xf32, #tpu.memory_space<hbm>>
    tpu.enqueue_indirect_dma source(%dma_start3A_36 : memref<10000x128xf32, #tpu.memory_space<hbm>>) target(%arg9 : memref<128x128xf32, #tpu.memory_space<vmem>>) offsets(%dma_start3A_33 : memref<128xi32, #tpu.memory_space<vmem>>) semaphore(%arg12 : memref<!tpu.dma_semaphore, #tpu.memory_space<semaphore_mem>>)
    %scan3A_37 = arith.constant 0 : i32
    %scan3A_38 = arith.constant 0 : i32
    %scan3A_39 = arith.constant 19 : i32
    %scan3A_40 = arith.addi %scan3A_38, %scan3A_39 : i32
    %scan3A_41 = arith.constant 1 : i32
    scf.for %scan3A_112 = %scan3A_38 to %scan3A_40 step %scan3A_41  : i32 {
      %mul3A_113 = arith.constant 2 : i32
      %mul3A_114 = arith.muli %mul3A_113, %scan3A_112 : i32
      %add3A_115 = arith.constant 1 : i32
      %add3A_116 = arith.addi %mul3A_114, %add3A_115 : i32
      %dma_start3A_117 = arith.constant 0 : i32
      %dma_start3A_118 = tpu.memref_slice %arg7[%add3A_116, %dma_start3A_117] : memref<40x128xi32, #tpu.memory_space<vmem>> -> memref<1x128xi32, #tpu.memory_space<vmem>>
      %dma_start3A_119 = tpu.memref_squeeze %dma_start3A_118 : memref<1x128xi32, #tpu.memory_space<vmem>> -> memref<128xi32, #tpu.memory_space<vmem>>
      %dma_start3A_120 = arith.constant 0 : i32
      %dma_start3A_121 = arith.constant 0 : i32
      %dma_start3A_122 = tpu.memref_slice %arg2[%dma_start3A_120, %dma_start3A_121] : memref<10000x128xf32, #tpu.memory_space<hbm>> -> memref<10000x128xf32, #tpu.memory_space<hbm>>
      tpu.enqueue_indirect_dma source(%dma_start3A_122 : memref<10000x128xf32, #tpu.memory_space<hbm>>) target(%arg10 : memref<128x128xf32, #tpu.memory_space<vmem>>) offsets(%dma_start3A_119 : memref<128xi32, #tpu.memory_space<vmem>>) semaphore(%arg13 : memref<!tpu.dma_semaphore, #tpu.memory_space<semaphore_mem>>)
      %dma_wait3A_123 = arith.constant 0 : i32
      %dma_wait3A_124 = tpu.memref_slice %arg7[%mul3A_114, %dma_wait3A_123] : memref<40x128xi32, #tpu.memory_space<vmem>> -> memref<1x128xi32, #tpu.memory_space<vmem>>
      %dma_wait3A_125 = tpu.memref_squeeze %dma_wait3A_124 : memref<1x128xi32, #tpu.memory_space<vmem>> -> memref<128xi32, #tpu.memory_space<vmem>>
      %dma_wait3A_126 = arith.constant 0 : i32
      %dma_wait3A_127 = arith.constant 0 : i32
      %dma_wait3A_128 = tpu.memref_slice %arg2[%dma_wait3A_126, %dma_wait3A_127] : memref<10000x128xf32, #tpu.memory_space<hbm>> -> memref<10000x128xf32, #tpu.memory_space<hbm>>
      tpu.wait_indirect_dma semaphore(%arg12 : memref<!tpu.dma_semaphore, #tpu.memory_space<semaphore_mem>>) src(%dma_wait3A_128 : memref<10000x128xf32, #tpu.memory_space<hbm>>) dst(%arg9 : memref<128x128xf32, #tpu.memory_space<vmem>>)
      "tpu.region"() ({
        %run_scoped3A_147 = tpu.sem_alloc : memref<!tpu.dma_semaphore, #tpu.memory_space<semaphore_mem>>
        %dma_start3A_148 = arith.constant 0 : i32
        %dma_start3A_149 = tpu.memref_slice %arg8[%mul3A_114, %dma_start3A_148] : memref<40x128xi32, #tpu.memory_space<vmem>> -> memref<1x128xi32, #tpu.memory_space<vmem>>
        %dma_start3A_150 = tpu.memref_squeeze %dma_start3A_149 : memref<1x128xi32, #tpu.memory_space<vmem>> -> memref<128xi32, #tpu.memory_space<vmem>>
        %dma_start3A_151 = arith.constant 0 : i32
        %dma_start3A_152 = arith.constant 0 : i32
        %dma_start3A_153 = tpu.memref_slice %arg11[%dma_start3A_151, %dma_start3A_152] : memref<10112x128xf32, #tpu.memory_space<vmem_shared>> -> memref<10112x128xf32, #tpu.memory_space<vmem_shared>>
        tpu.enqueue_indirect_dma source(%arg9 : memref<128x128xf32, #tpu.memory_space<vmem>>) target(%dma_start3A_153 : memref<10112x128xf32, #tpu.memory_space<vmem_shared>>) offsets(%dma_start3A_150 : memref<128xi32, #tpu.memory_space<vmem>>) semaphore(%run_scoped3A_147 : memref<!tpu.dma_semaphore, #tpu.memory_space<semaphore_mem>>) {add = true}
        %dma_wait3A_154 = arith.constant 0 : i32
        %dma_wait3A_155 = tpu.memref_slice %arg8[%mul3A_114, %dma_wait3A_154] : memref<40x128xi32, #tpu.memory_space<vmem>> -> memref<1x128xi32, #tpu.memory_space<vmem>>
        %dma_wait3A_156 = tpu.memref_squeeze %dma_wait3A_155 : memref<1x128xi32, #tpu.memory_space<vmem>> -> memref<128xi32, #tpu.memory_space<vmem>>
        %dma_wait3A_157 = arith.constant 0 : i32
        %dma_wait3A_158 = arith.constant 0 : i32
        %dma_wait3A_159 = tpu.memref_slice %arg11[%dma_wait3A_157, %dma_wait3A_158] : memref<10112x128xf32, #tpu.memory_space<vmem_shared>> -> memref<10112x128xf32, #tpu.memory_space<vmem_shared>>
        tpu.wait_indirect_dma semaphore(%run_scoped3A_147 : memref<!tpu.dma_semaphore, #tpu.memory_space<semaphore_mem>>) src(%arg9 : memref<128x128xf32, #tpu.memory_space<vmem>>) dst(%dma_wait3A_159 : memref<10112x128xf32, #tpu.memory_space<vmem_shared>>)
        tpu.yield
      }) : () -> ()
      %add3A_129 = arith.constant 2 : i32
      %add3A_130 = arith.addi %mul3A_114, %add3A_129 : i32
      %dma_start3A_131 = arith.constant 0 : i32
      %dma_start3A_132 = tpu.memref_slice %arg7[%add3A_130, %dma_start3A_131] : memref<40x128xi32, #tpu.memory_space<vmem>> -> memref<1x128xi32, #tpu.memory_space<vmem>>
      %dma_start3A_133 = tpu.memref_squeeze %dma_start3A_132 : memref<1x128xi32, #tpu.memory_space<vmem>> -> memref<128xi32, #tpu.memory_space<vmem>>
      %dma_start3A_134 = arith.constant 0 : i32
      %dma_start3A_135 = arith.constant 0 : i32
      %dma_start3A_136 = tpu.memref_slice %arg2[%dma_start3A_134, %dma_start3A_135] : memref<10000x128xf32, #tpu.memory_space<hbm>> -> memref<10000x128xf32, #tpu.memory_space<hbm>>
      tpu.enqueue_indirect_dma source(%dma_start3A_136 : memref<10000x128xf32, #tpu.memory_space<hbm>>) target(%arg9 : memref<128x128xf32, #tpu.memory_space<vmem>>) offsets(%dma_start3A_133 : memref<128xi32, #tpu.memory_space<vmem>>) semaphore(%arg12 : memref<!tpu.dma_semaphore, #tpu.memory_space<semaphore_mem>>)
      %add3A_137 = arith.constant 1 : i32
      %add3A_138 = arith.addi %mul3A_114, %add3A_137 : i32
      %dma_wait3A_139 = arith.constant 0 : i32
      %dma_wait3A_140 = tpu.memref_slice %arg7[%add3A_138, %dma_wait3A_139] : memref<40x128xi32, #tpu.memory_space<vmem>> -> memref<1x128xi32, #tpu.memory_space<vmem>>
      %dma_wait3A_141 = tpu.memref_squeeze %dma_wait3A_140 : memref<1x128xi32, #tpu.memory_space<vmem>> -> memref<128xi32, #tpu.memory_space<vmem>>
      %dma_wait3A_142 = arith.constant 0 : i32
      %dma_wait3A_143 = arith.constant 0 : i32
      %dma_wait3A_144 = tpu.memref_slice %arg2[%dma_wait3A_142, %dma_wait3A_143] : memref<10000x128xf32, #tpu.memory_space<hbm>> -> memref<10000x128xf32, #tpu.memory_space<hbm>>
      tpu.wait_indirect_dma semaphore(%arg13 : memref<!tpu.dma_semaphore, #tpu.memory_space<semaphore_mem>>) src(%dma_wait3A_144 : memref<10000x128xf32, #tpu.memory_space<hbm>>) dst(%arg10 : memref<128x128xf32, #tpu.memory_space<vmem>>)
      %add3A_145 = arith.constant 1 : i32
      %add3A_146 = arith.addi %mul3A_114, %add3A_145 : i32
      "tpu.region"() ({
        %run_scoped3A_147 = tpu.sem_alloc : memref<!tpu.dma_semaphore, #tpu.memory_space<semaphore_mem>>
        %dma_start3A_148 = arith.constant 0 : i32
        %dma_start3A_149 = tpu.memref_slice %arg8[%add3A_146, %dma_start3A_148] : memref<40x128xi32, #tpu.memory_space<vmem>> -> memref<1x128xi32, #tpu.memory_space<vmem>>
        %dma_start3A_150 = tpu.memref_squeeze %dma_start3A_149 : memref<1x128xi32, #tpu.memory_space<vmem>> -> memref<128xi32, #tpu.memory_space<vmem>>
        %dma_start3A_151 = arith.constant 0 : i32
        %dma_start3A_152 = arith.constant 0 : i32
        %dma_start3A_153 = tpu.memref_slice %arg11[%dma_start3A_151, %dma_start3A_152] : memref<10112x128xf32, #tpu.memory_space<vmem_shared>> -> memref<10112x128xf32, #tpu.memory_space<vmem_shared>>
        tpu.enqueue_indirect_dma source(%arg10 : memref<128x128xf32, #tpu.memory_space<vmem>>) target(%dma_start3A_153 : memref<10112x128xf32, #tpu.memory_space<vmem_shared>>) offsets(%dma_start3A_150 : memref<128xi32, #tpu.memory_space<vmem>>) semaphore(%run_scoped3A_147 : memref<!tpu.dma_semaphore, #tpu.memory_space<semaphore_mem>>) {add = true}
        %dma_wait3A_154 = arith.constant 0 : i32
        %dma_wait3A_155 = tpu.memref_slice %arg8[%add3A_146, %dma_wait3A_154] : memref<40x128xi32, #tpu.memory_space<vmem>> -> memref<1x128xi32, #tpu.memory_space<vmem>>
        %dma_wait3A_156 = tpu.memref_squeeze %dma_wait3A_155 : memref<1x128xi32, #tpu.memory_space<vmem>> -> memref<128xi32, #tpu.memory_space<vmem>>
        %dma_wait3A_157 = arith.constant 0 : i32
        %dma_wait3A_158 = arith.constant 0 : i32
        %dma_wait3A_159 = tpu.memref_slice %arg11[%dma_wait3A_157, %dma_wait3A_158] : memref<10112x128xf32, #tpu.memory_space<vmem_shared>> -> memref<10112x128xf32, #tpu.memory_space<vmem_shared>>
        tpu.wait_indirect_dma semaphore(%run_scoped3A_147 : memref<!tpu.dma_semaphore, #tpu.memory_space<semaphore_mem>>) src(%arg10 : memref<128x128xf32, #tpu.memory_space<vmem>>) dst(%dma_wait3A_159 : memref<10112x128xf32, #tpu.memory_space<vmem_shared>>)
        tpu.yield
      }) : () -> ()
    }
    %scan3A_42 = arith.constant 19 : i32
    %dma_start3A_43 = arith.constant 39 : i32
    %dma_start3A_44 = arith.constant 0 : i32
    %dma_start3A_45 = tpu.memref_slice %arg7[%dma_start3A_43, %dma_start3A_44] : memref<40x128xi32, #tpu.memory_space<vmem>> -> memref<1x128xi32, #tpu.memory_space<vmem>>
    %dma_start3A_46 = tpu.memref_squeeze %dma_start3A_45 : memref<1x128xi32, #tpu.memory_space<vmem>> -> memref<128xi32, #tpu.memory_space<vmem>>
    %dma_start3A_47 = arith.constant 0 : i32
    %dma_start3A_48 = arith.constant 0 : i32
    %dma_start3A_49 = tpu.memref_slice %arg2[%dma_start3A_47, %dma_start3A_48] : memref<10000x128xf32, #tpu.memory_space<hbm>> -> memref<10000x128xf32, #tpu.memory_space<hbm>>
    tpu.enqueue_indirect_dma source(%dma_start3A_49 : memref<10000x128xf32, #tpu.memory_space<hbm>>) target(%arg10 : memref<128x128xf32, #tpu.memory_space<vmem>>) offsets(%dma_start3A_46 : memref<128xi32, #tpu.memory_space<vmem>>) semaphore(%arg13 : memref<!tpu.dma_semaphore, #tpu.memory_space<semaphore_mem>>)
    %dma_wait3A = arith.constant 38 : i32
    %dma_wait3A_50 = arith.constant 0 : i32
    %dma_wait3A_51 = tpu.memref_slice %arg7[%dma_wait3A, %dma_wait3A_50] : memref<40x128xi32, #tpu.memory_space<vmem>> -> memref<1x128xi32, #tpu.memory_space<vmem>>
    %dma_wait3A_52 = tpu.memref_squeeze %dma_wait3A_51 : memref<1x128xi32, #tpu.memory_space<vmem>> -> memref<128xi32, #tpu.memory_space<vmem>>
    %dma_wait3A_53 = arith.constant 0 : i32
    %dma_wait3A_54 = arith.constant 0 : i32
    %dma_wait3A_55 = tpu.memref_slice %arg2[%dma_wait3A_53, %dma_wait3A_54] : memref<10000x128xf32, #tpu.memory_space<hbm>> -> memref<10000x128xf32, #tpu.memory_space<hbm>>
    tpu.wait_indirect_dma semaphore(%arg12 : memref<!tpu.dma_semaphore, #tpu.memory_space<semaphore_mem>>) src(%dma_wait3A_55 : memref<10000x128xf32, #tpu.memory_space<hbm>>) dst(%arg9 : memref<128x128xf32, #tpu.memory_space<vmem>>)
    %run_scoped3A = arith.constant 38 : i32
    "tpu.region"() ({
      %run_scoped3A_112 = tpu.sem_alloc : memref<!tpu.dma_semaphore, #tpu.memory_space<semaphore_mem>>
      %dma_start3A_113 = arith.constant 0 : i32
      %dma_start3A_114 = tpu.memref_slice %arg8[%run_scoped3A, %dma_start3A_113] : memref<40x128xi32, #tpu.memory_space<vmem>> -> memref<1x128xi32, #tpu.memory_space<vmem>>
      %dma_start3A_115 = tpu.memref_squeeze %dma_start3A_114 : memref<1x128xi32, #tpu.memory_space<vmem>> -> memref<128xi32, #tpu.memory_space<vmem>>
      %dma_start3A_116 = arith.constant 0 : i32
      %dma_start3A_117 = arith.constant 0 : i32
      %dma_start3A_118 = tpu.memref_slice %arg11[%dma_start3A_116, %dma_start3A_117] : memref<10112x128xf32, #tpu.memory_space<vmem_shared>> -> memref<10112x128xf32, #tpu.memory_space<vmem_shared>>
      tpu.enqueue_indirect_dma source(%arg9 : memref<128x128xf32, #tpu.memory_space<vmem>>) target(%dma_start3A_118 : memref<10112x128xf32, #tpu.memory_space<vmem_shared>>) offsets(%dma_start3A_115 : memref<128xi32, #tpu.memory_space<vmem>>) semaphore(%run_scoped3A_112 : memref<!tpu.dma_semaphore, #tpu.memory_space<semaphore_mem>>) {add = true}
      %dma_wait3A_119 = arith.constant 0 : i32
      %dma_wait3A_120 = tpu.memref_slice %arg8[%run_scoped3A, %dma_wait3A_119] : memref<40x128xi32, #tpu.memory_space<vmem>> -> memref<1x128xi32, #tpu.memory_space<vmem>>
      %dma_wait3A_121 = tpu.memref_squeeze %dma_wait3A_120 : memref<1x128xi32, #tpu.memory_space<vmem>> -> memref<128xi32, #tpu.memory_space<vmem>>
      %dma_wait3A_122 = arith.constant 0 : i32
      %dma_wait3A_123 = arith.constant 0 : i32
      %dma_wait3A_124 = tpu.memref_slice %arg11[%dma_wait3A_122, %dma_wait3A_123] : memref<10112x128xf32, #tpu.memory_space<vmem_shared>> -> memref<10112x128xf32, #tpu.memory_space<vmem_shared>>
      tpu.wait_indirect_dma semaphore(%run_scoped3A_112 : memref<!tpu.dma_semaphore, #tpu.memory_space<semaphore_mem>>) src(%arg9 : memref<128x128xf32, #tpu.memory_space<vmem>>) dst(%dma_wait3A_124 : memref<10112x128xf32, #tpu.memory_space<vmem_shared>>)
      tpu.yield
    }) : () -> ()
    %dma_wait3A_56 = arith.constant 39 : i32
    %dma_wait3A_57 = arith.constant 0 : i32
    %dma_wait3A_58 = tpu.memref_slice %arg7[%dma_wait3A_56, %dma_wait3A_57] : memref<40x128xi32, #tpu.memory_space<vmem>> -> memref<1x128xi32, #tpu.memory_space<vmem>>
    %dma_wait3A_59 = tpu.memref_squeeze %dma_wait3A_58 : memref<1x128xi32, #tpu.memory_space<vmem>> -> memref<128xi32, #tpu.memory_space<vmem>>
    %dma_wait3A_60 = arith.constant 0 : i32
    %dma_wait3A_61 = arith.constant 0 : i32
    %dma_wait3A_62 = tpu.memref_slice %arg2[%dma_wait3A_60, %dma_wait3A_61] : memref<10000x128xf32, #tpu.memory_space<hbm>> -> memref<10000x128xf32, #tpu.memory_space<hbm>>
    tpu.wait_indirect_dma semaphore(%arg13 : memref<!tpu.dma_semaphore, #tpu.memory_space<semaphore_mem>>) src(%dma_wait3A_62 : memref<10000x128xf32, #tpu.memory_space<hbm>>) dst(%arg10 : memref<128x128xf32, #tpu.memory_space<vmem>>)
    %run_scoped3A_63 = arith.constant 39 : i32
    "tpu.region"() ({
      %run_scoped3A_112 = tpu.sem_alloc : memref<!tpu.dma_semaphore, #tpu.memory_space<semaphore_mem>>
      %dma_start3A_113 = arith.constant 0 : i32
      %dma_start3A_114 = tpu.memref_slice %arg8[%run_scoped3A_63, %dma_start3A_113] : memref<40x128xi32, #tpu.memory_space<vmem>> -> memref<1x128xi32, #tpu.memory_space<vmem>>
      %dma_start3A_115 = tpu.memref_squeeze %dma_start3A_114 : memref<1x128xi32, #tpu.memory_space<vmem>> -> memref<128xi32, #tpu.memory_space<vmem>>
      %dma_start3A_116 = arith.constant 0 : i32
      %dma_start3A_117 = arith.constant 0 : i32
      %dma_start3A_118 = tpu.memref_slice %arg11[%dma_start3A_116, %dma_start3A_117] : memref<10112x128xf32, #tpu.memory_space<vmem_shared>> -> memref<10112x128xf32, #tpu.memory_space<vmem_shared>>
      tpu.enqueue_indirect_dma source(%arg10 : memref<128x128xf32, #tpu.memory_space<vmem>>) target(%dma_start3A_118 : memref<10112x128xf32, #tpu.memory_space<vmem_shared>>) offsets(%dma_start3A_115 : memref<128xi32, #tpu.memory_space<vmem>>) semaphore(%run_scoped3A_112 : memref<!tpu.dma_semaphore, #tpu.memory_space<semaphore_mem>>) {add = true}
      %dma_wait3A_119 = arith.constant 0 : i32
      %dma_wait3A_120 = tpu.memref_slice %arg8[%run_scoped3A_63, %dma_wait3A_119] : memref<40x128xi32, #tpu.memory_space<vmem>> -> memref<1x128xi32, #tpu.memory_space<vmem>>
      %dma_wait3A_121 = tpu.memref_squeeze %dma_wait3A_120 : memref<1x128xi32, #tpu.memory_space<vmem>> -> memref<128xi32, #tpu.memory_space<vmem>>
      %dma_wait3A_122 = arith.constant 0 : i32
      %dma_wait3A_123 = arith.constant 0 : i32
      %dma_wait3A_124 = tpu.memref_slice %arg11[%dma_wait3A_122, %dma_wait3A_123] : memref<10112x128xf32, #tpu.memory_space<vmem_shared>> -> memref<10112x128xf32, #tpu.memory_space<vmem_shared>>
      tpu.wait_indirect_dma semaphore(%run_scoped3A_112 : memref<!tpu.dma_semaphore, #tpu.memory_space<semaphore_mem>>) src(%arg10 : memref<128x128xf32, #tpu.memory_space<vmem>>) dst(%dma_wait3A_124 : memref<10112x128xf32, #tpu.memory_space<vmem_shared>>)
      tpu.yield
    }) : () -> ()
    %mul3A_64 = arith.constant 80 : i32
    %mul3A_65 = arith.muli %add3A, %mul3A_64 : i32
    %add3A_66 = arith.constant 40 : i32
    %add3A_67 = arith.addi %mul3A_65, %add3A_66 : i32
    "tpu.region"() ({
      %run_scoped3A_112 = tpu.sem_alloc : memref<!tpu.dma_semaphore, #tpu.memory_space<semaphore_mem>>
      %dma_start3A_113 = arith.constant 0 : i32
      %dma_start3A_114 = tpu.memref_slice %arg3[%add3A_67, %dma_start3A_113] : memref<2560x128xi32, #tpu.memory_space<hbm>> -> memref<40x128xi32, #tpu.memory_space<hbm>>
      %dma_start3A_115 = arith.constant 0 : i32
      %dma_start3A_116 = tpu.memref_slice %arg3[%add3A_67, %dma_start3A_115] : memref<2560x128xi32, #tpu.memory_space<hbm>> -> memref<40x128xi32, #tpu.memory_space<hbm>>
      tpu.enqueue_dma source(%dma_start3A_116 : memref<40x128xi32, #tpu.memory_space<hbm>>) target(%arg7 : memref<40x128xi32, #tpu.memory_space<vmem>>) target_semaphore(%run_scoped3A_112 : memref<!tpu.dma_semaphore, #tpu.memory_space<semaphore_mem>>)
      %dma_wait3A_117 = arith.constant 0 : i32
      %dma_wait3A_118 = tpu.memref_slice %arg3[%add3A_67, %dma_wait3A_117] : memref<2560x128xi32, #tpu.memory_space<hbm>> -> memref<40x128xi32, #tpu.memory_space<hbm>>
      %dma_wait3A_119 = arith.constant 0 : i32
      %dma_wait3A_120 = tpu.memref_slice %arg3[%add3A_67, %dma_wait3A_119] : memref<2560x128xi32, #tpu.memory_space<hbm>> -> memref<40x128xi32, #tpu.memory_space<hbm>>
      tpu.wait_dma2 semaphore(%run_scoped3A_112 : memref<!tpu.dma_semaphore, #tpu.memory_space<semaphore_mem>>) src(%dma_wait3A_120 : memref<40x128xi32, #tpu.memory_space<hbm>>) dst(%arg7 : memref<40x128xi32, #tpu.memory_space<vmem>>)
      tpu.yield
    }) : () -> ()
    "tpu.region"() ({
      %run_scoped3A_112 = tpu.sem_alloc : memref<!tpu.dma_semaphore, #tpu.memory_space<semaphore_mem>>
      %dma_start3A_113 = arith.constant 0 : i32
      %dma_start3A_114 = tpu.memref_slice %arg4[%add3A_67, %dma_start3A_113] : memref<2560x128xi32, #tpu.memory_space<hbm>> -> memref<40x128xi32, #tpu.memory_space<hbm>>
      %dma_start3A_115 = arith.constant 0 : i32
      %dma_start3A_116 = tpu.memref_slice %arg4[%add3A_67, %dma_start3A_115] : memref<2560x128xi32, #tpu.memory_space<hbm>> -> memref<40x128xi32, #tpu.memory_space<hbm>>
      tpu.enqueue_dma source(%dma_start3A_116 : memref<40x128xi32, #tpu.memory_space<hbm>>) target(%arg8 : memref<40x128xi32, #tpu.memory_space<vmem>>) target_semaphore(%run_scoped3A_112 : memref<!tpu.dma_semaphore, #tpu.memory_space<semaphore_mem>>)
      %dma_wait3A_117 = arith.constant 0 : i32
      %dma_wait3A_118 = tpu.memref_slice %arg4[%add3A_67, %dma_wait3A_117] : memref<2560x128xi32, #tpu.memory_space<hbm>> -> memref<40x128xi32, #tpu.memory_space<hbm>>
      %dma_wait3A_119 = arith.constant 0 : i32
      %dma_wait3A_120 = tpu.memref_slice %arg4[%add3A_67, %dma_wait3A_119] : memref<2560x128xi32, #tpu.memory_space<hbm>> -> memref<40x128xi32, #tpu.memory_space<hbm>>
      tpu.wait_dma2 semaphore(%run_scoped3A_112 : memref<!tpu.dma_semaphore, #tpu.memory_space<semaphore_mem>>) src(%dma_wait3A_120 : memref<40x128xi32, #tpu.memory_space<hbm>>) dst(%arg8 : memref<40x128xi32, #tpu.memory_space<vmem>>)
      tpu.yield
    }) : () -> ()
    %dma_start3A_68 = arith.constant 0 : i32
    %dma_start3A_69 = arith.constant 0 : i32
    %dma_start3A_70 = tpu.memref_slice %arg7[%dma_start3A_68, %dma_start3A_69] : memref<40x128xi32, #tpu.memory_space<vmem>> -> memref<1x128xi32, #tpu.memory_space<vmem>>
    %dma_start3A_71 = tpu.memref_squeeze %dma_start3A_70 : memref<1x128xi32, #tpu.memory_space<vmem>> -> memref<128xi32, #tpu.memory_space<vmem>>
    %dma_start3A_72 = arith.constant 0 : i32
    %dma_start3A_73 = arith.constant 0 : i32
    %dma_start3A_74 = tpu.memref_slice %arg2[%dma_start3A_72, %dma_start3A_73] : memref<10000x128xf32, #tpu.memory_space<hbm>> -> memref<10000x128xf32, #tpu.memory_space<hbm>>
    tpu.enqueue_indirect_dma source(%dma_start3A_74 : memref<10000x128xf32, #tpu.memory_space<hbm>>) target(%arg9 : memref<128x128xf32, #tpu.memory_space<vmem>>) offsets(%dma_start3A_71 : memref<128xi32, #tpu.memory_space<vmem>>) semaphore(%arg12 : memref<!tpu.dma_semaphore, #tpu.memory_space<semaphore_mem>>)
    %scan3A_75 = arith.constant 0 : i32
    %scan3A_76 = arith.constant 0 : i32
    %scan3A_77 = arith.constant 19 : i32
    %scan3A_78 = arith.addi %scan3A_76, %scan3A_77 : i32
    %scan3A_79 = arith.constant 1 : i32
    scf.for %scan3A_112 = %scan3A_76 to %scan3A_78 step %scan3A_79  : i32 {
      %mul3A_113 = arith.constant 2 : i32
      %mul3A_114 = arith.muli %mul3A_113, %scan3A_112 : i32
      %add3A_115 = arith.constant 1 : i32
      %add3A_116 = arith.addi %mul3A_114, %add3A_115 : i32
      %dma_start3A_117 = arith.constant 0 : i32
      %dma_start3A_118 = tpu.memref_slice %arg7[%add3A_116, %dma_start3A_117] : memref<40x128xi32, #tpu.memory_space<vmem>> -> memref<1x128xi32, #tpu.memory_space<vmem>>
      %dma_start3A_119 = tpu.memref_squeeze %dma_start3A_118 : memref<1x128xi32, #tpu.memory_space<vmem>> -> memref<128xi32, #tpu.memory_space<vmem>>
      %dma_start3A_120 = arith.constant 0 : i32
      %dma_start3A_121 = arith.constant 0 : i32
      %dma_start3A_122 = tpu.memref_slice %arg2[%dma_start3A_120, %dma_start3A_121] : memref<10000x128xf32, #tpu.memory_space<hbm>> -> memref<10000x128xf32, #tpu.memory_space<hbm>>
      tpu.enqueue_indirect_dma source(%dma_start3A_122 : memref<10000x128xf32, #tpu.memory_space<hbm>>) target(%arg10 : memref<128x128xf32, #tpu.memory_space<vmem>>) offsets(%dma_start3A_119 : memref<128xi32, #tpu.memory_space<vmem>>) semaphore(%arg13 : memref<!tpu.dma_semaphore, #tpu.memory_space<semaphore_mem>>)
      %dma_wait3A_123 = arith.constant 0 : i32
      %dma_wait3A_124 = tpu.memref_slice %arg7[%mul3A_114, %dma_wait3A_123] : memref<40x128xi32, #tpu.memory_space<vmem>> -> memref<1x128xi32, #tpu.memory_space<vmem>>
      %dma_wait3A_125 = tpu.memref_squeeze %dma_wait3A_124 : memref<1x128xi32, #tpu.memory_space<vmem>> -> memref<128xi32, #tpu.memory_space<vmem>>
      %dma_wait3A_126 = arith.constant 0 : i32
      %dma_wait3A_127 = arith.constant 0 : i32
      %dma_wait3A_128 = tpu.memref_slice %arg2[%dma_wait3A_126, %dma_wait3A_127] : memref<10000x128xf32, #tpu.memory_space<hbm>> -> memref<10000x128xf32, #tpu.memory_space<hbm>>
      tpu.wait_indirect_dma semaphore(%arg12 : memref<!tpu.dma_semaphore, #tpu.memory_space<semaphore_mem>>) src(%dma_wait3A_128 : memref<10000x128xf32, #tpu.memory_space<hbm>>) dst(%arg9 : memref<128x128xf32, #tpu.memory_space<vmem>>)
      "tpu.region"() ({
        %run_scoped3A_147 = tpu.sem_alloc : memref<!tpu.dma_semaphore, #tpu.memory_space<semaphore_mem>>
        %dma_start3A_148 = arith.constant 0 : i32
        %dma_start3A_149 = tpu.memref_slice %arg8[%mul3A_114, %dma_start3A_148] : memref<40x128xi32, #tpu.memory_space<vmem>> -> memref<1x128xi32, #tpu.memory_space<vmem>>
        %dma_start3A_150 = tpu.memref_squeeze %dma_start3A_149 : memref<1x128xi32, #tpu.memory_space<vmem>> -> memref<128xi32, #tpu.memory_space<vmem>>
        %dma_start3A_151 = arith.constant 0 : i32
        %dma_start3A_152 = arith.constant 0 : i32
        %dma_start3A_153 = tpu.memref_slice %arg11[%dma_start3A_151, %dma_start3A_152] : memref<10112x128xf32, #tpu.memory_space<vmem_shared>> -> memref<10112x128xf32, #tpu.memory_space<vmem_shared>>
        tpu.enqueue_indirect_dma source(%arg9 : memref<128x128xf32, #tpu.memory_space<vmem>>) target(%dma_start3A_153 : memref<10112x128xf32, #tpu.memory_space<vmem_shared>>) offsets(%dma_start3A_150 : memref<128xi32, #tpu.memory_space<vmem>>) semaphore(%run_scoped3A_147 : memref<!tpu.dma_semaphore, #tpu.memory_space<semaphore_mem>>) {add = true}
        %dma_wait3A_154 = arith.constant 0 : i32
        %dma_wait3A_155 = tpu.memref_slice %arg8[%mul3A_114, %dma_wait3A_154] : memref<40x128xi32, #tpu.memory_space<vmem>> -> memref<1x128xi32, #tpu.memory_space<vmem>>
        %dma_wait3A_156 = tpu.memref_squeeze %dma_wait3A_155 : memref<1x128xi32, #tpu.memory_space<vmem>> -> memref<128xi32, #tpu.memory_space<vmem>>
        %dma_wait3A_157 = arith.constant 0 : i32
        %dma_wait3A_158 = arith.constant 0 : i32
        %dma_wait3A_159 = tpu.memref_slice %arg11[%dma_wait3A_157, %dma_wait3A_158] : memref<10112x128xf32, #tpu.memory_space<vmem_shared>> -> memref<10112x128xf32, #tpu.memory_space<vmem_shared>>
        tpu.wait_indirect_dma semaphore(%run_scoped3A_147 : memref<!tpu.dma_semaphore, #tpu.memory_space<semaphore_mem>>) src(%arg9 : memref<128x128xf32, #tpu.memory_space<vmem>>) dst(%dma_wait3A_159 : memref<10112x128xf32, #tpu.memory_space<vmem_shared>>)
        tpu.yield
      }) : () -> ()
      %add3A_129 = arith.constant 2 : i32
      %add3A_130 = arith.addi %mul3A_114, %add3A_129 : i32
      %dma_start3A_131 = arith.constant 0 : i32
      %dma_start3A_132 = tpu.memref_slice %arg7[%add3A_130, %dma_start3A_131] : memref<40x128xi32, #tpu.memory_space<vmem>> -> memref<1x128xi32, #tpu.memory_space<vmem>>
      %dma_start3A_133 = tpu.memref_squeeze %dma_start3A_132 : memref<1x128xi32, #tpu.memory_space<vmem>> -> memref<128xi32, #tpu.memory_space<vmem>>
      %dma_start3A_134 = arith.constant 0 : i32
      %dma_start3A_135 = arith.constant 0 : i32
      %dma_start3A_136 = tpu.memref_slice %arg2[%dma_start3A_134, %dma_start3A_135] : memref<10000x128xf32, #tpu.memory_space<hbm>> -> memref<10000x128xf32, #tpu.memory_space<hbm>>
      tpu.enqueue_indirect_dma source(%dma_start3A_136 : memref<10000x128xf32, #tpu.memory_space<hbm>>) target(%arg9 : memref<128x128xf32, #tpu.memory_space<vmem>>) offsets(%dma_start3A_133 : memref<128xi32, #tpu.memory_space<vmem>>) semaphore(%arg12 : memref<!tpu.dma_semaphore, #tpu.memory_space<semaphore_mem>>)
      %add3A_137 = arith.constant 1 : i32
      %add3A_138 = arith.addi %mul3A_114, %add3A_137 : i32
      %dma_wait3A_139 = arith.constant 0 : i32
      %dma_wait3A_140 = tpu.memref_slice %arg7[%add3A_138, %dma_wait3A_139] : memref<40x128xi32, #tpu.memory_space<vmem>> -> memref<1x128xi32, #tpu.memory_space<vmem>>
      %dma_wait3A_141 = tpu.memref_squeeze %dma_wait3A_140 : memref<1x128xi32, #tpu.memory_space<vmem>> -> memref<128xi32, #tpu.memory_space<vmem>>
      %dma_wait3A_142 = arith.constant 0 : i32
      %dma_wait3A_143 = arith.constant 0 : i32
      %dma_wait3A_144 = tpu.memref_slice %arg2[%dma_wait3A_142, %dma_wait3A_143] : memref<10000x128xf32, #tpu.memory_space<hbm>> -> memref<10000x128xf32, #tpu.memory_space<hbm>>
      tpu.wait_indirect_dma semaphore(%arg13 : memref<!tpu.dma_semaphore, #tpu.memory_space<semaphore_mem>>) src(%dma_wait3A_144 : memref<10000x128xf32, #tpu.memory_space<hbm>>) dst(%arg10 : memref<128x128xf32, #tpu.memory_space<vmem>>)
      %add3A_145 = arith.constant 1 : i32
      %add3A_146 = arith.addi %mul3A_114, %add3A_145 : i32
      "tpu.region"() ({
        %run_scoped3A_147 = tpu.sem_alloc : memref<!tpu.dma_semaphore, #tpu.memory_space<semaphore_mem>>
        %dma_start3A_148 = arith.constant 0 : i32
        %dma_start3A_149 = tpu.memref_slice %arg8[%add3A_146, %dma_start3A_148] : memref<40x128xi32, #tpu.memory_space<vmem>> -> memref<1x128xi32, #tpu.memory_space<vmem>>
        %dma_start3A_150 = tpu.memref_squeeze %dma_start3A_149 : memref<1x128xi32, #tpu.memory_space<vmem>> -> memref<128xi32, #tpu.memory_space<vmem>>
        %dma_start3A_151 = arith.constant 0 : i32
        %dma_start3A_152 = arith.constant 0 : i32
        %dma_start3A_153 = tpu.memref_slice %arg11[%dma_start3A_151, %dma_start3A_152] : memref<10112x128xf32, #tpu.memory_space<vmem_shared>> -> memref<10112x128xf32, #tpu.memory_space<vmem_shared>>
        tpu.enqueue_indirect_dma source(%arg10 : memref<128x128xf32, #tpu.memory_space<vmem>>) target(%dma_start3A_153 : memref<10112x128xf32, #tpu.memory_space<vmem_shared>>) offsets(%dma_start3A_150 : memref<128xi32, #tpu.memory_space<vmem>>) semaphore(%run_scoped3A_147 : memref<!tpu.dma_semaphore, #tpu.memory_space<semaphore_mem>>) {add = true}
        %dma_wait3A_154 = arith.constant 0 : i32
        %dma_wait3A_155 = tpu.memref_slice %arg8[%add3A_146, %dma_wait3A_154] : memref<40x128xi32, #tpu.memory_space<vmem>> -> memref<1x128xi32, #tpu.memory_space<vmem>>
        %dma_wait3A_156 = tpu.memref_squeeze %dma_wait3A_155 : memref<1x128xi32, #tpu.memory_space<vmem>> -> memref<128xi32, #tpu.memory_space<vmem>>
        %dma_wait3A_157 = arith.constant 0 : i32
        %dma_wait3A_158 = arith.constant 0 : i32
        %dma_wait3A_159 = tpu.memref_slice %arg11[%dma_wait3A_157, %dma_wait3A_158] : memref<10112x128xf32, #tpu.memory_space<vmem_shared>> -> memref<10112x128xf32, #tpu.memory_space<vmem_shared>>
        tpu.wait_indirect_dma semaphore(%run_scoped3A_147 : memref<!tpu.dma_semaphore, #tpu.memory_space<semaphore_mem>>) src(%arg10 : memref<128x128xf32, #tpu.memory_space<vmem>>) dst(%dma_wait3A_159 : memref<10112x128xf32, #tpu.memory_space<vmem_shared>>)
        tpu.yield
      }) : () -> ()
    }
    %scan3A_80 = arith.constant 19 : i32
    %dma_start3A_81 = arith.constant 39 : i32
    %dma_start3A_82 = arith.constant 0 : i32
    %dma_start3A_83 = tpu.memref_slice %arg7[%dma_start3A_81, %dma_start3A_82] : memref<40x128xi32, #tpu.memory_space<vmem>> -> memref<1x128xi32, #tpu.memory_space<vmem>>
    %dma_start3A_84 = tpu.memref_squeeze %dma_start3A_83 : memref<1x128xi32, #tpu.memory_space<vmem>> -> memref<128xi32, #tpu.memory_space<vmem>>
    %dma_start3A_85 = arith.constant 0 : i32
    %dma_start3A_86 = arith.constant 0 : i32
    %dma_start3A_87 = tpu.memref_slice %arg2[%dma_start3A_85, %dma_start3A_86] : memref<10000x128xf32, #tpu.memory_space<hbm>> -> memref<10000x128xf32, #tpu.memory_space<hbm>>
    tpu.enqueue_indirect_dma source(%dma_start3A_87 : memref<10000x128xf32, #tpu.memory_space<hbm>>) target(%arg10 : memref<128x128xf32, #tpu.memory_space<vmem>>) offsets(%dma_start3A_84 : memref<128xi32, #tpu.memory_space<vmem>>) semaphore(%arg13 : memref<!tpu.dma_semaphore, #tpu.memory_space<semaphore_mem>>)
    %dma_wait3A_88 = arith.constant 38 : i32
    %dma_wait3A_89 = arith.constant 0 : i32
    %dma_wait3A_90 = tpu.memref_slice %arg7[%dma_wait3A_88, %dma_wait3A_89] : memref<40x128xi32, #tpu.memory_space<vmem>> -> memref<1x128xi32, #tpu.memory_space<vmem>>
    %dma_wait3A_91 = tpu.memref_squeeze %dma_wait3A_90 : memref<1x128xi32, #tpu.memory_space<vmem>> -> memref<128xi32, #tpu.memory_space<vmem>>
    %dma_wait3A_92 = arith.constant 0 : i32
    %dma_wait3A_93 = arith.constant 0 : i32
    %dma_wait3A_94 = tpu.memref_slice %arg2[%dma_wait3A_92, %dma_wait3A_93] : memref<10000x128xf32, #tpu.memory_space<hbm>> -> memref<10000x128xf32, #tpu.memory_space<hbm>>
    tpu.wait_indirect_dma semaphore(%arg12 : memref<!tpu.dma_semaphore, #tpu.memory_space<semaphore_mem>>) src(%dma_wait3A_94 : memref<10000x128xf32, #tpu.memory_space<hbm>>) dst(%arg9 : memref<128x128xf32, #tpu.memory_space<vmem>>)
    %run_scoped3A_95 = arith.constant 38 : i32
    "tpu.region"() ({
      %run_scoped3A_112 = tpu.sem_alloc : memref<!tpu.dma_semaphore, #tpu.memory_space<semaphore_mem>>
      %dma_start3A_113 = arith.constant 0 : i32
      %dma_start3A_114 = tpu.memref_slice %arg8[%run_scoped3A_95, %dma_start3A_113] : memref<40x128xi32, #tpu.memory_space<vmem>> -> memref<1x128xi32, #tpu.memory_space<vmem>>
      %dma_start3A_115 = tpu.memref_squeeze %dma_start3A_114 : memref<1x128xi32, #tpu.memory_space<vmem>> -> memref<128xi32, #tpu.memory_space<vmem>>
      %dma_start3A_116 = arith.constant 0 : i32
      %dma_start3A_117 = arith.constant 0 : i32
      %dma_start3A_118 = tpu.memref_slice %arg11[%dma_start3A_116, %dma_start3A_117] : memref<10112x128xf32, #tpu.memory_space<vmem_shared>> -> memref<10112x128xf32, #tpu.memory_space<vmem_shared>>
      tpu.enqueue_indirect_dma source(%arg9 : memref<128x128xf32, #tpu.memory_space<vmem>>) target(%dma_start3A_118 : memref<10112x128xf32, #tpu.memory_space<vmem_shared>>) offsets(%dma_start3A_115 : memref<128xi32, #tpu.memory_space<vmem>>) semaphore(%run_scoped3A_112 : memref<!tpu.dma_semaphore, #tpu.memory_space<semaphore_mem>>) {add = true}
      %dma_wait3A_119 = arith.constant 0 : i32
      %dma_wait3A_120 = tpu.memref_slice %arg8[%run_scoped3A_95, %dma_wait3A_119] : memref<40x128xi32, #tpu.memory_space<vmem>> -> memref<1x128xi32, #tpu.memory_space<vmem>>
      %dma_wait3A_121 = tpu.memref_squeeze %dma_wait3A_120 : memref<1x128xi32, #tpu.memory_space<vmem>> -> memref<128xi32, #tpu.memory_space<vmem>>
      %dma_wait3A_122 = arith.constant 0 : i32
      %dma_wait3A_123 = arith.constant 0 : i32
      %dma_wait3A_124 = tpu.memref_slice %arg11[%dma_wait3A_122, %dma_wait3A_123] : memref<10112x128xf32, #tpu.memory_space<vmem_shared>> -> memref<10112x128xf32, #tpu.memory_space<vmem_shared>>
      tpu.wait_indirect_dma semaphore(%run_scoped3A_112 : memref<!tpu.dma_semaphore, #tpu.memory_space<semaphore_mem>>) src(%arg9 : memref<128x128xf32, #tpu.memory_space<vmem>>) dst(%dma_wait3A_124 : memref<10112x128xf32, #tpu.memory_space<vmem_shared>>)
      tpu.yield
    }) : () -> ()
    %dma_wait3A_96 = arith.constant 39 : i32
    %dma_wait3A_97 = arith.constant 0 : i32
    %dma_wait3A_98 = tpu.memref_slice %arg7[%dma_wait3A_96, %dma_wait3A_97] : memref<40x128xi32, #tpu.memory_space<vmem>> -> memref<1x128xi32, #tpu.memory_space<vmem>>
    %dma_wait3A_99 = tpu.memref_squeeze %dma_wait3A_98 : memref<1x128xi32, #tpu.memory_space<vmem>> -> memref<128xi32, #tpu.memory_space<vmem>>
    %dma_wait3A_100 = arith.constant 0 : i32
    %dma_wait3A_101 = arith.constant 0 : i32
    %dma_wait3A_102 = tpu.memref_slice %arg2[%dma_wait3A_100, %dma_wait3A_101] : memref<10000x128xf32, #tpu.memory_space<hbm>> -> memref<10000x128xf32, #tpu.memory_space<hbm>>
    tpu.wait_indirect_dma semaphore(%arg13 : memref<!tpu.dma_semaphore, #tpu.memory_space<semaphore_mem>>) src(%dma_wait3A_102 : memref<10000x128xf32, #tpu.memory_space<hbm>>) dst(%arg10 : memref<128x128xf32, #tpu.memory_space<vmem>>)
    %run_scoped3A_103 = arith.constant 39 : i32
    "tpu.region"() ({
      %run_scoped3A_112 = tpu.sem_alloc : memref<!tpu.dma_semaphore, #tpu.memory_space<semaphore_mem>>
      %dma_start3A_113 = arith.constant 0 : i32
      %dma_start3A_114 = tpu.memref_slice %arg8[%run_scoped3A_103, %dma_start3A_113] : memref<40x128xi32, #tpu.memory_space<vmem>> -> memref<1x128xi32, #tpu.memory_space<vmem>>
      %dma_start3A_115 = tpu.memref_squeeze %dma_start3A_114 : memref<1x128xi32, #tpu.memory_space<vmem>> -> memref<128xi32, #tpu.memory_space<vmem>>
      %dma_start3A_116 = arith.constant 0 : i32
      %dma_start3A_117 = arith.constant 0 : i32
      %dma_start3A_118 = tpu.memref_slice %arg11[%dma_start3A_116, %dma_start3A_117] : memref<10112x128xf32, #tpu.memory_space<vmem_shared>> -> memref<10112x128xf32, #tpu.memory_space<vmem_shared>>
      tpu.enqueue_indirect_dma source(%arg10 : memref<128x128xf32, #tpu.memory_space<vmem>>) target(%dma_start3A_118 : memref<10112x128xf32, #tpu.memory_space<vmem_shared>>) offsets(%dma_start3A_115 : memref<128xi32, #tpu.memory_space<vmem>>) semaphore(%run_scoped3A_112 : memref<!tpu.dma_semaphore, #tpu.memory_space<semaphore_mem>>) {add = true}
      %dma_wait3A_119 = arith.constant 0 : i32
      %dma_wait3A_120 = tpu.memref_slice %arg8[%run_scoped3A_103, %dma_wait3A_119] : memref<40x128xi32, #tpu.memory_space<vmem>> -> memref<1x128xi32, #tpu.memory_space<vmem>>
      %dma_wait3A_121 = tpu.memref_squeeze %dma_wait3A_120 : memref<1x128xi32, #tpu.memory_space<vmem>> -> memref<128xi32, #tpu.memory_space<vmem>>
      %dma_wait3A_122 = arith.constant 0 : i32
      %dma_wait3A_123 = arith.constant 0 : i32
      %dma_wait3A_124 = tpu.memref_slice %arg11[%dma_wait3A_122, %dma_wait3A_123] : memref<10112x128xf32, #tpu.memory_space<vmem_shared>> -> memref<10112x128xf32, #tpu.memory_space<vmem_shared>>
      tpu.wait_indirect_dma semaphore(%run_scoped3A_112 : memref<!tpu.dma_semaphore, #tpu.memory_space<semaphore_mem>>) src(%arg10 : memref<128x128xf32, #tpu.memory_space<vmem>>) dst(%dma_wait3A_124 : memref<10112x128xf32, #tpu.memory_space<vmem_shared>>)
      tpu.yield
    }) : () -> ()
    %barrier3A_104 = arith.constant 0 : index
    tpu.barrier barrier_id(%barrier3A_104)
    %eq3A = arith.constant 0 : i32
    %eq3A_105 = arith.cmpi eq, %arg0, %eq3A : i32
    %convert_element_type3A = arith.extui %eq3A_105 : i1 to i32
    %cond3A = arith.constant 0 : i32
    %cond3A_106 = arith.cmpi ne, %convert_element_type3A, %cond3A : i32
    scf.if %cond3A_106 {
      %mul3A_112 = arith.constant 632 : i32
      %mul3A_113 = arith.muli %arg1, %mul3A_112 : i32
      %mul3A_114 = arith.constant 632 : i32
      %mul3A_115 = arith.muli %arg1, %mul3A_114 : i32
      "tpu.region"() ({
        %run_scoped3A_116 = tpu.sem_alloc : memref<!tpu.dma_semaphore, #tpu.memory_space<semaphore_mem>>
        %dma_start3A_117 = arith.constant 0 : i32
        %dma_start3A_118 = tpu.memref_slice %arg5[%mul3A_115, %dma_start3A_117] : memref<10112x128xf32, #tpu.memory_space<hbm>> -> memref<632x128xf32, #tpu.memory_space<hbm>>
        %dma_start3A_119 = arith.constant 0 : i32
        %dma_start3A_120 = tpu.memref_slice %arg11[%mul3A_113, %dma_start3A_119] : memref<10112x128xf32, #tpu.memory_space<vmem_shared>> -> memref<632x128xf32, #tpu.memory_space<vmem_shared>>
        tpu.enqueue_dma source(%dma_start3A_120 : memref<632x128xf32, #tpu.memory_space<vmem_shared>>) target(%dma_start3A_118 : memref<632x128xf32, #tpu.memory_space<hbm>>) target_semaphore(%run_scoped3A_116 : memref<!tpu.dma_semaphore, #tpu.memory_space<semaphore_mem>>)
        %dma_wait3A_121 = arith.constant 0 : i32
        %dma_wait3A_122 = tpu.memref_slice %arg5[%mul3A_115, %dma_wait3A_121] : memref<10112x128xf32, #tpu.memory_space<hbm>> -> memref<632x128xf32, #tpu.memory_space<hbm>>
        %dma_wait3A_123 = arith.constant 0 : i32
        %dma_wait3A_124 = tpu.memref_slice %arg11[%mul3A_113, %dma_wait3A_123] : memref<10112x128xf32, #tpu.memory_space<vmem_shared>> -> memref<632x128xf32, #tpu.memory_space<vmem_shared>>
        tpu.wait_dma2 semaphore(%run_scoped3A_116 : memref<!tpu.dma_semaphore, #tpu.memory_space<semaphore_mem>>) src(%dma_wait3A_124 : memref<632x128xf32, #tpu.memory_space<vmem_shared>>) dst(%dma_wait3A_122 : memref<632x128xf32, #tpu.memory_space<hbm>>)
        tpu.yield
      }) : () -> ()
    } else {
    }
    %eq3A_107 = arith.constant 1 : i32
    %eq3A_108 = arith.cmpi eq, %arg0, %eq3A_107 : i32
    %convert_element_type3A_109 = arith.extui %eq3A_108 : i1 to i32
    %cond3A_110 = arith.constant 0 : i32
    %cond3A_111 = arith.cmpi ne, %convert_element_type3A_109, %cond3A_110 : i32
    scf.if %cond3A_111 {
      %mul3A_112 = arith.constant 632 : i32
      %mul3A_113 = arith.muli %arg1, %mul3A_112 : i32
      %mul3A_114 = arith.constant 632 : i32
      %mul3A_115 = arith.muli %arg1, %mul3A_114 : i32
      "tpu.region"() ({
        %run_scoped3A_116 = tpu.sem_alloc : memref<!tpu.dma_semaphore, #tpu.memory_space<semaphore_mem>>
        %dma_start3A_117 = arith.constant 0 : i32
        %dma_start3A_118 = tpu.memref_slice %arg6[%mul3A_115, %dma_start3A_117] : memref<10112x128xf32, #tpu.memory_space<hbm>> -> memref<632x128xf32, #tpu.memory_space<hbm>>
        %dma_start3A_119 = arith.constant 0 : i32
        %dma_start3A_120 = tpu.memref_slice %arg11[%mul3A_113, %dma_start3A_119] : memref<10112x128xf32, #tpu.memory_space<vmem_shared>> -> memref<632x128xf32, #tpu.memory_space<vmem_shared>>
        tpu.enqueue_dma source(%dma_start3A_120 : memref<632x128xf32, #tpu.memory_space<vmem_shared>>) target(%dma_start3A_118 : memref<632x128xf32, #tpu.memory_space<hbm>>) target_semaphore(%run_scoped3A_116 : memref<!tpu.dma_semaphore, #tpu.memory_space<semaphore_mem>>)
        %dma_wait3A_121 = arith.constant 0 : i32
        %dma_wait3A_122 = tpu.memref_slice %arg6[%mul3A_115, %dma_wait3A_121] : memref<10112x128xf32, #tpu.memory_space<hbm>> -> memref<632x128xf32, #tpu.memory_space<hbm>>
        %dma_wait3A_123 = arith.constant 0 : i32
        %dma_wait3A_124 = tpu.memref_slice %arg11[%mul3A_113, %dma_wait3A_123] : memref<10112x128xf32, #tpu.memory_space<vmem_shared>> -> memref<632x128xf32, #tpu.memory_space<vmem_shared>>
        tpu.wait_dma2 semaphore(%run_scoped3A_116 : memref<!tpu.dma_semaphore, #tpu.memory_space<semaphore_mem>>) src(%dma_wait3A_124 : memref<632x128xf32, #tpu.memory_space<vmem_shared>>) dst(%dma_wait3A_122 : memref<632x128xf32, #tpu.memory_space<hbm>>)
        tpu.yield
      }) : () -> ()
    } else {
    }
    return
  }
}

#map = affine_map<(d0, d1) -> (0, 0)>
module attributes {stable_mosaic.version = 14 : i64} {
  func.func @k(%arg0: i32, %arg1: i32, %arg2: memref<2560x128xi32, #tpu.memory_space<hbm>>, %arg3: memref<10112x128xf32, #tpu.memory_space<hbm>>, %arg4: memref<10112x128xf32, #tpu.memory_space<hbm>>, %arg5: memref<80x128xi32, #tpu.memory_space<vmem>>, %arg6: memref<128x128xf32, #tpu.memory_space<vmem>>, %arg7: memref<10112x128xf32, #tpu.memory_space<vmem_shared>>) attributes {dimension_semantics = [#tpu.dimension_semantics<core_parallel>, #tpu.dimension_semantics<subcore_parallel>], iteration_bounds = array<i64: 2, 16>, scalar_prefetch = 0 : i64, scratch_operands = 3 : i64, tpu.core_type = #tpu.core_type<sc_vector_subcore>, window_params = [{transform_indices = #map}, {transform_indices = #map}, {transform_indices = #map}]} {
    %mul3A = arith.constant 16 : i32
    %mul3A_0 = arith.muli %arg0, %mul3A : i32
    %add3A = arith.addi %mul3A_0, %arg1 : i32
    %mul3A_1 = arith.constant 80 : i32
    %mul3A_2 = arith.muli %add3A, %mul3A_1 : i32
    "tpu.region"() ({
      %run_scoped3A = tpu.sem_alloc : memref<!tpu.dma_semaphore, #tpu.memory_space<semaphore_mem>>
      %dma_start3A = arith.constant 0 : i32
      %dma_start3A_51 = tpu.memref_slice %arg2[%mul3A_2, %dma_start3A] : memref<2560x128xi32, #tpu.memory_space<hbm>> -> memref<80x128xi32, #tpu.memory_space<hbm>>
      %dma_start3A_52 = arith.constant 0 : i32
      %dma_start3A_53 = tpu.memref_slice %arg2[%mul3A_2, %dma_start3A_52] : memref<2560x128xi32, #tpu.memory_space<hbm>> -> memref<80x128xi32, #tpu.memory_space<hbm>>
      tpu.enqueue_dma source(%dma_start3A_53 : memref<80x128xi32, #tpu.memory_space<hbm>>) target(%arg5 : memref<80x128xi32, #tpu.memory_space<vmem>>) target_semaphore(%run_scoped3A : memref<!tpu.dma_semaphore, #tpu.memory_space<semaphore_mem>>)
      %dma_wait3A = arith.constant 0 : i32
      %dma_wait3A_54 = tpu.memref_slice %arg2[%mul3A_2, %dma_wait3A] : memref<2560x128xi32, #tpu.memory_space<hbm>> -> memref<80x128xi32, #tpu.memory_space<hbm>>
      %dma_wait3A_55 = arith.constant 0 : i32
      %dma_wait3A_56 = tpu.memref_slice %arg2[%mul3A_2, %dma_wait3A_55] : memref<2560x128xi32, #tpu.memory_space<hbm>> -> memref<80x128xi32, #tpu.memory_space<hbm>>
      tpu.wait_dma2 semaphore(%run_scoped3A : memref<!tpu.dma_semaphore, #tpu.memory_space<semaphore_mem>>) src(%dma_wait3A_56 : memref<80x128xi32, #tpu.memory_space<hbm>>) dst(%arg5 : memref<80x128xi32, #tpu.memory_space<vmem>>)
      tpu.yield
    }) : () -> ()
    %broadcast_in_dim3A = arith.constant 0.000000e+00 : f32
    %broadcast_in_dim3A_3 = vector.broadcast %broadcast_in_dim3A : f32 to vector<16xf32>
    %broadcast_in_dim3A_4 = arith.constant 1.000000e+00 : f32
    %broadcast_in_dim3A_5 = vector.broadcast %broadcast_in_dim3A_4 : f32 to vector<16xf32>
    %scan3A = arith.constant 0 : i32
    %scan3A_6 = arith.constant 0 : i32
    %scan3A_7 = arith.constant 128 : i32
    %scan3A_8 = arith.addi %scan3A_6, %scan3A_7 : i32
    %scan3A_9 = arith.constant 1 : i32
    scf.for %scan3A_51 = %scan3A_6 to %scan3A_8 step %scan3A_9  : i32 {
      %swap3A = arith.index_cast %scan3A_51 : i32 to index
      %swap3A_52 = arith.constant 0 : index
      %swap3A_53 = tpu.vector_load %arg6[%swap3A, %swap3A_52] {strides = array<i32>} : memref<128x128xf32, #tpu.memory_space<vmem>>, vector<1x16xf32>,
      %swap3A_54 = vector.shape_cast %swap3A_53 : vector<1x16xf32> to vector<16xf32>
      %swap3A_55 = vector.shape_cast %broadcast_in_dim3A_3 : vector<16xf32> to vector<1x16xf32>
      tpu.vector_store %arg6[%swap3A, %swap3A_52], %swap3A_55 {strides = array<i32>} : memref<128x128xf32, #tpu.memory_space<vmem>>, vector<1x16xf32>,
      %swap3A_56 = arith.index_cast %scan3A_51 : i32 to index
      %swap3A_57 = arith.constant 16 : index
      %swap3A_58 = tpu.vector_load %arg6[%swap3A_56, %swap3A_57] {strides = array<i32>} : memref<128x128xf32, #tpu.memory_space<vmem>>, vector<1x16xf32>,
      %swap3A_59 = vector.shape_cast %swap3A_58 : vector<1x16xf32> to vector<16xf32>
      %swap3A_60 = vector.shape_cast %broadcast_in_dim3A_3 : vector<16xf32> to vector<1x16xf32>
      tpu.vector_store %arg6[%swap3A_56, %swap3A_57], %swap3A_60 {strides = array<i32>} : memref<128x128xf32, #tpu.memory_space<vmem>>, vector<1x16xf32>,
      %swap3A_61 = arith.index_cast %scan3A_51 : i32 to index
      %swap3A_62 = arith.constant 32 : index
      %swap3A_63 = tpu.vector_load %arg6[%swap3A_61, %swap3A_62] {strides = array<i32>} : memref<128x128xf32, #tpu.memory_space<vmem>>, vector<1x16xf32>,
      %swap3A_64 = vector.shape_cast %swap3A_63 : vector<1x16xf32> to vector<16xf32>
      %swap3A_65 = vector.shape_cast %broadcast_in_dim3A_3 : vector<16xf32> to vector<1x16xf32>
      tpu.vector_store %arg6[%swap3A_61, %swap3A_62], %swap3A_65 {strides = array<i32>} : memref<128x128xf32, #tpu.memory_space<vmem>>, vector<1x16xf32>,
      %swap3A_66 = arith.index_cast %scan3A_51 : i32 to index
      %swap3A_67 = arith.constant 48 : index
      %swap3A_68 = tpu.vector_load %arg6[%swap3A_66, %swap3A_67] {strides = array<i32>} : memref<128x128xf32, #tpu.memory_space<vmem>>, vector<1x16xf32>,
      %swap3A_69 = vector.shape_cast %swap3A_68 : vector<1x16xf32> to vector<16xf32>
      %swap3A_70 = vector.shape_cast %broadcast_in_dim3A_3 : vector<16xf32> to vector<1x16xf32>
      tpu.vector_store %arg6[%swap3A_66, %swap3A_67], %swap3A_70 {strides = array<i32>} : memref<128x128xf32, #tpu.memory_space<vmem>>, vector<1x16xf32>,
      %swap3A_71 = arith.index_cast %scan3A_51 : i32 to index
      %swap3A_72 = arith.constant 64 : index
      %swap3A_73 = tpu.vector_load %arg6[%swap3A_71, %swap3A_72] {strides = array<i32>} : memref<128x128xf32, #tpu.memory_space<vmem>>, vector<1x16xf32>,
      %swap3A_74 = vector.shape_cast %swap3A_73 : vector<1x16xf32> to vector<16xf32>
      %swap3A_75 = vector.shape_cast %broadcast_in_dim3A_3 : vector<16xf32> to vector<1x16xf32>
      tpu.vector_store %arg6[%swap3A_71, %swap3A_72], %swap3A_75 {strides = array<i32>} : memref<128x128xf32, #tpu.memory_space<vmem>>, vector<1x16xf32>,
      %swap3A_76 = arith.index_cast %scan3A_51 : i32 to index
      %swap3A_77 = arith.constant 80 : index
      %swap3A_78 = tpu.vector_load %arg6[%swap3A_76, %swap3A_77] {strides = array<i32>} : memref<128x128xf32, #tpu.memory_space<vmem>>, vector<1x16xf32>,
      %swap3A_79 = vector.shape_cast %swap3A_78 : vector<1x16xf32> to vector<16xf32>
      %swap3A_80 = vector.shape_cast %broadcast_in_dim3A_3 : vector<16xf32> to vector<1x16xf32>
      tpu.vector_store %arg6[%swap3A_76, %swap3A_77], %swap3A_80 {strides = array<i32>} : memref<128x128xf32, #tpu.memory_space<vmem>>, vector<1x16xf32>,
      %swap3A_81 = arith.index_cast %scan3A_51 : i32 to index
      %swap3A_82 = arith.constant 96 : index
      %swap3A_83 = tpu.vector_load %arg6[%swap3A_81, %swap3A_82] {strides = array<i32>} : memref<128x128xf32, #tpu.memory_space<vmem>>, vector<1x16xf32>,
      %swap3A_84 = vector.shape_cast %swap3A_83 : vector<1x16xf32> to vector<16xf32>
      %swap3A_85 = vector.shape_cast %broadcast_in_dim3A_3 : vector<16xf32> to vector<1x16xf32>
      tpu.vector_store %arg6[%swap3A_81, %swap3A_82], %swap3A_85 {strides = array<i32>} : memref<128x128xf32, #tpu.memory_space<vmem>>, vector<1x16xf32>,
      %swap3A_86 = arith.index_cast %scan3A_51 : i32 to index
      %swap3A_87 = arith.constant 112 : index
      %swap3A_88 = tpu.vector_load %arg6[%swap3A_86, %swap3A_87] {strides = array<i32>} : memref<128x128xf32, #tpu.memory_space<vmem>>, vector<1x16xf32>,
      %swap3A_89 = vector.shape_cast %swap3A_88 : vector<1x16xf32> to vector<16xf32>
      %swap3A_90 = vector.shape_cast %broadcast_in_dim3A_3 : vector<16xf32> to vector<1x16xf32>
      tpu.vector_store %arg6[%swap3A_86, %swap3A_87], %swap3A_90 {strides = array<i32>} : memref<128x128xf32, #tpu.memory_space<vmem>>, vector<1x16xf32>,
    }
    %scan3A_10 = arith.constant 128 : i32
    %mul3A_11 = arith.constant 632 : i32
    %mul3A_12 = arith.muli %arg1, %mul3A_11 : i32
    %add3A_13 = arith.constant 0 : i32
    %add3A_14 = arith.addi %mul3A_12, %add3A_13 : i32
    "tpu.region"() ({
      %run_scoped3A = tpu.sem_alloc : memref<!tpu.dma_semaphore, #tpu.memory_space<semaphore_mem>>
      %dma_start3A = arith.constant 0 : i32
      %dma_start3A_51 = tpu.memref_slice %arg7[%add3A_14, %dma_start3A] : memref<10112x128xf32, #tpu.memory_space<vmem_shared>> -> memref<128x128xf32, #tpu.memory_space<vmem_shared>>
      %dma_start3A_52 = arith.constant 0 : i32
      %dma_start3A_53 = tpu.memref_slice %arg7[%add3A_14, %dma_start3A_52] : memref<10112x128xf32, #tpu.memory_space<vmem_shared>> -> memref<128x128xf32, #tpu.memory_space<vmem_shared>>
      tpu.enqueue_dma source(%arg6 : memref<128x128xf32, #tpu.memory_space<vmem>>) target(%dma_start3A_53 : memref<128x128xf32, #tpu.memory_space<vmem_shared>>) target_semaphore(%run_scoped3A : memref<!tpu.dma_semaphore, #tpu.memory_space<semaphore_mem>>)
      %dma_wait3A = arith.constant 0 : i32
      %dma_wait3A_54 = tpu.memref_slice %arg7[%add3A_14, %dma_wait3A] : memref<10112x128xf32, #tpu.memory_space<vmem_shared>> -> memref<128x128xf32, #tpu.memory_space<vmem_shared>>
      %dma_wait3A_55 = arith.constant 0 : i32
      %dma_wait3A_56 = tpu.memref_slice %arg7[%add3A_14, %dma_wait3A_55] : memref<10112x128xf32, #tpu.memory_space<vmem_shared>> -> memref<128x128xf32, #tpu.memory_space<vmem_shared>>
      tpu.wait_dma2 semaphore(%run_scoped3A : memref<!tpu.dma_semaphore, #tpu.memory_space<semaphore_mem>>) src(%arg6 : memref<128x128xf32, #tpu.memory_space<vmem>>) dst(%dma_wait3A_56 : memref<128x128xf32, #tpu.memory_space<vmem_shared>>)
      tpu.yield
    }) : () -> ()
    %mul3A_15 = arith.constant 632 : i32
    %mul3A_16 = arith.muli %arg1, %mul3A_15 : i32
    %add3A_17 = arith.constant 128 : i32
    %add3A_18 = arith.addi %mul3A_16, %add3A_17 : i32
    "tpu.region"() ({
      %run_scoped3A = tpu.sem_alloc : memref<!tpu.dma_semaphore, #tpu.memory_space<semaphore_mem>>
      %dma_start3A = arith.constant 0 : i32
      %dma_start3A_51 = tpu.memref_slice %arg7[%add3A_18, %dma_start3A] : memref<10112x128xf32, #tpu.memory_space<vmem_shared>> -> memref<128x128xf32, #tpu.memory_space<vmem_shared>>
      %dma_start3A_52 = arith.constant 0 : i32
      %dma_start3A_53 = tpu.memref_slice %arg7[%add3A_18, %dma_start3A_52] : memref<10112x128xf32, #tpu.memory_space<vmem_shared>> -> memref<128x128xf32, #tpu.memory_space<vmem_shared>>
      tpu.enqueue_dma source(%arg6 : memref<128x128xf32, #tpu.memory_space<vmem>>) target(%dma_start3A_53 : memref<128x128xf32, #tpu.memory_space<vmem_shared>>) target_semaphore(%run_scoped3A : memref<!tpu.dma_semaphore, #tpu.memory_space<semaphore_mem>>)
      %dma_wait3A = arith.constant 0 : i32
      %dma_wait3A_54 = tpu.memref_slice %arg7[%add3A_18, %dma_wait3A] : memref<10112x128xf32, #tpu.memory_space<vmem_shared>> -> memref<128x128xf32, #tpu.memory_space<vmem_shared>>
      %dma_wait3A_55 = arith.constant 0 : i32
      %dma_wait3A_56 = tpu.memref_slice %arg7[%add3A_18, %dma_wait3A_55] : memref<10112x128xf32, #tpu.memory_space<vmem_shared>> -> memref<128x128xf32, #tpu.memory_space<vmem_shared>>
      tpu.wait_dma2 semaphore(%run_scoped3A : memref<!tpu.dma_semaphore, #tpu.memory_space<semaphore_mem>>) src(%arg6 : memref<128x128xf32, #tpu.memory_space<vmem>>) dst(%dma_wait3A_56 : memref<128x128xf32, #tpu.memory_space<vmem_shared>>)
      tpu.yield
    }) : () -> ()
    %mul3A_19 = arith.constant 632 : i32
    %mul3A_20 = arith.muli %arg1, %mul3A_19 : i32
    %add3A_21 = arith.constant 256 : i32
    %add3A_22 = arith.addi %mul3A_20, %add3A_21 : i32
    "tpu.region"() ({
      %run_scoped3A = tpu.sem_alloc : memref<!tpu.dma_semaphore, #tpu.memory_space<semaphore_mem>>
      %dma_start3A = arith.constant 0 : i32
      %dma_start3A_51 = tpu.memref_slice %arg7[%add3A_22, %dma_start3A] : memref<10112x128xf32, #tpu.memory_space<vmem_shared>> -> memref<128x128xf32, #tpu.memory_space<vmem_shared>>
      %dma_start3A_52 = arith.constant 0 : i32
      %dma_start3A_53 = tpu.memref_slice %arg7[%add3A_22, %dma_start3A_52] : memref<10112x128xf32, #tpu.memory_space<vmem_shared>> -> memref<128x128xf32, #tpu.memory_space<vmem_shared>>
      tpu.enqueue_dma source(%arg6 : memref<128x128xf32, #tpu.memory_space<vmem>>) target(%dma_start3A_53 : memref<128x128xf32, #tpu.memory_space<vmem_shared>>) target_semaphore(%run_scoped3A : memref<!tpu.dma_semaphore, #tpu.memory_space<semaphore_mem>>)
      %dma_wait3A = arith.constant 0 : i32
      %dma_wait3A_54 = tpu.memref_slice %arg7[%add3A_22, %dma_wait3A] : memref<10112x128xf32, #tpu.memory_space<vmem_shared>> -> memref<128x128xf32, #tpu.memory_space<vmem_shared>>
      %dma_wait3A_55 = arith.constant 0 : i32
      %dma_wait3A_56 = tpu.memref_slice %arg7[%add3A_22, %dma_wait3A_55] : memref<10112x128xf32, #tpu.memory_space<vmem_shared>> -> memref<128x128xf32, #tpu.memory_space<vmem_shared>>
      tpu.wait_dma2 semaphore(%run_scoped3A : memref<!tpu.dma_semaphore, #tpu.memory_space<semaphore_mem>>) src(%arg6 : memref<128x128xf32, #tpu.memory_space<vmem>>) dst(%dma_wait3A_56 : memref<128x128xf32, #tpu.memory_space<vmem_shared>>)
      tpu.yield
    }) : () -> ()
    %mul3A_23 = arith.constant 632 : i32
    %mul3A_24 = arith.muli %arg1, %mul3A_23 : i32
    %add3A_25 = arith.constant 384 : i32
    %add3A_26 = arith.addi %mul3A_24, %add3A_25 : i32
    "tpu.region"() ({
      %run_scoped3A = tpu.sem_alloc : memref<!tpu.dma_semaphore, #tpu.memory_space<semaphore_mem>>
      %dma_start3A = arith.constant 0 : i32
      %dma_start3A_51 = tpu.memref_slice %arg7[%add3A_26, %dma_start3A] : memref<10112x128xf32, #tpu.memory_space<vmem_shared>> -> memref<128x128xf32, #tpu.memory_space<vmem_shared>>
      %dma_start3A_52 = arith.constant 0 : i32
      %dma_start3A_53 = tpu.memref_slice %arg7[%add3A_26, %dma_start3A_52] : memref<10112x128xf32, #tpu.memory_space<vmem_shared>> -> memref<128x128xf32, #tpu.memory_space<vmem_shared>>
      tpu.enqueue_dma source(%arg6 : memref<128x128xf32, #tpu.memory_space<vmem>>) target(%dma_start3A_53 : memref<128x128xf32, #tpu.memory_space<vmem_shared>>) target_semaphore(%run_scoped3A : memref<!tpu.dma_semaphore, #tpu.memory_space<semaphore_mem>>)
      %dma_wait3A = arith.constant 0 : i32
      %dma_wait3A_54 = tpu.memref_slice %arg7[%add3A_26, %dma_wait3A] : memref<10112x128xf32, #tpu.memory_space<vmem_shared>> -> memref<128x128xf32, #tpu.memory_space<vmem_shared>>
      %dma_wait3A_55 = arith.constant 0 : i32
      %dma_wait3A_56 = tpu.memref_slice %arg7[%add3A_26, %dma_wait3A_55] : memref<10112x128xf32, #tpu.memory_space<vmem_shared>> -> memref<128x128xf32, #tpu.memory_space<vmem_shared>>
      tpu.wait_dma2 semaphore(%run_scoped3A : memref<!tpu.dma_semaphore, #tpu.memory_space<semaphore_mem>>) src(%arg6 : memref<128x128xf32, #tpu.memory_space<vmem>>) dst(%dma_wait3A_56 : memref<128x128xf32, #tpu.memory_space<vmem_shared>>)
      tpu.yield
    }) : () -> ()
    %mul3A_27 = arith.constant 632 : i32
    %mul3A_28 = arith.muli %arg1, %mul3A_27 : i32
    %add3A_29 = arith.constant 512 : i32
    %add3A_30 = arith.addi %mul3A_28, %add3A_29 : i32
    "tpu.region"() ({
      %run_scoped3A = tpu.sem_alloc : memref<!tpu.dma_semaphore, #tpu.memory_space<semaphore_mem>>
      %dma_start3A = arith.constant 0 : i32
      %dma_start3A_51 = arith.constant 0 : i32
      %dma_start3A_52 = tpu.memref_slice %arg6[%dma_start3A, %dma_start3A_51] : memref<128x128xf32, #tpu.memory_space<vmem>> -> memref<120x128xf32, #tpu.memory_space<vmem>>
      %dma_start3A_53 = arith.constant 0 : i32
      %dma_start3A_54 = tpu.memref_slice %arg7[%add3A_30, %dma_start3A_53] : memref<10112x128xf32, #tpu.memory_space<vmem_shared>> -> memref<120x128xf32, #tpu.memory_space<vmem_shared>>
      %dma_start3A_55 = arith.constant 0 : i32
      %dma_start3A_56 = tpu.memref_slice %arg7[%add3A_30, %dma_start3A_55] : memref<10112x128xf32, #tpu.memory_space<vmem_shared>> -> memref<120x128xf32, #tpu.memory_space<vmem_shared>>
      %dma_start3A_57 = arith.constant 0 : i32
      %dma_start3A_58 = arith.constant 0 : i32
      %dma_start3A_59 = tpu.memref_slice %arg6[%dma_start3A_57, %dma_start3A_58] : memref<128x128xf32, #tpu.memory_space<vmem>> -> memref<120x128xf32, #tpu.memory_space<vmem>>
      tpu.enqueue_dma source(%dma_start3A_59 : memref<120x128xf32, #tpu.memory_space<vmem>>) target(%dma_start3A_56 : memref<120x128xf32, #tpu.memory_space<vmem_shared>>) target_semaphore(%run_scoped3A : memref<!tpu.dma_semaphore, #tpu.memory_space<semaphore_mem>>)
      %dma_wait3A = arith.constant 0 : i32
      %dma_wait3A_60 = arith.constant 0 : i32
      %dma_wait3A_61 = tpu.memref_slice %arg6[%dma_wait3A, %dma_wait3A_60] : memref<128x128xf32, #tpu.memory_space<vmem>> -> memref<120x128xf32, #tpu.memory_space<vmem>>
      %dma_wait3A_62 = arith.constant 0 : i32
      %dma_wait3A_63 = tpu.memref_slice %arg7[%add3A_30, %dma_wait3A_62] : memref<10112x128xf32, #tpu.memory_space<vmem_shared>> -> memref<120x128xf32, #tpu.memory_space<vmem_shared>>
      %dma_wait3A_64 = arith.constant 0 : i32
      %dma_wait3A_65 = tpu.memref_slice %arg7[%add3A_30, %dma_wait3A_64] : memref<10112x128xf32, #tpu.memory_space<vmem_shared>> -> memref<120x128xf32, #tpu.memory_space<vmem_shared>>
      %dma_wait3A_66 = arith.constant 0 : i32
      %dma_wait3A_67 = arith.constant 0 : i32
      %dma_wait3A_68 = tpu.memref_slice %arg6[%dma_wait3A_66, %dma_wait3A_67] : memref<128x128xf32, #tpu.memory_space<vmem>> -> memref<120x128xf32, #tpu.memory_space<vmem>>
      tpu.wait_dma2 semaphore(%run_scoped3A : memref<!tpu.dma_semaphore, #tpu.memory_space<semaphore_mem>>) src(%dma_wait3A_68 : memref<120x128xf32, #tpu.memory_space<vmem>>) dst(%dma_wait3A_65 : memref<120x128xf32, #tpu.memory_space<vmem_shared>>)
      tpu.yield
    }) : () -> ()
    %scan3A_31 = arith.constant 0 : i32
    %scan3A_32 = arith.constant 0 : i32
    %scan3A_33 = arith.constant 128 : i32
    %scan3A_34 = arith.addi %scan3A_32, %scan3A_33 : i32
    %scan3A_35 = arith.constant 1 : i32
    scf.for %scan3A_51 = %scan3A_32 to %scan3A_34 step %scan3A_35  : i32 {
      %swap3A = arith.index_cast %scan3A_51 : i32 to index
      %swap3A_52 = arith.constant 0 : index
      %swap3A_53 = tpu.vector_load %arg6[%swap3A, %swap3A_52] {strides = array<i32>} : memref<128x128xf32, #tpu.memory_space<vmem>>, vector<1x16xf32>,
      %swap3A_54 = vector.shape_cast %swap3A_53 : vector<1x16xf32> to vector<16xf32>
      %swap3A_55 = vector.shape_cast %broadcast_in_dim3A_5 : vector<16xf32> to vector<1x16xf32>
      tpu.vector_store %arg6[%swap3A, %swap3A_52], %swap3A_55 {strides = array<i32>} : memref<128x128xf32, #tpu.memory_space<vmem>>, vector<1x16xf32>,
      %swap3A_56 = arith.index_cast %scan3A_51 : i32 to index
      %swap3A_57 = arith.constant 16 : index
      %swap3A_58 = tpu.vector_load %arg6[%swap3A_56, %swap3A_57] {strides = array<i32>} : memref<128x128xf32, #tpu.memory_space<vmem>>, vector<1x16xf32>,
      %swap3A_59 = vector.shape_cast %swap3A_58 : vector<1x16xf32> to vector<16xf32>
      %swap3A_60 = vector.shape_cast %broadcast_in_dim3A_5 : vector<16xf32> to vector<1x16xf32>
      tpu.vector_store %arg6[%swap3A_56, %swap3A_57], %swap3A_60 {strides = array<i32>} : memref<128x128xf32, #tpu.memory_space<vmem>>, vector<1x16xf32>,
      %swap3A_61 = arith.index_cast %scan3A_51 : i32 to index
      %swap3A_62 = arith.constant 32 : index
      %swap3A_63 = tpu.vector_load %arg6[%swap3A_61, %swap3A_62] {strides = array<i32>} : memref<128x128xf32, #tpu.memory_space<vmem>>, vector<1x16xf32>,
      %swap3A_64 = vector.shape_cast %swap3A_63 : vector<1x16xf32> to vector<16xf32>
      %swap3A_65 = vector.shape_cast %broadcast_in_dim3A_5 : vector<16xf32> to vector<1x16xf32>
      tpu.vector_store %arg6[%swap3A_61, %swap3A_62], %swap3A_65 {strides = array<i32>} : memref<128x128xf32, #tpu.memory_space<vmem>>, vector<1x16xf32>,
      %swap3A_66 = arith.index_cast %scan3A_51 : i32 to index
      %swap3A_67 = arith.constant 48 : index
      %swap3A_68 = tpu.vector_load %arg6[%swap3A_66, %swap3A_67] {strides = array<i32>} : memref<128x128xf32, #tpu.memory_space<vmem>>, vector<1x16xf32>,
      %swap3A_69 = vector.shape_cast %swap3A_68 : vector<1x16xf32> to vector<16xf32>
      %swap3A_70 = vector.shape_cast %broadcast_in_dim3A_5 : vector<16xf32> to vector<1x16xf32>
      tpu.vector_store %arg6[%swap3A_66, %swap3A_67], %swap3A_70 {strides = array<i32>} : memref<128x128xf32, #tpu.memory_space<vmem>>, vector<1x16xf32>,
      %swap3A_71 = arith.index_cast %scan3A_51 : i32 to index
      %swap3A_72 = arith.constant 64 : index
      %swap3A_73 = tpu.vector_load %arg6[%swap3A_71, %swap3A_72] {strides = array<i32>} : memref<128x128xf32, #tpu.memory_space<vmem>>, vector<1x16xf32>,
      %swap3A_74 = vector.shape_cast %swap3A_73 : vector<1x16xf32> to vector<16xf32>
      %swap3A_75 = vector.shape_cast %broadcast_in_dim3A_5 : vector<16xf32> to vector<1x16xf32>
      tpu.vector_store %arg6[%swap3A_71, %swap3A_72], %swap3A_75 {strides = array<i32>} : memref<128x128xf32, #tpu.memory_space<vmem>>, vector<1x16xf32>,
      %swap3A_76 = arith.index_cast %scan3A_51 : i32 to index
      %swap3A_77 = arith.constant 80 : index
      %swap3A_78 = tpu.vector_load %arg6[%swap3A_76, %swap3A_77] {strides = array<i32>} : memref<128x128xf32, #tpu.memory_space<vmem>>, vector<1x16xf32>,
      %swap3A_79 = vector.shape_cast %swap3A_78 : vector<1x16xf32> to vector<16xf32>
      %swap3A_80 = vector.shape_cast %broadcast_in_dim3A_5 : vector<16xf32> to vector<1x16xf32>
      tpu.vector_store %arg6[%swap3A_76, %swap3A_77], %swap3A_80 {strides = array<i32>} : memref<128x128xf32, #tpu.memory_space<vmem>>, vector<1x16xf32>,
      %swap3A_81 = arith.index_cast %scan3A_51 : i32 to index
      %swap3A_82 = arith.constant 96 : index
      %swap3A_83 = tpu.vector_load %arg6[%swap3A_81, %swap3A_82] {strides = array<i32>} : memref<128x128xf32, #tpu.memory_space<vmem>>, vector<1x16xf32>,
      %swap3A_84 = vector.shape_cast %swap3A_83 : vector<1x16xf32> to vector<16xf32>
      %swap3A_85 = vector.shape_cast %broadcast_in_dim3A_5 : vector<16xf32> to vector<1x16xf32>
      tpu.vector_store %arg6[%swap3A_81, %swap3A_82], %swap3A_85 {strides = array<i32>} : memref<128x128xf32, #tpu.memory_space<vmem>>, vector<1x16xf32>,
      %swap3A_86 = arith.index_cast %scan3A_51 : i32 to index
      %swap3A_87 = arith.constant 112 : index
      %swap3A_88 = tpu.vector_load %arg6[%swap3A_86, %swap3A_87] {strides = array<i32>} : memref<128x128xf32, #tpu.memory_space<vmem>>, vector<1x16xf32>,
      %swap3A_89 = vector.shape_cast %swap3A_88 : vector<1x16xf32> to vector<16xf32>
      %swap3A_90 = vector.shape_cast %broadcast_in_dim3A_5 : vector<16xf32> to vector<1x16xf32>
      tpu.vector_store %arg6[%swap3A_86, %swap3A_87], %swap3A_90 {strides = array<i32>} : memref<128x128xf32, #tpu.memory_space<vmem>>, vector<1x16xf32>,
    }
    %scan3A_36 = arith.constant 128 : i32
    %barrier3A = arith.constant 0 : index
    tpu.barrier barrier_id(%barrier3A)
    %scan3A_37 = arith.constant 0 : i32
    %scan3A_38 = arith.constant 0 : i32
    %scan3A_39 = arith.constant 80 : i32
    %scan3A_40 = arith.addi %scan3A_38, %scan3A_39 : i32
    %scan3A_41 = arith.constant 1 : i32
    scf.for %scan3A_51 = %scan3A_38 to %scan3A_40 step %scan3A_41  : i32 {
      "tpu.region"() ({
        %run_scoped3A = tpu.sem_alloc : memref<!tpu.dma_semaphore, #tpu.memory_space<semaphore_mem>>
        %dma_start3A = arith.constant 0 : i32
        %dma_start3A_52 = tpu.memref_slice %arg5[%scan3A_51, %dma_start3A] : memref<80x128xi32, #tpu.memory_space<vmem>> -> memref<1x128xi32, #tpu.memory_space<vmem>>
        %dma_start3A_53 = tpu.memref_squeeze %dma_start3A_52 : memref<1x128xi32, #tpu.memory_space<vmem>> -> memref<128xi32, #tpu.memory_space<vmem>>
        %dma_start3A_54 = arith.constant 0 : i32
        %dma_start3A_55 = arith.constant 0 : i32
        %dma_start3A_56 = tpu.memref_slice %arg7[%dma_start3A_54, %dma_start3A_55] : memref<10112x128xf32, #tpu.memory_space<vmem_shared>> -> memref<10112x128xf32, #tpu.memory_space<vmem_shared>>
        tpu.enqueue_indirect_dma source(%arg6 : memref<128x128xf32, #tpu.memory_space<vmem>>) target(%dma_start3A_56 : memref<10112x128xf32, #tpu.memory_space<vmem_shared>>) offsets(%dma_start3A_53 : memref<128xi32, #tpu.memory_space<vmem>>) semaphore(%run_scoped3A : memref<!tpu.dma_semaphore, #tpu.memory_space<semaphore_mem>>) {add = true}
        %dma_wait3A = arith.constant 0 : i32
        %dma_wait3A_57 = tpu.memref_slice %arg5[%scan3A_51, %dma_wait3A] : memref<80x128xi32, #tpu.memory_space<vmem>> -> memref<1x128xi32, #tpu.memory_space<vmem>>
        %dma_wait3A_58 = tpu.memref_squeeze %dma_wait3A_57 : memref<1x128xi32, #tpu.memory_space<vmem>> -> memref<128xi32, #tpu.memory_space<vmem>>
        %dma_wait3A_59 = arith.constant 0 : i32
        %dma_wait3A_60 = arith.constant 0 : i32
        %dma_wait3A_61 = tpu.memref_slice %arg7[%dma_wait3A_59, %dma_wait3A_60] : memref<10112x128xf32, #tpu.memory_space<vmem_shared>> -> memref<10112x128xf32, #tpu.memory_space<vmem_shared>>
        tpu.wait_indirect_dma semaphore(%run_scoped3A : memref<!tpu.dma_semaphore, #tpu.memory_space<semaphore_mem>>) src(%arg6 : memref<128x128xf32, #tpu.memory_space<vmem>>) dst(%dma_wait3A_61 : memref<10112x128xf32, #tpu.memory_space<vmem_shared>>)
        tpu.yield
      }) : () -> ()
    }
    %scan3A_42 = arith.constant 80 : i32
    %barrier3A_43 = arith.constant 0 : index
    tpu.barrier barrier_id(%barrier3A_43)
    %eq3A = arith.constant 0 : i32
    %eq3A_44 = arith.cmpi eq, %arg0, %eq3A : i32
    %convert_element_type3A = arith.extui %eq3A_44 : i1 to i32
    %cond3A = arith.constant 0 : i32
    %cond3A_45 = arith.cmpi ne, %convert_element_type3A, %cond3A : i32
    scf.if %cond3A_45 {
      %mul3A_51 = arith.constant 632 : i32
      %mul3A_52 = arith.muli %arg1, %mul3A_51 : i32
      %mul3A_53 = arith.constant 632 : i32
      %mul3A_54 = arith.muli %arg1, %mul3A_53 : i32
      "tpu.region"() ({
        %run_scoped3A = tpu.sem_alloc : memref<!tpu.dma_semaphore, #tpu.memory_space<semaphore_mem>>
        %dma_start3A = arith.constant 0 : i32
        %dma_start3A_55 = tpu.memref_slice %arg3[%mul3A_54, %dma_start3A] : memref<10112x128xf32, #tpu.memory_space<hbm>> -> memref<632x128xf32, #tpu.memory_space<hbm>>
        %dma_start3A_56 = arith.constant 0 : i32
        %dma_start3A_57 = tpu.memref_slice %arg7[%mul3A_52, %dma_start3A_56] : memref<10112x128xf32, #tpu.memory_space<vmem_shared>> -> memref<632x128xf32, #tpu.memory_space<vmem_shared>>
        tpu.enqueue_dma source(%dma_start3A_57 : memref<632x128xf32, #tpu.memory_space<vmem_shared>>) target(%dma_start3A_55 : memref<632x128xf32, #tpu.memory_space<hbm>>) target_semaphore(%run_scoped3A : memref<!tpu.dma_semaphore, #tpu.memory_space<semaphore_mem>>)
        %dma_wait3A = arith.constant 0 : i32
        %dma_wait3A_58 = tpu.memref_slice %arg3[%mul3A_54, %dma_wait3A] : memref<10112x128xf32, #tpu.memory_space<hbm>> -> memref<632x128xf32, #tpu.memory_space<hbm>>
        %dma_wait3A_59 = arith.constant 0 : i32
        %dma_wait3A_60 = tpu.memref_slice %arg7[%mul3A_52, %dma_wait3A_59] : memref<10112x128xf32, #tpu.memory_space<vmem_shared>> -> memref<632x128xf32, #tpu.memory_space<vmem_shared>>
        tpu.wait_dma2 semaphore(%run_scoped3A : memref<!tpu.dma_semaphore, #tpu.memory_space<semaphore_mem>>) src(%dma_wait3A_60 : memref<632x128xf32, #tpu.memory_space<vmem_shared>>) dst(%dma_wait3A_58 : memref<632x128xf32, #tpu.memory_space<hbm>>)
        tpu.yield
      }) : () -> ()
    } else {
    }
    %eq3A_46 = arith.constant 1 : i32
    %eq3A_47 = arith.cmpi eq, %arg0, %eq3A_46 : i32
    %convert_element_type3A_48 = arith.extui %eq3A_47 : i1 to i32
    %cond3A_49 = arith.constant 0 : i32
    %cond3A_50 = arith.cmpi ne, %convert_element_type3A_48, %cond3A_49 : i32
    scf.if %cond3A_50 {
      %mul3A_51 = arith.constant 632 : i32
      %mul3A_52 = arith.muli %arg1, %mul3A_51 : i32
      %mul3A_53 = arith.constant 632 : i32
      %mul3A_54 = arith.muli %arg1, %mul3A_53 : i32
      "tpu.region"() ({
        %run_scoped3A = tpu.sem_alloc : memref<!tpu.dma_semaphore, #tpu.memory_space<semaphore_mem>>
        %dma_start3A = arith.constant 0 : i32
        %dma_start3A_55 = tpu.memref_slice %arg4[%mul3A_54, %dma_start3A] : memref<10112x128xf32, #tpu.memory_space<hbm>> -> memref<632x128xf32, #tpu.memory_space<hbm>>
        %dma_start3A_56 = arith.constant 0 : i32
        %dma_start3A_57 = tpu.memref_slice %arg7[%mul3A_52, %dma_start3A_56] : memref<10112x128xf32, #tpu.memory_space<vmem_shared>> -> memref<632x128xf32, #tpu.memory_space<vmem_shared>>
        tpu.enqueue_dma source(%dma_start3A_57 : memref<632x128xf32, #tpu.memory_space<vmem_shared>>) target(%dma_start3A_55 : memref<632x128xf32, #tpu.memory_space<hbm>>) target_semaphore(%run_scoped3A : memref<!tpu.dma_semaphore, #tpu.memory_space<semaphore_mem>>)
        %dma_wait3A = arith.constant 0 : i32
        %dma_wait3A_58 = tpu.memref_slice %arg4[%mul3A_54, %dma_wait3A] : memref<10112x128xf32, #tpu.memory_space<hbm>> -> memref<632x128xf32, #tpu.memory_space<hbm>>
        %dma_wait3A_59 = arith.constant 0 : i32
        %dma_wait3A_60 = tpu.memref_slice %arg7[%mul3A_52, %dma_wait3A_59] : memref<10112x128xf32, #tpu.memory_space<vmem_shared>> -> memref<632x128xf32, #tpu.memory_space<vmem_shared>>
        tpu.wait_dma2 semaphore(%run_scoped3A : memref<!tpu.dma_semaphore, #tpu.memory_space<semaphore_mem>>) src(%dma_wait3A_60 : memref<632x128xf32, #tpu.memory_space<vmem_shared>>) dst(%dma_wait3A_58 : memref<632x128xf32, #tpu.memory_space<hbm>>)
        tpu.yield
      }) : () -> ()
    } else {
    }
    return
  }
}

#map = affine_map<(d0, d1) -> (0, 0)>
module attributes {stable_mosaic.version = 14 : i64} {
  func.func @k(%arg0: i32, %arg1: i32, %arg2: memref<10000x128xf32, #tpu.memory_space<hbm>>, %arg3: memref<2560x128xi32, #tpu.memory_space<hbm>>, %arg4: memref<2560x128xi32, #tpu.memory_space<hbm>>, %arg5: memref<10112x128xf32, #tpu.memory_space<hbm>>, %arg6: memref<10112x128xf32, #tpu.memory_space<hbm>>, %arg7: memref<40x128xi32, #tpu.memory_space<vmem>>, %arg8: memref<40x128xi32, #tpu.memory_space<vmem>>, %arg9: memref<128x128xf32, #tpu.memory_space<vmem>>, %arg10: memref<128x128xf32, #tpu.memory_space<vmem>>, %arg11: memref<10112x128xf32, #tpu.memory_space<vmem_shared>>, %arg12: memref<!tpu.dma_semaphore, #tpu.memory_space<semaphore_mem>>, %arg13: memref<!tpu.dma_semaphore, #tpu.memory_space<semaphore_mem>>) attributes {dimension_semantics = [#tpu.dimension_semantics<core_parallel>, #tpu.dimension_semantics<subcore_parallel>], iteration_bounds = array<i64: 2, 16>, scalar_prefetch = 0 : i64, scratch_operands = 7 : i64, tpu.core_type = #tpu.core_type<sc_vector_subcore>, window_params = [{transform_indices = #map}, {transform_indices = #map}, {transform_indices = #map}, {transform_indices = #map}, {transform_indices = #map}]} {
    %mul3A = arith.constant 16 : i32
    %mul3A_0 = arith.muli %arg0, %mul3A : i32
    %add3A = arith.addi %mul3A_0, %arg1 : i32
    %broadcast_in_dim3A = arith.constant 0.000000e+00 : f32
    %broadcast_in_dim3A_1 = vector.broadcast %broadcast_in_dim3A : f32 to vector<16xf32>
    %scan3A = arith.constant 0 : i32
    %scan3A_2 = arith.constant 0 : i32
    %scan3A_3 = arith.constant 128 : i32
    %scan3A_4 = arith.addi %scan3A_2, %scan3A_3 : i32
    %scan3A_5 = arith.constant 1 : i32
    scf.for %scan3A_112 = %scan3A_2 to %scan3A_4 step %scan3A_5  : i32 {
      %swap3A = arith.index_cast %scan3A_112 : i32 to index
      %swap3A_113 = arith.constant 0 : index
      %swap3A_114 = tpu.vector_load %arg9[%swap3A, %swap3A_113] {strides = array<i32>} : memref<128x128xf32, #tpu.memory_space<vmem>>, vector<1x16xf32>,
      %swap3A_115 = vector.shape_cast %swap3A_114 : vector<1x16xf32> to vector<16xf32>
      %swap3A_116 = vector.shape_cast %broadcast_in_dim3A_1 : vector<16xf32> to vector<1x16xf32>
      tpu.vector_store %arg9[%swap3A, %swap3A_113], %swap3A_116 {strides = array<i32>} : memref<128x128xf32, #tpu.memory_space<vmem>>, vector<1x16xf32>,
      %swap3A_117 = arith.index_cast %scan3A_112 : i32 to index
      %swap3A_118 = arith.constant 16 : index
      %swap3A_119 = tpu.vector_load %arg9[%swap3A_117, %swap3A_118] {strides = array<i32>} : memref<128x128xf32, #tpu.memory_space<vmem>>, vector<1x16xf32>,
      %swap3A_120 = vector.shape_cast %swap3A_119 : vector<1x16xf32> to vector<16xf32>
      %swap3A_121 = vector.shape_cast %broadcast_in_dim3A_1 : vector<16xf32> to vector<1x16xf32>
      tpu.vector_store %arg9[%swap3A_117, %swap3A_118], %swap3A_121 {strides = array<i32>} : memref<128x128xf32, #tpu.memory_space<vmem>>, vector<1x16xf32>,
      %swap3A_122 = arith.index_cast %scan3A_112 : i32 to index
      %swap3A_123 = arith.constant 32 : index
      %swap3A_124 = tpu.vector_load %arg9[%swap3A_122, %swap3A_123] {strides = array<i32>} : memref<128x128xf32, #tpu.memory_space<vmem>>, vector<1x16xf32>,
      %swap3A_125 = vector.shape_cast %swap3A_124 : vector<1x16xf32> to vector<16xf32>
      %swap3A_126 = vector.shape_cast %broadcast_in_dim3A_1 : vector<16xf32> to vector<1x16xf32>
      tpu.vector_store %arg9[%swap3A_122, %swap3A_123], %swap3A_126 {strides = array<i32>} : memref<128x128xf32, #tpu.memory_space<vmem>>, vector<1x16xf32>,
      %swap3A_127 = arith.index_cast %scan3A_112 : i32 to index
      %swap3A_128 = arith.constant 48 : index
      %swap3A_129 = tpu.vector_load %arg9[%swap3A_127, %swap3A_128] {strides = array<i32>} : memref<128x128xf32, #tpu.memory_space<vmem>>, vector<1x16xf32>,
      %swap3A_130 = vector.shape_cast %swap3A_129 : vector<1x16xf32> to vector<16xf32>
      %swap3A_131 = vector.shape_cast %broadcast_in_dim3A_1 : vector<16xf32> to vector<1x16xf32>
      tpu.vector_store %arg9[%swap3A_127, %swap3A_128], %swap3A_131 {strides = array<i32>} : memref<128x128xf32, #tpu.memory_space<vmem>>, vector<1x16xf32>,
      %swap3A_132 = arith.index_cast %scan3A_112 : i32 to index
      %swap3A_133 = arith.constant 64 : index
      %swap3A_134 = tpu.vector_load %arg9[%swap3A_132, %swap3A_133] {strides = array<i32>} : memref<128x128xf32, #tpu.memory_space<vmem>>, vector<1x16xf32>,
      %swap3A_135 = vector.shape_cast %swap3A_134 : vector<1x16xf32> to vector<16xf32>
      %swap3A_136 = vector.shape_cast %broadcast_in_dim3A_1 : vector<16xf32> to vector<1x16xf32>
      tpu.vector_store %arg9[%swap3A_132, %swap3A_133], %swap3A_136 {strides = array<i32>} : memref<128x128xf32, #tpu.memory_space<vmem>>, vector<1x16xf32>,
      %swap3A_137 = arith.index_cast %scan3A_112 : i32 to index
      %swap3A_138 = arith.constant 80 : index
      %swap3A_139 = tpu.vector_load %arg9[%swap3A_137, %swap3A_138] {strides = array<i32>} : memref<128x128xf32, #tpu.memory_space<vmem>>, vector<1x16xf32>,
      %swap3A_140 = vector.shape_cast %swap3A_139 : vector<1x16xf32> to vector<16xf32>
      %swap3A_141 = vector.shape_cast %broadcast_in_dim3A_1 : vector<16xf32> to vector<1x16xf32>
      tpu.vector_store %arg9[%swap3A_137, %swap3A_138], %swap3A_141 {strides = array<i32>} : memref<128x128xf32, #tpu.memory_space<vmem>>, vector<1x16xf32>,
      %swap3A_142 = arith.index_cast %scan3A_112 : i32 to index
      %swap3A_143 = arith.constant 96 : index
      %swap3A_144 = tpu.vector_load %arg9[%swap3A_142, %swap3A_143] {strides = array<i32>} : memref<128x128xf32, #tpu.memory_space<vmem>>, vector<1x16xf32>,
      %swap3A_145 = vector.shape_cast %swap3A_144 : vector<1x16xf32> to vector<16xf32>
      %swap3A_146 = vector.shape_cast %broadcast_in_dim3A_1 : vector<16xf32> to vector<1x16xf32>
      tpu.vector_store %arg9[%swap3A_142, %swap3A_143], %swap3A_146 {strides = array<i32>} : memref<128x128xf32, #tpu.memory_space<vmem>>, vector<1x16xf32>,
      %swap3A_147 = arith.index_cast %scan3A_112 : i32 to index
      %swap3A_148 = arith.constant 112 : index
      %swap3A_149 = tpu.vector_load %arg9[%swap3A_147, %swap3A_148] {strides = array<i32>} : memref<128x128xf32, #tpu.memory_space<vmem>>, vector<1x16xf32>,
      %swap3A_150 = vector.shape_cast %swap3A_149 : vector<1x16xf32> to vector<16xf32>
      %swap3A_151 = vector.shape_cast %broadcast_in_dim3A_1 : vector<16xf32> to vector<1x16xf32>
      tpu.vector_store %arg9[%swap3A_147, %swap3A_148], %swap3A_151 {strides = array<i32>} : memref<128x128xf32, #tpu.memory_space<vmem>>, vector<1x16xf32>,
    }
    %scan3A_6 = arith.constant 128 : i32
    %mul3A_7 = arith.constant 632 : i32
    %mul3A_8 = arith.muli %arg1, %mul3A_7 : i32
    %add3A_9 = arith.constant 0 : i32
    %add3A_10 = arith.addi %mul3A_8, %add3A_9 : i32
    "tpu.region"() ({
      %run_scoped3A_112 = tpu.sem_alloc : memref<!tpu.dma_semaphore, #tpu.memory_space<semaphore_mem>>
      %dma_start3A_113 = arith.constant 0 : i32
      %dma_start3A_114 = tpu.memref_slice %arg11[%add3A_10, %dma_start3A_113] : memref<10112x128xf32, #tpu.memory_space<vmem_shared>> -> memref<128x128xf32, #tpu.memory_space<vmem_shared>>
      %dma_start3A_115 = arith.constant 0 : i32
      %dma_start3A_116 = tpu.memref_slice %arg11[%add3A_10, %dma_start3A_115] : memref<10112x128xf32, #tpu.memory_space<vmem_shared>> -> memref<128x128xf32, #tpu.memory_space<vmem_shared>>
      tpu.enqueue_dma source(%arg9 : memref<128x128xf32, #tpu.memory_space<vmem>>) target(%dma_start3A_116 : memref<128x128xf32, #tpu.memory_space<vmem_shared>>) target_semaphore(%run_scoped3A_112 : memref<!tpu.dma_semaphore, #tpu.memory_space<semaphore_mem>>)
      %dma_wait3A_117 = arith.constant 0 : i32
      %dma_wait3A_118 = tpu.memref_slice %arg11[%add3A_10, %dma_wait3A_117] : memref<10112x128xf32, #tpu.memory_space<vmem_shared>> -> memref<128x128xf32, #tpu.memory_space<vmem_shared>>
      %dma_wait3A_119 = arith.constant 0 : i32
      %dma_wait3A_120 = tpu.memref_slice %arg11[%add3A_10, %dma_wait3A_119] : memref<10112x128xf32, #tpu.memory_space<vmem_shared>> -> memref<128x128xf32, #tpu.memory_space<vmem_shared>>
      tpu.wait_dma2 semaphore(%run_scoped3A_112 : memref<!tpu.dma_semaphore, #tpu.memory_space<semaphore_mem>>) src(%arg9 : memref<128x128xf32, #tpu.memory_space<vmem>>) dst(%dma_wait3A_120 : memref<128x128xf32, #tpu.memory_space<vmem_shared>>)
      tpu.yield
    }) : () -> ()
    %mul3A_11 = arith.constant 632 : i32
    %mul3A_12 = arith.muli %arg1, %mul3A_11 : i32
    %add3A_13 = arith.constant 128 : i32
    %add3A_14 = arith.addi %mul3A_12, %add3A_13 : i32
    "tpu.region"() ({
      %run_scoped3A_112 = tpu.sem_alloc : memref<!tpu.dma_semaphore, #tpu.memory_space<semaphore_mem>>
      %dma_start3A_113 = arith.constant 0 : i32
      %dma_start3A_114 = tpu.memref_slice %arg11[%add3A_14, %dma_start3A_113] : memref<10112x128xf32, #tpu.memory_space<vmem_shared>> -> memref<128x128xf32, #tpu.memory_space<vmem_shared>>
      %dma_start3A_115 = arith.constant 0 : i32
      %dma_start3A_116 = tpu.memref_slice %arg11[%add3A_14, %dma_start3A_115] : memref<10112x128xf32, #tpu.memory_space<vmem_shared>> -> memref<128x128xf32, #tpu.memory_space<vmem_shared>>
      tpu.enqueue_dma source(%arg9 : memref<128x128xf32, #tpu.memory_space<vmem>>) target(%dma_start3A_116 : memref<128x128xf32, #tpu.memory_space<vmem_shared>>) target_semaphore(%run_scoped3A_112 : memref<!tpu.dma_semaphore, #tpu.memory_space<semaphore_mem>>)
      %dma_wait3A_117 = arith.constant 0 : i32
      %dma_wait3A_118 = tpu.memref_slice %arg11[%add3A_14, %dma_wait3A_117] : memref<10112x128xf32, #tpu.memory_space<vmem_shared>> -> memref<128x128xf32, #tpu.memory_space<vmem_shared>>
      %dma_wait3A_119 = arith.constant 0 : i32
      %dma_wait3A_120 = tpu.memref_slice %arg11[%add3A_14, %dma_wait3A_119] : memref<10112x128xf32, #tpu.memory_space<vmem_shared>> -> memref<128x128xf32, #tpu.memory_space<vmem_shared>>
      tpu.wait_dma2 semaphore(%run_scoped3A_112 : memref<!tpu.dma_semaphore, #tpu.memory_space<semaphore_mem>>) src(%arg9 : memref<128x128xf32, #tpu.memory_space<vmem>>) dst(%dma_wait3A_120 : memref<128x128xf32, #tpu.memory_space<vmem_shared>>)
      tpu.yield
    }) : () -> ()
    %mul3A_15 = arith.constant 632 : i32
    %mul3A_16 = arith.muli %arg1, %mul3A_15 : i32
    %add3A_17 = arith.constant 256 : i32
    %add3A_18 = arith.addi %mul3A_16, %add3A_17 : i32
    "tpu.region"() ({
      %run_scoped3A_112 = tpu.sem_alloc : memref<!tpu.dma_semaphore, #tpu.memory_space<semaphore_mem>>
      %dma_start3A_113 = arith.constant 0 : i32
      %dma_start3A_114 = tpu.memref_slice %arg11[%add3A_18, %dma_start3A_113] : memref<10112x128xf32, #tpu.memory_space<vmem_shared>> -> memref<128x128xf32, #tpu.memory_space<vmem_shared>>
      %dma_start3A_115 = arith.constant 0 : i32
      %dma_start3A_116 = tpu.memref_slice %arg11[%add3A_18, %dma_start3A_115] : memref<10112x128xf32, #tpu.memory_space<vmem_shared>> -> memref<128x128xf32, #tpu.memory_space<vmem_shared>>
      tpu.enqueue_dma source(%arg9 : memref<128x128xf32, #tpu.memory_space<vmem>>) target(%dma_start3A_116 : memref<128x128xf32, #tpu.memory_space<vmem_shared>>) target_semaphore(%run_scoped3A_112 : memref<!tpu.dma_semaphore, #tpu.memory_space<semaphore_mem>>)
      %dma_wait3A_117 = arith.constant 0 : i32
      %dma_wait3A_118 = tpu.memref_slice %arg11[%add3A_18, %dma_wait3A_117] : memref<10112x128xf32, #tpu.memory_space<vmem_shared>> -> memref<128x128xf32, #tpu.memory_space<vmem_shared>>
      %dma_wait3A_119 = arith.constant 0 : i32
      %dma_wait3A_120 = tpu.memref_slice %arg11[%add3A_18, %dma_wait3A_119] : memref<10112x128xf32, #tpu.memory_space<vmem_shared>> -> memref<128x128xf32, #tpu.memory_space<vmem_shared>>
      tpu.wait_dma2 semaphore(%run_scoped3A_112 : memref<!tpu.dma_semaphore, #tpu.memory_space<semaphore_mem>>) src(%arg9 : memref<128x128xf32, #tpu.memory_space<vmem>>) dst(%dma_wait3A_120 : memref<128x128xf32, #tpu.memory_space<vmem_shared>>)
      tpu.yield
    }) : () -> ()
    %mul3A_19 = arith.constant 632 : i32
    %mul3A_20 = arith.muli %arg1, %mul3A_19 : i32
    %add3A_21 = arith.constant 384 : i32
    %add3A_22 = arith.addi %mul3A_20, %add3A_21 : i32
    "tpu.region"() ({
      %run_scoped3A_112 = tpu.sem_alloc : memref<!tpu.dma_semaphore, #tpu.memory_space<semaphore_mem>>
      %dma_start3A_113 = arith.constant 0 : i32
      %dma_start3A_114 = tpu.memref_slice %arg11[%add3A_22, %dma_start3A_113] : memref<10112x128xf32, #tpu.memory_space<vmem_shared>> -> memref<128x128xf32, #tpu.memory_space<vmem_shared>>
      %dma_start3A_115 = arith.constant 0 : i32
      %dma_start3A_116 = tpu.memref_slice %arg11[%add3A_22, %dma_start3A_115] : memref<10112x128xf32, #tpu.memory_space<vmem_shared>> -> memref<128x128xf32, #tpu.memory_space<vmem_shared>>
      tpu.enqueue_dma source(%arg9 : memref<128x128xf32, #tpu.memory_space<vmem>>) target(%dma_start3A_116 : memref<128x128xf32, #tpu.memory_space<vmem_shared>>) target_semaphore(%run_scoped3A_112 : memref<!tpu.dma_semaphore, #tpu.memory_space<semaphore_mem>>)
      %dma_wait3A_117 = arith.constant 0 : i32
      %dma_wait3A_118 = tpu.memref_slice %arg11[%add3A_22, %dma_wait3A_117] : memref<10112x128xf32, #tpu.memory_space<vmem_shared>> -> memref<128x128xf32, #tpu.memory_space<vmem_shared>>
      %dma_wait3A_119 = arith.constant 0 : i32
      %dma_wait3A_120 = tpu.memref_slice %arg11[%add3A_22, %dma_wait3A_119] : memref<10112x128xf32, #tpu.memory_space<vmem_shared>> -> memref<128x128xf32, #tpu.memory_space<vmem_shared>>
      tpu.wait_dma2 semaphore(%run_scoped3A_112 : memref<!tpu.dma_semaphore, #tpu.memory_space<semaphore_mem>>) src(%arg9 : memref<128x128xf32, #tpu.memory_space<vmem>>) dst(%dma_wait3A_120 : memref<128x128xf32, #tpu.memory_space<vmem_shared>>)
      tpu.yield
    }) : () -> ()
    %mul3A_23 = arith.constant 632 : i32
    %mul3A_24 = arith.muli %arg1, %mul3A_23 : i32
    %add3A_25 = arith.constant 512 : i32
    %add3A_26 = arith.addi %mul3A_24, %add3A_25 : i32
    "tpu.region"() ({
      %run_scoped3A_112 = tpu.sem_alloc : memref<!tpu.dma_semaphore, #tpu.memory_space<semaphore_mem>>
      %dma_start3A_113 = arith.constant 0 : i32
      %dma_start3A_114 = arith.constant 0 : i32
      %dma_start3A_115 = tpu.memref_slice %arg9[%dma_start3A_113, %dma_start3A_114] : memref<128x128xf32, #tpu.memory_space<vmem>> -> memref<120x128xf32, #tpu.memory_space<vmem>>
      %dma_start3A_116 = arith.constant 0 : i32
      %dma_start3A_117 = tpu.memref_slice %arg11[%add3A_26, %dma_start3A_116] : memref<10112x128xf32, #tpu.memory_space<vmem_shared>> -> memref<120x128xf32, #tpu.memory_space<vmem_shared>>
      %dma_start3A_118 = arith.constant 0 : i32
      %dma_start3A_119 = tpu.memref_slice %arg11[%add3A_26, %dma_start3A_118] : memref<10112x128xf32, #tpu.memory_space<vmem_shared>> -> memref<120x128xf32, #tpu.memory_space<vmem_shared>>
      %dma_start3A_120 = arith.constant 0 : i32
      %dma_start3A_121 = arith.constant 0 : i32
      %dma_start3A_122 = tpu.memref_slice %arg9[%dma_start3A_120, %dma_start3A_121] : memref<128x128xf32, #tpu.memory_space<vmem>> -> memref<120x128xf32, #tpu.memory_space<vmem>>
      tpu.enqueue_dma source(%dma_start3A_122 : memref<120x128xf32, #tpu.memory_space<vmem>>) target(%dma_start3A_119 : memref<120x128xf32, #tpu.memory_space<vmem_shared>>) target_semaphore(%run_scoped3A_112 : memref<!tpu.dma_semaphore, #tpu.memory_space<semaphore_mem>>)
      %dma_wait3A_123 = arith.constant 0 : i32
      %dma_wait3A_124 = arith.constant 0 : i32
      %dma_wait3A_125 = tpu.memref_slice %arg9[%dma_wait3A_123, %dma_wait3A_124] : memref<128x128xf32, #tpu.memory_space<vmem>> -> memref<120x128xf32, #tpu.memory_space<vmem>>
      %dma_wait3A_126 = arith.constant 0 : i32
      %dma_wait3A_127 = tpu.memref_slice %arg11[%add3A_26, %dma_wait3A_126] : memref<10112x128xf32, #tpu.memory_space<vmem_shared>> -> memref<120x128xf32, #tpu.memory_space<vmem_shared>>
      %dma_wait3A_128 = arith.constant 0 : i32
      %dma_wait3A_129 = tpu.memref_slice %arg11[%add3A_26, %dma_wait3A_128] : memref<10112x128xf32, #tpu.memory_space<vmem_shared>> -> memref<120x128xf32, #tpu.memory_space<vmem_shared>>
      %dma_wait3A_130 = arith.constant 0 : i32
      %dma_wait3A_131 = arith.constant 0 : i32
      %dma_wait3A_132 = tpu.memref_slice %arg9[%dma_wait3A_130, %dma_wait3A_131] : memref<128x128xf32, #tpu.memory_space<vmem>> -> memref<120x128xf32, #tpu.memory_space<vmem>>
      tpu.wait_dma2 semaphore(%run_scoped3A_112 : memref<!tpu.dma_semaphore, #tpu.memory_space<semaphore_mem>>) src(%dma_wait3A_132 : memref<120x128xf32, #tpu.memory_space<vmem>>) dst(%dma_wait3A_129 : memref<120x128xf32, #tpu.memory_space<vmem_shared>>)
      tpu.yield
    }) : () -> ()
    %barrier3A = arith.constant 0 : index
    tpu.barrier barrier_id(%barrier3A)
    %mul3A_27 = arith.constant 80 : i32
    %mul3A_28 = arith.muli %add3A, %mul3A_27 : i32
    %add3A_29 = arith.constant 0 : i32
    %add3A_30 = arith.addi %mul3A_28, %add3A_29 : i32
    "tpu.region"() ({
      %run_scoped3A_112 = tpu.sem_alloc : memref<!tpu.dma_semaphore, #tpu.memory_space<semaphore_mem>>
      %dma_start3A_113 = arith.constant 0 : i32
      %dma_start3A_114 = tpu.memref_slice %arg3[%add3A_30, %dma_start3A_113] : memref<2560x128xi32, #tpu.memory_space<hbm>> -> memref<40x128xi32, #tpu.memory_space<hbm>>
      %dma_start3A_115 = arith.constant 0 : i32
      %dma_start3A_116 = tpu.memref_slice %arg3[%add3A_30, %dma_start3A_115] : memref<2560x128xi32, #tpu.memory_space<hbm>> -> memref<40x128xi32, #tpu.memory_space<hbm>>
      tpu.enqueue_dma source(%dma_start3A_116 : memref<40x128xi32, #tpu.memory_space<hbm>>) target(%arg7 : memref<40x128xi32, #tpu.memory_space<vmem>>) target_semaphore(%run_scoped3A_112 : memref<!tpu.dma_semaphore, #tpu.memory_space<semaphore_mem>>)
      %dma_wait3A_117 = arith.constant 0 : i32
      %dma_wait3A_118 = tpu.memref_slice %arg3[%add3A_30, %dma_wait3A_117] : memref<2560x128xi32, #tpu.memory_space<hbm>> -> memref<40x128xi32, #tpu.memory_space<hbm>>
      %dma_wait3A_119 = arith.constant 0 : i32
      %dma_wait3A_120 = tpu.memref_slice %arg3[%add3A_30, %dma_wait3A_119] : memref<2560x128xi32, #tpu.memory_space<hbm>> -> memref<40x128xi32, #tpu.memory_space<hbm>>
      tpu.wait_dma2 semaphore(%run_scoped3A_112 : memref<!tpu.dma_semaphore, #tpu.memory_space<semaphore_mem>>) src(%dma_wait3A_120 : memref<40x128xi32, #tpu.memory_space<hbm>>) dst(%arg7 : memref<40x128xi32, #tpu.memory_space<vmem>>)
      tpu.yield
    }) : () -> ()
    "tpu.region"() ({
      %run_scoped3A_112 = tpu.sem_alloc : memref<!tpu.dma_semaphore, #tpu.memory_space<semaphore_mem>>
      %dma_start3A_113 = arith.constant 0 : i32
      %dma_start3A_114 = tpu.memref_slice %arg4[%add3A_30, %dma_start3A_113] : memref<2560x128xi32, #tpu.memory_space<hbm>> -> memref<40x128xi32, #tpu.memory_space<hbm>>
      %dma_start3A_115 = arith.constant 0 : i32
      %dma_start3A_116 = tpu.memref_slice %arg4[%add3A_30, %dma_start3A_115] : memref<2560x128xi32, #tpu.memory_space<hbm>> -> memref<40x128xi32, #tpu.memory_space<hbm>>
      tpu.enqueue_dma source(%dma_start3A_116 : memref<40x128xi32, #tpu.memory_space<hbm>>) target(%arg8 : memref<40x128xi32, #tpu.memory_space<vmem>>) target_semaphore(%run_scoped3A_112 : memref<!tpu.dma_semaphore, #tpu.memory_space<semaphore_mem>>)
      %dma_wait3A_117 = arith.constant 0 : i32
      %dma_wait3A_118 = tpu.memref_slice %arg4[%add3A_30, %dma_wait3A_117] : memref<2560x128xi32, #tpu.memory_space<hbm>> -> memref<40x128xi32, #tpu.memory_space<hbm>>
      %dma_wait3A_119 = arith.constant 0 : i32
      %dma_wait3A_120 = tpu.memref_slice %arg4[%add3A_30, %dma_wait3A_119] : memref<2560x128xi32, #tpu.memory_space<hbm>> -> memref<40x128xi32, #tpu.memory_space<hbm>>
      tpu.wait_dma2 semaphore(%run_scoped3A_112 : memref<!tpu.dma_semaphore, #tpu.memory_space<semaphore_mem>>) src(%dma_wait3A_120 : memref<40x128xi32, #tpu.memory_space<hbm>>) dst(%arg8 : memref<40x128xi32, #tpu.memory_space<vmem>>)
      tpu.yield
    }) : () -> ()
    %dma_start3A = arith.constant 0 : i32
    %dma_start3A_31 = arith.constant 0 : i32
    %dma_start3A_32 = tpu.memref_slice %arg7[%dma_start3A, %dma_start3A_31] : memref<40x128xi32, #tpu.memory_space<vmem>> -> memref<1x128xi32, #tpu.memory_space<vmem>>
    %dma_start3A_33 = tpu.memref_squeeze %dma_start3A_32 : memref<1x128xi32, #tpu.memory_space<vmem>> -> memref<128xi32, #tpu.memory_space<vmem>>
    %dma_start3A_34 = arith.constant 0 : i32
    %dma_start3A_35 = arith.constant 0 : i32
    %dma_start3A_36 = tpu.memref_slice %arg2[%dma_start3A_34, %dma_start3A_35] : memref<10000x128xf32, #tpu.memory_space<hbm>> -> memref<10000x128xf32, #tpu.memory_space<hbm>>
    tpu.enqueue_indirect_dma source(%dma_start3A_36 : memref<10000x128xf32, #tpu.memory_space<hbm>>) target(%arg9 : memref<128x128xf32, #tpu.memory_space<vmem>>) offsets(%dma_start3A_33 : memref<128xi32, #tpu.memory_space<vmem>>) semaphore(%arg12 : memref<!tpu.dma_semaphore, #tpu.memory_space<semaphore_mem>>)
    %scan3A_37 = arith.constant 0 : i32
    %scan3A_38 = arith.constant 0 : i32
    %scan3A_39 = arith.constant 19 : i32
    %scan3A_40 = arith.addi %scan3A_38, %scan3A_39 : i32
    %scan3A_41 = arith.constant 1 : i32
    scf.for %scan3A_112 = %scan3A_38 to %scan3A_40 step %scan3A_41  : i32 {
      %mul3A_113 = arith.constant 2 : i32
      %mul3A_114 = arith.muli %mul3A_113, %scan3A_112 : i32
      %add3A_115 = arith.constant 1 : i32
      %add3A_116 = arith.addi %mul3A_114, %add3A_115 : i32
      %dma_start3A_117 = arith.constant 0 : i32
      %dma_start3A_118 = tpu.memref_slice %arg7[%add3A_116, %dma_start3A_117] : memref<40x128xi32, #tpu.memory_space<vmem>> -> memref<1x128xi32, #tpu.memory_space<vmem>>
      %dma_start3A_119 = tpu.memref_squeeze %dma_start3A_118 : memref<1x128xi32, #tpu.memory_space<vmem>> -> memref<128xi32, #tpu.memory_space<vmem>>
      %dma_start3A_120 = arith.constant 0 : i32
      %dma_start3A_121 = arith.constant 0 : i32
      %dma_start3A_122 = tpu.memref_slice %arg2[%dma_start3A_120, %dma_start3A_121] : memref<10000x128xf32, #tpu.memory_space<hbm>> -> memref<10000x128xf32, #tpu.memory_space<hbm>>
      tpu.enqueue_indirect_dma source(%dma_start3A_122 : memref<10000x128xf32, #tpu.memory_space<hbm>>) target(%arg10 : memref<128x128xf32, #tpu.memory_space<vmem>>) offsets(%dma_start3A_119 : memref<128xi32, #tpu.memory_space<vmem>>) semaphore(%arg13 : memref<!tpu.dma_semaphore, #tpu.memory_space<semaphore_mem>>)
      %dma_wait3A_123 = arith.constant 0 : i32
      %dma_wait3A_124 = tpu.memref_slice %arg7[%mul3A_114, %dma_wait3A_123] : memref<40x128xi32, #tpu.memory_space<vmem>> -> memref<1x128xi32, #tpu.memory_space<vmem>>
      %dma_wait3A_125 = tpu.memref_squeeze %dma_wait3A_124 : memref<1x128xi32, #tpu.memory_space<vmem>> -> memref<128xi32, #tpu.memory_space<vmem>>
      %dma_wait3A_126 = arith.constant 0 : i32
      %dma_wait3A_127 = arith.constant 0 : i32
      %dma_wait3A_128 = tpu.memref_slice %arg2[%dma_wait3A_126, %dma_wait3A_127] : memref<10000x128xf32, #tpu.memory_space<hbm>> -> memref<10000x128xf32, #tpu.memory_space<hbm>>
      tpu.wait_indirect_dma semaphore(%arg12 : memref<!tpu.dma_semaphore, #tpu.memory_space<semaphore_mem>>) src(%dma_wait3A_128 : memref<10000x128xf32, #tpu.memory_space<hbm>>) dst(%arg9 : memref<128x128xf32, #tpu.memory_space<vmem>>)
      "tpu.region"() ({
        %run_scoped3A_147 = tpu.sem_alloc : memref<!tpu.dma_semaphore, #tpu.memory_space<semaphore_mem>>
        %dma_start3A_148 = arith.constant 0 : i32
        %dma_start3A_149 = tpu.memref_slice %arg8[%mul3A_114, %dma_start3A_148] : memref<40x128xi32, #tpu.memory_space<vmem>> -> memref<1x128xi32, #tpu.memory_space<vmem>>
        %dma_start3A_150 = tpu.memref_squeeze %dma_start3A_149 : memref<1x128xi32, #tpu.memory_space<vmem>> -> memref<128xi32, #tpu.memory_space<vmem>>
        %dma_start3A_151 = arith.constant 0 : i32
        %dma_start3A_152 = arith.constant 0 : i32
        %dma_start3A_153 = tpu.memref_slice %arg11[%dma_start3A_151, %dma_start3A_152] : memref<10112x128xf32, #tpu.memory_space<vmem_shared>> -> memref<10112x128xf32, #tpu.memory_space<vmem_shared>>
        tpu.enqueue_indirect_dma source(%arg9 : memref<128x128xf32, #tpu.memory_space<vmem>>) target(%dma_start3A_153 : memref<10112x128xf32, #tpu.memory_space<vmem_shared>>) offsets(%dma_start3A_150 : memref<128xi32, #tpu.memory_space<vmem>>) semaphore(%run_scoped3A_147 : memref<!tpu.dma_semaphore, #tpu.memory_space<semaphore_mem>>) {add = true}
        %dma_wait3A_154 = arith.constant 0 : i32
        %dma_wait3A_155 = tpu.memref_slice %arg8[%mul3A_114, %dma_wait3A_154] : memref<40x128xi32, #tpu.memory_space<vmem>> -> memref<1x128xi32, #tpu.memory_space<vmem>>
        %dma_wait3A_156 = tpu.memref_squeeze %dma_wait3A_155 : memref<1x128xi32, #tpu.memory_space<vmem>> -> memref<128xi32, #tpu.memory_space<vmem>>
        %dma_wait3A_157 = arith.constant 0 : i32
        %dma_wait3A_158 = arith.constant 0 : i32
        %dma_wait3A_159 = tpu.memref_slice %arg11[%dma_wait3A_157, %dma_wait3A_158] : memref<10112x128xf32, #tpu.memory_space<vmem_shared>> -> memref<10112x128xf32, #tpu.memory_space<vmem_shared>>
        tpu.wait_indirect_dma semaphore(%run_scoped3A_147 : memref<!tpu.dma_semaphore, #tpu.memory_space<semaphore_mem>>) src(%arg9 : memref<128x128xf32, #tpu.memory_space<vmem>>) dst(%dma_wait3A_159 : memref<10112x128xf32, #tpu.memory_space<vmem_shared>>)
        tpu.yield
      }) : () -> ()
      %add3A_129 = arith.constant 2 : i32
      %add3A_130 = arith.addi %mul3A_114, %add3A_129 : i32
      %dma_start3A_131 = arith.constant 0 : i32
      %dma_start3A_132 = tpu.memref_slice %arg7[%add3A_130, %dma_start3A_131] : memref<40x128xi32, #tpu.memory_space<vmem>> -> memref<1x128xi32, #tpu.memory_space<vmem>>
      %dma_start3A_133 = tpu.memref_squeeze %dma_start3A_132 : memref<1x128xi32, #tpu.memory_space<vmem>> -> memref<128xi32, #tpu.memory_space<vmem>>
      %dma_start3A_134 = arith.constant 0 : i32
      %dma_start3A_135 = arith.constant 0 : i32
      %dma_start3A_136 = tpu.memref_slice %arg2[%dma_start3A_134, %dma_start3A_135] : memref<10000x128xf32, #tpu.memory_space<hbm>> -> memref<10000x128xf32, #tpu.memory_space<hbm>>
      tpu.enqueue_indirect_dma source(%dma_start3A_136 : memref<10000x128xf32, #tpu.memory_space<hbm>>) target(%arg9 : memref<128x128xf32, #tpu.memory_space<vmem>>) offsets(%dma_start3A_133 : memref<128xi32, #tpu.memory_space<vmem>>) semaphore(%arg12 : memref<!tpu.dma_semaphore, #tpu.memory_space<semaphore_mem>>)
      %add3A_137 = arith.constant 1 : i32
      %add3A_138 = arith.addi %mul3A_114, %add3A_137 : i32
      %dma_wait3A_139 = arith.constant 0 : i32
      %dma_wait3A_140 = tpu.memref_slice %arg7[%add3A_138, %dma_wait3A_139] : memref<40x128xi32, #tpu.memory_space<vmem>> -> memref<1x128xi32, #tpu.memory_space<vmem>>
      %dma_wait3A_141 = tpu.memref_squeeze %dma_wait3A_140 : memref<1x128xi32, #tpu.memory_space<vmem>> -> memref<128xi32, #tpu.memory_space<vmem>>
      %dma_wait3A_142 = arith.constant 0 : i32
      %dma_wait3A_143 = arith.constant 0 : i32
      %dma_wait3A_144 = tpu.memref_slice %arg2[%dma_wait3A_142, %dma_wait3A_143] : memref<10000x128xf32, #tpu.memory_space<hbm>> -> memref<10000x128xf32, #tpu.memory_space<hbm>>
      tpu.wait_indirect_dma semaphore(%arg13 : memref<!tpu.dma_semaphore, #tpu.memory_space<semaphore_mem>>) src(%dma_wait3A_144 : memref<10000x128xf32, #tpu.memory_space<hbm>>) dst(%arg10 : memref<128x128xf32, #tpu.memory_space<vmem>>)
      %add3A_145 = arith.constant 1 : i32
      %add3A_146 = arith.addi %mul3A_114, %add3A_145 : i32
      "tpu.region"() ({
        %run_scoped3A_147 = tpu.sem_alloc : memref<!tpu.dma_semaphore, #tpu.memory_space<semaphore_mem>>
        %dma_start3A_148 = arith.constant 0 : i32
        %dma_start3A_149 = tpu.memref_slice %arg8[%add3A_146, %dma_start3A_148] : memref<40x128xi32, #tpu.memory_space<vmem>> -> memref<1x128xi32, #tpu.memory_space<vmem>>
        %dma_start3A_150 = tpu.memref_squeeze %dma_start3A_149 : memref<1x128xi32, #tpu.memory_space<vmem>> -> memref<128xi32, #tpu.memory_space<vmem>>
        %dma_start3A_151 = arith.constant 0 : i32
        %dma_start3A_152 = arith.constant 0 : i32
        %dma_start3A_153 = tpu.memref_slice %arg11[%dma_start3A_151, %dma_start3A_152] : memref<10112x128xf32, #tpu.memory_space<vmem_shared>> -> memref<10112x128xf32, #tpu.memory_space<vmem_shared>>
        tpu.enqueue_indirect_dma source(%arg10 : memref<128x128xf32, #tpu.memory_space<vmem>>) target(%dma_start3A_153 : memref<10112x128xf32, #tpu.memory_space<vmem_shared>>) offsets(%dma_start3A_150 : memref<128xi32, #tpu.memory_space<vmem>>) semaphore(%run_scoped3A_147 : memref<!tpu.dma_semaphore, #tpu.memory_space<semaphore_mem>>) {add = true}
        %dma_wait3A_154 = arith.constant 0 : i32
        %dma_wait3A_155 = tpu.memref_slice %arg8[%add3A_146, %dma_wait3A_154] : memref<40x128xi32, #tpu.memory_space<vmem>> -> memref<1x128xi32, #tpu.memory_space<vmem>>
        %dma_wait3A_156 = tpu.memref_squeeze %dma_wait3A_155 : memref<1x128xi32, #tpu.memory_space<vmem>> -> memref<128xi32, #tpu.memory_space<vmem>>
        %dma_wait3A_157 = arith.constant 0 : i32
        %dma_wait3A_158 = arith.constant 0 : i32
        %dma_wait3A_159 = tpu.memref_slice %arg11[%dma_wait3A_157, %dma_wait3A_158] : memref<10112x128xf32, #tpu.memory_space<vmem_shared>> -> memref<10112x128xf32, #tpu.memory_space<vmem_shared>>
        tpu.wait_indirect_dma semaphore(%run_scoped3A_147 : memref<!tpu.dma_semaphore, #tpu.memory_space<semaphore_mem>>) src(%arg10 : memref<128x128xf32, #tpu.memory_space<vmem>>) dst(%dma_wait3A_159 : memref<10112x128xf32, #tpu.memory_space<vmem_shared>>)
        tpu.yield
      }) : () -> ()
    }
    %scan3A_42 = arith.constant 19 : i32
    %dma_start3A_43 = arith.constant 39 : i32
    %dma_start3A_44 = arith.constant 0 : i32
    %dma_start3A_45 = tpu.memref_slice %arg7[%dma_start3A_43, %dma_start3A_44] : memref<40x128xi32, #tpu.memory_space<vmem>> -> memref<1x128xi32, #tpu.memory_space<vmem>>
    %dma_start3A_46 = tpu.memref_squeeze %dma_start3A_45 : memref<1x128xi32, #tpu.memory_space<vmem>> -> memref<128xi32, #tpu.memory_space<vmem>>
    %dma_start3A_47 = arith.constant 0 : i32
    %dma_start3A_48 = arith.constant 0 : i32
    %dma_start3A_49 = tpu.memref_slice %arg2[%dma_start3A_47, %dma_start3A_48] : memref<10000x128xf32, #tpu.memory_space<hbm>> -> memref<10000x128xf32, #tpu.memory_space<hbm>>
    tpu.enqueue_indirect_dma source(%dma_start3A_49 : memref<10000x128xf32, #tpu.memory_space<hbm>>) target(%arg10 : memref<128x128xf32, #tpu.memory_space<vmem>>) offsets(%dma_start3A_46 : memref<128xi32, #tpu.memory_space<vmem>>) semaphore(%arg13 : memref<!tpu.dma_semaphore, #tpu.memory_space<semaphore_mem>>)
    %dma_wait3A = arith.constant 38 : i32
    %dma_wait3A_50 = arith.constant 0 : i32
    %dma_wait3A_51 = tpu.memref_slice %arg7[%dma_wait3A, %dma_wait3A_50] : memref<40x128xi32, #tpu.memory_space<vmem>> -> memref<1x128xi32, #tpu.memory_space<vmem>>
    %dma_wait3A_52 = tpu.memref_squeeze %dma_wait3A_51 : memref<1x128xi32, #tpu.memory_space<vmem>> -> memref<128xi32, #tpu.memory_space<vmem>>
    %dma_wait3A_53 = arith.constant 0 : i32
    %dma_wait3A_54 = arith.constant 0 : i32
    %dma_wait3A_55 = tpu.memref_slice %arg2[%dma_wait3A_53, %dma_wait3A_54] : memref<10000x128xf32, #tpu.memory_space<hbm>> -> memref<10000x128xf32, #tpu.memory_space<hbm>>
    tpu.wait_indirect_dma semaphore(%arg12 : memref<!tpu.dma_semaphore, #tpu.memory_space<semaphore_mem>>) src(%dma_wait3A_55 : memref<10000x128xf32, #tpu.memory_space<hbm>>) dst(%arg9 : memref<128x128xf32, #tpu.memory_space<vmem>>)
    %run_scoped3A = arith.constant 38 : i32
    "tpu.region"() ({
      %run_scoped3A_112 = tpu.sem_alloc : memref<!tpu.dma_semaphore, #tpu.memory_space<semaphore_mem>>
      %dma_start3A_113 = arith.constant 0 : i32
      %dma_start3A_114 = tpu.memref_slice %arg8[%run_scoped3A, %dma_start3A_113] : memref<40x128xi32, #tpu.memory_space<vmem>> -> memref<1x128xi32, #tpu.memory_space<vmem>>
      %dma_start3A_115 = tpu.memref_squeeze %dma_start3A_114 : memref<1x128xi32, #tpu.memory_space<vmem>> -> memref<128xi32, #tpu.memory_space<vmem>>
      %dma_start3A_116 = arith.constant 0 : i32
      %dma_start3A_117 = arith.constant 0 : i32
      %dma_start3A_118 = tpu.memref_slice %arg11[%dma_start3A_116, %dma_start3A_117] : memref<10112x128xf32, #tpu.memory_space<vmem_shared>> -> memref<10112x128xf32, #tpu.memory_space<vmem_shared>>
      tpu.enqueue_indirect_dma source(%arg9 : memref<128x128xf32, #tpu.memory_space<vmem>>) target(%dma_start3A_118 : memref<10112x128xf32, #tpu.memory_space<vmem_shared>>) offsets(%dma_start3A_115 : memref<128xi32, #tpu.memory_space<vmem>>) semaphore(%run_scoped3A_112 : memref<!tpu.dma_semaphore, #tpu.memory_space<semaphore_mem>>) {add = true}
      %dma_wait3A_119 = arith.constant 0 : i32
      %dma_wait3A_120 = tpu.memref_slice %arg8[%run_scoped3A, %dma_wait3A_119] : memref<40x128xi32, #tpu.memory_space<vmem>> -> memref<1x128xi32, #tpu.memory_space<vmem>>
      %dma_wait3A_121 = tpu.memref_squeeze %dma_wait3A_120 : memref<1x128xi32, #tpu.memory_space<vmem>> -> memref<128xi32, #tpu.memory_space<vmem>>
      %dma_wait3A_122 = arith.constant 0 : i32
      %dma_wait3A_123 = arith.constant 0 : i32
      %dma_wait3A_124 = tpu.memref_slice %arg11[%dma_wait3A_122, %dma_wait3A_123] : memref<10112x128xf32, #tpu.memory_space<vmem_shared>> -> memref<10112x128xf32, #tpu.memory_space<vmem_shared>>
      tpu.wait_indirect_dma semaphore(%run_scoped3A_112 : memref<!tpu.dma_semaphore, #tpu.memory_space<semaphore_mem>>) src(%arg9 : memref<128x128xf32, #tpu.memory_space<vmem>>) dst(%dma_wait3A_124 : memref<10112x128xf32, #tpu.memory_space<vmem_shared>>)
      tpu.yield
    }) : () -> ()
    %dma_wait3A_56 = arith.constant 39 : i32
    %dma_wait3A_57 = arith.constant 0 : i32
    %dma_wait3A_58 = tpu.memref_slice %arg7[%dma_wait3A_56, %dma_wait3A_57] : memref<40x128xi32, #tpu.memory_space<vmem>> -> memref<1x128xi32, #tpu.memory_space<vmem>>
    %dma_wait3A_59 = tpu.memref_squeeze %dma_wait3A_58 : memref<1x128xi32, #tpu.memory_space<vmem>> -> memref<128xi32, #tpu.memory_space<vmem>>
    %dma_wait3A_60 = arith.constant 0 : i32
    %dma_wait3A_61 = arith.constant 0 : i32
    %dma_wait3A_62 = tpu.memref_slice %arg2[%dma_wait3A_60, %dma_wait3A_61] : memref<10000x128xf32, #tpu.memory_space<hbm>> -> memref<10000x128xf32, #tpu.memory_space<hbm>>
    tpu.wait_indirect_dma semaphore(%arg13 : memref<!tpu.dma_semaphore, #tpu.memory_space<semaphore_mem>>) src(%dma_wait3A_62 : memref<10000x128xf32, #tpu.memory_space<hbm>>) dst(%arg10 : memref<128x128xf32, #tpu.memory_space<vmem>>)
    %run_scoped3A_63 = arith.constant 39 : i32
    "tpu.region"() ({
      %run_scoped3A_112 = tpu.sem_alloc : memref<!tpu.dma_semaphore, #tpu.memory_space<semaphore_mem>>
      %dma_start3A_113 = arith.constant 0 : i32
      %dma_start3A_114 = tpu.memref_slice %arg8[%run_scoped3A_63, %dma_start3A_113] : memref<40x128xi32, #tpu.memory_space<vmem>> -> memref<1x128xi32, #tpu.memory_space<vmem>>
      %dma_start3A_115 = tpu.memref_squeeze %dma_start3A_114 : memref<1x128xi32, #tpu.memory_space<vmem>> -> memref<128xi32, #tpu.memory_space<vmem>>
      %dma_start3A_116 = arith.constant 0 : i32
      %dma_start3A_117 = arith.constant 0 : i32
      %dma_start3A_118 = tpu.memref_slice %arg11[%dma_start3A_116, %dma_start3A_117] : memref<10112x128xf32, #tpu.memory_space<vmem_shared>> -> memref<10112x128xf32, #tpu.memory_space<vmem_shared>>
      tpu.enqueue_indirect_dma source(%arg10 : memref<128x128xf32, #tpu.memory_space<vmem>>) target(%dma_start3A_118 : memref<10112x128xf32, #tpu.memory_space<vmem_shared>>) offsets(%dma_start3A_115 : memref<128xi32, #tpu.memory_space<vmem>>) semaphore(%run_scoped3A_112 : memref<!tpu.dma_semaphore, #tpu.memory_space<semaphore_mem>>) {add = true}
      %dma_wait3A_119 = arith.constant 0 : i32
      %dma_wait3A_120 = tpu.memref_slice %arg8[%run_scoped3A_63, %dma_wait3A_119] : memref<40x128xi32, #tpu.memory_space<vmem>> -> memref<1x128xi32, #tpu.memory_space<vmem>>
      %dma_wait3A_121 = tpu.memref_squeeze %dma_wait3A_120 : memref<1x128xi32, #tpu.memory_space<vmem>> -> memref<128xi32, #tpu.memory_space<vmem>>
      %dma_wait3A_122 = arith.constant 0 : i32
      %dma_wait3A_123 = arith.constant 0 : i32
      %dma_wait3A_124 = tpu.memref_slice %arg11[%dma_wait3A_122, %dma_wait3A_123] : memref<10112x128xf32, #tpu.memory_space<vmem_shared>> -> memref<10112x128xf32, #tpu.memory_space<vmem_shared>>
      tpu.wait_indirect_dma semaphore(%run_scoped3A_112 : memref<!tpu.dma_semaphore, #tpu.memory_space<semaphore_mem>>) src(%arg10 : memref<128x128xf32, #tpu.memory_space<vmem>>) dst(%dma_wait3A_124 : memref<10112x128xf32, #tpu.memory_space<vmem_shared>>)
      tpu.yield
    }) : () -> ()
    %mul3A_64 = arith.constant 80 : i32
    %mul3A_65 = arith.muli %add3A, %mul3A_64 : i32
    %add3A_66 = arith.constant 40 : i32
    %add3A_67 = arith.addi %mul3A_65, %add3A_66 : i32
    "tpu.region"() ({
      %run_scoped3A_112 = tpu.sem_alloc : memref<!tpu.dma_semaphore, #tpu.memory_space<semaphore_mem>>
      %dma_start3A_113 = arith.constant 0 : i32
      %dma_start3A_114 = tpu.memref_slice %arg3[%add3A_67, %dma_start3A_113] : memref<2560x128xi32, #tpu.memory_space<hbm>> -> memref<40x128xi32, #tpu.memory_space<hbm>>
      %dma_start3A_115 = arith.constant 0 : i32
      %dma_start3A_116 = tpu.memref_slice %arg3[%add3A_67, %dma_start3A_115] : memref<2560x128xi32, #tpu.memory_space<hbm>> -> memref<40x128xi32, #tpu.memory_space<hbm>>
      tpu.enqueue_dma source(%dma_start3A_116 : memref<40x128xi32, #tpu.memory_space<hbm>>) target(%arg7 : memref<40x128xi32, #tpu.memory_space<vmem>>) target_semaphore(%run_scoped3A_112 : memref<!tpu.dma_semaphore, #tpu.memory_space<semaphore_mem>>)
      %dma_wait3A_117 = arith.constant 0 : i32
      %dma_wait3A_118 = tpu.memref_slice %arg3[%add3A_67, %dma_wait3A_117] : memref<2560x128xi32, #tpu.memory_space<hbm>> -> memref<40x128xi32, #tpu.memory_space<hbm>>
      %dma_wait3A_119 = arith.constant 0 : i32
      %dma_wait3A_120 = tpu.memref_slice %arg3[%add3A_67, %dma_wait3A_119] : memref<2560x128xi32, #tpu.memory_space<hbm>> -> memref<40x128xi32, #tpu.memory_space<hbm>>
      tpu.wait_dma2 semaphore(%run_scoped3A_112 : memref<!tpu.dma_semaphore, #tpu.memory_space<semaphore_mem>>) src(%dma_wait3A_120 : memref<40x128xi32, #tpu.memory_space<hbm>>) dst(%arg7 : memref<40x128xi32, #tpu.memory_space<vmem>>)
      tpu.yield
    }) : () -> ()
    "tpu.region"() ({
      %run_scoped3A_112 = tpu.sem_alloc : memref<!tpu.dma_semaphore, #tpu.memory_space<semaphore_mem>>
      %dma_start3A_113 = arith.constant 0 : i32
      %dma_start3A_114 = tpu.memref_slice %arg4[%add3A_67, %dma_start3A_113] : memref<2560x128xi32, #tpu.memory_space<hbm>> -> memref<40x128xi32, #tpu.memory_space<hbm>>
      %dma_start3A_115 = arith.constant 0 : i32
      %dma_start3A_116 = tpu.memref_slice %arg4[%add3A_67, %dma_start3A_115] : memref<2560x128xi32, #tpu.memory_space<hbm>> -> memref<40x128xi32, #tpu.memory_space<hbm>>
      tpu.enqueue_dma source(%dma_start3A_116 : memref<40x128xi32, #tpu.memory_space<hbm>>) target(%arg8 : memref<40x128xi32, #tpu.memory_space<vmem>>) target_semaphore(%run_scoped3A_112 : memref<!tpu.dma_semaphore, #tpu.memory_space<semaphore_mem>>)
      %dma_wait3A_117 = arith.constant 0 : i32
      %dma_wait3A_118 = tpu.memref_slice %arg4[%add3A_67, %dma_wait3A_117] : memref<2560x128xi32, #tpu.memory_space<hbm>> -> memref<40x128xi32, #tpu.memory_space<hbm>>
      %dma_wait3A_119 = arith.constant 0 : i32
      %dma_wait3A_120 = tpu.memref_slice %arg4[%add3A_67, %dma_wait3A_119] : memref<2560x128xi32, #tpu.memory_space<hbm>> -> memref<40x128xi32, #tpu.memory_space<hbm>>
      tpu.wait_dma2 semaphore(%run_scoped3A_112 : memref<!tpu.dma_semaphore, #tpu.memory_space<semaphore_mem>>) src(%dma_wait3A_120 : memref<40x128xi32, #tpu.memory_space<hbm>>) dst(%arg8 : memref<40x128xi32, #tpu.memory_space<vmem>>)
      tpu.yield
    }) : () -> ()
    %dma_start3A_68 = arith.constant 0 : i32
    %dma_start3A_69 = arith.constant 0 : i32
    %dma_start3A_70 = tpu.memref_slice %arg7[%dma_start3A_68, %dma_start3A_69] : memref<40x128xi32, #tpu.memory_space<vmem>> -> memref<1x128xi32, #tpu.memory_space<vmem>>
    %dma_start3A_71 = tpu.memref_squeeze %dma_start3A_70 : memref<1x128xi32, #tpu.memory_space<vmem>> -> memref<128xi32, #tpu.memory_space<vmem>>
    %dma_start3A_72 = arith.constant 0 : i32
    %dma_start3A_73 = arith.constant 0 : i32
    %dma_start3A_74 = tpu.memref_slice %arg2[%dma_start3A_72, %dma_start3A_73] : memref<10000x128xf32, #tpu.memory_space<hbm>> -> memref<10000x128xf32, #tpu.memory_space<hbm>>
    tpu.enqueue_indirect_dma source(%dma_start3A_74 : memref<10000x128xf32, #tpu.memory_space<hbm>>) target(%arg9 : memref<128x128xf32, #tpu.memory_space<vmem>>) offsets(%dma_start3A_71 : memref<128xi32, #tpu.memory_space<vmem>>) semaphore(%arg12 : memref<!tpu.dma_semaphore, #tpu.memory_space<semaphore_mem>>)
    %scan3A_75 = arith.constant 0 : i32
    %scan3A_76 = arith.constant 0 : i32
    %scan3A_77 = arith.constant 19 : i32
    %scan3A_78 = arith.addi %scan3A_76, %scan3A_77 : i32
    %scan3A_79 = arith.constant 1 : i32
    scf.for %scan3A_112 = %scan3A_76 to %scan3A_78 step %scan3A_79  : i32 {
      %mul3A_113 = arith.constant 2 : i32
      %mul3A_114 = arith.muli %mul3A_113, %scan3A_112 : i32
      %add3A_115 = arith.constant 1 : i32
      %add3A_116 = arith.addi %mul3A_114, %add3A_115 : i32
      %dma_start3A_117 = arith.constant 0 : i32
      %dma_start3A_118 = tpu.memref_slice %arg7[%add3A_116, %dma_start3A_117] : memref<40x128xi32, #tpu.memory_space<vmem>> -> memref<1x128xi32, #tpu.memory_space<vmem>>
      %dma_start3A_119 = tpu.memref_squeeze %dma_start3A_118 : memref<1x128xi32, #tpu.memory_space<vmem>> -> memref<128xi32, #tpu.memory_space<vmem>>
      %dma_start3A_120 = arith.constant 0 : i32
      %dma_start3A_121 = arith.constant 0 : i32
      %dma_start3A_122 = tpu.memref_slice %arg2[%dma_start3A_120, %dma_start3A_121] : memref<10000x128xf32, #tpu.memory_space<hbm>> -> memref<10000x128xf32, #tpu.memory_space<hbm>>
      tpu.enqueue_indirect_dma source(%dma_start3A_122 : memref<10000x128xf32, #tpu.memory_space<hbm>>) target(%arg10 : memref<128x128xf32, #tpu.memory_space<vmem>>) offsets(%dma_start3A_119 : memref<128xi32, #tpu.memory_space<vmem>>) semaphore(%arg13 : memref<!tpu.dma_semaphore, #tpu.memory_space<semaphore_mem>>)
      %dma_wait3A_123 = arith.constant 0 : i32
      %dma_wait3A_124 = tpu.memref_slice %arg7[%mul3A_114, %dma_wait3A_123] : memref<40x128xi32, #tpu.memory_space<vmem>> -> memref<1x128xi32, #tpu.memory_space<vmem>>
      %dma_wait3A_125 = tpu.memref_squeeze %dma_wait3A_124 : memref<1x128xi32, #tpu.memory_space<vmem>> -> memref<128xi32, #tpu.memory_space<vmem>>
      %dma_wait3A_126 = arith.constant 0 : i32
      %dma_wait3A_127 = arith.constant 0 : i32
      %dma_wait3A_128 = tpu.memref_slice %arg2[%dma_wait3A_126, %dma_wait3A_127] : memref<10000x128xf32, #tpu.memory_space<hbm>> -> memref<10000x128xf32, #tpu.memory_space<hbm>>
      tpu.wait_indirect_dma semaphore(%arg12 : memref<!tpu.dma_semaphore, #tpu.memory_space<semaphore_mem>>) src(%dma_wait3A_128 : memref<10000x128xf32, #tpu.memory_space<hbm>>) dst(%arg9 : memref<128x128xf32, #tpu.memory_space<vmem>>)
      "tpu.region"() ({
        %run_scoped3A_147 = tpu.sem_alloc : memref<!tpu.dma_semaphore, #tpu.memory_space<semaphore_mem>>
        %dma_start3A_148 = arith.constant 0 : i32
        %dma_start3A_149 = tpu.memref_slice %arg8[%mul3A_114, %dma_start3A_148] : memref<40x128xi32, #tpu.memory_space<vmem>> -> memref<1x128xi32, #tpu.memory_space<vmem>>
        %dma_start3A_150 = tpu.memref_squeeze %dma_start3A_149 : memref<1x128xi32, #tpu.memory_space<vmem>> -> memref<128xi32, #tpu.memory_space<vmem>>
        %dma_start3A_151 = arith.constant 0 : i32
        %dma_start3A_152 = arith.constant 0 : i32
        %dma_start3A_153 = tpu.memref_slice %arg11[%dma_start3A_151, %dma_start3A_152] : memref<10112x128xf32, #tpu.memory_space<vmem_shared>> -> memref<10112x128xf32, #tpu.memory_space<vmem_shared>>
        tpu.enqueue_indirect_dma source(%arg9 : memref<128x128xf32, #tpu.memory_space<vmem>>) target(%dma_start3A_153 : memref<10112x128xf32, #tpu.memory_space<vmem_shared>>) offsets(%dma_start3A_150 : memref<128xi32, #tpu.memory_space<vmem>>) semaphore(%run_scoped3A_147 : memref<!tpu.dma_semaphore, #tpu.memory_space<semaphore_mem>>) {add = true}
        %dma_wait3A_154 = arith.constant 0 : i32
        %dma_wait3A_155 = tpu.memref_slice %arg8[%mul3A_114, %dma_wait3A_154] : memref<40x128xi32, #tpu.memory_space<vmem>> -> memref<1x128xi32, #tpu.memory_space<vmem>>
        %dma_wait3A_156 = tpu.memref_squeeze %dma_wait3A_155 : memref<1x128xi32, #tpu.memory_space<vmem>> -> memref<128xi32, #tpu.memory_space<vmem>>
        %dma_wait3A_157 = arith.constant 0 : i32
        %dma_wait3A_158 = arith.constant 0 : i32
        %dma_wait3A_159 = tpu.memref_slice %arg11[%dma_wait3A_157, %dma_wait3A_158] : memref<10112x128xf32, #tpu.memory_space<vmem_shared>> -> memref<10112x128xf32, #tpu.memory_space<vmem_shared>>
        tpu.wait_indirect_dma semaphore(%run_scoped3A_147 : memref<!tpu.dma_semaphore, #tpu.memory_space<semaphore_mem>>) src(%arg9 : memref<128x128xf32, #tpu.memory_space<vmem>>) dst(%dma_wait3A_159 : memref<10112x128xf32, #tpu.memory_space<vmem_shared>>)
        tpu.yield
      }) : () -> ()
      %add3A_129 = arith.constant 2 : i32
      %add3A_130 = arith.addi %mul3A_114, %add3A_129 : i32
      %dma_start3A_131 = arith.constant 0 : i32
      %dma_start3A_132 = tpu.memref_slice %arg7[%add3A_130, %dma_start3A_131] : memref<40x128xi32, #tpu.memory_space<vmem>> -> memref<1x128xi32, #tpu.memory_space<vmem>>
      %dma_start3A_133 = tpu.memref_squeeze %dma_start3A_132 : memref<1x128xi32, #tpu.memory_space<vmem>> -> memref<128xi32, #tpu.memory_space<vmem>>
      %dma_start3A_134 = arith.constant 0 : i32
      %dma_start3A_135 = arith.constant 0 : i32
      %dma_start3A_136 = tpu.memref_slice %arg2[%dma_start3A_134, %dma_start3A_135] : memref<10000x128xf32, #tpu.memory_space<hbm>> -> memref<10000x128xf32, #tpu.memory_space<hbm>>
      tpu.enqueue_indirect_dma source(%dma_start3A_136 : memref<10000x128xf32, #tpu.memory_space<hbm>>) target(%arg9 : memref<128x128xf32, #tpu.memory_space<vmem>>) offsets(%dma_start3A_133 : memref<128xi32, #tpu.memory_space<vmem>>) semaphore(%arg12 : memref<!tpu.dma_semaphore, #tpu.memory_space<semaphore_mem>>)
      %add3A_137 = arith.constant 1 : i32
      %add3A_138 = arith.addi %mul3A_114, %add3A_137 : i32
      %dma_wait3A_139 = arith.constant 0 : i32
      %dma_wait3A_140 = tpu.memref_slice %arg7[%add3A_138, %dma_wait3A_139] : memref<40x128xi32, #tpu.memory_space<vmem>> -> memref<1x128xi32, #tpu.memory_space<vmem>>
      %dma_wait3A_141 = tpu.memref_squeeze %dma_wait3A_140 : memref<1x128xi32, #tpu.memory_space<vmem>> -> memref<128xi32, #tpu.memory_space<vmem>>
      %dma_wait3A_142 = arith.constant 0 : i32
      %dma_wait3A_143 = arith.constant 0 : i32
      %dma_wait3A_144 = tpu.memref_slice %arg2[%dma_wait3A_142, %dma_wait3A_143] : memref<10000x128xf32, #tpu.memory_space<hbm>> -> memref<10000x128xf32, #tpu.memory_space<hbm>>
      tpu.wait_indirect_dma semaphore(%arg13 : memref<!tpu.dma_semaphore, #tpu.memory_space<semaphore_mem>>) src(%dma_wait3A_144 : memref<10000x128xf32, #tpu.memory_space<hbm>>) dst(%arg10 : memref<128x128xf32, #tpu.memory_space<vmem>>)
      %add3A_145 = arith.constant 1 : i32
      %add3A_146 = arith.addi %mul3A_114, %add3A_145 : i32
      "tpu.region"() ({
        %run_scoped3A_147 = tpu.sem_alloc : memref<!tpu.dma_semaphore, #tpu.memory_space<semaphore_mem>>
        %dma_start3A_148 = arith.constant 0 : i32
        %dma_start3A_149 = tpu.memref_slice %arg8[%add3A_146, %dma_start3A_148] : memref<40x128xi32, #tpu.memory_space<vmem>> -> memref<1x128xi32, #tpu.memory_space<vmem>>
        %dma_start3A_150 = tpu.memref_squeeze %dma_start3A_149 : memref<1x128xi32, #tpu.memory_space<vmem>> -> memref<128xi32, #tpu.memory_space<vmem>>
        %dma_start3A_151 = arith.constant 0 : i32
        %dma_start3A_152 = arith.constant 0 : i32
        %dma_start3A_153 = tpu.memref_slice %arg11[%dma_start3A_151, %dma_start3A_152] : memref<10112x128xf32, #tpu.memory_space<vmem_shared>> -> memref<10112x128xf32, #tpu.memory_space<vmem_shared>>
        tpu.enqueue_indirect_dma source(%arg10 : memref<128x128xf32, #tpu.memory_space<vmem>>) target(%dma_start3A_153 : memref<10112x128xf32, #tpu.memory_space<vmem_shared>>) offsets(%dma_start3A_150 : memref<128xi32, #tpu.memory_space<vmem>>) semaphore(%run_scoped3A_147 : memref<!tpu.dma_semaphore, #tpu.memory_space<semaphore_mem>>) {add = true}
        %dma_wait3A_154 = arith.constant 0 : i32
        %dma_wait3A_155 = tpu.memref_slice %arg8[%add3A_146, %dma_wait3A_154] : memref<40x128xi32, #tpu.memory_space<vmem>> -> memref<1x128xi32, #tpu.memory_space<vmem>>
        %dma_wait3A_156 = tpu.memref_squeeze %dma_wait3A_155 : memref<1x128xi32, #tpu.memory_space<vmem>> -> memref<128xi32, #tpu.memory_space<vmem>>
        %dma_wait3A_157 = arith.constant 0 : i32
        %dma_wait3A_158 = arith.constant 0 : i32
        %dma_wait3A_159 = tpu.memref_slice %arg11[%dma_wait3A_157, %dma_wait3A_158] : memref<10112x128xf32, #tpu.memory_space<vmem_shared>> -> memref<10112x128xf32, #tpu.memory_space<vmem_shared>>
        tpu.wait_indirect_dma semaphore(%run_scoped3A_147 : memref<!tpu.dma_semaphore, #tpu.memory_space<semaphore_mem>>) src(%arg10 : memref<128x128xf32, #tpu.memory_space<vmem>>) dst(%dma_wait3A_159 : memref<10112x128xf32, #tpu.memory_space<vmem_shared>>)
        tpu.yield
      }) : () -> ()
    }
    %scan3A_80 = arith.constant 19 : i32
    %dma_start3A_81 = arith.constant 39 : i32
    %dma_start3A_82 = arith.constant 0 : i32
    %dma_start3A_83 = tpu.memref_slice %arg7[%dma_start3A_81, %dma_start3A_82] : memref<40x128xi32, #tpu.memory_space<vmem>> -> memref<1x128xi32, #tpu.memory_space<vmem>>
    %dma_start3A_84 = tpu.memref_squeeze %dma_start3A_83 : memref<1x128xi32, #tpu.memory_space<vmem>> -> memref<128xi32, #tpu.memory_space<vmem>>
    %dma_start3A_85 = arith.constant 0 : i32
    %dma_start3A_86 = arith.constant 0 : i32
    %dma_start3A_87 = tpu.memref_slice %arg2[%dma_start3A_85, %dma_start3A_86] : memref<10000x128xf32, #tpu.memory_space<hbm>> -> memref<10000x128xf32, #tpu.memory_space<hbm>>
    tpu.enqueue_indirect_dma source(%dma_start3A_87 : memref<10000x128xf32, #tpu.memory_space<hbm>>) target(%arg10 : memref<128x128xf32, #tpu.memory_space<vmem>>) offsets(%dma_start3A_84 : memref<128xi32, #tpu.memory_space<vmem>>) semaphore(%arg13 : memref<!tpu.dma_semaphore, #tpu.memory_space<semaphore_mem>>)
    %dma_wait3A_88 = arith.constant 38 : i32
    %dma_wait3A_89 = arith.constant 0 : i32
    %dma_wait3A_90 = tpu.memref_slice %arg7[%dma_wait3A_88, %dma_wait3A_89] : memref<40x128xi32, #tpu.memory_space<vmem>> -> memref<1x128xi32, #tpu.memory_space<vmem>>
    %dma_wait3A_91 = tpu.memref_squeeze %dma_wait3A_90 : memref<1x128xi32, #tpu.memory_space<vmem>> -> memref<128xi32, #tpu.memory_space<vmem>>
    %dma_wait3A_92 = arith.constant 0 : i32
    %dma_wait3A_93 = arith.constant 0 : i32
    %dma_wait3A_94 = tpu.memref_slice %arg2[%dma_wait3A_92, %dma_wait3A_93] : memref<10000x128xf32, #tpu.memory_space<hbm>> -> memref<10000x128xf32, #tpu.memory_space<hbm>>
    tpu.wait_indirect_dma semaphore(%arg12 : memref<!tpu.dma_semaphore, #tpu.memory_space<semaphore_mem>>) src(%dma_wait3A_94 : memref<10000x128xf32, #tpu.memory_space<hbm>>) dst(%arg9 : memref<128x128xf32, #tpu.memory_space<vmem>>)
    %run_scoped3A_95 = arith.constant 38 : i32
    "tpu.region"() ({
      %run_scoped3A_112 = tpu.sem_alloc : memref<!tpu.dma_semaphore, #tpu.memory_space<semaphore_mem>>
      %dma_start3A_113 = arith.constant 0 : i32
      %dma_start3A_114 = tpu.memref_slice %arg8[%run_scoped3A_95, %dma_start3A_113] : memref<40x128xi32, #tpu.memory_space<vmem>> -> memref<1x128xi32, #tpu.memory_space<vmem>>
      %dma_start3A_115 = tpu.memref_squeeze %dma_start3A_114 : memref<1x128xi32, #tpu.memory_space<vmem>> -> memref<128xi32, #tpu.memory_space<vmem>>
      %dma_start3A_116 = arith.constant 0 : i32
      %dma_start3A_117 = arith.constant 0 : i32
      %dma_start3A_118 = tpu.memref_slice %arg11[%dma_start3A_116, %dma_start3A_117] : memref<10112x128xf32, #tpu.memory_space<vmem_shared>> -> memref<10112x128xf32, #tpu.memory_space<vmem_shared>>
      tpu.enqueue_indirect_dma source(%arg9 : memref<128x128xf32, #tpu.memory_space<vmem>>) target(%dma_start3A_118 : memref<10112x128xf32, #tpu.memory_space<vmem_shared>>) offsets(%dma_start3A_115 : memref<128xi32, #tpu.memory_space<vmem>>) semaphore(%run_scoped3A_112 : memref<!tpu.dma_semaphore, #tpu.memory_space<semaphore_mem>>) {add = true}
      %dma_wait3A_119 = arith.constant 0 : i32
      %dma_wait3A_120 = tpu.memref_slice %arg8[%run_scoped3A_95, %dma_wait3A_119] : memref<40x128xi32, #tpu.memory_space<vmem>> -> memref<1x128xi32, #tpu.memory_space<vmem>>
      %dma_wait3A_121 = tpu.memref_squeeze %dma_wait3A_120 : memref<1x128xi32, #tpu.memory_space<vmem>> -> memref<128xi32, #tpu.memory_space<vmem>>
      %dma_wait3A_122 = arith.constant 0 : i32
      %dma_wait3A_123 = arith.constant 0 : i32
      %dma_wait3A_124 = tpu.memref_slice %arg11[%dma_wait3A_122, %dma_wait3A_123] : memref<10112x128xf32, #tpu.memory_space<vmem_shared>> -> memref<10112x128xf32, #tpu.memory_space<vmem_shared>>
      tpu.wait_indirect_dma semaphore(%run_scoped3A_112 : memref<!tpu.dma_semaphore, #tpu.memory_space<semaphore_mem>>) src(%arg9 : memref<128x128xf32, #tpu.memory_space<vmem>>) dst(%dma_wait3A_124 : memref<10112x128xf32, #tpu.memory_space<vmem_shared>>)
      tpu.yield
    }) : () -> ()
    %dma_wait3A_96 = arith.constant 39 : i32
    %dma_wait3A_97 = arith.constant 0 : i32
    %dma_wait3A_98 = tpu.memref_slice %arg7[%dma_wait3A_96, %dma_wait3A_97] : memref<40x128xi32, #tpu.memory_space<vmem>> -> memref<1x128xi32, #tpu.memory_space<vmem>>
    %dma_wait3A_99 = tpu.memref_squeeze %dma_wait3A_98 : memref<1x128xi32, #tpu.memory_space<vmem>> -> memref<128xi32, #tpu.memory_space<vmem>>
    %dma_wait3A_100 = arith.constant 0 : i32
    %dma_wait3A_101 = arith.constant 0 : i32
    %dma_wait3A_102 = tpu.memref_slice %arg2[%dma_wait3A_100, %dma_wait3A_101] : memref<10000x128xf32, #tpu.memory_space<hbm>> -> memref<10000x128xf32, #tpu.memory_space<hbm>>
    tpu.wait_indirect_dma semaphore(%arg13 : memref<!tpu.dma_semaphore, #tpu.memory_space<semaphore_mem>>) src(%dma_wait3A_102 : memref<10000x128xf32, #tpu.memory_space<hbm>>) dst(%arg10 : memref<128x128xf32, #tpu.memory_space<vmem>>)
    %run_scoped3A_103 = arith.constant 39 : i32
    "tpu.region"() ({
      %run_scoped3A_112 = tpu.sem_alloc : memref<!tpu.dma_semaphore, #tpu.memory_space<semaphore_mem>>
      %dma_start3A_113 = arith.constant 0 : i32
      %dma_start3A_114 = tpu.memref_slice %arg8[%run_scoped3A_103, %dma_start3A_113] : memref<40x128xi32, #tpu.memory_space<vmem>> -> memref<1x128xi32, #tpu.memory_space<vmem>>
      %dma_start3A_115 = tpu.memref_squeeze %dma_start3A_114 : memref<1x128xi32, #tpu.memory_space<vmem>> -> memref<128xi32, #tpu.memory_space<vmem>>
      %dma_start3A_116 = arith.constant 0 : i32
      %dma_start3A_117 = arith.constant 0 : i32
      %dma_start3A_118 = tpu.memref_slice %arg11[%dma_start3A_116, %dma_start3A_117] : memref<10112x128xf32, #tpu.memory_space<vmem_shared>> -> memref<10112x128xf32, #tpu.memory_space<vmem_shared>>
      tpu.enqueue_indirect_dma source(%arg10 : memref<128x128xf32, #tpu.memory_space<vmem>>) target(%dma_start3A_118 : memref<10112x128xf32, #tpu.memory_space<vmem_shared>>) offsets(%dma_start3A_115 : memref<128xi32, #tpu.memory_space<vmem>>) semaphore(%run_scoped3A_112 : memref<!tpu.dma_semaphore, #tpu.memory_space<semaphore_mem>>) {add = true}
      %dma_wait3A_119 = arith.constant 0 : i32
      %dma_wait3A_120 = tpu.memref_slice %arg8[%run_scoped3A_103, %dma_wait3A_119] : memref<40x128xi32, #tpu.memory_space<vmem>> -> memref<1x128xi32, #tpu.memory_space<vmem>>
      %dma_wait3A_121 = tpu.memref_squeeze %dma_wait3A_120 : memref<1x128xi32, #tpu.memory_space<vmem>> -> memref<128xi32, #tpu.memory_space<vmem>>
      %dma_wait3A_122 = arith.constant 0 : i32
      %dma_wait3A_123 = arith.constant 0 : i32
      %dma_wait3A_124 = tpu.memref_slice %arg11[%dma_wait3A_122, %dma_wait3A_123] : memref<10112x128xf32, #tpu.memory_space<vmem_shared>> -> memref<10112x128xf32, #tpu.memory_space<vmem_shared>>
      tpu.wait_indirect_dma semaphore(%run_scoped3A_112 : memref<!tpu.dma_semaphore, #tpu.memory_space<semaphore_mem>>) src(%arg10 : memref<128x128xf32, #tpu.memory_space<vmem>>) dst(%dma_wait3A_124 : memref<10112x128xf32, #tpu.memory_space<vmem_shared>>)
      tpu.yield
    }) : () -> ()
    %barrier3A_104 = arith.constant 0 : index
    tpu.barrier barrier_id(%barrier3A_104)
    %eq3A = arith.constant 0 : i32
    %eq3A_105 = arith.cmpi eq, %arg0, %eq3A : i32
    %convert_element_type3A = arith.extui %eq3A_105 : i1 to i32
    %cond3A = arith.constant 0 : i32
    %cond3A_106 = arith.cmpi ne, %convert_element_type3A, %cond3A : i32
    scf.if %cond3A_106 {
      %mul3A_112 = arith.constant 632 : i32
      %mul3A_113 = arith.muli %arg1, %mul3A_112 : i32
      %mul3A_114 = arith.constant 632 : i32
      %mul3A_115 = arith.muli %arg1, %mul3A_114 : i32
      "tpu.region"() ({
        %run_scoped3A_116 = tpu.sem_alloc : memref<!tpu.dma_semaphore, #tpu.memory_space<semaphore_mem>>
        %dma_start3A_117 = arith.constant 0 : i32
        %dma_start3A_118 = tpu.memref_slice %arg5[%mul3A_115, %dma_start3A_117] : memref<10112x128xf32, #tpu.memory_space<hbm>> -> memref<632x128xf32, #tpu.memory_space<hbm>>
        %dma_start3A_119 = arith.constant 0 : i32
        %dma_start3A_120 = tpu.memref_slice %arg11[%mul3A_113, %dma_start3A_119] : memref<10112x128xf32, #tpu.memory_space<vmem_shared>> -> memref<632x128xf32, #tpu.memory_space<vmem_shared>>
        tpu.enqueue_dma source(%dma_start3A_120 : memref<632x128xf32, #tpu.memory_space<vmem_shared>>) target(%dma_start3A_118 : memref<632x128xf32, #tpu.memory_space<hbm>>) target_semaphore(%run_scoped3A_116 : memref<!tpu.dma_semaphore, #tpu.memory_space<semaphore_mem>>)
        %dma_wait3A_121 = arith.constant 0 : i32
        %dma_wait3A_122 = tpu.memref_slice %arg5[%mul3A_115, %dma_wait3A_121] : memref<10112x128xf32, #tpu.memory_space<hbm>> -> memref<632x128xf32, #tpu.memory_space<hbm>>
        %dma_wait3A_123 = arith.constant 0 : i32
        %dma_wait3A_124 = tpu.memref_slice %arg11[%mul3A_113, %dma_wait3A_123] : memref<10112x128xf32, #tpu.memory_space<vmem_shared>> -> memref<632x128xf32, #tpu.memory_space<vmem_shared>>
        tpu.wait_dma2 semaphore(%run_scoped3A_116 : memref<!tpu.dma_semaphore, #tpu.memory_space<semaphore_mem>>) src(%dma_wait3A_124 : memref<632x128xf32, #tpu.memory_space<vmem_shared>>) dst(%dma_wait3A_122 : memref<632x128xf32, #tpu.memory_space<hbm>>)
        tpu.yield
      }) : () -> ()
    } else {
    }
    %eq3A_107 = arith.constant 1 : i32
    %eq3A_108 = arith.cmpi eq, %arg0, %eq3A_107 : i32
    %convert_element_type3A_109 = arith.extui %eq3A_108 : i1 to i32
    %cond3A_110 = arith.constant 0 : i32
    %cond3A_111 = arith.cmpi ne, %convert_element_type3A_109, %cond3A_110 : i32
    scf.if %cond3A_111 {
      %mul3A_112 = arith.constant 632 : i32
      %mul3A_113 = arith.muli %arg1, %mul3A_112 : i32
      %mul3A_114 = arith.constant 632 : i32
      %mul3A_115 = arith.muli %arg1, %mul3A_114 : i32
      "tpu.region"() ({
        %run_scoped3A_116 = tpu.sem_alloc : memref<!tpu.dma_semaphore, #tpu.memory_space<semaphore_mem>>
        %dma_start3A_117 = arith.constant 0 : i32
        %dma_start3A_118 = tpu.memref_slice %arg6[%mul3A_115, %dma_start3A_117] : memref<10112x128xf32, #tpu.memory_space<hbm>> -> memref<632x128xf32, #tpu.memory_space<hbm>>
        %dma_start3A_119 = arith.constant 0 : i32
        %dma_start3A_120 = tpu.memref_slice %arg11[%mul3A_113, %dma_start3A_119] : memref<10112x128xf32, #tpu.memory_space<vmem_shared>> -> memref<632x128xf32, #tpu.memory_space<vmem_shared>>
        tpu.enqueue_dma source(%dma_start3A_120 : memref<632x128xf32, #tpu.memory_space<vmem_shared>>) target(%dma_start3A_118 : memref<632x128xf32, #tpu.memory_space<hbm>>) target_semaphore(%run_scoped3A_116 : memref<!tpu.dma_semaphore, #tpu.memory_space<semaphore_mem>>)
        %dma_wait3A_121 = arith.constant 0 : i32
        %dma_wait3A_122 = tpu.memref_slice %arg6[%mul3A_115, %dma_wait3A_121] : memref<10112x128xf32, #tpu.memory_space<hbm>> -> memref<632x128xf32, #tpu.memory_space<hbm>>
        %dma_wait3A_123 = arith.constant 0 : i32
        %dma_wait3A_124 = tpu.memref_slice %arg11[%mul3A_113, %dma_wait3A_123] : memref<10112x128xf32, #tpu.memory_space<vmem_shared>> -> memref<632x128xf32, #tpu.memory_space<vmem_shared>>
        tpu.wait_dma2 semaphore(%run_scoped3A_116 : memref<!tpu.dma_semaphore, #tpu.memory_space<semaphore_mem>>) src(%dma_wait3A_124 : memref<632x128xf32, #tpu.memory_space<vmem_shared>>) dst(%dma_wait3A_122 : memref<632x128xf32, #tpu.memory_space<hbm>>)
        tpu.yield
      }) : () -> ()
    } else {
    }
    return
  }
}

#map = affine_map<(d0, d1) -> (0, 0)>
module attributes {stable_mosaic.version = 14 : i64} {
  func.func @k(%arg0: i32, %arg1: i32, %arg2: memref<10000x128xf32, #tpu.memory_space<hbm>>, %arg3: memref<2560x128xi32, #tpu.memory_space<hbm>>, %arg4: memref<2560x128xi32, #tpu.memory_space<hbm>>, %arg5: memref<1024x128xf32, #tpu.memory_space<hbm>>, %arg6: memref<1024x128xf32, #tpu.memory_space<hbm>>, %arg7: memref<40x128xi32, #tpu.memory_space<vmem>>, %arg8: memref<40x128xi32, #tpu.memory_space<vmem>>, %arg9: memref<128x128xf32, #tpu.memory_space<vmem>>, %arg10: memref<128x128xf32, #tpu.memory_space<vmem>>, %arg11: memref<10112x128xf32, #tpu.memory_space<vmem_shared>>, %arg12: memref<!tpu.dma_semaphore, #tpu.memory_space<semaphore_mem>>, %arg13: memref<!tpu.dma_semaphore, #tpu.memory_space<semaphore_mem>>) attributes {dimension_semantics = [#tpu.dimension_semantics<core_parallel>, #tpu.dimension_semantics<subcore_parallel>], iteration_bounds = array<i64: 2, 16>, scalar_prefetch = 0 : i64, scratch_operands = 7 : i64, tpu.core_type = #tpu.core_type<sc_vector_subcore>, window_params = [{transform_indices = #map}, {transform_indices = #map}, {transform_indices = #map}, {transform_indices = #map}, {transform_indices = #map}]} {
    %mul3A = arith.constant 16 : i32
    %mul3A_0 = arith.muli %arg0, %mul3A : i32
    %add3A = arith.addi %mul3A_0, %arg1 : i32
    %broadcast_in_dim3A = arith.constant 0.000000e+00 : f32
    %broadcast_in_dim3A_1 = vector.broadcast %broadcast_in_dim3A : f32 to vector<16xf32>
    %scan3A = arith.constant 0 : i32
    %scan3A_2 = arith.constant 0 : i32
    %scan3A_3 = arith.constant 64 : i32
    %scan3A_4 = arith.addi %scan3A_2, %scan3A_3 : i32
    %scan3A_5 = arith.constant 1 : i32
    scf.for %scan3A_96 = %scan3A_2 to %scan3A_4 step %scan3A_5  : i32 {
      %swap3A = arith.index_cast %scan3A_96 : i32 to index
      %swap3A_97 = arith.constant 0 : index
      %swap3A_98 = tpu.vector_load %arg9[%swap3A, %swap3A_97] {strides = array<i32>} : memref<128x128xf32, #tpu.memory_space<vmem>>, vector<1x16xf32>,
      %swap3A_99 = vector.shape_cast %swap3A_98 : vector<1x16xf32> to vector<16xf32>
      %swap3A_100 = vector.shape_cast %broadcast_in_dim3A_1 : vector<16xf32> to vector<1x16xf32>
      tpu.vector_store %arg9[%swap3A, %swap3A_97], %swap3A_100 {strides = array<i32>} : memref<128x128xf32, #tpu.memory_space<vmem>>, vector<1x16xf32>,
      %swap3A_101 = arith.index_cast %scan3A_96 : i32 to index
      %swap3A_102 = arith.constant 16 : index
      %swap3A_103 = tpu.vector_load %arg9[%swap3A_101, %swap3A_102] {strides = array<i32>} : memref<128x128xf32, #tpu.memory_space<vmem>>, vector<1x16xf32>,
      %swap3A_104 = vector.shape_cast %swap3A_103 : vector<1x16xf32> to vector<16xf32>
      %swap3A_105 = vector.shape_cast %broadcast_in_dim3A_1 : vector<16xf32> to vector<1x16xf32>
      tpu.vector_store %arg9[%swap3A_101, %swap3A_102], %swap3A_105 {strides = array<i32>} : memref<128x128xf32, #tpu.memory_space<vmem>>, vector<1x16xf32>,
      %swap3A_106 = arith.index_cast %scan3A_96 : i32 to index
      %swap3A_107 = arith.constant 32 : index
      %swap3A_108 = tpu.vector_load %arg9[%swap3A_106, %swap3A_107] {strides = array<i32>} : memref<128x128xf32, #tpu.memory_space<vmem>>, vector<1x16xf32>,
      %swap3A_109 = vector.shape_cast %swap3A_108 : vector<1x16xf32> to vector<16xf32>
      %swap3A_110 = vector.shape_cast %broadcast_in_dim3A_1 : vector<16xf32> to vector<1x16xf32>
      tpu.vector_store %arg9[%swap3A_106, %swap3A_107], %swap3A_110 {strides = array<i32>} : memref<128x128xf32, #tpu.memory_space<vmem>>, vector<1x16xf32>,
      %swap3A_111 = arith.index_cast %scan3A_96 : i32 to index
      %swap3A_112 = arith.constant 48 : index
      %swap3A_113 = tpu.vector_load %arg9[%swap3A_111, %swap3A_112] {strides = array<i32>} : memref<128x128xf32, #tpu.memory_space<vmem>>, vector<1x16xf32>,
      %swap3A_114 = vector.shape_cast %swap3A_113 : vector<1x16xf32> to vector<16xf32>
      %swap3A_115 = vector.shape_cast %broadcast_in_dim3A_1 : vector<16xf32> to vector<1x16xf32>
      tpu.vector_store %arg9[%swap3A_111, %swap3A_112], %swap3A_115 {strides = array<i32>} : memref<128x128xf32, #tpu.memory_space<vmem>>, vector<1x16xf32>,
      %swap3A_116 = arith.index_cast %scan3A_96 : i32 to index
      %swap3A_117 = arith.constant 64 : index
      %swap3A_118 = tpu.vector_load %arg9[%swap3A_116, %swap3A_117] {strides = array<i32>} : memref<128x128xf32, #tpu.memory_space<vmem>>, vector<1x16xf32>,
      %swap3A_119 = vector.shape_cast %swap3A_118 : vector<1x16xf32> to vector<16xf32>
      %swap3A_120 = vector.shape_cast %broadcast_in_dim3A_1 : vector<16xf32> to vector<1x16xf32>
      tpu.vector_store %arg9[%swap3A_116, %swap3A_117], %swap3A_120 {strides = array<i32>} : memref<128x128xf32, #tpu.memory_space<vmem>>, vector<1x16xf32>,
      %swap3A_121 = arith.index_cast %scan3A_96 : i32 to index
      %swap3A_122 = arith.constant 80 : index
      %swap3A_123 = tpu.vector_load %arg9[%swap3A_121, %swap3A_122] {strides = array<i32>} : memref<128x128xf32, #tpu.memory_space<vmem>>, vector<1x16xf32>,
      %swap3A_124 = vector.shape_cast %swap3A_123 : vector<1x16xf32> to vector<16xf32>
      %swap3A_125 = vector.shape_cast %broadcast_in_dim3A_1 : vector<16xf32> to vector<1x16xf32>
      tpu.vector_store %arg9[%swap3A_121, %swap3A_122], %swap3A_125 {strides = array<i32>} : memref<128x128xf32, #tpu.memory_space<vmem>>, vector<1x16xf32>,
      %swap3A_126 = arith.index_cast %scan3A_96 : i32 to index
      %swap3A_127 = arith.constant 96 : index
      %swap3A_128 = tpu.vector_load %arg9[%swap3A_126, %swap3A_127] {strides = array<i32>} : memref<128x128xf32, #tpu.memory_space<vmem>>, vector<1x16xf32>,
      %swap3A_129 = vector.shape_cast %swap3A_128 : vector<1x16xf32> to vector<16xf32>
      %swap3A_130 = vector.shape_cast %broadcast_in_dim3A_1 : vector<16xf32> to vector<1x16xf32>
      tpu.vector_store %arg9[%swap3A_126, %swap3A_127], %swap3A_130 {strides = array<i32>} : memref<128x128xf32, #tpu.memory_space<vmem>>, vector<1x16xf32>,
      %swap3A_131 = arith.index_cast %scan3A_96 : i32 to index
      %swap3A_132 = arith.constant 112 : index
      %swap3A_133 = tpu.vector_load %arg9[%swap3A_131, %swap3A_132] {strides = array<i32>} : memref<128x128xf32, #tpu.memory_space<vmem>>, vector<1x16xf32>,
      %swap3A_134 = vector.shape_cast %swap3A_133 : vector<1x16xf32> to vector<16xf32>
      %swap3A_135 = vector.shape_cast %broadcast_in_dim3A_1 : vector<16xf32> to vector<1x16xf32>
      tpu.vector_store %arg9[%swap3A_131, %swap3A_132], %swap3A_135 {strides = array<i32>} : memref<128x128xf32, #tpu.memory_space<vmem>>, vector<1x16xf32>,
    }
    %scan3A_6 = arith.constant 64 : i32
    %mul3A_7 = arith.constant 64 : i32
    %mul3A_8 = arith.muli %arg1, %mul3A_7 : i32
    %add3A_9 = arith.constant 0 : i32
    %add3A_10 = arith.addi %mul3A_8, %add3A_9 : i32
    "tpu.region"() ({
      %run_scoped3A_96 = tpu.sem_alloc : memref<!tpu.dma_semaphore, #tpu.memory_space<semaphore_mem>>
      %dma_start3A_97 = arith.constant 0 : i32
      %dma_start3A_98 = arith.constant 0 : i32
      %dma_start3A_99 = tpu.memref_slice %arg9[%dma_start3A_97, %dma_start3A_98] : memref<128x128xf32, #tpu.memory_space<vmem>> -> memref<64x128xf32, #tpu.memory_space<vmem>>
      %dma_start3A_100 = arith.constant 0 : i32
      %dma_start3A_101 = tpu.memref_slice %arg11[%add3A_10, %dma_start3A_100] : memref<10112x128xf32, #tpu.memory_space<vmem_shared>> -> memref<64x128xf32, #tpu.memory_space<vmem_shared>>
      %dma_start3A_102 = arith.constant 0 : i32
      %dma_start3A_103 = tpu.memref_slice %arg11[%add3A_10, %dma_start3A_102] : memref<10112x128xf32, #tpu.memory_space<vmem_shared>> -> memref<64x128xf32, #tpu.memory_space<vmem_shared>>
      %dma_start3A_104 = arith.constant 0 : i32
      %dma_start3A_105 = arith.constant 0 : i32
      %dma_start3A_106 = tpu.memref_slice %arg9[%dma_start3A_104, %dma_start3A_105] : memref<128x128xf32, #tpu.memory_space<vmem>> -> memref<64x128xf32, #tpu.memory_space<vmem>>
      tpu.enqueue_dma source(%dma_start3A_106 : memref<64x128xf32, #tpu.memory_space<vmem>>) target(%dma_start3A_103 : memref<64x128xf32, #tpu.memory_space<vmem_shared>>) target_semaphore(%run_scoped3A_96 : memref<!tpu.dma_semaphore, #tpu.memory_space<semaphore_mem>>)
      %dma_wait3A_107 = arith.constant 0 : i32
      %dma_wait3A_108 = arith.constant 0 : i32
      %dma_wait3A_109 = tpu.memref_slice %arg9[%dma_wait3A_107, %dma_wait3A_108] : memref<128x128xf32, #tpu.memory_space<vmem>> -> memref<64x128xf32, #tpu.memory_space<vmem>>
      %dma_wait3A_110 = arith.constant 0 : i32
      %dma_wait3A_111 = tpu.memref_slice %arg11[%add3A_10, %dma_wait3A_110] : memref<10112x128xf32, #tpu.memory_space<vmem_shared>> -> memref<64x128xf32, #tpu.memory_space<vmem_shared>>
      %dma_wait3A_112 = arith.constant 0 : i32
      %dma_wait3A_113 = tpu.memref_slice %arg11[%add3A_10, %dma_wait3A_112] : memref<10112x128xf32, #tpu.memory_space<vmem_shared>> -> memref<64x128xf32, #tpu.memory_space<vmem_shared>>
      %dma_wait3A_114 = arith.constant 0 : i32
      %dma_wait3A_115 = arith.constant 0 : i32
      %dma_wait3A_116 = tpu.memref_slice %arg9[%dma_wait3A_114, %dma_wait3A_115] : memref<128x128xf32, #tpu.memory_space<vmem>> -> memref<64x128xf32, #tpu.memory_space<vmem>>
      tpu.wait_dma2 semaphore(%run_scoped3A_96 : memref<!tpu.dma_semaphore, #tpu.memory_space<semaphore_mem>>) src(%dma_wait3A_116 : memref<64x128xf32, #tpu.memory_space<vmem>>) dst(%dma_wait3A_113 : memref<64x128xf32, #tpu.memory_space<vmem_shared>>)
      tpu.yield
    }) : () -> ()
    %barrier3A = arith.constant 0 : index
    tpu.barrier barrier_id(%barrier3A)
    %mul3A_11 = arith.constant 80 : i32
    %mul3A_12 = arith.muli %add3A, %mul3A_11 : i32
    %add3A_13 = arith.constant 0 : i32
    %add3A_14 = arith.addi %mul3A_12, %add3A_13 : i32
    "tpu.region"() ({
      %run_scoped3A_96 = tpu.sem_alloc : memref<!tpu.dma_semaphore, #tpu.memory_space<semaphore_mem>>
      %dma_start3A_97 = arith.constant 0 : i32
      %dma_start3A_98 = tpu.memref_slice %arg3[%add3A_14, %dma_start3A_97] : memref<2560x128xi32, #tpu.memory_space<hbm>> -> memref<40x128xi32, #tpu.memory_space<hbm>>
      %dma_start3A_99 = arith.constant 0 : i32
      %dma_start3A_100 = tpu.memref_slice %arg3[%add3A_14, %dma_start3A_99] : memref<2560x128xi32, #tpu.memory_space<hbm>> -> memref<40x128xi32, #tpu.memory_space<hbm>>
      tpu.enqueue_dma source(%dma_start3A_100 : memref<40x128xi32, #tpu.memory_space<hbm>>) target(%arg7 : memref<40x128xi32, #tpu.memory_space<vmem>>) target_semaphore(%run_scoped3A_96 : memref<!tpu.dma_semaphore, #tpu.memory_space<semaphore_mem>>)
      %dma_wait3A_101 = arith.constant 0 : i32
      %dma_wait3A_102 = tpu.memref_slice %arg3[%add3A_14, %dma_wait3A_101] : memref<2560x128xi32, #tpu.memory_space<hbm>> -> memref<40x128xi32, #tpu.memory_space<hbm>>
      %dma_wait3A_103 = arith.constant 0 : i32
      %dma_wait3A_104 = tpu.memref_slice %arg3[%add3A_14, %dma_wait3A_103] : memref<2560x128xi32, #tpu.memory_space<hbm>> -> memref<40x128xi32, #tpu.memory_space<hbm>>
      tpu.wait_dma2 semaphore(%run_scoped3A_96 : memref<!tpu.dma_semaphore, #tpu.memory_space<semaphore_mem>>) src(%dma_wait3A_104 : memref<40x128xi32, #tpu.memory_space<hbm>>) dst(%arg7 : memref<40x128xi32, #tpu.memory_space<vmem>>)
      tpu.yield
    }) : () -> ()
    "tpu.region"() ({
      %run_scoped3A_96 = tpu.sem_alloc : memref<!tpu.dma_semaphore, #tpu.memory_space<semaphore_mem>>
      %dma_start3A_97 = arith.constant 0 : i32
      %dma_start3A_98 = tpu.memref_slice %arg4[%add3A_14, %dma_start3A_97] : memref<2560x128xi32, #tpu.memory_space<hbm>> -> memref<40x128xi32, #tpu.memory_space<hbm>>
      %dma_start3A_99 = arith.constant 0 : i32
      %dma_start3A_100 = tpu.memref_slice %arg4[%add3A_14, %dma_start3A_99] : memref<2560x128xi32, #tpu.memory_space<hbm>> -> memref<40x128xi32, #tpu.memory_space<hbm>>
      tpu.enqueue_dma source(%dma_start3A_100 : memref<40x128xi32, #tpu.memory_space<hbm>>) target(%arg8 : memref<40x128xi32, #tpu.memory_space<vmem>>) target_semaphore(%run_scoped3A_96 : memref<!tpu.dma_semaphore, #tpu.memory_space<semaphore_mem>>)
      %dma_wait3A_101 = arith.constant 0 : i32
      %dma_wait3A_102 = tpu.memref_slice %arg4[%add3A_14, %dma_wait3A_101] : memref<2560x128xi32, #tpu.memory_space<hbm>> -> memref<40x128xi32, #tpu.memory_space<hbm>>
      %dma_wait3A_103 = arith.constant 0 : i32
      %dma_wait3A_104 = tpu.memref_slice %arg4[%add3A_14, %dma_wait3A_103] : memref<2560x128xi32, #tpu.memory_space<hbm>> -> memref<40x128xi32, #tpu.memory_space<hbm>>
      tpu.wait_dma2 semaphore(%run_scoped3A_96 : memref<!tpu.dma_semaphore, #tpu.memory_space<semaphore_mem>>) src(%dma_wait3A_104 : memref<40x128xi32, #tpu.memory_space<hbm>>) dst(%arg8 : memref<40x128xi32, #tpu.memory_space<vmem>>)
      tpu.yield
    }) : () -> ()
    %dma_start3A = arith.constant 0 : i32
    %dma_start3A_15 = arith.constant 0 : i32
    %dma_start3A_16 = tpu.memref_slice %arg7[%dma_start3A, %dma_start3A_15] : memref<40x128xi32, #tpu.memory_space<vmem>> -> memref<1x128xi32, #tpu.memory_space<vmem>>
    %dma_start3A_17 = tpu.memref_squeeze %dma_start3A_16 : memref<1x128xi32, #tpu.memory_space<vmem>> -> memref<128xi32, #tpu.memory_space<vmem>>
    %dma_start3A_18 = arith.constant 0 : i32
    %dma_start3A_19 = arith.constant 0 : i32
    %dma_start3A_20 = tpu.memref_slice %arg2[%dma_start3A_18, %dma_start3A_19] : memref<10000x128xf32, #tpu.memory_space<hbm>> -> memref<10000x128xf32, #tpu.memory_space<hbm>>
    tpu.enqueue_indirect_dma source(%dma_start3A_20 : memref<10000x128xf32, #tpu.memory_space<hbm>>) target(%arg9 : memref<128x128xf32, #tpu.memory_space<vmem>>) offsets(%dma_start3A_17 : memref<128xi32, #tpu.memory_space<vmem>>) semaphore(%arg12 : memref<!tpu.dma_semaphore, #tpu.memory_space<semaphore_mem>>)
    %scan3A_21 = arith.constant 0 : i32
    %scan3A_22 = arith.constant 0 : i32
    %scan3A_23 = arith.constant 19 : i32
    %scan3A_24 = arith.addi %scan3A_22, %scan3A_23 : i32
    %scan3A_25 = arith.constant 1 : i32
    scf.for %scan3A_96 = %scan3A_22 to %scan3A_24 step %scan3A_25  : i32 {
      %mul3A_97 = arith.constant 2 : i32
      %mul3A_98 = arith.muli %mul3A_97, %scan3A_96 : i32
      %add3A_99 = arith.constant 1 : i32
      %add3A_100 = arith.addi %mul3A_98, %add3A_99 : i32
      %dma_start3A_101 = arith.constant 0 : i32
      %dma_start3A_102 = tpu.memref_slice %arg7[%add3A_100, %dma_start3A_101] : memref<40x128xi32, #tpu.memory_space<vmem>> -> memref<1x128xi32, #tpu.memory_space<vmem>>
      %dma_start3A_103 = tpu.memref_squeeze %dma_start3A_102 : memref<1x128xi32, #tpu.memory_space<vmem>> -> memref<128xi32, #tpu.memory_space<vmem>>
      %dma_start3A_104 = arith.constant 0 : i32
      %dma_start3A_105 = arith.constant 0 : i32
      %dma_start3A_106 = tpu.memref_slice %arg2[%dma_start3A_104, %dma_start3A_105] : memref<10000x128xf32, #tpu.memory_space<hbm>> -> memref<10000x128xf32, #tpu.memory_space<hbm>>
      tpu.enqueue_indirect_dma source(%dma_start3A_106 : memref<10000x128xf32, #tpu.memory_space<hbm>>) target(%arg10 : memref<128x128xf32, #tpu.memory_space<vmem>>) offsets(%dma_start3A_103 : memref<128xi32, #tpu.memory_space<vmem>>) semaphore(%arg13 : memref<!tpu.dma_semaphore, #tpu.memory_space<semaphore_mem>>)
      %dma_wait3A_107 = arith.constant 0 : i32
      %dma_wait3A_108 = tpu.memref_slice %arg7[%mul3A_98, %dma_wait3A_107] : memref<40x128xi32, #tpu.memory_space<vmem>> -> memref<1x128xi32, #tpu.memory_space<vmem>>
      %dma_wait3A_109 = tpu.memref_squeeze %dma_wait3A_108 : memref<1x128xi32, #tpu.memory_space<vmem>> -> memref<128xi32, #tpu.memory_space<vmem>>
      %dma_wait3A_110 = arith.constant 0 : i32
      %dma_wait3A_111 = arith.constant 0 : i32
      %dma_wait3A_112 = tpu.memref_slice %arg2[%dma_wait3A_110, %dma_wait3A_111] : memref<10000x128xf32, #tpu.memory_space<hbm>> -> memref<10000x128xf32, #tpu.memory_space<hbm>>
      tpu.wait_indirect_dma semaphore(%arg12 : memref<!tpu.dma_semaphore, #tpu.memory_space<semaphore_mem>>) src(%dma_wait3A_112 : memref<10000x128xf32, #tpu.memory_space<hbm>>) dst(%arg9 : memref<128x128xf32, #tpu.memory_space<vmem>>)
      "tpu.region"() ({
        %run_scoped3A_131 = tpu.sem_alloc : memref<!tpu.dma_semaphore, #tpu.memory_space<semaphore_mem>>
        %dma_start3A_132 = arith.constant 0 : i32
        %dma_start3A_133 = tpu.memref_slice %arg8[%mul3A_98, %dma_start3A_132] : memref<40x128xi32, #tpu.memory_space<vmem>> -> memref<1x128xi32, #tpu.memory_space<vmem>>
        %dma_start3A_134 = tpu.memref_squeeze %dma_start3A_133 : memref<1x128xi32, #tpu.memory_space<vmem>> -> memref<128xi32, #tpu.memory_space<vmem>>
        %dma_start3A_135 = arith.constant 0 : i32
        %dma_start3A_136 = arith.constant 0 : i32
        %dma_start3A_137 = tpu.memref_slice %arg11[%dma_start3A_135, %dma_start3A_136] : memref<10112x128xf32, #tpu.memory_space<vmem_shared>> -> memref<10112x128xf32, #tpu.memory_space<vmem_shared>>
        tpu.enqueue_indirect_dma source(%arg9 : memref<128x128xf32, #tpu.memory_space<vmem>>) target(%dma_start3A_137 : memref<10112x128xf32, #tpu.memory_space<vmem_shared>>) offsets(%dma_start3A_134 : memref<128xi32, #tpu.memory_space<vmem>>) semaphore(%run_scoped3A_131 : memref<!tpu.dma_semaphore, #tpu.memory_space<semaphore_mem>>) {add = true}
        %dma_wait3A_138 = arith.constant 0 : i32
        %dma_wait3A_139 = tpu.memref_slice %arg8[%mul3A_98, %dma_wait3A_138] : memref<40x128xi32, #tpu.memory_space<vmem>> -> memref<1x128xi32, #tpu.memory_space<vmem>>
        %dma_wait3A_140 = tpu.memref_squeeze %dma_wait3A_139 : memref<1x128xi32, #tpu.memory_space<vmem>> -> memref<128xi32, #tpu.memory_space<vmem>>
        %dma_wait3A_141 = arith.constant 0 : i32
        %dma_wait3A_142 = arith.constant 0 : i32
        %dma_wait3A_143 = tpu.memref_slice %arg11[%dma_wait3A_141, %dma_wait3A_142] : memref<10112x128xf32, #tpu.memory_space<vmem_shared>> -> memref<10112x128xf32, #tpu.memory_space<vmem_shared>>
        tpu.wait_indirect_dma semaphore(%run_scoped3A_131 : memref<!tpu.dma_semaphore, #tpu.memory_space<semaphore_mem>>) src(%arg9 : memref<128x128xf32, #tpu.memory_space<vmem>>) dst(%dma_wait3A_143 : memref<10112x128xf32, #tpu.memory_space<vmem_shared>>)
        tpu.yield
      }) : () -> ()
      %add3A_113 = arith.constant 2 : i32
      %add3A_114 = arith.addi %mul3A_98, %add3A_113 : i32
      %dma_start3A_115 = arith.constant 0 : i32
      %dma_start3A_116 = tpu.memref_slice %arg7[%add3A_114, %dma_start3A_115] : memref<40x128xi32, #tpu.memory_space<vmem>> -> memref<1x128xi32, #tpu.memory_space<vmem>>
      %dma_start3A_117 = tpu.memref_squeeze %dma_start3A_116 : memref<1x128xi32, #tpu.memory_space<vmem>> -> memref<128xi32, #tpu.memory_space<vmem>>
      %dma_start3A_118 = arith.constant 0 : i32
      %dma_start3A_119 = arith.constant 0 : i32
      %dma_start3A_120 = tpu.memref_slice %arg2[%dma_start3A_118, %dma_start3A_119] : memref<10000x128xf32, #tpu.memory_space<hbm>> -> memref<10000x128xf32, #tpu.memory_space<hbm>>
      tpu.enqueue_indirect_dma source(%dma_start3A_120 : memref<10000x128xf32, #tpu.memory_space<hbm>>) target(%arg9 : memref<128x128xf32, #tpu.memory_space<vmem>>) offsets(%dma_start3A_117 : memref<128xi32, #tpu.memory_space<vmem>>) semaphore(%arg12 : memref<!tpu.dma_semaphore, #tpu.memory_space<semaphore_mem>>)
      %add3A_121 = arith.constant 1 : i32
      %add3A_122 = arith.addi %mul3A_98, %add3A_121 : i32
      %dma_wait3A_123 = arith.constant 0 : i32
      %dma_wait3A_124 = tpu.memref_slice %arg7[%add3A_122, %dma_wait3A_123] : memref<40x128xi32, #tpu.memory_space<vmem>> -> memref<1x128xi32, #tpu.memory_space<vmem>>
      %dma_wait3A_125 = tpu.memref_squeeze %dma_wait3A_124 : memref<1x128xi32, #tpu.memory_space<vmem>> -> memref<128xi32, #tpu.memory_space<vmem>>
      %dma_wait3A_126 = arith.constant 0 : i32
      %dma_wait3A_127 = arith.constant 0 : i32
      %dma_wait3A_128 = tpu.memref_slice %arg2[%dma_wait3A_126, %dma_wait3A_127] : memref<10000x128xf32, #tpu.memory_space<hbm>> -> memref<10000x128xf32, #tpu.memory_space<hbm>>
      tpu.wait_indirect_dma semaphore(%arg13 : memref<!tpu.dma_semaphore, #tpu.memory_space<semaphore_mem>>) src(%dma_wait3A_128 : memref<10000x128xf32, #tpu.memory_space<hbm>>) dst(%arg10 : memref<128x128xf32, #tpu.memory_space<vmem>>)
      %add3A_129 = arith.constant 1 : i32
      %add3A_130 = arith.addi %mul3A_98, %add3A_129 : i32
      "tpu.region"() ({
        %run_scoped3A_131 = tpu.sem_alloc : memref<!tpu.dma_semaphore, #tpu.memory_space<semaphore_mem>>
        %dma_start3A_132 = arith.constant 0 : i32
        %dma_start3A_133 = tpu.memref_slice %arg8[%add3A_130, %dma_start3A_132] : memref<40x128xi32, #tpu.memory_space<vmem>> -> memref<1x128xi32, #tpu.memory_space<vmem>>
        %dma_start3A_134 = tpu.memref_squeeze %dma_start3A_133 : memref<1x128xi32, #tpu.memory_space<vmem>> -> memref<128xi32, #tpu.memory_space<vmem>>
        %dma_start3A_135 = arith.constant 0 : i32
        %dma_start3A_136 = arith.constant 0 : i32
        %dma_start3A_137 = tpu.memref_slice %arg11[%dma_start3A_135, %dma_start3A_136] : memref<10112x128xf32, #tpu.memory_space<vmem_shared>> -> memref<10112x128xf32, #tpu.memory_space<vmem_shared>>
        tpu.enqueue_indirect_dma source(%arg10 : memref<128x128xf32, #tpu.memory_space<vmem>>) target(%dma_start3A_137 : memref<10112x128xf32, #tpu.memory_space<vmem_shared>>) offsets(%dma_start3A_134 : memref<128xi32, #tpu.memory_space<vmem>>) semaphore(%run_scoped3A_131 : memref<!tpu.dma_semaphore, #tpu.memory_space<semaphore_mem>>) {add = true}
        %dma_wait3A_138 = arith.constant 0 : i32
        %dma_wait3A_139 = tpu.memref_slice %arg8[%add3A_130, %dma_wait3A_138] : memref<40x128xi32, #tpu.memory_space<vmem>> -> memref<1x128xi32, #tpu.memory_space<vmem>>
        %dma_wait3A_140 = tpu.memref_squeeze %dma_wait3A_139 : memref<1x128xi32, #tpu.memory_space<vmem>> -> memref<128xi32, #tpu.memory_space<vmem>>
        %dma_wait3A_141 = arith.constant 0 : i32
        %dma_wait3A_142 = arith.constant 0 : i32
        %dma_wait3A_143 = tpu.memref_slice %arg11[%dma_wait3A_141, %dma_wait3A_142] : memref<10112x128xf32, #tpu.memory_space<vmem_shared>> -> memref<10112x128xf32, #tpu.memory_space<vmem_shared>>
        tpu.wait_indirect_dma semaphore(%run_scoped3A_131 : memref<!tpu.dma_semaphore, #tpu.memory_space<semaphore_mem>>) src(%arg10 : memref<128x128xf32, #tpu.memory_space<vmem>>) dst(%dma_wait3A_143 : memref<10112x128xf32, #tpu.memory_space<vmem_shared>>)
        tpu.yield
      }) : () -> ()
    }
    %scan3A_26 = arith.constant 19 : i32
    %dma_start3A_27 = arith.constant 39 : i32
    %dma_start3A_28 = arith.constant 0 : i32
    %dma_start3A_29 = tpu.memref_slice %arg7[%dma_start3A_27, %dma_start3A_28] : memref<40x128xi32, #tpu.memory_space<vmem>> -> memref<1x128xi32, #tpu.memory_space<vmem>>
    %dma_start3A_30 = tpu.memref_squeeze %dma_start3A_29 : memref<1x128xi32, #tpu.memory_space<vmem>> -> memref<128xi32, #tpu.memory_space<vmem>>
    %dma_start3A_31 = arith.constant 0 : i32
    %dma_start3A_32 = arith.constant 0 : i32
    %dma_start3A_33 = tpu.memref_slice %arg2[%dma_start3A_31, %dma_start3A_32] : memref<10000x128xf32, #tpu.memory_space<hbm>> -> memref<10000x128xf32, #tpu.memory_space<hbm>>
    tpu.enqueue_indirect_dma source(%dma_start3A_33 : memref<10000x128xf32, #tpu.memory_space<hbm>>) target(%arg10 : memref<128x128xf32, #tpu.memory_space<vmem>>) offsets(%dma_start3A_30 : memref<128xi32, #tpu.memory_space<vmem>>) semaphore(%arg13 : memref<!tpu.dma_semaphore, #tpu.memory_space<semaphore_mem>>)
    %dma_wait3A = arith.constant 38 : i32
    %dma_wait3A_34 = arith.constant 0 : i32
    %dma_wait3A_35 = tpu.memref_slice %arg7[%dma_wait3A, %dma_wait3A_34] : memref<40x128xi32, #tpu.memory_space<vmem>> -> memref<1x128xi32, #tpu.memory_space<vmem>>
    %dma_wait3A_36 = tpu.memref_squeeze %dma_wait3A_35 : memref<1x128xi32, #tpu.memory_space<vmem>> -> memref<128xi32, #tpu.memory_space<vmem>>
    %dma_wait3A_37 = arith.constant 0 : i32
    %dma_wait3A_38 = arith.constant 0 : i32
    %dma_wait3A_39 = tpu.memref_slice %arg2[%dma_wait3A_37, %dma_wait3A_38] : memref<10000x128xf32, #tpu.memory_space<hbm>> -> memref<10000x128xf32, #tpu.memory_space<hbm>>
    tpu.wait_indirect_dma semaphore(%arg12 : memref<!tpu.dma_semaphore, #tpu.memory_space<semaphore_mem>>) src(%dma_wait3A_39 : memref<10000x128xf32, #tpu.memory_space<hbm>>) dst(%arg9 : memref<128x128xf32, #tpu.memory_space<vmem>>)
    %run_scoped3A = arith.constant 38 : i32
    "tpu.region"() ({
      %run_scoped3A_96 = tpu.sem_alloc : memref<!tpu.dma_semaphore, #tpu.memory_space<semaphore_mem>>
      %dma_start3A_97 = arith.constant 0 : i32
      %dma_start3A_98 = tpu.memref_slice %arg8[%run_scoped3A, %dma_start3A_97] : memref<40x128xi32, #tpu.memory_space<vmem>> -> memref<1x128xi32, #tpu.memory_space<vmem>>
      %dma_start3A_99 = tpu.memref_squeeze %dma_start3A_98 : memref<1x128xi32, #tpu.memory_space<vmem>> -> memref<128xi32, #tpu.memory_space<vmem>>
      %dma_start3A_100 = arith.constant 0 : i32
      %dma_start3A_101 = arith.constant 0 : i32
      %dma_start3A_102 = tpu.memref_slice %arg11[%dma_start3A_100, %dma_start3A_101] : memref<10112x128xf32, #tpu.memory_space<vmem_shared>> -> memref<10112x128xf32, #tpu.memory_space<vmem_shared>>
      tpu.enqueue_indirect_dma source(%arg9 : memref<128x128xf32, #tpu.memory_space<vmem>>) target(%dma_start3A_102 : memref<10112x128xf32, #tpu.memory_space<vmem_shared>>) offsets(%dma_start3A_99 : memref<128xi32, #tpu.memory_space<vmem>>) semaphore(%run_scoped3A_96 : memref<!tpu.dma_semaphore, #tpu.memory_space<semaphore_mem>>) {add = true}
      %dma_wait3A_103 = arith.constant 0 : i32
      %dma_wait3A_104 = tpu.memref_slice %arg8[%run_scoped3A, %dma_wait3A_103] : memref<40x128xi32, #tpu.memory_space<vmem>> -> memref<1x128xi32, #tpu.memory_space<vmem>>
      %dma_wait3A_105 = tpu.memref_squeeze %dma_wait3A_104 : memref<1x128xi32, #tpu.memory_space<vmem>> -> memref<128xi32, #tpu.memory_space<vmem>>
      %dma_wait3A_106 = arith.constant 0 : i32
      %dma_wait3A_107 = arith.constant 0 : i32
      %dma_wait3A_108 = tpu.memref_slice %arg11[%dma_wait3A_106, %dma_wait3A_107] : memref<10112x128xf32, #tpu.memory_space<vmem_shared>> -> memref<10112x128xf32, #tpu.memory_space<vmem_shared>>
      tpu.wait_indirect_dma semaphore(%run_scoped3A_96 : memref<!tpu.dma_semaphore, #tpu.memory_space<semaphore_mem>>) src(%arg9 : memref<128x128xf32, #tpu.memory_space<vmem>>) dst(%dma_wait3A_108 : memref<10112x128xf32, #tpu.memory_space<vmem_shared>>)
      tpu.yield
    }) : () -> ()
    %dma_wait3A_40 = arith.constant 39 : i32
    %dma_wait3A_41 = arith.constant 0 : i32
    %dma_wait3A_42 = tpu.memref_slice %arg7[%dma_wait3A_40, %dma_wait3A_41] : memref<40x128xi32, #tpu.memory_space<vmem>> -> memref<1x128xi32, #tpu.memory_space<vmem>>
    %dma_wait3A_43 = tpu.memref_squeeze %dma_wait3A_42 : memref<1x128xi32, #tpu.memory_space<vmem>> -> memref<128xi32, #tpu.memory_space<vmem>>
    %dma_wait3A_44 = arith.constant 0 : i32
    %dma_wait3A_45 = arith.constant 0 : i32
    %dma_wait3A_46 = tpu.memref_slice %arg2[%dma_wait3A_44, %dma_wait3A_45] : memref<10000x128xf32, #tpu.memory_space<hbm>> -> memref<10000x128xf32, #tpu.memory_space<hbm>>
    tpu.wait_indirect_dma semaphore(%arg13 : memref<!tpu.dma_semaphore, #tpu.memory_space<semaphore_mem>>) src(%dma_wait3A_46 : memref<10000x128xf32, #tpu.memory_space<hbm>>) dst(%arg10 : memref<128x128xf32, #tpu.memory_space<vmem>>)
    %run_scoped3A_47 = arith.constant 39 : i32
    "tpu.region"() ({
      %run_scoped3A_96 = tpu.sem_alloc : memref<!tpu.dma_semaphore, #tpu.memory_space<semaphore_mem>>
      %dma_start3A_97 = arith.constant 0 : i32
      %dma_start3A_98 = tpu.memref_slice %arg8[%run_scoped3A_47, %dma_start3A_97] : memref<40x128xi32, #tpu.memory_space<vmem>> -> memref<1x128xi32, #tpu.memory_space<vmem>>
      %dma_start3A_99 = tpu.memref_squeeze %dma_start3A_98 : memref<1x128xi32, #tpu.memory_space<vmem>> -> memref<128xi32, #tpu.memory_space<vmem>>
      %dma_start3A_100 = arith.constant 0 : i32
      %dma_start3A_101 = arith.constant 0 : i32
      %dma_start3A_102 = tpu.memref_slice %arg11[%dma_start3A_100, %dma_start3A_101] : memref<10112x128xf32, #tpu.memory_space<vmem_shared>> -> memref<10112x128xf32, #tpu.memory_space<vmem_shared>>
      tpu.enqueue_indirect_dma source(%arg10 : memref<128x128xf32, #tpu.memory_space<vmem>>) target(%dma_start3A_102 : memref<10112x128xf32, #tpu.memory_space<vmem_shared>>) offsets(%dma_start3A_99 : memref<128xi32, #tpu.memory_space<vmem>>) semaphore(%run_scoped3A_96 : memref<!tpu.dma_semaphore, #tpu.memory_space<semaphore_mem>>) {add = true}
      %dma_wait3A_103 = arith.constant 0 : i32
      %dma_wait3A_104 = tpu.memref_slice %arg8[%run_scoped3A_47, %dma_wait3A_103] : memref<40x128xi32, #tpu.memory_space<vmem>> -> memref<1x128xi32, #tpu.memory_space<vmem>>
      %dma_wait3A_105 = tpu.memref_squeeze %dma_wait3A_104 : memref<1x128xi32, #tpu.memory_space<vmem>> -> memref<128xi32, #tpu.memory_space<vmem>>
      %dma_wait3A_106 = arith.constant 0 : i32
      %dma_wait3A_107 = arith.constant 0 : i32
      %dma_wait3A_108 = tpu.memref_slice %arg11[%dma_wait3A_106, %dma_wait3A_107] : memref<10112x128xf32, #tpu.memory_space<vmem_shared>> -> memref<10112x128xf32, #tpu.memory_space<vmem_shared>>
      tpu.wait_indirect_dma semaphore(%run_scoped3A_96 : memref<!tpu.dma_semaphore, #tpu.memory_space<semaphore_mem>>) src(%arg10 : memref<128x128xf32, #tpu.memory_space<vmem>>) dst(%dma_wait3A_108 : memref<10112x128xf32, #tpu.memory_space<vmem_shared>>)
      tpu.yield
    }) : () -> ()
    %mul3A_48 = arith.constant 80 : i32
    %mul3A_49 = arith.muli %add3A, %mul3A_48 : i32
    %add3A_50 = arith.constant 40 : i32
    %add3A_51 = arith.addi %mul3A_49, %add3A_50 : i32
    "tpu.region"() ({
      %run_scoped3A_96 = tpu.sem_alloc : memref<!tpu.dma_semaphore, #tpu.memory_space<semaphore_mem>>
      %dma_start3A_97 = arith.constant 0 : i32
      %dma_start3A_98 = tpu.memref_slice %arg3[%add3A_51, %dma_start3A_97] : memref<2560x128xi32, #tpu.memory_space<hbm>> -> memref<40x128xi32, #tpu.memory_space<hbm>>
      %dma_start3A_99 = arith.constant 0 : i32
      %dma_start3A_100 = tpu.memref_slice %arg3[%add3A_51, %dma_start3A_99] : memref<2560x128xi32, #tpu.memory_space<hbm>> -> memref<40x128xi32, #tpu.memory_space<hbm>>
      tpu.enqueue_dma source(%dma_start3A_100 : memref<40x128xi32, #tpu.memory_space<hbm>>) target(%arg7 : memref<40x128xi32, #tpu.memory_space<vmem>>) target_semaphore(%run_scoped3A_96 : memref<!tpu.dma_semaphore, #tpu.memory_space<semaphore_mem>>)
      %dma_wait3A_101 = arith.constant 0 : i32
      %dma_wait3A_102 = tpu.memref_slice %arg3[%add3A_51, %dma_wait3A_101] : memref<2560x128xi32, #tpu.memory_space<hbm>> -> memref<40x128xi32, #tpu.memory_space<hbm>>
      %dma_wait3A_103 = arith.constant 0 : i32
      %dma_wait3A_104 = tpu.memref_slice %arg3[%add3A_51, %dma_wait3A_103] : memref<2560x128xi32, #tpu.memory_space<hbm>> -> memref<40x128xi32, #tpu.memory_space<hbm>>
      tpu.wait_dma2 semaphore(%run_scoped3A_96 : memref<!tpu.dma_semaphore, #tpu.memory_space<semaphore_mem>>) src(%dma_wait3A_104 : memref<40x128xi32, #tpu.memory_space<hbm>>) dst(%arg7 : memref<40x128xi32, #tpu.memory_space<vmem>>)
      tpu.yield
    }) : () -> ()
    "tpu.region"() ({
      %run_scoped3A_96 = tpu.sem_alloc : memref<!tpu.dma_semaphore, #tpu.memory_space<semaphore_mem>>
      %dma_start3A_97 = arith.constant 0 : i32
      %dma_start3A_98 = tpu.memref_slice %arg4[%add3A_51, %dma_start3A_97] : memref<2560x128xi32, #tpu.memory_space<hbm>> -> memref<40x128xi32, #tpu.memory_space<hbm>>
      %dma_start3A_99 = arith.constant 0 : i32
      %dma_start3A_100 = tpu.memref_slice %arg4[%add3A_51, %dma_start3A_99] : memref<2560x128xi32, #tpu.memory_space<hbm>> -> memref<40x128xi32, #tpu.memory_space<hbm>>
      tpu.enqueue_dma source(%dma_start3A_100 : memref<40x128xi32, #tpu.memory_space<hbm>>) target(%arg8 : memref<40x128xi32, #tpu.memory_space<vmem>>) target_semaphore(%run_scoped3A_96 : memref<!tpu.dma_semaphore, #tpu.memory_space<semaphore_mem>>)
      %dma_wait3A_101 = arith.constant 0 : i32
      %dma_wait3A_102 = tpu.memref_slice %arg4[%add3A_51, %dma_wait3A_101] : memref<2560x128xi32, #tpu.memory_space<hbm>> -> memref<40x128xi32, #tpu.memory_space<hbm>>
      %dma_wait3A_103 = arith.constant 0 : i32
      %dma_wait3A_104 = tpu.memref_slice %arg4[%add3A_51, %dma_wait3A_103] : memref<2560x128xi32, #tpu.memory_space<hbm>> -> memref<40x128xi32, #tpu.memory_space<hbm>>
      tpu.wait_dma2 semaphore(%run_scoped3A_96 : memref<!tpu.dma_semaphore, #tpu.memory_space<semaphore_mem>>) src(%dma_wait3A_104 : memref<40x128xi32, #tpu.memory_space<hbm>>) dst(%arg8 : memref<40x128xi32, #tpu.memory_space<vmem>>)
      tpu.yield
    }) : () -> ()
    %dma_start3A_52 = arith.constant 0 : i32
    %dma_start3A_53 = arith.constant 0 : i32
    %dma_start3A_54 = tpu.memref_slice %arg7[%dma_start3A_52, %dma_start3A_53] : memref<40x128xi32, #tpu.memory_space<vmem>> -> memref<1x128xi32, #tpu.memory_space<vmem>>
    %dma_start3A_55 = tpu.memref_squeeze %dma_start3A_54 : memref<1x128xi32, #tpu.memory_space<vmem>> -> memref<128xi32, #tpu.memory_space<vmem>>
    %dma_start3A_56 = arith.constant 0 : i32
    %dma_start3A_57 = arith.constant 0 : i32
    %dma_start3A_58 = tpu.memref_slice %arg2[%dma_start3A_56, %dma_start3A_57] : memref<10000x128xf32, #tpu.memory_space<hbm>> -> memref<10000x128xf32, #tpu.memory_space<hbm>>
    tpu.enqueue_indirect_dma source(%dma_start3A_58 : memref<10000x128xf32, #tpu.memory_space<hbm>>) target(%arg9 : memref<128x128xf32, #tpu.memory_space<vmem>>) offsets(%dma_start3A_55 : memref<128xi32, #tpu.memory_space<vmem>>) semaphore(%arg12 : memref<!tpu.dma_semaphore, #tpu.memory_space<semaphore_mem>>)
    %scan3A_59 = arith.constant 0 : i32
    %scan3A_60 = arith.constant 0 : i32
    %scan3A_61 = arith.constant 19 : i32
    %scan3A_62 = arith.addi %scan3A_60, %scan3A_61 : i32
    %scan3A_63 = arith.constant 1 : i32
    scf.for %scan3A_96 = %scan3A_60 to %scan3A_62 step %scan3A_63  : i32 {
      %mul3A_97 = arith.constant 2 : i32
      %mul3A_98 = arith.muli %mul3A_97, %scan3A_96 : i32
      %add3A_99 = arith.constant 1 : i32
      %add3A_100 = arith.addi %mul3A_98, %add3A_99 : i32
      %dma_start3A_101 = arith.constant 0 : i32
      %dma_start3A_102 = tpu.memref_slice %arg7[%add3A_100, %dma_start3A_101] : memref<40x128xi32, #tpu.memory_space<vmem>> -> memref<1x128xi32, #tpu.memory_space<vmem>>
      %dma_start3A_103 = tpu.memref_squeeze %dma_start3A_102 : memref<1x128xi32, #tpu.memory_space<vmem>> -> memref<128xi32, #tpu.memory_space<vmem>>
      %dma_start3A_104 = arith.constant 0 : i32
      %dma_start3A_105 = arith.constant 0 : i32
      %dma_start3A_106 = tpu.memref_slice %arg2[%dma_start3A_104, %dma_start3A_105] : memref<10000x128xf32, #tpu.memory_space<hbm>> -> memref<10000x128xf32, #tpu.memory_space<hbm>>
      tpu.enqueue_indirect_dma source(%dma_start3A_106 : memref<10000x128xf32, #tpu.memory_space<hbm>>) target(%arg10 : memref<128x128xf32, #tpu.memory_space<vmem>>) offsets(%dma_start3A_103 : memref<128xi32, #tpu.memory_space<vmem>>) semaphore(%arg13 : memref<!tpu.dma_semaphore, #tpu.memory_space<semaphore_mem>>)
      %dma_wait3A_107 = arith.constant 0 : i32
      %dma_wait3A_108 = tpu.memref_slice %arg7[%mul3A_98, %dma_wait3A_107] : memref<40x128xi32, #tpu.memory_space<vmem>> -> memref<1x128xi32, #tpu.memory_space<vmem>>
      %dma_wait3A_109 = tpu.memref_squeeze %dma_wait3A_108 : memref<1x128xi32, #tpu.memory_space<vmem>> -> memref<128xi32, #tpu.memory_space<vmem>>
      %dma_wait3A_110 = arith.constant 0 : i32
      %dma_wait3A_111 = arith.constant 0 : i32
      %dma_wait3A_112 = tpu.memref_slice %arg2[%dma_wait3A_110, %dma_wait3A_111] : memref<10000x128xf32, #tpu.memory_space<hbm>> -> memref<10000x128xf32, #tpu.memory_space<hbm>>
      tpu.wait_indirect_dma semaphore(%arg12 : memref<!tpu.dma_semaphore, #tpu.memory_space<semaphore_mem>>) src(%dma_wait3A_112 : memref<10000x128xf32, #tpu.memory_space<hbm>>) dst(%arg9 : memref<128x128xf32, #tpu.memory_space<vmem>>)
      "tpu.region"() ({
        %run_scoped3A_131 = tpu.sem_alloc : memref<!tpu.dma_semaphore, #tpu.memory_space<semaphore_mem>>
        %dma_start3A_132 = arith.constant 0 : i32
        %dma_start3A_133 = tpu.memref_slice %arg8[%mul3A_98, %dma_start3A_132] : memref<40x128xi32, #tpu.memory_space<vmem>> -> memref<1x128xi32, #tpu.memory_space<vmem>>
        %dma_start3A_134 = tpu.memref_squeeze %dma_start3A_133 : memref<1x128xi32, #tpu.memory_space<vmem>> -> memref<128xi32, #tpu.memory_space<vmem>>
        %dma_start3A_135 = arith.constant 0 : i32
        %dma_start3A_136 = arith.constant 0 : i32
        %dma_start3A_137 = tpu.memref_slice %arg11[%dma_start3A_135, %dma_start3A_136] : memref<10112x128xf32, #tpu.memory_space<vmem_shared>> -> memref<10112x128xf32, #tpu.memory_space<vmem_shared>>
        tpu.enqueue_indirect_dma source(%arg9 : memref<128x128xf32, #tpu.memory_space<vmem>>) target(%dma_start3A_137 : memref<10112x128xf32, #tpu.memory_space<vmem_shared>>) offsets(%dma_start3A_134 : memref<128xi32, #tpu.memory_space<vmem>>) semaphore(%run_scoped3A_131 : memref<!tpu.dma_semaphore, #tpu.memory_space<semaphore_mem>>) {add = true}
        %dma_wait3A_138 = arith.constant 0 : i32
        %dma_wait3A_139 = tpu.memref_slice %arg8[%mul3A_98, %dma_wait3A_138] : memref<40x128xi32, #tpu.memory_space<vmem>> -> memref<1x128xi32, #tpu.memory_space<vmem>>
        %dma_wait3A_140 = tpu.memref_squeeze %dma_wait3A_139 : memref<1x128xi32, #tpu.memory_space<vmem>> -> memref<128xi32, #tpu.memory_space<vmem>>
        %dma_wait3A_141 = arith.constant 0 : i32
        %dma_wait3A_142 = arith.constant 0 : i32
        %dma_wait3A_143 = tpu.memref_slice %arg11[%dma_wait3A_141, %dma_wait3A_142] : memref<10112x128xf32, #tpu.memory_space<vmem_shared>> -> memref<10112x128xf32, #tpu.memory_space<vmem_shared>>
        tpu.wait_indirect_dma semaphore(%run_scoped3A_131 : memref<!tpu.dma_semaphore, #tpu.memory_space<semaphore_mem>>) src(%arg9 : memref<128x128xf32, #tpu.memory_space<vmem>>) dst(%dma_wait3A_143 : memref<10112x128xf32, #tpu.memory_space<vmem_shared>>)
        tpu.yield
      }) : () -> ()
      %add3A_113 = arith.constant 2 : i32
      %add3A_114 = arith.addi %mul3A_98, %add3A_113 : i32
      %dma_start3A_115 = arith.constant 0 : i32
      %dma_start3A_116 = tpu.memref_slice %arg7[%add3A_114, %dma_start3A_115] : memref<40x128xi32, #tpu.memory_space<vmem>> -> memref<1x128xi32, #tpu.memory_space<vmem>>
      %dma_start3A_117 = tpu.memref_squeeze %dma_start3A_116 : memref<1x128xi32, #tpu.memory_space<vmem>> -> memref<128xi32, #tpu.memory_space<vmem>>
      %dma_start3A_118 = arith.constant 0 : i32
      %dma_start3A_119 = arith.constant 0 : i32
      %dma_start3A_120 = tpu.memref_slice %arg2[%dma_start3A_118, %dma_start3A_119] : memref<10000x128xf32, #tpu.memory_space<hbm>> -> memref<10000x128xf32, #tpu.memory_space<hbm>>
      tpu.enqueue_indirect_dma source(%dma_start3A_120 : memref<10000x128xf32, #tpu.memory_space<hbm>>) target(%arg9 : memref<128x128xf32, #tpu.memory_space<vmem>>) offsets(%dma_start3A_117 : memref<128xi32, #tpu.memory_space<vmem>>) semaphore(%arg12 : memref<!tpu.dma_semaphore, #tpu.memory_space<semaphore_mem>>)
      %add3A_121 = arith.constant 1 : i32
      %add3A_122 = arith.addi %mul3A_98, %add3A_121 : i32
      %dma_wait3A_123 = arith.constant 0 : i32
      %dma_wait3A_124 = tpu.memref_slice %arg7[%add3A_122, %dma_wait3A_123] : memref<40x128xi32, #tpu.memory_space<vmem>> -> memref<1x128xi32, #tpu.memory_space<vmem>>
      %dma_wait3A_125 = tpu.memref_squeeze %dma_wait3A_124 : memref<1x128xi32, #tpu.memory_space<vmem>> -> memref<128xi32, #tpu.memory_space<vmem>>
      %dma_wait3A_126 = arith.constant 0 : i32
      %dma_wait3A_127 = arith.constant 0 : i32
      %dma_wait3A_128 = tpu.memref_slice %arg2[%dma_wait3A_126, %dma_wait3A_127] : memref<10000x128xf32, #tpu.memory_space<hbm>> -> memref<10000x128xf32, #tpu.memory_space<hbm>>
      tpu.wait_indirect_dma semaphore(%arg13 : memref<!tpu.dma_semaphore, #tpu.memory_space<semaphore_mem>>) src(%dma_wait3A_128 : memref<10000x128xf32, #tpu.memory_space<hbm>>) dst(%arg10 : memref<128x128xf32, #tpu.memory_space<vmem>>)
      %add3A_129 = arith.constant 1 : i32
      %add3A_130 = arith.addi %mul3A_98, %add3A_129 : i32
      "tpu.region"() ({
        %run_scoped3A_131 = tpu.sem_alloc : memref<!tpu.dma_semaphore, #tpu.memory_space<semaphore_mem>>
        %dma_start3A_132 = arith.constant 0 : i32
        %dma_start3A_133 = tpu.memref_slice %arg8[%add3A_130, %dma_start3A_132] : memref<40x128xi32, #tpu.memory_space<vmem>> -> memref<1x128xi32, #tpu.memory_space<vmem>>
        %dma_start3A_134 = tpu.memref_squeeze %dma_start3A_133 : memref<1x128xi32, #tpu.memory_space<vmem>> -> memref<128xi32, #tpu.memory_space<vmem>>
        %dma_start3A_135 = arith.constant 0 : i32
        %dma_start3A_136 = arith.constant 0 : i32
        %dma_start3A_137 = tpu.memref_slice %arg11[%dma_start3A_135, %dma_start3A_136] : memref<10112x128xf32, #tpu.memory_space<vmem_shared>> -> memref<10112x128xf32, #tpu.memory_space<vmem_shared>>
        tpu.enqueue_indirect_dma source(%arg10 : memref<128x128xf32, #tpu.memory_space<vmem>>) target(%dma_start3A_137 : memref<10112x128xf32, #tpu.memory_space<vmem_shared>>) offsets(%dma_start3A_134 : memref<128xi32, #tpu.memory_space<vmem>>) semaphore(%run_scoped3A_131 : memref<!tpu.dma_semaphore, #tpu.memory_space<semaphore_mem>>) {add = true}
        %dma_wait3A_138 = arith.constant 0 : i32
        %dma_wait3A_139 = tpu.memref_slice %arg8[%add3A_130, %dma_wait3A_138] : memref<40x128xi32, #tpu.memory_space<vmem>> -> memref<1x128xi32, #tpu.memory_space<vmem>>
        %dma_wait3A_140 = tpu.memref_squeeze %dma_wait3A_139 : memref<1x128xi32, #tpu.memory_space<vmem>> -> memref<128xi32, #tpu.memory_space<vmem>>
        %dma_wait3A_141 = arith.constant 0 : i32
        %dma_wait3A_142 = arith.constant 0 : i32
        %dma_wait3A_143 = tpu.memref_slice %arg11[%dma_wait3A_141, %dma_wait3A_142] : memref<10112x128xf32, #tpu.memory_space<vmem_shared>> -> memref<10112x128xf32, #tpu.memory_space<vmem_shared>>
        tpu.wait_indirect_dma semaphore(%run_scoped3A_131 : memref<!tpu.dma_semaphore, #tpu.memory_space<semaphore_mem>>) src(%arg10 : memref<128x128xf32, #tpu.memory_space<vmem>>) dst(%dma_wait3A_143 : memref<10112x128xf32, #tpu.memory_space<vmem_shared>>)
        tpu.yield
      }) : () -> ()
    }
    %scan3A_64 = arith.constant 19 : i32
    %dma_start3A_65 = arith.constant 39 : i32
    %dma_start3A_66 = arith.constant 0 : i32
    %dma_start3A_67 = tpu.memref_slice %arg7[%dma_start3A_65, %dma_start3A_66] : memref<40x128xi32, #tpu.memory_space<vmem>> -> memref<1x128xi32, #tpu.memory_space<vmem>>
    %dma_start3A_68 = tpu.memref_squeeze %dma_start3A_67 : memref<1x128xi32, #tpu.memory_space<vmem>> -> memref<128xi32, #tpu.memory_space<vmem>>
    %dma_start3A_69 = arith.constant 0 : i32
    %dma_start3A_70 = arith.constant 0 : i32
    %dma_start3A_71 = tpu.memref_slice %arg2[%dma_start3A_69, %dma_start3A_70] : memref<10000x128xf32, #tpu.memory_space<hbm>> -> memref<10000x128xf32, #tpu.memory_space<hbm>>
    tpu.enqueue_indirect_dma source(%dma_start3A_71 : memref<10000x128xf32, #tpu.memory_space<hbm>>) target(%arg10 : memref<128x128xf32, #tpu.memory_space<vmem>>) offsets(%dma_start3A_68 : memref<128xi32, #tpu.memory_space<vmem>>) semaphore(%arg13 : memref<!tpu.dma_semaphore, #tpu.memory_space<semaphore_mem>>)
    %dma_wait3A_72 = arith.constant 38 : i32
    %dma_wait3A_73 = arith.constant 0 : i32
    %dma_wait3A_74 = tpu.memref_slice %arg7[%dma_wait3A_72, %dma_wait3A_73] : memref<40x128xi32, #tpu.memory_space<vmem>> -> memref<1x128xi32, #tpu.memory_space<vmem>>
    %dma_wait3A_75 = tpu.memref_squeeze %dma_wait3A_74 : memref<1x128xi32, #tpu.memory_space<vmem>> -> memref<128xi32, #tpu.memory_space<vmem>>
    %dma_wait3A_76 = arith.constant 0 : i32
    %dma_wait3A_77 = arith.constant 0 : i32
    %dma_wait3A_78 = tpu.memref_slice %arg2[%dma_wait3A_76, %dma_wait3A_77] : memref<10000x128xf32, #tpu.memory_space<hbm>> -> memref<10000x128xf32, #tpu.memory_space<hbm>>
    tpu.wait_indirect_dma semaphore(%arg12 : memref<!tpu.dma_semaphore, #tpu.memory_space<semaphore_mem>>) src(%dma_wait3A_78 : memref<10000x128xf32, #tpu.memory_space<hbm>>) dst(%arg9 : memref<128x128xf32, #tpu.memory_space<vmem>>)
    %run_scoped3A_79 = arith.constant 38 : i32
    "tpu.region"() ({
      %run_scoped3A_96 = tpu.sem_alloc : memref<!tpu.dma_semaphore, #tpu.memory_space<semaphore_mem>>
      %dma_start3A_97 = arith.constant 0 : i32
      %dma_start3A_98 = tpu.memref_slice %arg8[%run_scoped3A_79, %dma_start3A_97] : memref<40x128xi32, #tpu.memory_space<vmem>> -> memref<1x128xi32, #tpu.memory_space<vmem>>
      %dma_start3A_99 = tpu.memref_squeeze %dma_start3A_98 : memref<1x128xi32, #tpu.memory_space<vmem>> -> memref<128xi32, #tpu.memory_space<vmem>>
      %dma_start3A_100 = arith.constant 0 : i32
      %dma_start3A_101 = arith.constant 0 : i32
      %dma_start3A_102 = tpu.memref_slice %arg11[%dma_start3A_100, %dma_start3A_101] : memref<10112x128xf32, #tpu.memory_space<vmem_shared>> -> memref<10112x128xf32, #tpu.memory_space<vmem_shared>>
      tpu.enqueue_indirect_dma source(%arg9 : memref<128x128xf32, #tpu.memory_space<vmem>>) target(%dma_start3A_102 : memref<10112x128xf32, #tpu.memory_space<vmem_shared>>) offsets(%dma_start3A_99 : memref<128xi32, #tpu.memory_space<vmem>>) semaphore(%run_scoped3A_96 : memref<!tpu.dma_semaphore, #tpu.memory_space<semaphore_mem>>) {add = true}
      %dma_wait3A_103 = arith.constant 0 : i32
      %dma_wait3A_104 = tpu.memref_slice %arg8[%run_scoped3A_79, %dma_wait3A_103] : memref<40x128xi32, #tpu.memory_space<vmem>> -> memref<1x128xi32, #tpu.memory_space<vmem>>
      %dma_wait3A_105 = tpu.memref_squeeze %dma_wait3A_104 : memref<1x128xi32, #tpu.memory_space<vmem>> -> memref<128xi32, #tpu.memory_space<vmem>>
      %dma_wait3A_106 = arith.constant 0 : i32
      %dma_wait3A_107 = arith.constant 0 : i32
      %dma_wait3A_108 = tpu.memref_slice %arg11[%dma_wait3A_106, %dma_wait3A_107] : memref<10112x128xf32, #tpu.memory_space<vmem_shared>> -> memref<10112x128xf32, #tpu.memory_space<vmem_shared>>
      tpu.wait_indirect_dma semaphore(%run_scoped3A_96 : memref<!tpu.dma_semaphore, #tpu.memory_space<semaphore_mem>>) src(%arg9 : memref<128x128xf32, #tpu.memory_space<vmem>>) dst(%dma_wait3A_108 : memref<10112x128xf32, #tpu.memory_space<vmem_shared>>)
      tpu.yield
    }) : () -> ()
    %dma_wait3A_80 = arith.constant 39 : i32
    %dma_wait3A_81 = arith.constant 0 : i32
    %dma_wait3A_82 = tpu.memref_slice %arg7[%dma_wait3A_80, %dma_wait3A_81] : memref<40x128xi32, #tpu.memory_space<vmem>> -> memref<1x128xi32, #tpu.memory_space<vmem>>
    %dma_wait3A_83 = tpu.memref_squeeze %dma_wait3A_82 : memref<1x128xi32, #tpu.memory_space<vmem>> -> memref<128xi32, #tpu.memory_space<vmem>>
    %dma_wait3A_84 = arith.constant 0 : i32
    %dma_wait3A_85 = arith.constant 0 : i32
    %dma_wait3A_86 = tpu.memref_slice %arg2[%dma_wait3A_84, %dma_wait3A_85] : memref<10000x128xf32, #tpu.memory_space<hbm>> -> memref<10000x128xf32, #tpu.memory_space<hbm>>
    tpu.wait_indirect_dma semaphore(%arg13 : memref<!tpu.dma_semaphore, #tpu.memory_space<semaphore_mem>>) src(%dma_wait3A_86 : memref<10000x128xf32, #tpu.memory_space<hbm>>) dst(%arg10 : memref<128x128xf32, #tpu.memory_space<vmem>>)
    %run_scoped3A_87 = arith.constant 39 : i32
    "tpu.region"() ({
      %run_scoped3A_96 = tpu.sem_alloc : memref<!tpu.dma_semaphore, #tpu.memory_space<semaphore_mem>>
      %dma_start3A_97 = arith.constant 0 : i32
      %dma_start3A_98 = tpu.memref_slice %arg8[%run_scoped3A_87, %dma_start3A_97] : memref<40x128xi32, #tpu.memory_space<vmem>> -> memref<1x128xi32, #tpu.memory_space<vmem>>
      %dma_start3A_99 = tpu.memref_squeeze %dma_start3A_98 : memref<1x128xi32, #tpu.memory_space<vmem>> -> memref<128xi32, #tpu.memory_space<vmem>>
      %dma_start3A_100 = arith.constant 0 : i32
      %dma_start3A_101 = arith.constant 0 : i32
      %dma_start3A_102 = tpu.memref_slice %arg11[%dma_start3A_100, %dma_start3A_101] : memref<10112x128xf32, #tpu.memory_space<vmem_shared>> -> memref<10112x128xf32, #tpu.memory_space<vmem_shared>>
      tpu.enqueue_indirect_dma source(%arg10 : memref<128x128xf32, #tpu.memory_space<vmem>>) target(%dma_start3A_102 : memref<10112x128xf32, #tpu.memory_space<vmem_shared>>) offsets(%dma_start3A_99 : memref<128xi32, #tpu.memory_space<vmem>>) semaphore(%run_scoped3A_96 : memref<!tpu.dma_semaphore, #tpu.memory_space<semaphore_mem>>) {add = true}
      %dma_wait3A_103 = arith.constant 0 : i32
      %dma_wait3A_104 = tpu.memref_slice %arg8[%run_scoped3A_87, %dma_wait3A_103] : memref<40x128xi32, #tpu.memory_space<vmem>> -> memref<1x128xi32, #tpu.memory_space<vmem>>
      %dma_wait3A_105 = tpu.memref_squeeze %dma_wait3A_104 : memref<1x128xi32, #tpu.memory_space<vmem>> -> memref<128xi32, #tpu.memory_space<vmem>>
      %dma_wait3A_106 = arith.constant 0 : i32
      %dma_wait3A_107 = arith.constant 0 : i32
      %dma_wait3A_108 = tpu.memref_slice %arg11[%dma_wait3A_106, %dma_wait3A_107] : memref<10112x128xf32, #tpu.memory_space<vmem_shared>> -> memref<10112x128xf32, #tpu.memory_space<vmem_shared>>
      tpu.wait_indirect_dma semaphore(%run_scoped3A_96 : memref<!tpu.dma_semaphore, #tpu.memory_space<semaphore_mem>>) src(%arg10 : memref<128x128xf32, #tpu.memory_space<vmem>>) dst(%dma_wait3A_108 : memref<10112x128xf32, #tpu.memory_space<vmem_shared>>)
      tpu.yield
    }) : () -> ()
    %barrier3A_88 = arith.constant 0 : index
    tpu.barrier barrier_id(%barrier3A_88)
    %eq3A = arith.constant 0 : i32
    %eq3A_89 = arith.cmpi eq, %arg0, %eq3A : i32
    %convert_element_type3A = arith.extui %eq3A_89 : i1 to i32
    %cond3A = arith.constant 0 : i32
    %cond3A_90 = arith.cmpi ne, %convert_element_type3A, %cond3A : i32
    scf.if %cond3A_90 {
      %mul3A_96 = arith.constant 64 : i32
      %mul3A_97 = arith.muli %arg1, %mul3A_96 : i32
      %mul3A_98 = arith.constant 64 : i32
      %mul3A_99 = arith.muli %arg1, %mul3A_98 : i32
      "tpu.region"() ({
        %run_scoped3A_100 = tpu.sem_alloc : memref<!tpu.dma_semaphore, #tpu.memory_space<semaphore_mem>>
        %dma_start3A_101 = arith.constant 0 : i32
        %dma_start3A_102 = tpu.memref_slice %arg5[%mul3A_99, %dma_start3A_101] : memref<1024x128xf32, #tpu.memory_space<hbm>> -> memref<64x128xf32, #tpu.memory_space<hbm>>
        %dma_start3A_103 = arith.constant 0 : i32
        %dma_start3A_104 = tpu.memref_slice %arg11[%mul3A_97, %dma_start3A_103] : memref<10112x128xf32, #tpu.memory_space<vmem_shared>> -> memref<64x128xf32, #tpu.memory_space<vmem_shared>>
        tpu.enqueue_dma source(%dma_start3A_104 : memref<64x128xf32, #tpu.memory_space<vmem_shared>>) target(%dma_start3A_102 : memref<64x128xf32, #tpu.memory_space<hbm>>) target_semaphore(%run_scoped3A_100 : memref<!tpu.dma_semaphore, #tpu.memory_space<semaphore_mem>>)
        %dma_wait3A_105 = arith.constant 0 : i32
        %dma_wait3A_106 = tpu.memref_slice %arg5[%mul3A_99, %dma_wait3A_105] : memref<1024x128xf32, #tpu.memory_space<hbm>> -> memref<64x128xf32, #tpu.memory_space<hbm>>
        %dma_wait3A_107 = arith.constant 0 : i32
        %dma_wait3A_108 = tpu.memref_slice %arg11[%mul3A_97, %dma_wait3A_107] : memref<10112x128xf32, #tpu.memory_space<vmem_shared>> -> memref<64x128xf32, #tpu.memory_space<vmem_shared>>
        tpu.wait_dma2 semaphore(%run_scoped3A_100 : memref<!tpu.dma_semaphore, #tpu.memory_space<semaphore_mem>>) src(%dma_wait3A_108 : memref<64x128xf32, #tpu.memory_space<vmem_shared>>) dst(%dma_wait3A_106 : memref<64x128xf32, #tpu.memory_space<hbm>>)
        tpu.yield
      }) : () -> ()
    } else {
    }
    %eq3A_91 = arith.constant 1 : i32
    %eq3A_92 = arith.cmpi eq, %arg0, %eq3A_91 : i32
    %convert_element_type3A_93 = arith.extui %eq3A_92 : i1 to i32
    %cond3A_94 = arith.constant 0 : i32
    %cond3A_95 = arith.cmpi ne, %convert_element_type3A_93, %cond3A_94 : i32
    scf.if %cond3A_95 {
      %mul3A_96 = arith.constant 64 : i32
      %mul3A_97 = arith.muli %arg1, %mul3A_96 : i32
      %mul3A_98 = arith.constant 64 : i32
      %mul3A_99 = arith.muli %arg1, %mul3A_98 : i32
      "tpu.region"() ({
        %run_scoped3A_100 = tpu.sem_alloc : memref<!tpu.dma_semaphore, #tpu.memory_space<semaphore_mem>>
        %dma_start3A_101 = arith.constant 0 : i32
        %dma_start3A_102 = tpu.memref_slice %arg6[%mul3A_99, %dma_start3A_101] : memref<1024x128xf32, #tpu.memory_space<hbm>> -> memref<64x128xf32, #tpu.memory_space<hbm>>
        %dma_start3A_103 = arith.constant 0 : i32
        %dma_start3A_104 = tpu.memref_slice %arg11[%mul3A_97, %dma_start3A_103] : memref<10112x128xf32, #tpu.memory_space<vmem_shared>> -> memref<64x128xf32, #tpu.memory_space<vmem_shared>>
        tpu.enqueue_dma source(%dma_start3A_104 : memref<64x128xf32, #tpu.memory_space<vmem_shared>>) target(%dma_start3A_102 : memref<64x128xf32, #tpu.memory_space<hbm>>) target_semaphore(%run_scoped3A_100 : memref<!tpu.dma_semaphore, #tpu.memory_space<semaphore_mem>>)
        %dma_wait3A_105 = arith.constant 0 : i32
        %dma_wait3A_106 = tpu.memref_slice %arg6[%mul3A_99, %dma_wait3A_105] : memref<1024x128xf32, #tpu.memory_space<hbm>> -> memref<64x128xf32, #tpu.memory_space<hbm>>
        %dma_wait3A_107 = arith.constant 0 : i32
        %dma_wait3A_108 = tpu.memref_slice %arg11[%mul3A_97, %dma_wait3A_107] : memref<10112x128xf32, #tpu.memory_space<vmem_shared>> -> memref<64x128xf32, #tpu.memory_space<vmem_shared>>
        tpu.wait_dma2 semaphore(%run_scoped3A_100 : memref<!tpu.dma_semaphore, #tpu.memory_space<semaphore_mem>>) src(%dma_wait3A_108 : memref<64x128xf32, #tpu.memory_space<vmem_shared>>) dst(%dma_wait3A_106 : memref<64x128xf32, #tpu.memory_space<hbm>>)
        tpu.yield
      }) : () -> ()
    } else {
    }
    return
  }
}

module attributes {stable_mosaic.version = 14 : i64} {
  func.func @_mm_body(%arg0: i32, %arg1: memref<2000x128xf32, #tpu.memory_space<vmem>>, %arg2: memref<2000x128xf32, #tpu.memory_space<vmem>>, %arg3: memref<2000x128xf32, #tpu.memory_space<vmem>>, %arg4: memref<2000x128xf32, #tpu.memory_space<vmem>>, %arg5: memref<2000x128xf32, #tpu.memory_space<vmem>>, %arg6: memref<128x128xf32, #tpu.memory_space<vmem>>, %arg7: memref<128x128xf32, #tpu.memory_space<vmem>>, %arg8: memref<8x128xf32, #tpu.memory_space<vmem>>, %arg9: memref<2000x128xf32, #tpu.memory_space<vmem>>) attributes {dimension_semantics = [#tpu.dimension_semantics<arbitrary>], iteration_bounds = array<i64: 5>, scalar_prefetch = 0 : i64, scratch_operands = 0 : i64, tpu.core_type = #tpu.core_type<tc>, window_params = [{transform_indices = @transform_0, window_bounds = array<i64: 2000, 128>}, {transform_indices = @transform_1, window_bounds = array<i64: 2000, 128>}, {transform_indices = @transform_2, window_bounds = array<i64: 2000, 128>}, {transform_indices = @transform_3, window_bounds = array<i64: 2000, 128>}, {transform_indices = @transform_4, window_bounds = array<i64: 2000, 128>}, {pipeline_mode = #tpu.pipeline_mode<synchronous>, transform_indices = @transform_5, window_bounds = array<i64: 128, 128>}, {pipeline_mode = #tpu.pipeline_mode<synchronous>, transform_indices = @transform_6, window_bounds = array<i64: 128, 128>}, {pipeline_mode = #tpu.pipeline_mode<synchronous>, transform_indices = @transform_7, window_bounds = array<i64: 8, 128>}, {transform_indices = @transform_8, window_bounds = array<i64: 2000, 128>}]} {
    %get3A = arith.constant 0 : index
    %get3A_0 = arith.constant 0 : index
    %get3A_1 = vector.load %arg3[%get3A, %get3A_0] : memref<2000x128xf32, #tpu.memory_space<vmem>>, vector<2000x1xf32>
    %get3A_2 = arith.constant 0 : index
    %get3A_3 = arith.constant 0 : index
    %get3A_4 = vector.load %arg4[%get3A_2, %get3A_3] : memref<2000x128xf32, #tpu.memory_space<vmem>>, vector<2000x1xf32>
    %add3A = arith.addf %get3A_1, %get3A_4 : vector<2000x1xf32>
    %max3A = arith.constant 1.000000e+00 : f32
    %max3A_5 = vector.broadcast %max3A : f32 to vector<2000x1xf32>
    %max3A_6 = arith.maximumf %add3A, %max3A_5 : vector<2000x1xf32>
    %div3A = arith.constant 1.000000e+00 : f32
    %div3A_7 = vector.broadcast %div3A : f32 to vector<2000x1xf32>
    %div3A_8 = arith.divf %div3A_7, %max3A_6 : vector<2000x1xf32>
    %get3A_9 = arith.constant 0 : index
    %get3A_10 = arith.constant 0 : index
    %get3A_11 = vector.load %arg1[%get3A_9, %get3A_10] : memref<2000x128xf32, #tpu.memory_space<vmem>>, vector<2000x128xf32>
    %get3A_12 = arith.constant 0 : index
    %get3A_13 = arith.constant 0 : index
    %get3A_14 = vector.load %arg2[%get3A_12, %get3A_13] : memref<2000x128xf32, #tpu.memory_space<vmem>>, vector<2000x128xf32>
    %add3A_15 = arith.addf %get3A_11, %get3A_14 : vector<2000x128xf32>
    %mul3A = vector.broadcast %div3A_8 : vector<2000x1xf32> to vector<2000x128xf32>
    %mul3A_16 = arith.mulf %add3A_15, %mul3A : vector<2000x128xf32>
    %get3A_17 = arith.constant 0 : index
    %get3A_18 = arith.constant 0 : index
    %get3A_19 = vector.load %arg6[%get3A_17, %get3A_18] : memref<128x128xf32, #tpu.memory_space<vmem>>, vector<128x128xf32>
    %dot_general3A = arith.constant dense<0.000000e+00> : vector<2000x128xf32>
    %dot_general3A_20 = tpu.matmul %mul3A_16, %get3A_19, %dot_general3A {dimension_numbers = #tpu.dot_dimension_numbers<[1], [0], [0], [1], [0, 0, 1, 1], [], []>, transpose_lhs_hint = false} : vector<2000x128xf32>, vector<128x128xf32>, vector<2000x128xf32> -> vector<2000x128xf32>
    %get3A_21 = arith.constant 0 : index
    %get3A_22 = arith.constant 0 : index
    %get3A_23 = vector.load %arg5[%get3A_21, %get3A_22] : memref<2000x128xf32, #tpu.memory_space<vmem>>, vector<2000x128xf32>
    %get3A_24 = arith.constant 0 : index
    %get3A_25 = arith.constant 0 : index
    %get3A_26 = vector.load %arg7[%get3A_24, %get3A_25] : memref<128x128xf32, #tpu.memory_space<vmem>>, vector<128x128xf32>
    %dot_general3A_27 = arith.constant dense<0.000000e+00> : vector<2000x128xf32>
    %dot_general3A_28 = tpu.matmul %get3A_23, %get3A_26, %dot_general3A_27 {dimension_numbers = #tpu.dot_dimension_numbers<[1], [0], [0], [1], [0, 0, 1, 1], [], []>, transpose_lhs_hint = false} : vector<2000x128xf32>, vector<128x128xf32>, vector<2000x128xf32> -> vector<2000x128xf32>
    %add3A_29 = arith.addf %dot_general3A_20, %dot_general3A_28 : vector<2000x128xf32>
    %get3A_30 = arith.constant 0 : index
    %get3A_31 = arith.constant 0 : index
    %get3A_32 = vector.load %arg8[%get3A_30, %get3A_31] : memref<8x128xf32, #tpu.memory_space<vmem>>, vector<1x128xf32>
    %add3A_33 = vector.broadcast %get3A_32 : vector<1x128xf32> to vector<2000x128xf32>
    %add3A_34 = arith.addf %add3A_29, %add3A_33 : vector<2000x128xf32>
    %ge3A = arith.constant 0.000000e+00 : f32
    %ge3A_35 = vector.broadcast %ge3A : f32 to vector<2000x128xf32>
    %ge3A_36 = arith.cmpf oge, %add3A_34, %ge3A_35 : vector<2000x128xf32>
    %mul3A_37 = arith.constant 1.000000e-01 : f32
    %mul3A_38 = vector.broadcast %mul3A_37 : f32 to vector<2000x128xf32>
    %mul3A_39 = arith.mulf %mul3A_38, %add3A_34 : vector<2000x128xf32>
    %select_n3A = arith.select %ge3A_36, %add3A_34, %mul3A_39 : vector<2000x128xi1>, vector<2000x128xf32>
    %swap3A = arith.constant 0 : index
    %swap3A_40 = arith.constant 0 : index
    %swap3A_41 = vector.load %arg9[%swap3A, %swap3A_40] : memref<2000x128xf32, #tpu.memory_space<vmem>>, vector<2000x128xf32>
    tpu.vector_store %arg9[%swap3A, %swap3A_40], %select_n3A {strides = array<i32>} : memref<2000x128xf32, #tpu.memory_space<vmem>>, vector<2000x128xf32>,
    return
  }
  func.func @transform_0(%arg0: i32) -> (i32, i32) {
    %c0_i32 = arith.constant 0 : i32
    %c0_i32_0 = arith.constant 0 : i32
    return %arg0, %c0_i32 : i32, i32
  }
  func.func @transform_1(%arg0: i32) -> (i32, i32) {
    %c0_i32 = arith.constant 0 : i32
    %c0_i32_0 = arith.constant 0 : i32
    return %arg0, %c0_i32 : i32, i32
  }
  func.func @transform_2(%arg0: i32) -> (i32, i32) {
    %c0_i32 = arith.constant 0 : i32
    %c0_i32_0 = arith.constant 0 : i32
    return %arg0, %c0_i32 : i32, i32
  }
  func.func @transform_3(%arg0: i32) -> (i32, i32) {
    %c0_i32 = arith.constant 0 : i32
    %c0_i32_0 = arith.constant 0 : i32
    return %arg0, %c0_i32 : i32, i32
  }
  func.func @transform_4(%arg0: i32) -> (i32, i32) {
    %c0_i32 = arith.constant 0 : i32
    %c0_i32_0 = arith.constant 0 : i32
    return %arg0, %c0_i32 : i32, i32
  }
  func.func @transform_5(%arg0: i32) -> (i32, i32) {
    %c0_i32 = arith.constant 0 : i32
    %c0_i32_0 = arith.constant 0 : i32
    %c0_i32_1 = arith.constant 0 : i32
    return %c0_i32, %c0_i32_0 : i32, i32
  }
  func.func @transform_6(%arg0: i32) -> (i32, i32) {
    %c0_i32 = arith.constant 0 : i32
    %c0_i32_0 = arith.constant 0 : i32
    %c0_i32_1 = arith.constant 0 : i32
    return %c0_i32, %c0_i32_0 : i32, i32
  }
  func.func @transform_7(%arg0: i32) -> (i32, i32) {
    %c0_i32 = arith.constant 0 : i32
    %c0_i32_0 = arith.constant 0 : i32
    %c0_i32_1 = arith.constant 0 : i32
    return %c0_i32, %c0_i32_0 : i32, i32
  }
  func.func @transform_8(%arg0: i32) -> (i32, i32) {
    %c0_i32 = arith.constant 0 : i32
    %c0_i32_0 = arith.constant 0 : i32
    return %arg0, %c0_i32 : i32, i32
  }
}

module attributes {stable_mosaic.version = 14 : i64} {
  func.func @_mm_body(%arg0: i32, %arg1: memref<1024x128xf32, #tpu.memory_space<vmem>>, %arg2: memref<1024x128xf32, #tpu.memory_space<vmem>>, %arg3: memref<1024x128xf32, #tpu.memory_space<vmem>>, %arg4: memref<1024x128xf32, #tpu.memory_space<vmem>>, %arg5: memref<1024x128xf32, #tpu.memory_space<vmem>>, %arg6: memref<128x128xf32, #tpu.memory_space<vmem>>, %arg7: memref<128x128xf32, #tpu.memory_space<vmem>>, %arg8: memref<8x128xf32, #tpu.memory_space<vmem>>, %arg9: memref<1024x128xf32, #tpu.memory_space<vmem>>) attributes {dimension_semantics = [#tpu.dimension_semantics<arbitrary>], iteration_bounds = array<i64: 1>, scalar_prefetch = 0 : i64, scratch_operands = 0 : i64, tpu.core_type = #tpu.core_type<tc>, window_params = [{transform_indices = @transform_0, window_bounds = array<i64: 1024, 128>}, {transform_indices = @transform_1, window_bounds = array<i64: 1024, 128>}, {transform_indices = @transform_2, window_bounds = array<i64: 1024, 128>}, {transform_indices = @transform_3, window_bounds = array<i64: 1024, 128>}, {transform_indices = @transform_4, window_bounds = array<i64: 1024, 128>}, {pipeline_mode = #tpu.pipeline_mode<synchronous>, transform_indices = @transform_5, window_bounds = array<i64: 128, 128>}, {pipeline_mode = #tpu.pipeline_mode<synchronous>, transform_indices = @transform_6, window_bounds = array<i64: 128, 128>}, {pipeline_mode = #tpu.pipeline_mode<synchronous>, transform_indices = @transform_7, window_bounds = array<i64: 8, 128>}, {transform_indices = @transform_8, window_bounds = array<i64: 1024, 128>}]} {
    %get3A = arith.constant 0 : index
    %get3A_0 = arith.constant 0 : index
    %get3A_1 = vector.load %arg3[%get3A, %get3A_0] : memref<1024x128xf32, #tpu.memory_space<vmem>>, vector<1024x1xf32>
    %get3A_2 = arith.constant 0 : index
    %get3A_3 = arith.constant 0 : index
    %get3A_4 = vector.load %arg4[%get3A_2, %get3A_3] : memref<1024x128xf32, #tpu.memory_space<vmem>>, vector<1024x1xf32>
    %add3A = arith.addf %get3A_1, %get3A_4 : vector<1024x1xf32>
    %max3A = arith.constant 1.000000e+00 : f32
    %max3A_5 = vector.broadcast %max3A : f32 to vector<1024x1xf32>
    %max3A_6 = arith.maximumf %add3A, %max3A_5 : vector<1024x1xf32>
    %div3A = arith.constant 1.000000e+00 : f32
    %div3A_7 = vector.broadcast %div3A : f32 to vector<1024x1xf32>
    %div3A_8 = arith.divf %div3A_7, %max3A_6 : vector<1024x1xf32>
    %get3A_9 = arith.constant 0 : index
    %get3A_10 = arith.constant 0 : index
    %get3A_11 = vector.load %arg1[%get3A_9, %get3A_10] : memref<1024x128xf32, #tpu.memory_space<vmem>>, vector<1024x128xf32>
    %get3A_12 = arith.constant 0 : index
    %get3A_13 = arith.constant 0 : index
    %get3A_14 = vector.load %arg2[%get3A_12, %get3A_13] : memref<1024x128xf32, #tpu.memory_space<vmem>>, vector<1024x128xf32>
    %add3A_15 = arith.addf %get3A_11, %get3A_14 : vector<1024x128xf32>
    %mul3A = vector.broadcast %div3A_8 : vector<1024x1xf32> to vector<1024x128xf32>
    %mul3A_16 = arith.mulf %add3A_15, %mul3A : vector<1024x128xf32>
    %get3A_17 = arith.constant 0 : index
    %get3A_18 = arith.constant 0 : index
    %get3A_19 = vector.load %arg6[%get3A_17, %get3A_18] : memref<128x128xf32, #tpu.memory_space<vmem>>, vector<128x128xf32>
    %dot_general3A = arith.constant dense<0.000000e+00> : vector<1024x128xf32>
    %dot_general3A_20 = tpu.matmul %mul3A_16, %get3A_19, %dot_general3A {dimension_numbers = #tpu.dot_dimension_numbers<[1], [0], [0], [1], [0, 0, 1, 1], [], []>, transpose_lhs_hint = false} : vector<1024x128xf32>, vector<128x128xf32>, vector<1024x128xf32> -> vector<1024x128xf32>
    %get3A_21 = arith.constant 0 : index
    %get3A_22 = arith.constant 0 : index
    %get3A_23 = vector.load %arg5[%get3A_21, %get3A_22] : memref<1024x128xf32, #tpu.memory_space<vmem>>, vector<1024x128xf32>
    %get3A_24 = arith.constant 0 : index
    %get3A_25 = arith.constant 0 : index
    %get3A_26 = vector.load %arg7[%get3A_24, %get3A_25] : memref<128x128xf32, #tpu.memory_space<vmem>>, vector<128x128xf32>
    %dot_general3A_27 = arith.constant dense<0.000000e+00> : vector<1024x128xf32>
    %dot_general3A_28 = tpu.matmul %get3A_23, %get3A_26, %dot_general3A_27 {dimension_numbers = #tpu.dot_dimension_numbers<[1], [0], [0], [1], [0, 0, 1, 1], [], []>, transpose_lhs_hint = false} : vector<1024x128xf32>, vector<128x128xf32>, vector<1024x128xf32> -> vector<1024x128xf32>
    %add3A_29 = arith.addf %dot_general3A_20, %dot_general3A_28 : vector<1024x128xf32>
    %get3A_30 = arith.constant 0 : index
    %get3A_31 = arith.constant 0 : index
    %get3A_32 = vector.load %arg8[%get3A_30, %get3A_31] : memref<8x128xf32, #tpu.memory_space<vmem>>, vector<1x128xf32>
    %add3A_33 = vector.broadcast %get3A_32 : vector<1x128xf32> to vector<1024x128xf32>
    %add3A_34 = arith.addf %add3A_29, %add3A_33 : vector<1024x128xf32>
    %swap3A = arith.constant 0 : index
    %swap3A_35 = arith.constant 0 : index
    %swap3A_36 = vector.load %arg9[%swap3A, %swap3A_35] : memref<1024x128xf32, #tpu.memory_space<vmem>>, vector<1024x128xf32>
    tpu.vector_store %arg9[%swap3A, %swap3A_35], %add3A_34 {strides = array<i32>} : memref<1024x128xf32, #tpu.memory_space<vmem>>, vector<1024x128xf32>,
    return
  }
  func.func @transform_0(%arg0: i32) -> (i32, i32) {
    %c0_i32 = arith.constant 0 : i32
    %c0_i32_0 = arith.constant 0 : i32
    return %arg0, %c0_i32 : i32, i32
  }
  func.func @transform_1(%arg0: i32) -> (i32, i32) {
    %c0_i32 = arith.constant 0 : i32
    %c0_i32_0 = arith.constant 0 : i32
    return %arg0, %c0_i32 : i32, i32
  }
  func.func @transform_2(%arg0: i32) -> (i32, i32) {
    %c0_i32 = arith.constant 0 : i32
    %c0_i32_0 = arith.constant 0 : i32
    return %arg0, %c0_i32 : i32, i32
  }
  func.func @transform_3(%arg0: i32) -> (i32, i32) {
    %c0_i32 = arith.constant 0 : i32
    %c0_i32_0 = arith.constant 0 : i32
    return %arg0, %c0_i32 : i32, i32
  }
  func.func @transform_4(%arg0: i32) -> (i32, i32) {
    %c0_i32 = arith.constant 0 : i32
    %c0_i32_0 = arith.constant 0 : i32
    return %arg0, %c0_i32 : i32, i32
  }
  func.func @transform_5(%arg0: i32) -> (i32, i32) {
    %c0_i32 = arith.constant 0 : i32
    %c0_i32_0 = arith.constant 0 : i32
    %c0_i32_1 = arith.constant 0 : i32
    return %c0_i32, %c0_i32_0 : i32, i32
  }
  func.func @transform_6(%arg0: i32) -> (i32, i32) {
    %c0_i32 = arith.constant 0 : i32
    %c0_i32_0 = arith.constant 0 : i32
    %c0_i32_1 = arith.constant 0 : i32
    return %c0_i32, %c0_i32_0 : i32, i32
  }
  func.func @transform_7(%arg0: i32) -> (i32, i32) {
    %c0_i32 = arith.constant 0 : i32
    %c0_i32_0 = arith.constant 0 : i32
    %c0_i32_1 = arith.constant 0 : i32
    return %c0_i32, %c0_i32_0 : i32, i32
  }
  func.func @transform_8(%arg0: i32) -> (i32, i32) {
    %c0_i32 = arith.constant 0 : i32
    %c0_i32_0 = arith.constant 0 : i32
    return %arg0, %c0_i32 : i32, i32
  }
}

</mosaic_0001>

<sc_bundles>
// kernel: kernel.12.cloned.1.call-start
scs
__scs_entry_jumppad:
0x0: {  	(pc) =	sbr.rel $0x88, $3  }
0x1: {  	(tag) =	ssettag $0x0;
	lr =	simm.s32 $0x1  }
0x2: {  	[smem:$0x3F95] =	sst lr;
	_ =	strace $0xD0000000  }
0x3: {  	_ = 	snop  }
0x4: {  	_ = 	snop  }
0x5: {  	_ = 	snop  }
0x6: {  	_ = 	snop  }
0x7: {  	_ = 	snop  }
__scs_overlays_trampoline_lowered:
0x8: {  	[smem:$0x3FA4] =	sst s0  }
0x9: {  	[smem:$0x3FA5] =	sst s1  }
0xa: {  	[smem:$0x3FA6] =	sst s2  }
0xb: {  	[smem:$0x3FA7] =	sst s3  }
0xc: {  	[smem:$0x3FA8] =	sst s4  }
0xd: {  	[smem:$0x3FA9] =	sst s5  }
0xe: {  	[smem:$0x3FAA] =	sst s6  }
0xf: {  	[smem:$0x3FAB] =	sst s7  }
0x10: {  	[smem:$0x3FAC] =	sst s8  }
0x11: {  	[smem:$0x3FAD] =	sst s9;
	s0 =	simm.s32 @!p0 $0x0  }
0x12: {  	s1 =	sld [smem:$0x3F93];
	s0 =	simm.s32 @p0 $0x1  }
0x13: {  	[smem:$0x3FAE] =	sst s0;
	s0 =	simm.s32 @!p1 $0x0  }
0x14: {  	s2 =	sld [smem:$0x3F92];
	s0 =	simm.s32 @p1 $0x1  }
0x15: {  	[smem:$0x3FAF] =	sst s0;
	s0 =	simm.s32 @!p2 $0x0  }
0x16: {  	s3 =	sld [smem:$0x3FDB];
	s0 =	simm.s32 @p2 $0x1  }
0x17: {  	s4 =	simm.s32 $0x1BF5;
	[smem:$0x3FB1] =	sst s0  }
0x18: {  	s0 =	sld [smem:$0x3F94];
	_ =	swait.ge [sflag:s4], $0x0  }
0x19: {  	s7 =	sld [smem:$0x3F95]  }
0x1a: {  	s8 =	sadd.s32 $0xFFFFE003, lr  }
0x1b: {  	s9 =	sadd.s32 $0xFFFFFEF7, lr;
	s5 =	simm.s32 $0xFFFFFFFF;
	p2 =	slt.u32 s8, $0xFFFFF086  }
0x1c: {  	p1 =	slt.u32 s9, $0xF7A;
	s5 =	simm.s32 @!p2 $0x0  }
0x1d: {  	s5 =	simm.s32 @p1 $0x1;
	p0 =	seq.s32 s7, s2  }
0x1e: {  	s7 =	smul.u32 @!p0 $0xF7A, s2;
	p2 =	seq.s32 @!p0 s5, $0x0  }
0x1f: {  	s9 =	smul.u32 $0xF7A, s1;
	s8 =	simm.s32 @!p0 $0x1BF5;
	p2 =	por !p2, p0  }
0x20: {  	[sflag:s8] =	ssyncset.s32 @!p0 $0xFFFFF086;
	s6 =	sadd.s32 @!p0 s3, s7;
	s7 =	simm.s32 @!p0 $0x108  }
0x21: {  	s3 =	sadd.s32 s3, s9;
	s6 =	sadd.s32 @!p0 $0x88, s6;
	s7 =	simm.s32 @p2 $0x1082  }
0x22: {  	[simem:s7], [sflag:s8] =	dma.local @!p0 [hbm:s6], $0xF7A  }
0x23: {  	s9 =	sor.u32 $0xD0000000, s2;
	s6 =	simm.s32 $0x108;
	_ =	swait.ge @!p0 [sflag:s8], $0x0  }
0x24: {  	s3 =	sadd.s32 $0x88, s3;
	s6 =	simm.s32 @!p1 $0x1082;
	[sflag:s4] =	ssyncset.s32 $0xFFFFF086  }
0x25: {  	[simem:s6], [sflag:s4] =	dma.local [hbm:s3], $0xF7A  }
0x26: {  	[smem:$0x3F95] =	sst s1;
	(tag) =	ssettag s2;
	_ =	strace s9  }
0x27: {  	s1 =	sld [smem:$0x3FA5]  }
0x28: {  	s2 =	sld [smem:$0x3FA6]  }
0x29: {  	s4 =	sld [smem:$0x3FA8]  }
0x2a: {  	p0 =	seq.s32 s5, $0x0;
	s5 =	sld [smem:$0x3FA9]  }
0x2b: {  	s6 =	sld [smem:$0x3FAA]  }
0x2c: {  	s7 =	sld [smem:$0x3FAB]  }
0x2d: {  	s3 =	simm.s32 $0x108;
	s8 =	sld [smem:$0x3FAC]  }
0x2e: {  	s3 =	simm.s32 @!p0 $0x1082;
	s9 =	sld [smem:$0x3FAD]  }
0x2f: {  	lr =	sadd.s32 s0, s3;
	s0 =	sld [smem:$0x3FA4]  }
0x30: {  	s3 =	sld [smem:$0x3FA7]  }
0x31: {  	[smem:$0x3FB0] =	sst s10  }
0x32: {  	s10 =	sld [smem:$0x3FAE];
	_ =	sdelay $0x3  }
0x33: {  	p0 =	seq.s32 s10, $0x1;
	s10 =	sld [smem:$0x3FB0];
	_ =	sdelay $0x3  }
0x34: {  	[smem:$0x3FB0] =	sst s10  }
0x35: {  	s10 =	sld [smem:$0x3FAF];
	_ =	sdelay $0x3  }
0x36: {  	p1 =	seq.s32 s10, $0x1;
	s10 =	sld [smem:$0x3FB0];
	_ =	sdelay $0x3  }
0x37: {  	[smem:$0x3FB0] =	sst s10  }
0x38: {  	s10 =	sld [smem:$0x3FB1]  }
0x39: {  	_ = 	snop;
	(pc) =	sbr.ind lr, $3  }
0x3a: {  	_ = 	snop  }
0x3b: {  	_ = 	snop  }
0x3c: {  	p2 =	seq.s32 s10, $0x1;
	s10 =	sld [smem:$0x3FB0]  }
0x3d: {  	_ =	shalt  }
0x3e: {  	_ =	shalt  }
0x3f: {  	_ =	shalt  }
0x40: {  	_ =	shalt  }
0x41: {  	_ =	shalt  }
0x42: {  	_ =	shalt  }
0x43: {  	_ =	shalt  }
0x44: {  	_ =	shalt  }
0x45: {  	_ =	shalt  }
0x46: {  	_ =	shalt  }
0x47: {  	_ =	shalt  }
0x48: {  	_ =	shalt  }
0x49: {  	_ =	shalt  }
0x4a: {  	_ =	shalt  }
0x4b: {  	_ =	shalt  }
0x4c: {  	_ =	shalt  }
0x4d: {  	_ =	shalt  }
0x4e: {  	_ =	shalt  }
0x4f: {  	_ =	shalt  }
0x50: {  	_ =	shalt  }
0x51: {  	_ =	shalt  }
0x52: {  	_ =	shalt  }
0x53: {  	_ =	shalt  }
0x54: {  	_ =	shalt  }
0x55: {  	_ =	shalt  }
0x56: {  	_ =	shalt  }
0x57: {  	_ =	shalt  }
0x58: {  	_ =	shalt  }
0x59: {  	_ =	shalt  }
0x5a: {  	_ =	shalt  }
0x5b: {  	_ =	shalt  }
0x5c: {  	_ =	shalt  }
0x5d: {  	_ =	shalt  }
0x5e: {  	_ =	shalt  }
0x5f: {  	_ =	shalt  }
0x60: {  	_ =	shalt  }
0x61: {  	_ =	shalt  }
0x62: {  	_ =	shalt  }
0x63: {  	_ =	shalt  }
0x64: {  	_ =	shalt  }
0x65: {  	_ =	shalt  }
0x66: {  	_ =	shalt  }
0x67: {  	_ =	shalt  }
0x68: {  	_ =	shalt  }
0x69: {  	_ =	shalt  }
0x6a: {  	_ =	shalt  }
0x6b: {  	_ =	shalt  }
0x6c: {  	_ =	shalt  }
0x6d: {  	_ =	shalt  }
0x6e: {  	_ =	shalt  }
0x6f: {  	_ =	shalt  }
0x70: {  	_ =	shalt  }
0x71: {  	_ =	shalt  }
0x72: {  	_ =	shalt  }
0x73: {  	_ =	shalt  }
0x74: {  	_ =	shalt  }
0x75: {  	_ =	shalt  }
0x76: {  	_ =	shalt  }
0x77: {  	_ =	shalt  }
0x78: {  	_ =	shalt  }
0x79: {  	_ =	shalt  }
0x7a: {  	_ =	shalt  }
0x7b: {  	_ =	shalt  }
0x7c: {  	_ =	shalt  }
0x7d: {  	_ =	shalt  }
0x7e: {  	_ =	shalt  }
0x7f: {  	_ =	shalt  }
0x80: {  	_ =	shalt  }
0x81: {  	_ =	shalt  }
0x82: {  	_ =	shalt  }
0x83: {  	_ =	shalt  }
0x84: {  	_ =	shalt  }
0x85: {  	_ =	shalt  }
0x86: {  	_ =	shalt  }
0x87: {  	_ =	shalt  }
.Lfunc_end0:
.L_simem_size_0:
called_computation.1_lowered:
.L_overlay_start_0:
0x88: {  	s2 =	sld [smem:$0x3FD9]  }
0x89: {  	s3 =	sld [smem:$0x3FFE];
	_ =	sdelay $0x1  }
0x8a: {  	s1 =	srdreg.scid  }
0x8b: {  	s0 =	sand.u32 $0x1, s1  }
0x8c: {  	s17 =	sshll.u32 s0, $0xA;
	s2 =	sadd.s32 s3, s2  }
0x8d: {  	s2 =	sadd.s32 s2, s17  }
0x8e: {  	[smem:$0x3FBC] =	sst s2  }
0x8f: {  	_ = 	snop  }
0x90: {  	s2 =	sld [smem:$0x3FC9];
	(tm) =	ssettm $0x1  }
0x91: {  	s18 =	sld [smem:$0x3FFB];
	_ =	sdelay $0x3  }
0x92: {  	_ =	strace s18  }
0x93: {  	s3 =	sld [smem:$0x3FFC];
	_ =	sdelay $0x3  }
0x94: {  	_ =	strace s3  }
0x95: {  	s3 =	sld [smem:$0x3FFD];
	_ =	sdelay $0x3  }
0x96: {  	_ =	strace s3  }
0x97: {  	_ =	strace $0x8FFFFFFF  }
0x98: {  	s19 =	sld [smem:$0x3FDB];
	_ =	sdelay $0x1  }
0x99: {  	s4 =	simm.s32 $_scs_section_size  }
0x9a: {  	s5 =	simm.s32 $_size__tile_overlayer_lowered;
	s6 =	simm.s32 $_tile_overlayer_lowered  }
0x9b: {  	s22 =	simm.s32 $0x1BFF;
	s21 =	sshll.u32 s6, $0x1;
	s3 =	sadd.s32 s4, s19  }
0x9c: {  	s7 =	simm.s32 $0x0;
	s20 =	sshll.u32 s5, $0x1;
	s5 =	sadd.s32 s21, s3  }
0x9d: {  	[timem:s7], [sflag:s22] =	dma.local [hbm:s5], s20  }
0x9e: {  	_ =	swait.ge [sflag:s22], s20  }
0x9f: {  	s4 =	ssub.s32 $0x0, s20;
	[sflag:s22] =	ssyncset.done $0x0  }
0xa0: {  	[sflag:s22] =	ssyncadd.s32 s4;
	_ =	sdelay $0x1  }
0xa1: {  	s23 =	simm.s32 $0x1B8B  }
0xa2: {  	_ =	swait.ge [sflag:s23], $0x1  }
0xa3: {  	[sflag:s23] =	ssyncset.done $0x0  }
0xa4: {  	s25 =	simm.s32 $0x1B8E;
	s24 =	sld [smem:$0x3FFE];
	[sflag:s23] =	ssyncadd.s32 $0xFFFFFFFF  }
0xa5: {  	s26 =	simm.s32 $execute0_lowered;
	[smem:$0x3FD2] =	sst s25  }
0xa6: {  	s5 =	sshll.u32 s26, $0x1;
	_ =	strace $0x80000046;
	[dreg:$0x1] =	wrdreg $0xFFFFFFFF  }
0xa7: {  	s28 =	simm.s32 $_size_execute0_lowered;
	s3 =	sadd.s32 s3, s5;
	[dreg:$0x0] =	wrdreg $0x0  }
0xa8: {  	s5 =	sshll.u32 s28, $0x1;
	[dreg:$0x2] =	wrdreg s3  }
0xa9: {  	[dreg:$0x3] =	wrdreg s5  }
0xaa: {  	[dreg:$0x4] =	wrdreg $0xC0  }
0xab: {  	_ =	task [dreg:s7], $0x5FFFF  }
0xac: {  	[dreg:$0x1] =	wrdreg $0xFFFFFFFF  }
0xad: {  	[dreg:$0x0] =	wrdreg $0x60  }
0xae: {  	[dreg:$0x2] =	wrdreg s2  }
0xaf: {  	[dreg:$0x3] =	wrdreg s24  }
0xb0: {  	[dreg:$0x4] =	wrdreg $0xA8000  }
0xb1: {  	[dreg:$0x5] =	wrdreg $0xA  }
0xb2: {  	_ =	task.clear_ibuf [dreg:s7], $0x6FFFF;
	_ =	strace $0x90000046  }
0xb3: {  	s29 =	simm.s32 $0xA;
	_ =	strace $0x80000048  }
0xb4: {  	_ =	swait.ge [sflag:s29], $0x1  }
0xb5: {  	[sflag:s29] =	ssyncadd.s32 $0xFFFFFFFF  }
0xb6: {  	_ =	strace $0x90000048  }
0xb7: {  	_ =	sfence  }
0xb8: {  	s30 =	sld [smem:$0x0];
	_ =	sdelay $0x2  }
0xb9: {  	s31 =	sshll.u32 s1, $0xD;
	s1 =	sshrl.u32 s1, $0x2  }
0xba: {  	s3 =	sand.u32 $0x4000, s31;
	s1 =	sadd.s32 s1, s30  }
0xbb: {  	s0 =	sor.u32 s3, s0;
	s1 =	sshll.u32 s1, $0x11  }
0xbc: {  	s0 =	sor.u32 s1, s0  }
0xbd: {  	s0 =	sadd.s32 $0x8F2B, s0  }
0xbe: {  	[sflag:s0] =	ssyncadd.remote.s32 $0x1  }
0xbf: {  	_ =	sfence.sel $0xFFFF  }
0xc0: {  	[dreg:$0x0] =	wrdreg $0xFFFFFFFF;
	(pc) =	sbr.abs _section_cstart, $3  }
0xc1: {  	[dreg:$0x1] =	wrdreg $0xFFFFFFFF  }
0xc2: {  	_ =	task.clear_ibuf [dreg:s7], $0x2FFFF;
	_ =	strace $0x9FFFFFFF  }
0xc3: {  	(tm) =	ssettm $0x7FFFFFFF  }
tec
execute0_lowered:
.L_overlay_start_1:
0x0: {  	(tag) =	ssettag $0x1  }
0x1: {  	s1 =	rddreg [dreg:$0x0]  }
0x2: {  	s14 =	rddreg [dreg:$0x1]  }
0x3: {  	s3 =	rddreg [dreg:$0x2]  }
0x4: {  	s0 =	rddreg [dreg:$0x3]  }
0x5: {  	s4 =	simm.s32 $0x0;
	s2 =	stileid.u32;
	s5 =	srdreg.scid  }
0x6: {  	s19 =	simm.s32 $0x80;
	s20 =	simm.s32 $0x6800;
	s21 =	simm.s32 $0x1  }
0x7: {  	s22 =	simm.s32 $0x2;
	s23 =	simm.s32 $0x1380;
	s24 =	simm.s32 $0x2700  }
0x8: {  	s25 =	simm.s32 $0x2780;
	[smem:$0x7FF] =	sst s4;
	s6 =	smul.u32 $0x4F000, s2  }
0x9: {  	s12 =	sadd.s32 $0x5A00, s14;
	s13 =	sadd.s32 $0xFA00, s14;
	s15 =	sand.u32 $0x1, s5  }
0xa: {  	s18 =	smul.u32 $0x2780, s2;
	_ =	strace $0x80000047;
	s7 =	ssub.s32 $0x2, s15  }
0xb: {  	s5 =	sshll.u32 s15, $0x4;
	p0 =	seq.s32 s15, $0x1;
	s15 =	simm.s32 $0x41200  }
0xc: {  	s6 =	sshrl.u32 s6, $0x2;
	s8 =	sshrl.u32 s7, $0x1;
	s9 =	sor.u32 s2, s5  }
0xd: {  	s15 =	simm.s32 @!p0 $0x19A00;
	s5 =	sadd.s32 s6, s3;
	s11 =	smul.u32 $0x500, s9  }
0xe: {  	s16 =	ssub.s32 s7, s8;
	s17 =	smul.u32 $0x2800, s9;
	s15 =	sadd.s32 s15, s14  }
0xf: {  	s6 =	sadd.s32 $0x4000, s5;
	s7 =	sadd.s32 $0x8000, s5;
	s8 =	sadd.s32 $0xC000, s5  }
0x10: {  	s9 =	sadd.s32 $0x10000, s5;
	s14 =	smax.u32 s16, $0x1;
	s15 =	sadd.s32 s15, s18  }
0x11: {  	s16 =	simm.s32 $0x2800;
	s18 =	simm.s32 $0x1400;
	s17 =	sshrl.u32 s17, $0x3  }
0x12: {  	s10 =	sadd.s32 s12, s11;
	s11 =	sadd.s32 s13, s11;
	s17 =	sadd.s32 $0x280, s17  }
0x13: {  	v0 =	vimm.f32 $0.0e+00;
	s12 =	sadd.s32 s12, s17;
	s13 =	sadd.s32 s13, s17;
	s17 =	simm.s32 $0x3  }
.LBB2_1:
0x14: {  	s26 =	simm.s32 $0x0;
	s28 =	simm.s32 $0x200  }
.LBB2_2:
0x15: {  	p0 =	sne.s32 s28, $0xFE00;
	[tilespmem:s26+$0x2870] =	vst v0  }
0x16: {  	[tilespmem:s26+$0x2800] =	vst v0  }
0x17: {  	[tilespmem:s26+$0x2810] =	vst v0  }
.Ltmp0:
0x18: {  	[tilespmem:s26+$0x2820] =	vst v0;
	(pc) =	sbr.rel @p0 .LBB2_2-.Ltmp0, $4  }
0x19: {  	[tilespmem:s26+$0x2830] =	vst v0  }
0x1a: {  	[tilespmem:s26+$0x2840] =	vst v0  }
0x1b: {  	[tilespmem:s26+$0x2850] =	vst v0  }
0x1c: {  	[tilespmem:s26+$0x2860] =	vst v0;
	s26 =	sshra.s32 s28, $0x2;
	s28 =	sadd.s32 $0x200, s28  }
0x1d: {  	[tilespmem:s26+$0x2870] =	vst v0  }
0x1e: {  	[tilespmem:s26+$0x2800] =	vst v0  }
0x1f: {  	[tilespmem:s26+$0x2810] =	vst v0  }
0x20: {  	[tilespmem:s26+$0x2820] =	vst v0  }
0x21: {  	[tilespmem:s26+$0x2830] =	vst v0  }
0x22: {  	[tilespmem:s26+$0x2840] =	vst v0  }
0x23: {  	[tilespmem:s26+$0x2850] =	vst v0  }
0x24: {  	[tilespmem:s26+$0x2860] =	vst v0  }
0x25: {  	[spmem:s5] =	stream.linear.scatter [tilespmem:s16], [sflag:$0x3], $0x4000, $0x38;
	[tilespmem:$0x1E400] =	vst v63  }
0x26: {  	_ =	swait.ge [sflag:s17], $0x4000  }
0x27: {  	[sflag:s17] =	ssyncset.done $0x0  }
0x28: {  	[sflag:s17] =	ssyncadd.s32 $0xFFFFC000  }
0x29: {  	[spmem:s6] =	stream.linear.scatter [tilespmem:s16], [sflag:$0x3], $0x4000, $0x38;
	[tilespmem:$0x1E400] =	vst v63  }
0x2a: {  	_ =	swait.ge [sflag:s17], $0x4000  }
0x2b: {  	[sflag:s17] =	ssyncset.done $0x0  }
0x2c: {  	[sflag:s17] =	ssyncadd.s32 $0xFFFFC000  }
0x2d: {  	[spmem:s7] =	stream.linear.scatter [tilespmem:s16], [sflag:$0x3], $0x4000, $0x38;
	[tilespmem:$0x1E400] =	vst v63  }
0x2e: {  	_ =	swait.ge [sflag:s17], $0x4000  }
0x2f: {  	[sflag:s17] =	ssyncset.done $0x0  }
0x30: {  	[sflag:s17] =	ssyncadd.s32 $0xFFFFC000  }
0x31: {  	[spmem:s8] =	stream.linear.scatter [tilespmem:s16], [sflag:$0x3], $0x4000, $0x38;
	[tilespmem:$0x1E400] =	vst v63  }
0x32: {  	_ =	swait.ge [sflag:s17], $0x4000  }
0x33: {  	[sflag:s17] =	ssyncset.done $0x0  }
0x34: {  	[sflag:s17] =	ssyncadd.s32 $0xFFFFC000  }
0x35: {  	[spmem:s9] =	stream.linear.scatter [tilespmem:s16], [sflag:$0x3], $0x3C00, $0x38;
	[tilespmem:$0x1E400] =	vst v63  }
0x36: {  	_ =	swait.ge [sflag:s17], $0x3C00  }
0x37: {  	[sflag:s17] =	ssyncset.done $0x0  }
0x38: {  	[sflag:s17] =	ssyncadd.s32 $0xFFFFC400  }
0x39: {  	s30 =	simm.s32 $0x0;
	[bflag:$0x0] =	sbarrier.arrive $0xFFFF  }
0x3a: {  	[tilespmem:s30], [sflag:$0x3] =	stream.linear.gather [hbm4b:s10+s30], $0x1400, $0x38;
	[tilespmem:$0x1E400] =	vst v63  }
0x3b: {  	_ =	swait.ge [sflag:s17], $0x1400  }
0x3c: {  	[sflag:s17] =	ssyncset.done $0x0  }
0x3d: {  	[sflag:s17] =	ssyncadd.s32 $0xFFFFEC00  }
0x3e: {  	[tilespmem:s18], [sflag:$0x3] =	stream.linear.gather [hbm4b:s11+s30], $0x1400, $0x38;
	[tilespmem:$0x1E400] =	vst v63  }
0x3f: {  	_ =	swait.ge [sflag:s17], $0x1400  }
0x40: {  	[sflag:s17] =	ssyncset.done $0x0  }
0x41: {  	[sflag:s17] =	ssyncadd.s32 $0xFFFFEC00  }
0x42: {  	[tilespmem:s16], [sflag:$0x1] =	stream.indirect.gather [hbm4b:s1+s19], $0x80, s30, s19, $0xb8;
	[tilespmem:$0x1E400] =	vst v63  }
0x43: {  	s31 =	simm.s32 $0x80  }
0x44: {  	[tilespmem:s20], [sflag:$0x2] =	stream.indirect.gather [hbm4b:s1+s19], $0x80, s31, s19, $0xb8;
	[tilespmem:$0x1E400] =	vst v63  }
0x45: {  	_ =	swait.ge [sflag:s21], $0x4000  }
0x46: {  	[sflag:s21] =	ssyncset.done $0x0  }
0x47: {  	s29 =	simm.s32 $0x1400;
	[sflag:s21] =	ssyncadd.s32 $0xFFFFC000  }
0x48: {  	[spmem:s3] =	stream.indirect.scatter.add.f32 [tilespmem:s16], [sflag:$0x3], $0x80, s29, s19, $0xb8;
	[tilespmem:$0x1E400] =	vst v63  }
0x49: {  	_ =	swait.ge [sflag:s17], $0x4000  }
0x4a: {  	[sflag:s17] =	ssyncset.done $0x0  }
0x4b: {  	s30 =	simm.s32 $0x100;
	[sflag:s17] =	ssyncadd.s32 $0xFFFFC000  }
0x4c: {  	[tilespmem:s16], [sflag:$0x1] =	stream.indirect.gather [hbm4b:s1+s19], $0x80, s30, s19, $0xb8;
	[tilespmem:$0x1E400] =	vst v63  }
0x4d: {  	_ =	swait.ge [sflag:s22], $0x4000  }
0x4e: {  	[sflag:s22] =	ssyncset.done $0x0  }
0x4f: {  	s31 =	simm.s32 $0x1480;
	[sflag:s22] =	ssyncadd.s32 $0xFFFFC000  }
0x50: {  	[spmem:s3] =	stream.indirect.scatter.add.f32 [tilespmem:s20], [sflag:$0x3], $0x80, s31, s19, $0xb8;
	[tilespmem:$0x1E400] =	vst v63  }
0x51: {  	_ =	swait.ge [sflag:s17], $0x4000  }
0x52: {  	s28 =	simm.s32 $0x800;
	s26 =	simm.s32 $0x100;
	[sflag:s17] =	ssyncset.done $0x0  }
.LBB2_4:
0x53: {  	s29 =	sadd.s32 $0x80, s26  }
0x54: {  	[sflag:s17] =	ssyncadd.s32 $0xFFFFC000;
	s30 =	smov.u32 s28;
	s31 =	sadd.s32 $0x400, s28  }
0x55: {  	[tilespmem:s20], [sflag:$0x2] =	stream.indirect.gather [hbm4b:s1+s19], $0x80, s29, s19, $0xb8;
	[tilespmem:$0x1E400] =	vst v63  }
0x56: {  	p0 =	sne.s32 s28, $0x4800;
	_ =	swait.ge [sflag:s21], $0x4000  }
0x57: {  	[sflag:s21] =	ssyncset.done $0x0  }
0x58: {  	s28 =	sadd.s32 $0x1400, s26;
	[sflag:s21] =	ssyncadd.s32 $0xFFFFC000  }
0x59: {  	[spmem:s3] =	stream.indirect.scatter.add.f32 [tilespmem:s16], [sflag:$0x3], $0x80, s28, s19, $0xb8;
	[tilespmem:$0x1E400] =	vst v63  }
0x5a: {  	_ =	swait.ge [sflag:s17], $0x4000  }
0x5b: {  	[sflag:s17] =	ssyncset.done $0x0  }
0x5c: {  	s28 =	sadd.s32 $0x100, s26;
	[sflag:s17] =	ssyncadd.s32 $0xFFFFC000  }
0x5d: {  	[tilespmem:s16], [sflag:$0x1] =	stream.indirect.gather [hbm4b:s1+s19], $0x80, s28, s19, $0xb8;
	[tilespmem:$0x1E400] =	vst v63  }
0x5e: {  	_ =	swait.ge [sflag:s22], $0x4000  }
.Ltmp1:
0x5f: {  	[sflag:s22] =	ssyncset.done $0x0;
	(pc) =	sbr.rel @p0 .LBB2_4-.Ltmp1, $4  }
0x60: {  	s26 =	sadd.s32 $0x1480, s26;
	[sflag:s22] =	ssyncadd.s32 $0xFFFFC000  }
0x61: {  	[spmem:s3] =	stream.indirect.scatter.add.f32 [tilespmem:s20], [sflag:$0x3], $0x80, s26, s19, $0xb8;
	[tilespmem:$0x1E400] =	vst v63  }
0x62: {  	_ =	swait.ge [sflag:s17], $0x4000  }
0x63: {  	s28 =	smov.u32 s31;
	s26 =	sshra.s32 s30, $0x2;
	[sflag:s17] =	ssyncset.done $0x0  }
0x64: {  	s28 =	sadd.s32 $0x80, s26;
	[sflag:s17] =	ssyncadd.s32 $0xFFFFC000  }
0x65: {  	[tilespmem:s20], [sflag:$0x2] =	stream.indirect.gather [hbm4b:s1+s19], $0x80, s28, s19, $0xb8;
	[tilespmem:$0x1E400] =	vst v63  }
0x66: {  	_ =	swait.ge [sflag:s21], $0x4000  }
0x67: {  	[sflag:s21] =	ssyncset.done $0x0  }
0x68: {  	s28 =	sadd.s32 $0x1400, s26;
	[sflag:s21] =	ssyncadd.s32 $0xFFFFC000  }
0x69: {  	[spmem:s3] =	stream.indirect.scatter.add.f32 [tilespmem:s16], [sflag:$0x3], $0x80, s28, s19, $0xb8;
	[tilespmem:$0x1E400] =	vst v63  }
0x6a: {  	_ =	swait.ge [sflag:s17], $0x4000  }
0x6b: {  	[sflag:s17] =	ssyncset.done $0x0  }
0x6c: {  	s28 =	sadd.s32 $0x100, s26;
	[sflag:s17] =	ssyncadd.s32 $0xFFFFC000  }
0x6d: {  	[tilespmem:s16], [sflag:$0x1] =	stream.indirect.gather [hbm4b:s1+s19], $0x80, s28, s19, $0xb8;
	[tilespmem:$0x1E400] =	vst v63  }
0x6e: {  	_ =	swait.ge [sflag:s22], $0x4000  }
0x6f: {  	[sflag:s22] =	ssyncset.done $0x0  }
0x70: {  	s29 =	sadd.s32 $0x1480, s26;
	[sflag:s22] =	ssyncadd.s32 $0xFFFFC000  }
0x71: {  	[spmem:s3] =	stream.indirect.scatter.add.f32 [tilespmem:s20], [sflag:$0x3], $0x80, s29, s19, $0xb8;
	[tilespmem:$0x1E400] =	vst v63  }
0x72: {  	_ =	swait.ge [sflag:s17], $0x4000  }
0x73: {  	[sflag:s17] =	ssyncset.done $0x0  }
0x74: {  	[sflag:s17] =	ssyncadd.s32 $0xFFFFC000  }
0x75: {  	[tilespmem:s20], [sflag:$0x2] =	stream.indirect.gather [hbm4b:s1+s19], $0x80, s23, s19, $0xb8;
	[tilespmem:$0x1E400] =	vst v63  }
0x76: {  	_ =	swait.ge [sflag:s21], $0x4000  }
0x77: {  	[sflag:s21] =	ssyncset.done $0x0  }
0x78: {  	[sflag:s21] =	ssyncadd.s32 $0xFFFFC000  }
0x79: {  	[spmem:s3] =	stream.indirect.scatter.add.f32 [tilespmem:s16], [sflag:$0x3], $0x80, s24, s19, $0xb8;
	[tilespmem:$0x1E400] =	vst v63  }
0x7a: {  	_ =	swait.ge [sflag:s17], $0x4000  }
0x7b: {  	[sflag:s17] =	ssyncset.done $0x0  }
0x7c: {  	[sflag:s17] =	ssyncadd.s32 $0xFFFFC000  }
0x7d: {  	_ =	swait.ge [sflag:s22], $0x4000  }
0x7e: {  	[sflag:s22] =	ssyncset.done $0x0  }
0x7f: {  	[sflag:s22] =	ssyncadd.s32 $0xFFFFC000  }
0x80: {  	[spmem:s3] =	stream.indirect.scatter.add.f32 [tilespmem:s20], [sflag:$0x3], $0x80, s25, s19, $0xb8;
	[tilespmem:$0x1E400] =	vst v63  }
0x81: {  	_ =	swait.ge [sflag:s17], $0x4000  }
0x82: {  	[sflag:s17] =	ssyncset.done $0x0  }
0x83: {  	s30 =	simm.s32 $0x0;
	[sflag:s17] =	ssyncadd.s32 $0xFFFFC000  }
0x84: {  	[tilespmem:s30], [sflag:$0x3] =	stream.linear.gather [hbm4b:s12+s30], $0x1400, $0x38;
	[tilespmem:$0x1E400] =	vst v63  }
0x85: {  	_ =	swait.ge [sflag:s17], $0x1400  }
0x86: {  	[sflag:s17] =	ssyncset.done $0x0  }
0x87: {  	[sflag:s17] =	ssyncadd.s32 $0xFFFFEC00  }
0x88: {  	[tilespmem:s18], [sflag:$0x3] =	stream.linear.gather [hbm4b:s13+s30], $0x1400, $0x38;
	[tilespmem:$0x1E400] =	vst v63  }
0x89: {  	_ =	swait.ge [sflag:s17], $0x1400  }
0x8a: {  	[sflag:s17] =	ssyncset.done $0x0  }
0x8b: {  	[sflag:s17] =	ssyncadd.s32 $0xFFFFEC00  }
0x8c: {  	[tilespmem:s16], [sflag:$0x1] =	stream.indirect.gather [hbm4b:s1+s19], $0x80, s30, s19, $0xb8;
	[tilespmem:$0x1E400] =	vst v63  }
0x8d: {  	s31 =	simm.s32 $0x80  }
0x8e: {  	[tilespmem:s20], [sflag:$0x2] =	stream.indirect.gather [hbm4b:s1+s19], $0x80, s31, s19, $0xb8;
	[tilespmem:$0x1E400] =	vst v63  }
0x8f: {  	_ =	swait.ge [sflag:s21], $0x4000  }
0x90: {  	[sflag:s21] =	ssyncset.done $0x0  }
0x91: {  	s29 =	simm.s32 $0x1400;
	[sflag:s21] =	ssyncadd.s32 $0xFFFFC000  }
0x92: {  	[spmem:s3] =	stream.indirect.scatter.add.f32 [tilespmem:s16], [sflag:$0x3], $0x80, s29, s19, $0xb8;
	[tilespmem:$0x1E400] =	vst v63  }
0x93: {  	_ =	swait.ge [sflag:s17], $0x4000  }
0x94: {  	[sflag:s17] =	ssyncset.done $0x0  }
0x95: {  	s30 =	simm.s32 $0x100;
	[sflag:s17] =	ssyncadd.s32 $0xFFFFC000  }
0x96: {  	[tilespmem:s16], [sflag:$0x1] =	stream.indirect.gather [hbm4b:s1+s19], $0x80, s30, s19, $0xb8;
	[tilespmem:$0x1E400] =	vst v63  }
0x97: {  	_ =	swait.ge [sflag:s22], $0x4000  }
0x98: {  	[sflag:s22] =	ssyncset.done $0x0  }
0x99: {  	s31 =	simm.s32 $0x1480;
	[sflag:s22] =	ssyncadd.s32 $0xFFFFC000  }
0x9a: {  	[spmem:s3] =	stream.indirect.scatter.add.f32 [tilespmem:s20], [sflag:$0x3], $0x80, s31, s19, $0xb8;
	[tilespmem:$0x1E400] =	vst v63  }
0x9b: {  	_ =	swait.ge [sflag:s17], $0x4000  }
0x9c: {  	s26 =	simm.s32 $0x100;
	s28 =	simm.s32 $0x800;
	[sflag:s17] =	ssyncset.done $0x0  }
.LBB2_6:
0x9d: {  	s29 =	sadd.s32 $0x80, s26  }
0x9e: {  	[sflag:s17] =	ssyncadd.s32 $0xFFFFC000;
	s30 =	smov.u32 s28;
	s31 =	sadd.s32 $0x400, s28  }
0x9f: {  	[tilespmem:s20], [sflag:$0x2] =	stream.indirect.gather [hbm4b:s1+s19], $0x80, s29, s19, $0xb8;
	[tilespmem:$0x1E400] =	vst v63  }
0xa0: {  	p0 =	sne.s32 s28, $0x4800;
	_ =	swait.ge [sflag:s21], $0x4000  }
0xa1: {  	[sflag:s21] =	ssyncset.done $0x0  }
0xa2: {  	s28 =	sadd.s32 $0x1400, s26;
	[sflag:s21] =	ssyncadd.s32 $0xFFFFC000  }
0xa3: {  	[spmem:s3] =	stream.indirect.scatter.add.f32 [tilespmem:s16], [sflag:$0x3], $0x80, s28, s19, $0xb8;
	[tilespmem:$0x1E400] =	vst v63  }
0xa4: {  	_ =	swait.ge [sflag:s17], $0x4000  }
0xa5: {  	[sflag:s17] =	ssyncset.done $0x0  }
0xa6: {  	s28 =	sadd.s32 $0x100, s26;
	[sflag:s17] =	ssyncadd.s32 $0xFFFFC000  }
0xa7: {  	[tilespmem:s16], [sflag:$0x1] =	stream.indirect.gather [hbm4b:s1+s19], $0x80, s28, s19, $0xb8;
	[tilespmem:$0x1E400] =	vst v63  }
0xa8: {  	_ =	swait.ge [sflag:s22], $0x4000  }
.Ltmp2:
0xa9: {  	[sflag:s22] =	ssyncset.done $0x0;
	(pc) =	sbr.rel @p0 .LBB2_6-.Ltmp2, $4  }
0xaa: {  	s26 =	sadd.s32 $0x1480, s26;
	[sflag:s22] =	ssyncadd.s32 $0xFFFFC000  }
0xab: {  	[spmem:s3] =	stream.indirect.scatter.add.f32 [tilespmem:s20], [sflag:$0x3], $0x80, s26, s19, $0xb8;
	[tilespmem:$0x1E400] =	vst v63  }
0xac: {  	_ =	swait.ge [sflag:s17], $0x4000  }
0xad: {  	s28 =	smov.u32 s31;
	s26 =	sshra.s32 s30, $0x2;
	[sflag:s17] =	ssyncset.done $0x0  }
0xae: {  	s28 =	sadd.s32 $0x80, s26;
	[sflag:s17] =	ssyncadd.s32 $0xFFFFC000  }
0xaf: {  	[tilespmem:s20], [sflag:$0x2] =	stream.indirect.gather [hbm4b:s1+s19], $0x80, s28, s19, $0xb8;
	[tilespmem:$0x1E400] =	vst v63  }
0xb0: {  	_ =	swait.ge [sflag:s21], $0x4000  }
0xb1: {  	[sflag:s21] =	ssyncset.done $0x0  }
0xb2: {  	s30 =	sadd.s32 $0x1400, s26;
	[sflag:s21] =	ssyncadd.s32 $0xFFFFC000  }
0xb3: {  	[spmem:s3] =	stream.indirect.scatter.add.f32 [tilespmem:s16], [sflag:$0x3], $0x80, s30, s19, $0xb8;
	[tilespmem:$0x1E400] =	vst v63  }
0xb4: {  	_ =	swait.ge [sflag:s17], $0x4000  }
0xb5: {  	[sflag:s17] =	ssyncset.done $0x0  }
0xb6: {  	s31 =	sadd.s32 $0x100, s26;
	[sflag:s17] =	ssyncadd.s32 $0xFFFFC000  }
0xb7: {  	[tilespmem:s16], [sflag:$0x1] =	stream.indirect.gather [hbm4b:s1+s19], $0x80, s31, s19, $0xb8;
	[tilespmem:$0x1E400] =	vst v63  }
0xb8: {  	_ =	swait.ge [sflag:s22], $0x4000  }
0xb9: {  	[sflag:s22] =	ssyncset.done $0x0  }
0xba: {  	s29 =	sadd.s32 $0x1480, s26;
	[sflag:s22] =	ssyncadd.s32 $0xFFFFC000  }
0xbb: {  	[spmem:s3] =	stream.indirect.scatter.add.f32 [tilespmem:s20], [sflag:$0x3], $0x80, s29, s19, $0xb8;
	[tilespmem:$0x1E400] =	vst v63  }
0xbc: {  	_ =	swait.ge [sflag:s17], $0x4000  }
0xbd: {  	[sflag:s17] =	ssyncset.done $0x0  }
0xbe: {  	[sflag:s17] =	ssyncadd.s32 $0xFFFFC000  }
0xbf: {  	[tilespmem:s20], [sflag:$0x2] =	stream.indirect.gather [hbm4b:s1+s19], $0x80, s23, s19, $0xb8;
	[tilespmem:$0x1E400] =	vst v63  }
0xc0: {  	_ =	swait.ge [sflag:s21], $0x4000  }
0xc1: {  	[sflag:s21] =	ssyncset.done $0x0  }
0xc2: {  	[sflag:s21] =	ssyncadd.s32 $0xFFFFC000  }
0xc3: {  	[spmem:s3] =	stream.indirect.scatter.add.f32 [tilespmem:s16], [sflag:$0x3], $0x80, s24, s19, $0xb8;
	[tilespmem:$0x1E400] =	vst v63  }
0xc4: {  	_ =	swait.ge [sflag:s17], $0x4000  }
0xc5: {  	[sflag:s17] =	ssyncset.done $0x0  }
0xc6: {  	[sflag:s17] =	ssyncadd.s32 $0xFFFFC000  }
0xc7: {  	_ =	swait.ge [sflag:s22], $0x4000  }
0xc8: {  	[sflag:s22] =	ssyncset.done $0x0  }
0xc9: {  	[sflag:s22] =	ssyncadd.s32 $0xFFFFC000  }
0xca: {  	[spmem:s3] =	stream.indirect.scatter.add.f32 [tilespmem:s20], [sflag:$0x3], $0x80, s25, s19, $0xb8;
	[tilespmem:$0x1E400] =	vst v63  }
0xcb: {  	_ =	swait.ge [sflag:s17], $0x4000  }
0xcc: {  	s4 =	sadd.s32 $0x1, s4;
	s30 =	sshll.u32 s2, $0x6;
	[sflag:s17] =	ssyncset.done $0x0  }
0xcd: {  	p0 =	sne.s32 s4, s14;
	s26 =	sor.u32 $0x1C03, s30;
	[sflag:s17] =	ssyncadd.s32 $0xFFFFC000  }
.Ltmp3:
0xce: {  	s31 =	sshrl.u32 s5, $0x3;
	[bflag:$0x0] =	sbarrier.arrive $0xFFFF;
	(pc) =	sbr.rel @p0 .LBB2_1-.Ltmp3, $4  }
0xcf: {  	[hbm:s15], [sflag:s26] =	dma.local [spmem:s31], $0x2780  }
0xd0: {  	_ =	swait.ge [sflag:s17], $0x2780  }
0xd1: {  	[sflag:s17] =	ssyncset.done $0x0  }
0xd2: {  	[sflag:s17] =	ssyncadd.s32 $0xFFFFD880  }
0xd3: {  	_ =	sfence.sel $0x180000  }
0xd4: {  	[bflag:$0x0] =	sbarrier.arrive $0xFFFF  }
0xd5: {  	p0 =	sne.s32 s2, $0x0;
	_ =	strace $0x90000047  }
0xd6: {  	s0 =	sadd.s32 @!p0 $0x100000, s0;
	[bflag:$0x2] =	sbarrier.arrive $0xFFFF  }
0xd7: {  	[sflag:s0] =	ssyncadd.tile.s32 @!p0 $0x1;
	_ =	shalt  }
.Lfunc_end2:
_tile_overlayer_lowered:
.L_overlay_start_2:
0xd8: {  	(tag) =	ssettag $0x2  }
0xd9: {  	s0 =	rddreg [dreg:$0x0];
	s2 =	stileid.u32  }
0xda: {  	s1 =	rddreg [dreg:$0x1];
	p0 =	sne.s32 s2, $0x0  }
0xdb: {  	s3 =	rddreg [dreg:$0x2];
	[bflag:$0x3] =	sbarrier.arrive $0xFFFF;
	s2 =	simm.s32 @!p0 $0x1C03  }
0xdc: {  	[timem:s3], [sflag:s2] =	dma.local @!p0 [hbm:s0], s1  }
0xdd: {  	s0 =	simm.s32 @!p0 $0x3  }
0xde: {  	_ =	swait.ge @!p0 [sflag:s0], s1  }
0xdf: {  	s1 =	ssub.s32 @!p0 $0x0, s1;
	[sflag:s0] =	ssyncset.done @!p0 $0x0  }
0xe0: {  	[sflag:s0] =	ssyncadd.s32 @!p0 s1  }
0xe1: {  	[bflag:$0x3] =	sbarrier.arrive $0xFFFF  }
0xe2: {  	_ =	shalt  }

// kernel: kernel.15.cloned.1.call-start
scs
__scs_entry_jumppad:
0x0: {  	(pc) =	sbr.rel $0x88, $3  }
0x1: {  	(tag) =	ssettag $0x0;
	lr =	simm.s32 $0x1  }
0x2: {  	[smem:$0x3F95] =	sst lr;
	_ =	strace $0xD0000000  }
0x3: {  	_ = 	snop  }
0x4: {  	_ = 	snop  }
0x5: {  	_ = 	snop  }
0x6: {  	_ = 	snop  }
0x7: {  	_ = 	snop  }
__scs_overlays_trampoline_lowered:
0x8: {  	[smem:$0x3FA4] =	sst s0  }
0x9: {  	[smem:$0x3FA5] =	sst s1  }
0xa: {  	[smem:$0x3FA6] =	sst s2  }
0xb: {  	[smem:$0x3FA7] =	sst s3  }
0xc: {  	[smem:$0x3FA8] =	sst s4  }
0xd: {  	[smem:$0x3FA9] =	sst s5  }
0xe: {  	[smem:$0x3FAA] =	sst s6  }
0xf: {  	[smem:$0x3FAB] =	sst s7  }
0x10: {  	[smem:$0x3FAC] =	sst s8  }
0x11: {  	[smem:$0x3FAD] =	sst s9;
	s0 =	simm.s32 @!p0 $0x0  }
0x12: {  	s1 =	sld [smem:$0x3F93];
	s0 =	simm.s32 @p0 $0x1  }
0x13: {  	[smem:$0x3FAE] =	sst s0;
	s0 =	simm.s32 @!p1 $0x0  }
0x14: {  	s2 =	sld [smem:$0x3F92];
	s0 =	simm.s32 @p1 $0x1  }
0x15: {  	[smem:$0x3FAF] =	sst s0;
	s0 =	simm.s32 @!p2 $0x0  }
0x16: {  	s3 =	sld [smem:$0x3FDB];
	s0 =	simm.s32 @p2 $0x1  }
0x17: {  	s4 =	simm.s32 $0x1BF5;
	[smem:$0x3FB1] =	sst s0  }
0x18: {  	s0 =	sld [smem:$0x3F94];
	_ =	swait.ge [sflag:s4], $0x0  }
0x19: {  	s7 =	sld [smem:$0x3F95]  }
0x1a: {  	s8 =	sadd.s32 $0xFFFFE003, lr  }
0x1b: {  	s9 =	sadd.s32 $0xFFFFFEF7, lr;
	s5 =	simm.s32 $0xFFFFFFFF;
	p2 =	slt.u32 s8, $0xFFFFF086  }
0x1c: {  	p1 =	slt.u32 s9, $0xF7A;
	s5 =	simm.s32 @!p2 $0x0  }
0x1d: {  	s5 =	simm.s32 @p1 $0x1;
	p0 =	seq.s32 s7, s2  }
0x1e: {  	s7 =	smul.u32 @!p0 $0xF7A, s2;
	p2 =	seq.s32 @!p0 s5, $0x0  }
0x1f: {  	s9 =	smul.u32 $0xF7A, s1;
	s8 =	simm.s32 @!p0 $0x1BF5;
	p2 =	por !p2, p0  }
0x20: {  	[sflag:s8] =	ssyncset.s32 @!p0 $0xFFFFF086;
	s6 =	sadd.s32 @!p0 s3, s7;
	s7 =	simm.s32 @!p0 $0x108  }
0x21: {  	s3 =	sadd.s32 s3, s9;
	s6 =	sadd.s32 @!p0 $0x88, s6;
	s7 =	simm.s32 @p2 $0x1082  }
0x22: {  	[simem:s7], [sflag:s8] =	dma.local @!p0 [hbm:s6], $0xF7A  }
0x23: {  	s9 =	sor.u32 $0xD0000000, s2;
	s6 =	simm.s32 $0x108;
	_ =	swait.ge @!p0 [sflag:s8], $0x0  }
0x24: {  	s3 =	sadd.s32 $0x88, s3;
	s6 =	simm.s32 @!p1 $0x1082;
	[sflag:s4] =	ssyncset.s32 $0xFFFFF086  }
0x25: {  	[simem:s6], [sflag:s4] =	dma.local [hbm:s3], $0xF7A  }
0x26: {  	[smem:$0x3F95] =	sst s1;
	(tag) =	ssettag s2;
	_ =	strace s9  }
0x27: {  	s1 =	sld [smem:$0x3FA5]  }
0x28: {  	s2 =	sld [smem:$0x3FA6]  }
0x29: {  	s4 =	sld [smem:$0x3FA8]  }
0x2a: {  	p0 =	seq.s32 s5, $0x0;
	s5 =	sld [smem:$0x3FA9]  }
0x2b: {  	s6 =	sld [smem:$0x3FAA]  }
0x2c: {  	s7 =	sld [smem:$0x3FAB]  }
0x2d: {  	s3 =	simm.s32 $0x108;
	s8 =	sld [smem:$0x3FAC]  }
0x2e: {  	s3 =	simm.s32 @!p0 $0x1082;
	s9 =	sld [smem:$0x3FAD]  }
0x2f: {  	lr =	sadd.s32 s0, s3;
	s0 =	sld [smem:$0x3FA4]  }
0x30: {  	s3 =	sld [smem:$0x3FA7]  }
0x31: {  	[smem:$0x3FB0] =	sst s10  }
0x32: {  	s10 =	sld [smem:$0x3FAE];
	_ =	sdelay $0x3  }
0x33: {  	p0 =	seq.s32 s10, $0x1;
	s10 =	sld [smem:$0x3FB0];
	_ =	sdelay $0x3  }
0x34: {  	[smem:$0x3FB0] =	sst s10  }
0x35: {  	s10 =	sld [smem:$0x3FAF];
	_ =	sdelay $0x3  }
0x36: {  	p1 =	seq.s32 s10, $0x1;
	s10 =	sld [smem:$0x3FB0];
	_ =	sdelay $0x3  }
0x37: {  	[smem:$0x3FB0] =	sst s10  }
0x38: {  	s10 =	sld [smem:$0x3FB1]  }
0x39: {  	_ = 	snop;
	(pc) =	sbr.ind lr, $3  }
0x3a: {  	_ = 	snop  }
0x3b: {  	_ = 	snop  }
0x3c: {  	p2 =	seq.s32 s10, $0x1;
	s10 =	sld [smem:$0x3FB0]  }
0x3d: {  	_ =	shalt  }
0x3e: {  	_ =	shalt  }
0x3f: {  	_ =	shalt  }
0x40: {  	_ =	shalt  }
0x41: {  	_ =	shalt  }
0x42: {  	_ =	shalt  }
0x43: {  	_ =	shalt  }
0x44: {  	_ =	shalt  }
0x45: {  	_ =	shalt  }
0x46: {  	_ =	shalt  }
0x47: {  	_ =	shalt  }
0x48: {  	_ =	shalt  }
0x49: {  	_ =	shalt  }
0x4a: {  	_ =	shalt  }
0x4b: {  	_ =	shalt  }
0x4c: {  	_ =	shalt  }
0x4d: {  	_ =	shalt  }
0x4e: {  	_ =	shalt  }
0x4f: {  	_ =	shalt  }
0x50: {  	_ =	shalt  }
0x51: {  	_ =	shalt  }
0x52: {  	_ =	shalt  }
0x53: {  	_ =	shalt  }
0x54: {  	_ =	shalt  }
0x55: {  	_ =	shalt  }
0x56: {  	_ =	shalt  }
0x57: {  	_ =	shalt  }
0x58: {  	_ =	shalt  }
0x59: {  	_ =	shalt  }
0x5a: {  	_ =	shalt  }
0x5b: {  	_ =	shalt  }
0x5c: {  	_ =	shalt  }
0x5d: {  	_ =	shalt  }
0x5e: {  	_ =	shalt  }
0x5f: {  	_ =	shalt  }
0x60: {  	_ =	shalt  }
0x61: {  	_ =	shalt  }
0x62: {  	_ =	shalt  }
0x63: {  	_ =	shalt  }
0x64: {  	_ =	shalt  }
0x65: {  	_ =	shalt  }
0x66: {  	_ =	shalt  }
0x67: {  	_ =	shalt  }
0x68: {  	_ =	shalt  }
0x69: {  	_ =	shalt  }
0x6a: {  	_ =	shalt  }
0x6b: {  	_ =	shalt  }
0x6c: {  	_ =	shalt  }
0x6d: {  	_ =	shalt  }
0x6e: {  	_ =	shalt  }
0x6f: {  	_ =	shalt  }
0x70: {  	_ =	shalt  }
0x71: {  	_ =	shalt  }
0x72: {  	_ =	shalt  }
0x73: {  	_ =	shalt  }
0x74: {  	_ =	shalt  }
0x75: {  	_ =	shalt  }
0x76: {  	_ =	shalt  }
0x77: {  	_ =	shalt  }
0x78: {  	_ =	shalt  }
0x79: {  	_ =	shalt  }
0x7a: {  	_ =	shalt  }
0x7b: {  	_ =	shalt  }
0x7c: {  	_ =	shalt  }
0x7d: {  	_ =	shalt  }
0x7e: {  	_ =	shalt  }
0x7f: {  	_ =	shalt  }
0x80: {  	_ =	shalt  }
0x81: {  	_ =	shalt  }
0x82: {  	_ =	shalt  }
0x83: {  	_ =	shalt  }
0x84: {  	_ =	shalt  }
0x85: {  	_ =	shalt  }
0x86: {  	_ =	shalt  }
0x87: {  	_ =	shalt  }
.Lfunc_end0:
.L_simem_size_0:
called_computation.2_lowered:
.L_overlay_start_0:
0x88: {  	s2 =	sld [smem:$0x3FD9]  }
0x89: {  	s3 =	sld [smem:$0x3FFE];
	_ =	sdelay $0x1  }
0x8a: {  	s1 =	srdreg.scid  }
0x8b: {  	s0 =	sand.u32 $0x1, s1  }
0x8c: {  	s16 =	sshll.u32 s0, $0xA;
	s2 =	sadd.s32 s3, s2  }
0x8d: {  	s2 =	sadd.s32 s2, s16  }
0x8e: {  	[smem:$0x3FBC] =	sst s2  }
0x8f: {  	_ = 	snop  }
0x90: {  	(tm) =	ssettm $0x1  }
0x91: {  	s17 =	sld [smem:$0x3FFB];
	_ =	sdelay $0x3  }
0x92: {  	_ =	strace s17  }
0x93: {  	s2 =	sld [smem:$0x3FFC];
	_ =	sdelay $0x3  }
0x94: {  	_ =	strace s2  }
0x95: {  	s2 =	sld [smem:$0x3FFD];
	_ =	sdelay $0x3  }
0x96: {  	_ =	strace s2  }
0x97: {  	_ =	strace $0x8FFFFFFF  }
0x98: {  	s18 =	sld [smem:$0x3FDB];
	_ =	sdelay $0x1  }
0x99: {  	s19 =	simm.s32 $_scs_section_size  }
0x9a: {  	s4 =	simm.s32 $_size__tile_overlayer_lowered;
	s5 =	simm.s32 $_tile_overlayer_lowered  }
0x9b: {  	s22 =	simm.s32 $0x1BFF;
	s21 =	sshll.u32 s5, $0x1;
	s2 =	sadd.s32 s19, s18  }
0x9c: {  	s6 =	simm.s32 $0x0;
	s20 =	sshll.u32 s4, $0x1;
	s4 =	sadd.s32 s21, s2  }
0x9d: {  	[timem:s6], [sflag:s22] =	dma.local [hbm:s4], s20  }
0x9e: {  	_ =	swait.ge [sflag:s22], s20  }
0x9f: {  	s3 =	ssub.s32 $0x0, s20;
	[sflag:s22] =	ssyncset.done $0x0  }
0xa0: {  	[sflag:s22] =	ssyncadd.s32 s3;
	_ =	sdelay $0x1  }
0xa1: {  	s23 =	simm.s32 $0x1B8B  }
0xa2: {  	_ =	swait.ge [sflag:s23], $0x1  }
0xa3: {  	[sflag:s23] =	ssyncset.done $0x0  }
0xa4: {  	s25 =	simm.s32 $0x1B8E;
	s24 =	sld [smem:$0x3FFE];
	[sflag:s23] =	ssyncadd.s32 $0xFFFFFFFF  }
0xa5: {  	s26 =	simm.s32 $execute0_lowered;
	[smem:$0x3FD2] =	sst s25  }
0xa6: {  	s4 =	sshll.u32 s26, $0x1;
	_ =	strace $0x8000004C;
	[dreg:$0x1] =	wrdreg $0xFFFFFFFF  }
0xa7: {  	s28 =	simm.s32 $_size_execute0_lowered;
	s2 =	sadd.s32 s2, s4;
	[dreg:$0x0] =	wrdreg $0x0  }
0xa8: {  	s4 =	sshll.u32 s28, $0x1;
	[dreg:$0x2] =	wrdreg s2  }
0xa9: {  	[dreg:$0x3] =	wrdreg s4  }
0xaa: {  	[dreg:$0x4] =	wrdreg $0xC0  }
0xab: {  	_ =	task [dreg:s6], $0x5FFFF  }
0xac: {  	[dreg:$0x1] =	wrdreg $0xFFFFFFFF  }
0xad: {  	[dreg:$0x0] =	wrdreg $0x60  }
0xae: {  	[dreg:$0x2] =	wrdreg s24  }
0xaf: {  	[dreg:$0x3] =	wrdreg $0xA8000  }
0xb0: {  	[dreg:$0x4] =	wrdreg $0x9  }
0xb1: {  	_ =	task.clear_ibuf [dreg:s6], $0x5FFFF;
	_ =	strace $0x9000004C  }
0xb2: {  	s29 =	simm.s32 $0x9;
	_ =	strace $0x8000004E  }
0xb3: {  	_ =	swait.ge [sflag:s29], $0x1  }
0xb4: {  	[sflag:s29] =	ssyncadd.s32 $0xFFFFFFFF  }
0xb5: {  	_ =	strace $0x9000004E  }
0xb6: {  	_ =	sfence  }
0xb7: {  	s30 =	sld [smem:$0x0];
	_ =	sdelay $0x2  }
0xb8: {  	s31 =	sshll.u32 s1, $0xD;
	s1 =	sshrl.u32 s1, $0x2  }
0xb9: {  	s3 =	sand.u32 $0x4000, s31;
	s1 =	sadd.s32 s1, s30  }
0xba: {  	s0 =	sor.u32 s3, s0;
	s1 =	sshll.u32 s1, $0x11  }
0xbb: {  	s0 =	sor.u32 s1, s0  }
0xbc: {  	s0 =	sadd.s32 $0x8F2B, s0  }
0xbd: {  	[sflag:s0] =	ssyncadd.remote.s32 $0x1  }
0xbe: {  	_ =	sfence.sel $0xFFFF  }
0xbf: {  	[dreg:$0x0] =	wrdreg $0xFFFFFFFF;
	(pc) =	sbr.abs _section_cstart, $3  }
0xc0: {  	[dreg:$0x1] =	wrdreg $0xFFFFFFFF  }
0xc1: {  	_ =	task.clear_ibuf [dreg:s6], $0x2FFFF;
	_ =	strace $0x9FFFFFFF  }
0xc2: {  	(tm) =	ssettm $0x7FFFFFFF  }
0xc3: {  	_ =	shalt  }
tec
execute0_lowered:
.L_overlay_start_1:
0x0: {  	(tag) =	ssettag $0x1  }
0x1: {  	s14 =	rddreg [dreg:$0x0]  }
0x2: {  	s1 =	rddreg [dreg:$0x1]  }
0x3: {  	s0 =	rddreg [dreg:$0x2];
	s3 =	simm.s32 $0x0  }
0x4: {  	s2 =	stileid.u32;
	s5 =	srdreg.scid;
	s19 =	simm.s32 $0x80  }
0x5: {  	s20 =	simm.s32 $0x6800;
	s21 =	simm.s32 $0x1;
	s22 =	simm.s32 $0x2  }
0x6: {  	s23 =	simm.s32 $0x1380;
	s24 =	simm.s32 $0x2700;
	s25 =	simm.s32 $0x2780  }
0x7: {  	[smem:$0x7FF] =	sst s3;
	s4 =	sadd.s32 $0x19A00, s14;
	s6 =	smul.u32 $0x4F000, s2  }
0x8: {  	s12 =	sadd.s32 $0x5A00, s14;
	s13 =	sadd.s32 $0xFA00, s14;
	s15 =	sand.u32 $0x1, s5  }
0x9: {  	s18 =	smul.u32 $0x2780, s2;
	_ =	strace $0x8000004D;
	s7 =	ssub.s32 $0x2, s15  }
0xa: {  	s5 =	sshll.u32 s15, $0x4;
	p0 =	seq.s32 s15, $0x1;
	s15 =	simm.s32 $0xB7A00  }
0xb: {  	s6 =	sshrl.u32 s6, $0x2;
	s8 =	sshrl.u32 s7, $0x1;
	s9 =	sor.u32 s2, s5  }
0xc: {  	s15 =	simm.s32 @!p0 $0x40C00;
	s5 =	sadd.s32 s6, s1;
	s11 =	smul.u32 $0x500, s9  }
0xd: {  	s16 =	ssub.s32 s7, s8;
	s17 =	smul.u32 $0x2800, s9;
	s15 =	sadd.s32 s15, s14  }
0xe: {  	s6 =	sadd.s32 $0x4000, s5;
	s7 =	sadd.s32 $0x8000, s5;
	s8 =	sadd.s32 $0xC000, s5  }
0xf: {  	s9 =	sadd.s32 $0x10000, s5;
	s14 =	smax.u32 s16, $0x1;
	s15 =	sadd.s32 s15, s18  }
0x10: {  	s16 =	simm.s32 $0x2800;
	s18 =	simm.s32 $0x1400;
	s17 =	sshrl.u32 s17, $0x3  }
0x11: {  	s10 =	sadd.s32 s12, s11;
	s11 =	sadd.s32 s13, s11;
	s17 =	sadd.s32 $0x280, s17  }
0x12: {  	v0 =	vimm.f32 $0.0e+00;
	s12 =	sadd.s32 s12, s17;
	s13 =	sadd.s32 s13, s17;
	s17 =	simm.s32 $0x3  }
.LBB2_1:
0x13: {  	s26 =	simm.s32 $0x0;
	s28 =	simm.s32 $0x200  }
.LBB2_2:
0x14: {  	p0 =	sne.s32 s28, $0xFE00;
	[tilespmem:s26+$0x2870] =	vst v0  }
0x15: {  	[tilespmem:s26+$0x2800] =	vst v0  }
0x16: {  	[tilespmem:s26+$0x2810] =	vst v0  }
.Ltmp0:
0x17: {  	[tilespmem:s26+$0x2820] =	vst v0;
	(pc) =	sbr.rel @p0 .LBB2_2-.Ltmp0, $4  }
0x18: {  	[tilespmem:s26+$0x2830] =	vst v0  }
0x19: {  	[tilespmem:s26+$0x2840] =	vst v0  }
0x1a: {  	[tilespmem:s26+$0x2850] =	vst v0  }
0x1b: {  	[tilespmem:s26+$0x2860] =	vst v0;
	s26 =	sshra.s32 s28, $0x2;
	s28 =	sadd.s32 $0x200, s28  }
0x1c: {  	[tilespmem:s26+$0x2870] =	vst v0  }
0x1d: {  	[tilespmem:s26+$0x2800] =	vst v0  }
0x1e: {  	[tilespmem:s26+$0x2810] =	vst v0  }
0x1f: {  	[tilespmem:s26+$0x2820] =	vst v0  }
0x20: {  	[tilespmem:s26+$0x2830] =	vst v0  }
0x21: {  	[tilespmem:s26+$0x2840] =	vst v0  }
0x22: {  	[tilespmem:s26+$0x2850] =	vst v0  }
0x23: {  	[tilespmem:s26+$0x2860] =	vst v0  }
0x24: {  	[spmem:s5] =	stream.linear.scatter [tilespmem:s16], [sflag:$0x3], $0x4000, $0x38;
	[tilespmem:$0x1E400] =	vst v63  }
0x25: {  	_ =	swait.ge [sflag:s17], $0x4000  }
0x26: {  	[sflag:s17] =	ssyncset.done $0x0  }
0x27: {  	[sflag:s17] =	ssyncadd.s32 $0xFFFFC000  }
0x28: {  	[spmem:s6] =	stream.linear.scatter [tilespmem:s16], [sflag:$0x3], $0x4000, $0x38;
	[tilespmem:$0x1E400] =	vst v63  }
0x29: {  	_ =	swait.ge [sflag:s17], $0x4000  }
0x2a: {  	[sflag:s17] =	ssyncset.done $0x0  }
0x2b: {  	[sflag:s17] =	ssyncadd.s32 $0xFFFFC000  }
0x2c: {  	[spmem:s7] =	stream.linear.scatter [tilespmem:s16], [sflag:$0x3], $0x4000, $0x38;
	[tilespmem:$0x1E400] =	vst v63  }
0x2d: {  	_ =	swait.ge [sflag:s17], $0x4000  }
0x2e: {  	[sflag:s17] =	ssyncset.done $0x0  }
0x2f: {  	[sflag:s17] =	ssyncadd.s32 $0xFFFFC000  }
0x30: {  	[spmem:s8] =	stream.linear.scatter [tilespmem:s16], [sflag:$0x3], $0x4000, $0x38;
	[tilespmem:$0x1E400] =	vst v63  }
0x31: {  	_ =	swait.ge [sflag:s17], $0x4000  }
0x32: {  	[sflag:s17] =	ssyncset.done $0x0  }
0x33: {  	[sflag:s17] =	ssyncadd.s32 $0xFFFFC000  }
0x34: {  	[spmem:s9] =	stream.linear.scatter [tilespmem:s16], [sflag:$0x3], $0x3C00, $0x38;
	[tilespmem:$0x1E400] =	vst v63  }
0x35: {  	_ =	swait.ge [sflag:s17], $0x3C00  }
0x36: {  	[sflag:s17] =	ssyncset.done $0x0  }
0x37: {  	[sflag:s17] =	ssyncadd.s32 $0xFFFFC400  }
0x38: {  	s30 =	simm.s32 $0x0;
	[bflag:$0x0] =	sbarrier.arrive $0xFFFF  }
0x39: {  	[tilespmem:s30], [sflag:$0x3] =	stream.linear.gather [hbm4b:s10+s30], $0x1400, $0x38;
	[tilespmem:$0x1E400] =	vst v63  }
0x3a: {  	_ =	swait.ge [sflag:s17], $0x1400  }
0x3b: {  	[sflag:s17] =	ssyncset.done $0x0  }
0x3c: {  	[sflag:s17] =	ssyncadd.s32 $0xFFFFEC00  }
0x3d: {  	[tilespmem:s18], [sflag:$0x3] =	stream.linear.gather [hbm4b:s11+s30], $0x1400, $0x38;
	[tilespmem:$0x1E400] =	vst v63  }
0x3e: {  	_ =	swait.ge [sflag:s17], $0x1400  }
0x3f: {  	[sflag:s17] =	ssyncset.done $0x0  }
0x40: {  	[sflag:s17] =	ssyncadd.s32 $0xFFFFEC00  }
0x41: {  	[tilespmem:s16], [sflag:$0x1] =	stream.indirect.gather [hbm4b:s4+s19], $0x80, s30, s19, $0xb8;
	[tilespmem:$0x1E400] =	vst v63  }
0x42: {  	s31 =	simm.s32 $0x80  }
0x43: {  	[tilespmem:s20], [sflag:$0x2] =	stream.indirect.gather [hbm4b:s4+s19], $0x80, s31, s19, $0xb8;
	[tilespmem:$0x1E400] =	vst v63  }
0x44: {  	_ =	swait.ge [sflag:s21], $0x4000  }
0x45: {  	[sflag:s21] =	ssyncset.done $0x0  }
0x46: {  	s29 =	simm.s32 $0x1400;
	[sflag:s21] =	ssyncadd.s32 $0xFFFFC000  }
0x47: {  	[spmem:s1] =	stream.indirect.scatter.add.f32 [tilespmem:s16], [sflag:$0x3], $0x80, s29, s19, $0xb8;
	[tilespmem:$0x1E400] =	vst v63  }
0x48: {  	_ =	swait.ge [sflag:s17], $0x4000  }
0x49: {  	[sflag:s17] =	ssyncset.done $0x0  }
0x4a: {  	s30 =	simm.s32 $0x100;
	[sflag:s17] =	ssyncadd.s32 $0xFFFFC000  }
0x4b: {  	[tilespmem:s16], [sflag:$0x1] =	stream.indirect.gather [hbm4b:s4+s19], $0x80, s30, s19, $0xb8;
	[tilespmem:$0x1E400] =	vst v63  }
0x4c: {  	_ =	swait.ge [sflag:s22], $0x4000  }
0x4d: {  	[sflag:s22] =	ssyncset.done $0x0  }
0x4e: {  	s31 =	simm.s32 $0x1480;
	[sflag:s22] =	ssyncadd.s32 $0xFFFFC000  }
0x4f: {  	[spmem:s1] =	stream.indirect.scatter.add.f32 [tilespmem:s20], [sflag:$0x3], $0x80, s31, s19, $0xb8;
	[tilespmem:$0x1E400] =	vst v63  }
0x50: {  	_ =	swait.ge [sflag:s17], $0x4000  }
0x51: {  	s28 =	simm.s32 $0x800;
	s26 =	simm.s32 $0x100;
	[sflag:s17] =	ssyncset.done $0x0  }
.LBB2_4:
0x52: {  	s29 =	sadd.s32 $0x80, s26  }
0x53: {  	[sflag:s17] =	ssyncadd.s32 $0xFFFFC000;
	s30 =	smov.u32 s28;
	s31 =	sadd.s32 $0x400, s28  }
0x54: {  	[tilespmem:s20], [sflag:$0x2] =	stream.indirect.gather [hbm4b:s4+s19], $0x80, s29, s19, $0xb8;
	[tilespmem:$0x1E400] =	vst v63  }
0x55: {  	p0 =	sne.s32 s28, $0x4800;
	_ =	swait.ge [sflag:s21], $0x4000  }
0x56: {  	[sflag:s21] =	ssyncset.done $0x0  }
0x57: {  	s28 =	sadd.s32 $0x1400, s26;
	[sflag:s21] =	ssyncadd.s32 $0xFFFFC000  }
0x58: {  	[spmem:s1] =	stream.indirect.scatter.add.f32 [tilespmem:s16], [sflag:$0x3], $0x80, s28, s19, $0xb8;
	[tilespmem:$0x1E400] =	vst v63  }
0x59: {  	_ =	swait.ge [sflag:s17], $0x4000  }
0x5a: {  	[sflag:s17] =	ssyncset.done $0x0  }
0x5b: {  	s28 =	sadd.s32 $0x100, s26;
	[sflag:s17] =	ssyncadd.s32 $0xFFFFC000  }
0x5c: {  	[tilespmem:s16], [sflag:$0x1] =	stream.indirect.gather [hbm4b:s4+s19], $0x80, s28, s19, $0xb8;
	[tilespmem:$0x1E400] =	vst v63  }
0x5d: {  	_ =	swait.ge [sflag:s22], $0x4000  }
.Ltmp1:
0x5e: {  	[sflag:s22] =	ssyncset.done $0x0;
	(pc) =	sbr.rel @p0 .LBB2_4-.Ltmp1, $4  }
0x5f: {  	s26 =	sadd.s32 $0x1480, s26;
	[sflag:s22] =	ssyncadd.s32 $0xFFFFC000  }
0x60: {  	[spmem:s1] =	stream.indirect.scatter.add.f32 [tilespmem:s20], [sflag:$0x3], $0x80, s26, s19, $0xb8;
	[tilespmem:$0x1E400] =	vst v63  }
0x61: {  	_ =	swait.ge [sflag:s17], $0x4000  }
0x62: {  	s28 =	smov.u32 s31;
	s26 =	sshra.s32 s30, $0x2;
	[sflag:s17] =	ssyncset.done $0x0  }
0x63: {  	s28 =	sadd.s32 $0x80, s26;
	[sflag:s17] =	ssyncadd.s32 $0xFFFFC000  }
0x64: {  	[tilespmem:s20], [sflag:$0x2] =	stream.indirect.gather [hbm4b:s4+s19], $0x80, s28, s19, $0xb8;
	[tilespmem:$0x1E400] =	vst v63  }
0x65: {  	_ =	swait.ge [sflag:s21], $0x4000  }
0x66: {  	[sflag:s21] =	ssyncset.done $0x0  }
0x67: {  	s28 =	sadd.s32 $0x1400, s26;
	[sflag:s21] =	ssyncadd.s32 $0xFFFFC000  }
0x68: {  	[spmem:s1] =	stream.indirect.scatter.add.f32 [tilespmem:s16], [sflag:$0x3], $0x80, s28, s19, $0xb8;
	[tilespmem:$0x1E400] =	vst v63  }
0x69: {  	_ =	swait.ge [sflag:s17], $0x4000  }
0x6a: {  	[sflag:s17] =	ssyncset.done $0x0  }
0x6b: {  	s28 =	sadd.s32 $0x100, s26;
	[sflag:s17] =	ssyncadd.s32 $0xFFFFC000  }
0x6c: {  	[tilespmem:s16], [sflag:$0x1] =	stream.indirect.gather [hbm4b:s4+s19], $0x80, s28, s19, $0xb8;
	[tilespmem:$0x1E400] =	vst v63  }
0x6d: {  	_ =	swait.ge [sflag:s22], $0x4000  }
0x6e: {  	[sflag:s22] =	ssyncset.done $0x0  }
0x6f: {  	s29 =	sadd.s32 $0x1480, s26;
	[sflag:s22] =	ssyncadd.s32 $0xFFFFC000  }
0x70: {  	[spmem:s1] =	stream.indirect.scatter.add.f32 [tilespmem:s20], [sflag:$0x3], $0x80, s29, s19, $0xb8;
	[tilespmem:$0x1E400] =	vst v63  }
0x71: {  	_ =	swait.ge [sflag:s17], $0x4000  }
0x72: {  	[sflag:s17] =	ssyncset.done $0x0  }
0x73: {  	[sflag:s17] =	ssyncadd.s32 $0xFFFFC000  }
0x74: {  	[tilespmem:s20], [sflag:$0x2] =	stream.indirect.gather [hbm4b:s4+s19], $0x80, s23, s19, $0xb8;
	[tilespmem:$0x1E400] =	vst v63  }
0x75: {  	_ =	swait.ge [sflag:s21], $0x4000  }
0x76: {  	[sflag:s21] =	ssyncset.done $0x0  }
0x77: {  	[sflag:s21] =	ssyncadd.s32 $0xFFFFC000  }
0x78: {  	[spmem:s1] =	stream.indirect.scatter.add.f32 [tilespmem:s16], [sflag:$0x3], $0x80, s24, s19, $0xb8;
	[tilespmem:$0x1E400] =	vst v63  }
0x79: {  	_ =	swait.ge [sflag:s17], $0x4000  }
0x7a: {  	[sflag:s17] =	ssyncset.done $0x0  }
0x7b: {  	[sflag:s17] =	ssyncadd.s32 $0xFFFFC000  }
0x7c: {  	_ =	swait.ge [sflag:s22], $0x4000  }
0x7d: {  	[sflag:s22] =	ssyncset.done $0x0  }
0x7e: {  	[sflag:s22] =	ssyncadd.s32 $0xFFFFC000  }
0x7f: {  	[spmem:s1] =	stream.indirect.scatter.add.f32 [tilespmem:s20], [sflag:$0x3], $0x80, s25, s19, $0xb8;
	[tilespmem:$0x1E400] =	vst v63  }
0x80: {  	_ =	swait.ge [sflag:s17], $0x4000  }
0x81: {  	[sflag:s17] =	ssyncset.done $0x0  }
0x82: {  	s30 =	simm.s32 $0x0;
	[sflag:s17] =	ssyncadd.s32 $0xFFFFC000  }
0x83: {  	[tilespmem:s30], [sflag:$0x3] =	stream.linear.gather [hbm4b:s12+s30], $0x1400, $0x38;
	[tilespmem:$0x1E400] =	vst v63  }
0x84: {  	_ =	swait.ge [sflag:s17], $0x1400  }
0x85: {  	[sflag:s17] =	ssyncset.done $0x0  }
0x86: {  	[sflag:s17] =	ssyncadd.s32 $0xFFFFEC00  }
0x87: {  	[tilespmem:s18], [sflag:$0x3] =	stream.linear.gather [hbm4b:s13+s30], $0x1400, $0x38;
	[tilespmem:$0x1E400] =	vst v63  }
0x88: {  	_ =	swait.ge [sflag:s17], $0x1400  }
0x89: {  	[sflag:s17] =	ssyncset.done $0x0  }
0x8a: {  	[sflag:s17] =	ssyncadd.s32 $0xFFFFEC00  }
0x8b: {  	[tilespmem:s16], [sflag:$0x1] =	stream.indirect.gather [hbm4b:s4+s19], $0x80, s30, s19, $0xb8;
	[tilespmem:$0x1E400] =	vst v63  }
0x8c: {  	s31 =	simm.s32 $0x80  }
0x8d: {  	[tilespmem:s20], [sflag:$0x2] =	stream.indirect.gather [hbm4b:s4+s19], $0x80, s31, s19, $0xb8;
	[tilespmem:$0x1E400] =	vst v63  }
0x8e: {  	_ =	swait.ge [sflag:s21], $0x4000  }
0x8f: {  	[sflag:s21] =	ssyncset.done $0x0  }
0x90: {  	s29 =	simm.s32 $0x1400;
	[sflag:s21] =	ssyncadd.s32 $0xFFFFC000  }
0x91: {  	[spmem:s1] =	stream.indirect.scatter.add.f32 [tilespmem:s16], [sflag:$0x3], $0x80, s29, s19, $0xb8;
	[tilespmem:$0x1E400] =	vst v63  }
0x92: {  	_ =	swait.ge [sflag:s17], $0x4000  }
0x93: {  	[sflag:s17] =	ssyncset.done $0x0  }
0x94: {  	s30 =	simm.s32 $0x100;
	[sflag:s17] =	ssyncadd.s32 $0xFFFFC000  }
0x95: {  	[tilespmem:s16], [sflag:$0x1] =	stream.indirect.gather [hbm4b:s4+s19], $0x80, s30, s19, $0xb8;
	[tilespmem:$0x1E400] =	vst v63  }
0x96: {  	_ =	swait.ge [sflag:s22], $0x4000  }
0x97: {  	[sflag:s22] =	ssyncset.done $0x0  }
0x98: {  	s31 =	simm.s32 $0x1480;
	[sflag:s22] =	ssyncadd.s32 $0xFFFFC000  }
0x99: {  	[spmem:s1] =	stream.indirect.scatter.add.f32 [tilespmem:s20], [sflag:$0x3], $0x80, s31, s19, $0xb8;
	[tilespmem:$0x1E400] =	vst v63  }
0x9a: {  	_ =	swait.ge [sflag:s17], $0x4000  }
0x9b: {  	s26 =	simm.s32 $0x100;
	s28 =	simm.s32 $0x800;
	[sflag:s17] =	ssyncset.done $0x0  }
.LBB2_6:
0x9c: {  	s29 =	sadd.s32 $0x80, s26  }
0x9d: {  	[sflag:s17] =	ssyncadd.s32 $0xFFFFC000;
	s30 =	smov.u32 s28;
	s31 =	sadd.s32 $0x400, s28  }
0x9e: {  	[tilespmem:s20], [sflag:$0x2] =	stream.indirect.gather [hbm4b:s4+s19], $0x80, s29, s19, $0xb8;
	[tilespmem:$0x1E400] =	vst v63  }
0x9f: {  	p0 =	sne.s32 s28, $0x4800;
	_ =	swait.ge [sflag:s21], $0x4000  }
0xa0: {  	[sflag:s21] =	ssyncset.done $0x0  }
0xa1: {  	s28 =	sadd.s32 $0x1400, s26;
	[sflag:s21] =	ssyncadd.s32 $0xFFFFC000  }
0xa2: {  	[spmem:s1] =	stream.indirect.scatter.add.f32 [tilespmem:s16], [sflag:$0x3], $0x80, s28, s19, $0xb8;
	[tilespmem:$0x1E400] =	vst v63  }
0xa3: {  	_ =	swait.ge [sflag:s17], $0x4000  }
0xa4: {  	[sflag:s17] =	ssyncset.done $0x0  }
0xa5: {  	s28 =	sadd.s32 $0x100, s26;
	[sflag:s17] =	ssyncadd.s32 $0xFFFFC000  }
0xa6: {  	[tilespmem:s16], [sflag:$0x1] =	stream.indirect.gather [hbm4b:s4+s19], $0x80, s28, s19, $0xb8;
	[tilespmem:$0x1E400] =	vst v63  }
0xa7: {  	_ =	swait.ge [sflag:s22], $0x4000  }
.Ltmp2:
0xa8: {  	[sflag:s22] =	ssyncset.done $0x0;
	(pc) =	sbr.rel @p0 .LBB2_6-.Ltmp2, $4  }
0xa9: {  	s26 =	sadd.s32 $0x1480, s26;
	[sflag:s22] =	ssyncadd.s32 $0xFFFFC000  }
0xaa: {  	[spmem:s1] =	stream.indirect.scatter.add.f32 [tilespmem:s20], [sflag:$0x3], $0x80, s26, s19, $0xb8;
	[tilespmem:$0x1E400] =	vst v63  }
0xab: {  	_ =	swait.ge [sflag:s17], $0x4000  }
0xac: {  	s28 =	smov.u32 s31;
	s26 =	sshra.s32 s30, $0x2;
	[sflag:s17] =	ssyncset.done $0x0  }
0xad: {  	s28 =	sadd.s32 $0x80, s26;
	[sflag:s17] =	ssyncadd.s32 $0xFFFFC000  }
0xae: {  	[tilespmem:s20], [sflag:$0x2] =	stream.indirect.gather [hbm4b:s4+s19], $0x80, s28, s19, $0xb8;
	[tilespmem:$0x1E400] =	vst v63  }
0xaf: {  	_ =	swait.ge [sflag:s21], $0x4000  }
0xb0: {  	[sflag:s21] =	ssyncset.done $0x0  }
0xb1: {  	s30 =	sadd.s32 $0x1400, s26;
	[sflag:s21] =	ssyncadd.s32 $0xFFFFC000  }
0xb2: {  	[spmem:s1] =	stream.indirect.scatter.add.f32 [tilespmem:s16], [sflag:$0x3], $0x80, s30, s19, $0xb8;
	[tilespmem:$0x1E400] =	vst v63  }
0xb3: {  	_ =	swait.ge [sflag:s17], $0x4000  }
0xb4: {  	[sflag:s17] =	ssyncset.done $0x0  }
0xb5: {  	s31 =	sadd.s32 $0x100, s26;
	[sflag:s17] =	ssyncadd.s32 $0xFFFFC000  }
0xb6: {  	[tilespmem:s16], [sflag:$0x1] =	stream.indirect.gather [hbm4b:s4+s19], $0x80, s31, s19, $0xb8;
	[tilespmem:$0x1E400] =	vst v63  }
0xb7: {  	_ =	swait.ge [sflag:s22], $0x4000  }
0xb8: {  	[sflag:s22] =	ssyncset.done $0x0  }
0xb9: {  	s29 =	sadd.s32 $0x1480, s26;
	[sflag:s22] =	ssyncadd.s32 $0xFFFFC000  }
0xba: {  	[spmem:s1] =	stream.indirect.scatter.add.f32 [tilespmem:s20], [sflag:$0x3], $0x80, s29, s19, $0xb8;
	[tilespmem:$0x1E400] =	vst v63  }
0xbb: {  	_ =	swait.ge [sflag:s17], $0x4000  }
0xbc: {  	[sflag:s17] =	ssyncset.done $0x0  }
0xbd: {  	[sflag:s17] =	ssyncadd.s32 $0xFFFFC000  }
0xbe: {  	[tilespmem:s20], [sflag:$0x2] =	stream.indirect.gather [hbm4b:s4+s19], $0x80, s23, s19, $0xb8;
	[tilespmem:$0x1E400] =	vst v63  }
0xbf: {  	_ =	swait.ge [sflag:s21], $0x4000  }
0xc0: {  	[sflag:s21] =	ssyncset.done $0x0  }
0xc1: {  	[sflag:s21] =	ssyncadd.s32 $0xFFFFC000  }
0xc2: {  	[spmem:s1] =	stream.indirect.scatter.add.f32 [tilespmem:s16], [sflag:$0x3], $0x80, s24, s19, $0xb8;
	[tilespmem:$0x1E400] =	vst v63  }
0xc3: {  	_ =	swait.ge [sflag:s17], $0x4000  }
0xc4: {  	[sflag:s17] =	ssyncset.done $0x0  }
0xc5: {  	[sflag:s17] =	ssyncadd.s32 $0xFFFFC000  }
0xc6: {  	_ =	swait.ge [sflag:s22], $0x4000  }
0xc7: {  	[sflag:s22] =	ssyncset.done $0x0  }
0xc8: {  	[sflag:s22] =	ssyncadd.s32 $0xFFFFC000  }
0xc9: {  	[spmem:s1] =	stream.indirect.scatter.add.f32 [tilespmem:s20], [sflag:$0x3], $0x80, s25, s19, $0xb8;
	[tilespmem:$0x1E400] =	vst v63  }
0xca: {  	_ =	swait.ge [sflag:s17], $0x4000  }
0xcb: {  	s3 =	sadd.s32 $0x1, s3;
	s30 =	sshll.u32 s2, $0x6;
	[sflag:s17] =	ssyncset.done $0x0  }
0xcc: {  	p0 =	sne.s32 s3, s14;
	s26 =	sor.u32 $0x1C03, s30;
	[sflag:s17] =	ssyncadd.s32 $0xFFFFC000  }
.Ltmp3:
0xcd: {  	s31 =	sshrl.u32 s5, $0x3;
	[bflag:$0x0] =	sbarrier.arrive $0xFFFF;
	(pc) =	sbr.rel @p0 .LBB2_1-.Ltmp3, $4  }
0xce: {  	[hbm:s15], [sflag:s26] =	dma.local [spmem:s31], $0x2780  }
0xcf: {  	_ =	swait.ge [sflag:s17], $0x2780  }
0xd0: {  	[sflag:s17] =	ssyncset.done $0x0  }
0xd1: {  	[sflag:s17] =	ssyncadd.s32 $0xFFFFD880  }
0xd2: {  	_ =	sfence.sel $0x180000  }
0xd3: {  	[bflag:$0x0] =	sbarrier.arrive $0xFFFF  }
0xd4: {  	p0 =	sne.s32 s2, $0x0;
	_ =	strace $0x9000004D  }
0xd5: {  	s0 =	sadd.s32 @!p0 $0x100000, s0;
	[bflag:$0x2] =	sbarrier.arrive $0xFFFF  }
0xd6: {  	[sflag:s0] =	ssyncadd.tile.s32 @!p0 $0x1;
	_ =	shalt  }
.Lfunc_end2:
_tile_overlayer_lowered:
.L_overlay_start_2:
0xd7: {  	(tag) =	ssettag $0x2  }
0xd8: {  	s0 =	rddreg [dreg:$0x0];
	s2 =	stileid.u32  }
0xd9: {  	s1 =	rddreg [dreg:$0x1];
	p0 =	sne.s32 s2, $0x0  }
0xda: {  	s3 =	rddreg [dreg:$0x2];
	[bflag:$0x3] =	sbarrier.arrive $0xFFFF;
	s2 =	simm.s32 @!p0 $0x1C03  }
0xdb: {  	[timem:s3], [sflag:s2] =	dma.local @!p0 [hbm:s0], s1  }
0xdc: {  	s0 =	simm.s32 @!p0 $0x3  }
0xdd: {  	_ =	swait.ge @!p0 [sflag:s0], s1  }
0xde: {  	s1 =	ssub.s32 @!p0 $0x0, s1;
	[sflag:s0] =	ssyncset.done @!p0 $0x0  }
0xdf: {  	[sflag:s0] =	ssyncadd.s32 @!p0 s1  }
0xe0: {  	[bflag:$0x3] =	sbarrier.arrive $0xFFFF  }
0xe1: {  	_ =	shalt  }

// kernel: kernel.18.cloned.1.call-start
scs
__scs_entry_jumppad:
0x0: {  	(pc) =	sbr.rel $0x88, $3  }
0x1: {  	(tag) =	ssettag $0x0;
	lr =	simm.s32 $0x1  }
0x2: {  	[smem:$0x3F95] =	sst lr;
	_ =	strace $0xD0000000  }
0x3: {  	_ = 	snop  }
0x4: {  	_ = 	snop  }
0x5: {  	_ = 	snop  }
0x6: {  	_ = 	snop  }
0x7: {  	_ = 	snop  }
__scs_overlays_trampoline_lowered:
0x8: {  	[smem:$0x3FA4] =	sst s0  }
0x9: {  	[smem:$0x3FA5] =	sst s1  }
0xa: {  	[smem:$0x3FA6] =	sst s2  }
0xb: {  	[smem:$0x3FA7] =	sst s3  }
0xc: {  	[smem:$0x3FA8] =	sst s4  }
0xd: {  	[smem:$0x3FA9] =	sst s5  }
0xe: {  	[smem:$0x3FAA] =	sst s6  }
0xf: {  	[smem:$0x3FAB] =	sst s7  }
0x10: {  	[smem:$0x3FAC] =	sst s8  }
0x11: {  	[smem:$0x3FAD] =	sst s9;
	s0 =	simm.s32 @!p0 $0x0  }
0x12: {  	s1 =	sld [smem:$0x3F93];
	s0 =	simm.s32 @p0 $0x1  }
0x13: {  	[smem:$0x3FAE] =	sst s0;
	s0 =	simm.s32 @!p1 $0x0  }
0x14: {  	s2 =	sld [smem:$0x3F92];
	s0 =	simm.s32 @p1 $0x1  }
0x15: {  	[smem:$0x3FAF] =	sst s0;
	s0 =	simm.s32 @!p2 $0x0  }
0x16: {  	s3 =	sld [smem:$0x3FDB];
	s0 =	simm.s32 @p2 $0x1  }
0x17: {  	s4 =	simm.s32 $0x1BF5;
	[smem:$0x3FB1] =	sst s0  }
0x18: {  	s0 =	sld [smem:$0x3F94];
	_ =	swait.ge [sflag:s4], $0x0  }
0x19: {  	s7 =	sld [smem:$0x3F95]  }
0x1a: {  	s8 =	sadd.s32 $0xFFFFE003, lr  }
0x1b: {  	s9 =	sadd.s32 $0xFFFFFEF7, lr;
	s5 =	simm.s32 $0xFFFFFFFF;
	p2 =	slt.u32 s8, $0xFFFFF086  }
0x1c: {  	p1 =	slt.u32 s9, $0xF7A;
	s5 =	simm.s32 @!p2 $0x0  }
0x1d: {  	s5 =	simm.s32 @p1 $0x1;
	p0 =	seq.s32 s7, s2  }
0x1e: {  	s7 =	smul.u32 @!p0 $0xF7A, s2;
	p2 =	seq.s32 @!p0 s5, $0x0  }
0x1f: {  	s9 =	smul.u32 $0xF7A, s1;
	s8 =	simm.s32 @!p0 $0x1BF5;
	p2 =	por !p2, p0  }
0x20: {  	[sflag:s8] =	ssyncset.s32 @!p0 $0xFFFFF086;
	s6 =	sadd.s32 @!p0 s3, s7;
	s7 =	simm.s32 @!p0 $0x108  }
0x21: {  	s3 =	sadd.s32 s3, s9;
	s6 =	sadd.s32 @!p0 $0x88, s6;
	s7 =	simm.s32 @p2 $0x1082  }
0x22: {  	[simem:s7], [sflag:s8] =	dma.local @!p0 [hbm:s6], $0xF7A  }
0x23: {  	s9 =	sor.u32 $0xD0000000, s2;
	s6 =	simm.s32 $0x108;
	_ =	swait.ge @!p0 [sflag:s8], $0x0  }
0x24: {  	s3 =	sadd.s32 $0x88, s3;
	s6 =	simm.s32 @!p1 $0x1082;
	[sflag:s4] =	ssyncset.s32 $0xFFFFF086  }
0x25: {  	[simem:s6], [sflag:s4] =	dma.local [hbm:s3], $0xF7A  }
0x26: {  	[smem:$0x3F95] =	sst s1;
	(tag) =	ssettag s2;
	_ =	strace s9  }
0x27: {  	s1 =	sld [smem:$0x3FA5]  }
0x28: {  	s2 =	sld [smem:$0x3FA6]  }
0x29: {  	s4 =	sld [smem:$0x3FA8]  }
0x2a: {  	p0 =	seq.s32 s5, $0x0;
	s5 =	sld [smem:$0x3FA9]  }
0x2b: {  	s6 =	sld [smem:$0x3FAA]  }
0x2c: {  	s7 =	sld [smem:$0x3FAB]  }
0x2d: {  	s3 =	simm.s32 $0x108;
	s8 =	sld [smem:$0x3FAC]  }
0x2e: {  	s3 =	simm.s32 @!p0 $0x1082;
	s9 =	sld [smem:$0x3FAD]  }
0x2f: {  	lr =	sadd.s32 s0, s3;
	s0 =	sld [smem:$0x3FA4]  }
0x30: {  	s3 =	sld [smem:$0x3FA7]  }
0x31: {  	[smem:$0x3FB0] =	sst s10  }
0x32: {  	s10 =	sld [smem:$0x3FAE];
	_ =	sdelay $0x3  }
0x33: {  	p0 =	seq.s32 s10, $0x1;
	s10 =	sld [smem:$0x3FB0];
	_ =	sdelay $0x3  }
0x34: {  	[smem:$0x3FB0] =	sst s10  }
0x35: {  	s10 =	sld [smem:$0x3FAF];
	_ =	sdelay $0x3  }
0x36: {  	p1 =	seq.s32 s10, $0x1;
	s10 =	sld [smem:$0x3FB0];
	_ =	sdelay $0x3  }
0x37: {  	[smem:$0x3FB0] =	sst s10  }
0x38: {  	s10 =	sld [smem:$0x3FB1]  }
0x39: {  	_ = 	snop;
	(pc) =	sbr.ind lr, $3  }
0x3a: {  	_ = 	snop  }
0x3b: {  	_ = 	snop  }
0x3c: {  	p2 =	seq.s32 s10, $0x1;
	s10 =	sld [smem:$0x3FB0]  }
0x3d: {  	_ =	shalt  }
0x3e: {  	_ =	shalt  }
0x3f: {  	_ =	shalt  }
0x40: {  	_ =	shalt  }
0x41: {  	_ =	shalt  }
0x42: {  	_ =	shalt  }
0x43: {  	_ =	shalt  }
0x44: {  	_ =	shalt  }
0x45: {  	_ =	shalt  }
0x46: {  	_ =	shalt  }
0x47: {  	_ =	shalt  }
0x48: {  	_ =	shalt  }
0x49: {  	_ =	shalt  }
0x4a: {  	_ =	shalt  }
0x4b: {  	_ =	shalt  }
0x4c: {  	_ =	shalt  }
0x4d: {  	_ =	shalt  }
0x4e: {  	_ =	shalt  }
0x4f: {  	_ =	shalt  }
0x50: {  	_ =	shalt  }
0x51: {  	_ =	shalt  }
0x52: {  	_ =	shalt  }
0x53: {  	_ =	shalt  }
0x54: {  	_ =	shalt  }
0x55: {  	_ =	shalt  }
0x56: {  	_ =	shalt  }
0x57: {  	_ =	shalt  }
0x58: {  	_ =	shalt  }
0x59: {  	_ =	shalt  }
0x5a: {  	_ =	shalt  }
0x5b: {  	_ =	shalt  }
0x5c: {  	_ =	shalt  }
0x5d: {  	_ =	shalt  }
0x5e: {  	_ =	shalt  }
0x5f: {  	_ =	shalt  }
0x60: {  	_ =	shalt  }
0x61: {  	_ =	shalt  }
0x62: {  	_ =	shalt  }
0x63: {  	_ =	shalt  }
0x64: {  	_ =	shalt  }
0x65: {  	_ =	shalt  }
0x66: {  	_ =	shalt  }
0x67: {  	_ =	shalt  }
0x68: {  	_ =	shalt  }
0x69: {  	_ =	shalt  }
0x6a: {  	_ =	shalt  }
0x6b: {  	_ =	shalt  }
0x6c: {  	_ =	shalt  }
0x6d: {  	_ =	shalt  }
0x6e: {  	_ =	shalt  }
0x6f: {  	_ =	shalt  }
0x70: {  	_ =	shalt  }
0x71: {  	_ =	shalt  }
0x72: {  	_ =	shalt  }
0x73: {  	_ =	shalt  }
0x74: {  	_ =	shalt  }
0x75: {  	_ =	shalt  }
0x76: {  	_ =	shalt  }
0x77: {  	_ =	shalt  }
0x78: {  	_ =	shalt  }
0x79: {  	_ =	shalt  }
0x7a: {  	_ =	shalt  }
0x7b: {  	_ =	shalt  }
0x7c: {  	_ =	shalt  }
0x7d: {  	_ =	shalt  }
0x7e: {  	_ =	shalt  }
0x7f: {  	_ =	shalt  }
0x80: {  	_ =	shalt  }
0x81: {  	_ =	shalt  }
0x82: {  	_ =	shalt  }
0x83: {  	_ =	shalt  }
0x84: {  	_ =	shalt  }
0x85: {  	_ =	shalt  }
0x86: {  	_ =	shalt  }
0x87: {  	_ =	shalt  }
.Lfunc_end0:
.L_simem_size_0:
called_computation.3_lowered:
.L_overlay_start_0:
0x88: {  	s2 =	sld [smem:$0x3FD9]  }
0x89: {  	s3 =	sld [smem:$0x3FFE];
	_ =	sdelay $0x1  }
0x8a: {  	s1 =	srdreg.scid  }
0x8b: {  	s0 =	sand.u32 $0x1, s1  }
0x8c: {  	s14 =	sshll.u32 s0, $0xA;
	s2 =	sadd.s32 s3, s2  }
0x8d: {  	s2 =	sadd.s32 s2, s14  }
0x8e: {  	[smem:$0x3FBC] =	sst s2  }
0x8f: {  	_ = 	snop  }
0x90: {  	s2 =	sld [smem:$0x3FD0];
	_ =	sdelay $0x2  }
0x91: {  	s15 =	simm.s32 $0xB;
	s4 =	simm.s32 $0x10  }
0x92: {  	[smem:s4], [sflag:s15] =	dma.local [hbm:s2], $0x1  }
0x93: {  	_ =	swait.eq [sflag:s15], $0x1  }
0x94: {  	[sflag:s15] =	ssyncset.done $0x0  }
0x95: {  	[sflag:s15] =	ssyncadd.s32 $0xFFFFFFFF  }
0x96: {  	s16 =	sld [smem:$0x10];
	(tm) =	ssettm $0x1  }
0x97: {  	s17 =	sld [smem:$0x3FFB];
	_ =	sdelay $0x3  }
0x98: {  	_ =	strace s17  }
0x99: {  	s3 =	sld [smem:$0x3FFC];
	_ =	sdelay $0x3  }
0x9a: {  	_ =	strace s3  }
0x9b: {  	s3 =	sld [smem:$0x3FFD];
	_ =	sdelay $0x3  }
0x9c: {  	_ =	strace s3  }
0x9d: {  	_ =	strace $0x8FFFFFFF  }
0x9e: {  	s18 =	sld [smem:$0x3FDB];
	_ =	sdelay $0x1  }
0x9f: {  	s19 =	simm.s32 $_scs_section_size  }
0xa0: {  	s5 =	simm.s32 $_size__tile_overlayer_lowered;
	s6 =	simm.s32 $_tile_overlayer_lowered  }
0xa1: {  	s22 =	simm.s32 $0x1BFF;
	s21 =	sshll.u32 s6, $0x1;
	s3 =	sadd.s32 s19, s18  }
0xa2: {  	s7 =	simm.s32 $0x0;
	s20 =	sshll.u32 s5, $0x1;
	s5 =	sadd.s32 s21, s3  }
0xa3: {  	[timem:s7], [sflag:s22] =	dma.local [hbm:s5], s20  }
0xa4: {  	_ =	swait.ge [sflag:s22], s20  }
0xa5: {  	s4 =	ssub.s32 $0x0, s20;
	[sflag:s22] =	ssyncset.done $0x0  }
0xa6: {  	[sflag:s22] =	ssyncadd.s32 s4;
	_ =	sdelay $0x1  }
0xa7: {  	s23 =	simm.s32 $0x1B8B  }
0xa8: {  	_ =	swait.ge [sflag:s23], $0x1  }
0xa9: {  	[sflag:s23] =	ssyncset.done $0x0  }
0xaa: {  	s25 =	simm.s32 $0x1B8E;
	s24 =	sld [smem:$0x3FFE];
	[sflag:s23] =	ssyncadd.s32 $0xFFFFFFFF  }
0xab: {  	s26 =	simm.s32 $execute0_lowered;
	[smem:$0x3FD2] =	sst s25  }
0xac: {  	s5 =	sshll.u32 s26, $0x1;
	_ =	strace $0x8000004F;
	[dreg:$0x1] =	wrdreg $0xFFFFFFFF  }
0xad: {  	s28 =	simm.s32 $_size_execute0_lowered;
	s3 =	sadd.s32 s3, s5;
	[dreg:$0x0] =	wrdreg $0x0  }
0xae: {  	s5 =	sshll.u32 s28, $0x1;
	[dreg:$0x2] =	wrdreg s3  }
0xaf: {  	[dreg:$0x3] =	wrdreg s5  }
0xb0: {  	[dreg:$0x4] =	wrdreg $0xC0  }
0xb1: {  	_ =	task [dreg:s7], $0x5FFFF  }
0xb2: {  	[dreg:$0x1] =	wrdreg $0xFFFFFFFF  }
0xb3: {  	[dreg:$0x0] =	wrdreg $0x60  }
0xb4: {  	[dreg:$0x2] =	wrdreg s24  }
0xb5: {  	[dreg:$0x3] =	wrdreg s16  }
0xb6: {  	[dreg:$0x4] =	wrdreg $0xA8000  }
0xb7: {  	[dreg:$0x5] =	wrdreg $0x9  }
0xb8: {  	_ =	task.clear_ibuf [dreg:s7], $0x6FFFF;
	_ =	strace $0x9000004F  }
0xb9: {  	s29 =	simm.s32 $0x9;
	_ =	strace $0x80000051  }
0xba: {  	_ =	swait.ge [sflag:s29], $0x1  }
0xbb: {  	[sflag:s29] =	ssyncadd.s32 $0xFFFFFFFF  }
0xbc: {  	_ =	strace $0x90000051  }
0xbd: {  	_ =	sfence  }
0xbe: {  	s30 =	sld [smem:$0x0];
	_ =	sdelay $0x2  }
0xbf: {  	s31 =	sshll.u32 s1, $0xD;
	s1 =	sshrl.u32 s1, $0x2  }
0xc0: {  	s3 =	sand.u32 $0x4000, s31;
	s1 =	sadd.s32 s1, s30  }
0xc1: {  	s0 =	sor.u32 s3, s0;
	s1 =	sshll.u32 s1, $0x11  }
0xc2: {  	s0 =	sor.u32 s1, s0  }
0xc3: {  	s0 =	sadd.s32 $0x8F2B, s0  }
0xc4: {  	[sflag:s0] =	ssyncadd.remote.s32 $0x1  }
0xc5: {  	_ =	sfence.sel $0xFFFF  }
0xc6: {  	[dreg:$0x0] =	wrdreg $0xFFFFFFFF;
	(pc) =	sbr.abs _section_cstart, $3  }
0xc7: {  	[dreg:$0x1] =	wrdreg $0xFFFFFFFF  }
0xc8: {  	_ =	task.clear_ibuf [dreg:s7], $0x2FFFF;
	_ =	strace $0x9FFFFFFF  }
0xc9: {  	(tm) =	ssettm $0x7FFFFFFF  }
tec
execute0_lowered:
.L_overlay_start_1:
0x0: {  	(tag) =	ssettag $0x1  }
0x1: {  	s5 =	rddreg [dreg:$0x0]  }
0x2: {  	s11 =	rddreg [dreg:$0x1]  }
0x3: {  	s1 =	rddreg [dreg:$0x2]  }
0x4: {  	s0 =	rddreg [dreg:$0x3];
	s2 =	simm.s32 $0x0  }
0x5: {  	s3 =	srdreg.scid;
	s16 =	simm.s32 $0x6800;
	s17 =	simm.s32 $0x1  }
0x6: {  	s18 =	simm.s32 $0x2;
	s19 =	simm.s32 $0x1380;
	s20 =	simm.s32 $0x2700  }
0x7: {  	s21 =	simm.s32 $0x2780;
	[smem:$0x7FF] =	sst s2;
	s9 =	sand.u32 $0x1, s3  }
0x8: {  	s3 =	stileid.u32;
	s4 =	sadd.s32 $0x19A00, s5;
	s8 =	sadd.s32 $0x5A00, s5  }
0x9: {  	s10 =	sadd.s32 $0xFA00, s5;
	s13 =	sadd.s32 $0x40C00, s5;
	_ =	strace $0x80000050  }
0xa: {  	s6 =	sshll.u32 s9, $0x4;
	s7 =	ssub.s32 $0x2, s9;
	s29 =	sshll.u32 s3, $0xD  }
0xb: {  	p0 =	seq.s32 s9, $0x1;
	s31 =	sshll.u32 s3, $0xA;
	s6 =	sor.u32 s3, s6  }
0xc: {  	s28 =	sshrl.u32 s7, $0x1;
	s5 =	sadd.s32 s29, s1;
	s12 =	smul.u32 $0x2800, s6  }
0xd: {  	s11 =	smov.u32 @p0 s13;
	s13 =	simm.s32 $0x3;
	s14 =	smul.u32 $0x500, s6  }
0xe: {  	s15 =	ssub.s32 s7, s28;
	s11 =	sadd.s32 s11, s31;
	s30 =	sshrl.u32 s12, $0x3  }
0xf: {  	s6 =	sadd.s32 s8, s14;
	s7 =	sadd.s32 s10, s14;
	s12 =	sadd.s32 $0x280, s30  }
0x10: {  	s14 =	simm.s32 $0x1400;
	s8 =	sadd.s32 s8, s12;
	s9 =	sadd.s32 s10, s12  }
0x11: {  	v0 =	vimm.f32 $0.0e+00;
	s10 =	smax.u32 s15, $0x1;
	s12 =	simm.s32 $0x2800;
	s15 =	simm.s32 $0x80  }
.LBB2_1:
0x12: {  	s22 =	simm.s32 $0x0;
	s23 =	simm.s32 $0x200  }
.LBB2_2:
0x13: {  	p0 =	sne.s32 s23, $0x7E00;
	[tilespmem:s22+$0x2870] =	vst v0  }
0x14: {  	[tilespmem:s22+$0x2800] =	vst v0  }
0x15: {  	[tilespmem:s22+$0x2810] =	vst v0  }
.Ltmp0:
0x16: {  	[tilespmem:s22+$0x2820] =	vst v0;
	(pc) =	sbr.rel @p0 .LBB2_2-.Ltmp0, $4  }
0x17: {  	[tilespmem:s22+$0x2830] =	vst v0  }
0x18: {  	[tilespmem:s22+$0x2840] =	vst v0  }
0x19: {  	[tilespmem:s22+$0x2850] =	vst v0  }
0x1a: {  	[tilespmem:s22+$0x2860] =	vst v0;
	s22 =	sshra.s32 s23, $0x2;
	s23 =	sadd.s32 $0x200, s23  }
0x1b: {  	[tilespmem:s22+$0x2870] =	vst v0  }
0x1c: {  	[tilespmem:s22+$0x2800] =	vst v0  }
0x1d: {  	[tilespmem:s22+$0x2810] =	vst v0  }
0x1e: {  	[tilespmem:s22+$0x2820] =	vst v0  }
0x1f: {  	[tilespmem:s22+$0x2830] =	vst v0  }
0x20: {  	[tilespmem:s22+$0x2840] =	vst v0  }
0x21: {  	[tilespmem:s22+$0x2850] =	vst v0  }
0x22: {  	[tilespmem:s22+$0x2860] =	vst v0  }
0x23: {  	[spmem:s5] =	stream.linear.scatter [tilespmem:s12], [sflag:$0x3], $0x2000, $0x38;
	[tilespmem:$0x1E400] =	vst v63  }
0x24: {  	_ =	swait.ge [sflag:s13], $0x2000  }
0x25: {  	[sflag:s13] =	ssyncset.done $0x0  }
0x26: {  	[sflag:s13] =	ssyncadd.s32 $0xFFFFE000  }
0x27: {  	s26 =	simm.s32 $0x0;
	[bflag:$0x0] =	sbarrier.arrive $0xFFFF  }
0x28: {  	[tilespmem:s26], [sflag:$0x3] =	stream.linear.gather [hbm4b:s6+s26], $0x1400, $0x38;
	[tilespmem:$0x1E400] =	vst v63  }
0x29: {  	_ =	swait.ge [sflag:s13], $0x1400  }
0x2a: {  	[sflag:s13] =	ssyncset.done $0x0  }
0x2b: {  	[sflag:s13] =	ssyncadd.s32 $0xFFFFEC00  }
0x2c: {  	[tilespmem:s14], [sflag:$0x3] =	stream.linear.gather [hbm4b:s7+s26], $0x1400, $0x38;
	[tilespmem:$0x1E400] =	vst v63  }
0x2d: {  	_ =	swait.ge [sflag:s13], $0x1400  }
0x2e: {  	[sflag:s13] =	ssyncset.done $0x0  }
0x2f: {  	[sflag:s13] =	ssyncadd.s32 $0xFFFFEC00  }
0x30: {  	[tilespmem:s12], [sflag:$0x1] =	stream.indirect.gather [hbm4b:s4+s15], $0x80, s26, s15, $0xb8;
	[tilespmem:$0x1E400] =	vst v63  }
0x31: {  	s28 =	simm.s32 $0x80  }
0x32: {  	[tilespmem:s16], [sflag:$0x2] =	stream.indirect.gather [hbm4b:s4+s15], $0x80, s28, s15, $0xb8;
	[tilespmem:$0x1E400] =	vst v63  }
0x33: {  	_ =	swait.ge [sflag:s17], $0x4000  }
0x34: {  	[sflag:s17] =	ssyncset.done $0x0  }
0x35: {  	s29 =	simm.s32 $0x1400;
	[sflag:s17] =	ssyncadd.s32 $0xFFFFC000  }
0x36: {  	[spmem:s1] =	stream.indirect.scatter.add.f32 [tilespmem:s12], [sflag:$0x3], $0x80, s29, s15, $0xb8;
	[tilespmem:$0x1E400] =	vst v63  }
0x37: {  	_ =	swait.ge [sflag:s13], $0x4000  }
0x38: {  	[sflag:s13] =	ssyncset.done $0x0  }
0x39: {  	s30 =	simm.s32 $0x100;
	[sflag:s13] =	ssyncadd.s32 $0xFFFFC000  }
0x3a: {  	[tilespmem:s12], [sflag:$0x1] =	stream.indirect.gather [hbm4b:s4+s15], $0x80, s30, s15, $0xb8;
	[tilespmem:$0x1E400] =	vst v63  }
0x3b: {  	_ =	swait.ge [sflag:s18], $0x4000  }
0x3c: {  	[sflag:s18] =	ssyncset.done $0x0  }
0x3d: {  	s31 =	simm.s32 $0x1480;
	[sflag:s18] =	ssyncadd.s32 $0xFFFFC000  }
0x3e: {  	[spmem:s1] =	stream.indirect.scatter.add.f32 [tilespmem:s16], [sflag:$0x3], $0x80, s31, s15, $0xb8;
	[tilespmem:$0x1E400] =	vst v63  }
0x3f: {  	_ =	swait.ge [sflag:s13], $0x4000  }
0x40: {  	s23 =	simm.s32 $0x800;
	s22 =	simm.s32 $0x100;
	[sflag:s13] =	ssyncset.done $0x0  }
.LBB2_4:
0x41: {  	s24 =	sadd.s32 $0x80, s22  }
0x42: {  	[sflag:s13] =	ssyncadd.s32 $0xFFFFC000;
	s25 =	smov.u32 s23;
	s26 =	sadd.s32 $0x400, s23  }
0x43: {  	[tilespmem:s16], [sflag:$0x2] =	stream.indirect.gather [hbm4b:s4+s15], $0x80, s24, s15, $0xb8;
	[tilespmem:$0x1E400] =	vst v63  }
0x44: {  	p0 =	sne.s32 s23, $0x4800;
	_ =	swait.ge [sflag:s17], $0x4000  }
0x45: {  	[sflag:s17] =	ssyncset.done $0x0  }
0x46: {  	s23 =	sadd.s32 $0x1400, s22;
	[sflag:s17] =	ssyncadd.s32 $0xFFFFC000  }
0x47: {  	[spmem:s1] =	stream.indirect.scatter.add.f32 [tilespmem:s12], [sflag:$0x3], $0x80, s23, s15, $0xb8;
	[tilespmem:$0x1E400] =	vst v63  }
0x48: {  	_ =	swait.ge [sflag:s13], $0x4000  }
0x49: {  	[sflag:s13] =	ssyncset.done $0x0  }
0x4a: {  	s23 =	sadd.s32 $0x100, s22;
	[sflag:s13] =	ssyncadd.s32 $0xFFFFC000  }
0x4b: {  	[tilespmem:s12], [sflag:$0x1] =	stream.indirect.gather [hbm4b:s4+s15], $0x80, s23, s15, $0xb8;
	[tilespmem:$0x1E400] =	vst v63  }
0x4c: {  	_ =	swait.ge [sflag:s18], $0x4000  }
.Ltmp1:
0x4d: {  	[sflag:s18] =	ssyncset.done $0x0;
	(pc) =	sbr.rel @p0 .LBB2_4-.Ltmp1, $4  }
0x4e: {  	s22 =	sadd.s32 $0x1480, s22;
	[sflag:s18] =	ssyncadd.s32 $0xFFFFC000  }
0x4f: {  	[spmem:s1] =	stream.indirect.scatter.add.f32 [tilespmem:s16], [sflag:$0x3], $0x80, s22, s15, $0xb8;
	[tilespmem:$0x1E400] =	vst v63  }
0x50: {  	_ =	swait.ge [sflag:s13], $0x4000  }
0x51: {  	s23 =	smov.u32 s26;
	s22 =	sshra.s32 s25, $0x2;
	[sflag:s13] =	ssyncset.done $0x0  }
0x52: {  	s23 =	sadd.s32 $0x80, s22;
	[sflag:s13] =	ssyncadd.s32 $0xFFFFC000  }
0x53: {  	[tilespmem:s16], [sflag:$0x2] =	stream.indirect.gather [hbm4b:s4+s15], $0x80, s23, s15, $0xb8;
	[tilespmem:$0x1E400] =	vst v63  }
0x54: {  	_ =	swait.ge [sflag:s17], $0x4000  }
0x55: {  	[sflag:s17] =	ssyncset.done $0x0  }
0x56: {  	s31 =	sadd.s32 $0x1400, s22;
	[sflag:s17] =	ssyncadd.s32 $0xFFFFC000  }
0x57: {  	[spmem:s1] =	stream.indirect.scatter.add.f32 [tilespmem:s12], [sflag:$0x3], $0x80, s31, s15, $0xb8;
	[tilespmem:$0x1E400] =	vst v63  }
0x58: {  	_ =	swait.ge [sflag:s13], $0x4000  }
0x59: {  	[sflag:s13] =	ssyncset.done $0x0  }
0x5a: {  	s24 =	sadd.s32 $0x100, s22;
	[sflag:s13] =	ssyncadd.s32 $0xFFFFC000  }
0x5b: {  	[tilespmem:s12], [sflag:$0x1] =	stream.indirect.gather [hbm4b:s4+s15], $0x80, s24, s15, $0xb8;
	[tilespmem:$0x1E400] =	vst v63  }
0x5c: {  	_ =	swait.ge [sflag:s18], $0x4000  }
0x5d: {  	[sflag:s18] =	ssyncset.done $0x0  }
0x5e: {  	s25 =	sadd.s32 $0x1480, s22;
	[sflag:s18] =	ssyncadd.s32 $0xFFFFC000  }
0x5f: {  	[spmem:s1] =	stream.indirect.scatter.add.f32 [tilespmem:s16], [sflag:$0x3], $0x80, s25, s15, $0xb8;
	[tilespmem:$0x1E400] =	vst v63  }
0x60: {  	_ =	swait.ge [sflag:s13], $0x4000  }
0x61: {  	[sflag:s13] =	ssyncset.done $0x0  }
0x62: {  	[sflag:s13] =	ssyncadd.s32 $0xFFFFC000  }
0x63: {  	[tilespmem:s16], [sflag:$0x2] =	stream.indirect.gather [hbm4b:s4+s15], $0x80, s19, s15, $0xb8;
	[tilespmem:$0x1E400] =	vst v63  }
0x64: {  	_ =	swait.ge [sflag:s17], $0x4000  }
0x65: {  	[sflag:s17] =	ssyncset.done $0x0  }
0x66: {  	[sflag:s17] =	ssyncadd.s32 $0xFFFFC000  }
0x67: {  	[spmem:s1] =	stream.indirect.scatter.add.f32 [tilespmem:s12], [sflag:$0x3], $0x80, s20, s15, $0xb8;
	[tilespmem:$0x1E400] =	vst v63  }
0x68: {  	_ =	swait.ge [sflag:s13], $0x4000  }
0x69: {  	[sflag:s13] =	ssyncset.done $0x0  }
0x6a: {  	[sflag:s13] =	ssyncadd.s32 $0xFFFFC000  }
0x6b: {  	_ =	swait.ge [sflag:s18], $0x4000  }
0x6c: {  	[sflag:s18] =	ssyncset.done $0x0  }
0x6d: {  	[sflag:s18] =	ssyncadd.s32 $0xFFFFC000  }
0x6e: {  	[spmem:s1] =	stream.indirect.scatter.add.f32 [tilespmem:s16], [sflag:$0x3], $0x80, s21, s15, $0xb8;
	[tilespmem:$0x1E400] =	vst v63  }
0x6f: {  	_ =	swait.ge [sflag:s13], $0x4000  }
0x70: {  	[sflag:s13] =	ssyncset.done $0x0  }
0x71: {  	s26 =	simm.s32 $0x0;
	[sflag:s13] =	ssyncadd.s32 $0xFFFFC000  }
0x72: {  	[tilespmem:s26], [sflag:$0x3] =	stream.linear.gather [hbm4b:s8+s26], $0x1400, $0x38;
	[tilespmem:$0x1E400] =	vst v63  }
0x73: {  	_ =	swait.ge [sflag:s13], $0x1400  }
0x74: {  	[sflag:s13] =	ssyncset.done $0x0  }
0x75: {  	[sflag:s13] =	ssyncadd.s32 $0xFFFFEC00  }
0x76: {  	[tilespmem:s14], [sflag:$0x3] =	stream.linear.gather [hbm4b:s9+s26], $0x1400, $0x38;
	[tilespmem:$0x1E400] =	vst v63  }
0x77: {  	_ =	swait.ge [sflag:s13], $0x1400  }
0x78: {  	[sflag:s13] =	ssyncset.done $0x0  }
0x79: {  	[sflag:s13] =	ssyncadd.s32 $0xFFFFEC00  }
0x7a: {  	[tilespmem:s12], [sflag:$0x1] =	stream.indirect.gather [hbm4b:s4+s15], $0x80, s26, s15, $0xb8;
	[tilespmem:$0x1E400] =	vst v63  }
0x7b: {  	s28 =	simm.s32 $0x80  }
0x7c: {  	[tilespmem:s16], [sflag:$0x2] =	stream.indirect.gather [hbm4b:s4+s15], $0x80, s28, s15, $0xb8;
	[tilespmem:$0x1E400] =	vst v63  }
0x7d: {  	_ =	swait.ge [sflag:s17], $0x4000  }
0x7e: {  	[sflag:s17] =	ssyncset.done $0x0  }
0x7f: {  	s29 =	simm.s32 $0x1400;
	[sflag:s17] =	ssyncadd.s32 $0xFFFFC000  }
0x80: {  	[spmem:s1] =	stream.indirect.scatter.add.f32 [tilespmem:s12], [sflag:$0x3], $0x80, s29, s15, $0xb8;
	[tilespmem:$0x1E400] =	vst v63  }
0x81: {  	_ =	swait.ge [sflag:s13], $0x4000  }
0x82: {  	[sflag:s13] =	ssyncset.done $0x0  }
0x83: {  	s30 =	simm.s32 $0x100;
	[sflag:s13] =	ssyncadd.s32 $0xFFFFC000  }
0x84: {  	[tilespmem:s12], [sflag:$0x1] =	stream.indirect.gather [hbm4b:s4+s15], $0x80, s30, s15, $0xb8;
	[tilespmem:$0x1E400] =	vst v63  }
0x85: {  	_ =	swait.ge [sflag:s18], $0x4000  }
0x86: {  	[sflag:s18] =	ssyncset.done $0x0  }
0x87: {  	s31 =	simm.s32 $0x1480;
	[sflag:s18] =	ssyncadd.s32 $0xFFFFC000  }
0x88: {  	[spmem:s1] =	stream.indirect.scatter.add.f32 [tilespmem:s16], [sflag:$0x3], $0x80, s31, s15, $0xb8;
	[tilespmem:$0x1E400] =	vst v63  }
0x89: {  	_ =	swait.ge [sflag:s13], $0x4000  }
0x8a: {  	s22 =	simm.s32 $0x100;
	s23 =	simm.s32 $0x800;
	[sflag:s13] =	ssyncset.done $0x0  }
.LBB2_6:
0x8b: {  	s24 =	sadd.s32 $0x80, s22  }
0x8c: {  	[sflag:s13] =	ssyncadd.s32 $0xFFFFC000;
	s25 =	smov.u32 s23;
	s26 =	sadd.s32 $0x400, s23  }
0x8d: {  	[tilespmem:s16], [sflag:$0x2] =	stream.indirect.gather [hbm4b:s4+s15], $0x80, s24, s15, $0xb8;
	[tilespmem:$0x1E400] =	vst v63  }
0x8e: {  	p0 =	sne.s32 s23, $0x4800;
	_ =	swait.ge [sflag:s17], $0x4000  }
0x8f: {  	[sflag:s17] =	ssyncset.done $0x0  }
0x90: {  	s23 =	sadd.s32 $0x1400, s22;
	[sflag:s17] =	ssyncadd.s32 $0xFFFFC000  }
0x91: {  	[spmem:s1] =	stream.indirect.scatter.add.f32 [tilespmem:s12], [sflag:$0x3], $0x80, s23, s15, $0xb8;
	[tilespmem:$0x1E400] =	vst v63  }
0x92: {  	_ =	swait.ge [sflag:s13], $0x4000  }
0x93: {  	[sflag:s13] =	ssyncset.done $0x0  }
0x94: {  	s23 =	sadd.s32 $0x100, s22;
	[sflag:s13] =	ssyncadd.s32 $0xFFFFC000  }
0x95: {  	[tilespmem:s12], [sflag:$0x1] =	stream.indirect.gather [hbm4b:s4+s15], $0x80, s23, s15, $0xb8;
	[tilespmem:$0x1E400] =	vst v63  }
0x96: {  	_ =	swait.ge [sflag:s18], $0x4000  }
.Ltmp2:
0x97: {  	[sflag:s18] =	ssyncset.done $0x0;
	(pc) =	sbr.rel @p0 .LBB2_6-.Ltmp2, $4  }
0x98: {  	s22 =	sadd.s32 $0x1480, s22;
	[sflag:s18] =	ssyncadd.s32 $0xFFFFC000  }
0x99: {  	[spmem:s1] =	stream.indirect.scatter.add.f32 [tilespmem:s16], [sflag:$0x3], $0x80, s22, s15, $0xb8;
	[tilespmem:$0x1E400] =	vst v63  }
0x9a: {  	_ =	swait.ge [sflag:s13], $0x4000  }
0x9b: {  	s23 =	smov.u32 s26;
	s22 =	sshra.s32 s25, $0x2;
	[sflag:s13] =	ssyncset.done $0x0  }
0x9c: {  	s23 =	sadd.s32 $0x80, s22;
	[sflag:s13] =	ssyncadd.s32 $0xFFFFC000  }
0x9d: {  	[tilespmem:s16], [sflag:$0x2] =	stream.indirect.gather [hbm4b:s4+s15], $0x80, s23, s15, $0xb8;
	[tilespmem:$0x1E400] =	vst v63  }
0x9e: {  	_ =	swait.ge [sflag:s17], $0x4000  }
0x9f: {  	[sflag:s17] =	ssyncset.done $0x0  }
0xa0: {  	s26 =	sadd.s32 $0x1400, s22;
	[sflag:s17] =	ssyncadd.s32 $0xFFFFC000  }
0xa1: {  	[spmem:s1] =	stream.indirect.scatter.add.f32 [tilespmem:s12], [sflag:$0x3], $0x80, s26, s15, $0xb8;
	[tilespmem:$0x1E400] =	vst v63  }
0xa2: {  	_ =	swait.ge [sflag:s13], $0x4000  }
0xa3: {  	[sflag:s13] =	ssyncset.done $0x0  }
0xa4: {  	s28 =	sadd.s32 $0x100, s22;
	[sflag:s13] =	ssyncadd.s32 $0xFFFFC000  }
0xa5: {  	[tilespmem:s12], [sflag:$0x1] =	stream.indirect.gather [hbm4b:s4+s15], $0x80, s28, s15, $0xb8;
	[tilespmem:$0x1E400] =	vst v63  }
0xa6: {  	_ =	swait.ge [sflag:s18], $0x4000  }
0xa7: {  	[sflag:s18] =	ssyncset.done $0x0  }
0xa8: {  	s29 =	sadd.s32 $0x1480, s22;
	[sflag:s18] =	ssyncadd.s32 $0xFFFFC000  }
0xa9: {  	[spmem:s1] =	stream.indirect.scatter.add.f32 [tilespmem:s16], [sflag:$0x3], $0x80, s29, s15, $0xb8;
	[tilespmem:$0x1E400] =	vst v63  }
0xaa: {  	_ =	swait.ge [sflag:s13], $0x4000  }
0xab: {  	[sflag:s13] =	ssyncset.done $0x0  }
0xac: {  	[sflag:s13] =	ssyncadd.s32 $0xFFFFC000  }
0xad: {  	[tilespmem:s16], [sflag:$0x2] =	stream.indirect.gather [hbm4b:s4+s15], $0x80, s19, s15, $0xb8;
	[tilespmem:$0x1E400] =	vst v63  }
0xae: {  	_ =	swait.ge [sflag:s17], $0x4000  }
0xaf: {  	[sflag:s17] =	ssyncset.done $0x0  }
0xb0: {  	[sflag:s17] =	ssyncadd.s32 $0xFFFFC000  }
0xb1: {  	[spmem:s1] =	stream.indirect.scatter.add.f32 [tilespmem:s12], [sflag:$0x3], $0x80, s20, s15, $0xb8;
	[tilespmem:$0x1E400] =	vst v63  }
0xb2: {  	_ =	swait.ge [sflag:s13], $0x4000  }
0xb3: {  	[sflag:s13] =	ssyncset.done $0x0  }
0xb4: {  	[sflag:s13] =	ssyncadd.s32 $0xFFFFC000  }
0xb5: {  	_ =	swait.ge [sflag:s18], $0x4000  }
0xb6: {  	[sflag:s18] =	ssyncset.done $0x0  }
0xb7: {  	[sflag:s18] =	ssyncadd.s32 $0xFFFFC000  }
0xb8: {  	[spmem:s1] =	stream.indirect.scatter.add.f32 [tilespmem:s16], [sflag:$0x3], $0x80, s21, s15, $0xb8;
	[tilespmem:$0x1E400] =	vst v63  }
0xb9: {  	_ =	swait.ge [sflag:s13], $0x4000  }
0xba: {  	s30 =	sshll.u32 s3, $0x6;
	s2 =	sadd.s32 $0x1, s2;
	[sflag:s13] =	ssyncset.done $0x0  }
0xbb: {  	s31 =	sshrl.u32 s5, $0x3;
	p0 =	sne.s32 s2, s10;
	[sflag:s13] =	ssyncadd.s32 $0xFFFFC000  }
.Ltmp3:
0xbc: {  	s22 =	sor.u32 $0x1C03, s30;
	[bflag:$0x0] =	sbarrier.arrive $0xFFFF;
	(pc) =	sbr.rel @p0 .LBB2_1-.Ltmp3, $4  }
0xbd: {  	[hbm:s11], [sflag:s22] =	dma.local [spmem:s31], $0x400  }
0xbe: {  	_ =	swait.ge [sflag:s13], $0x400  }
0xbf: {  	[sflag:s13] =	ssyncset.done $0x0  }
0xc0: {  	[sflag:s13] =	ssyncadd.s32 $0xFFFFFC00  }
0xc1: {  	_ =	sfence.sel $0x180000  }
0xc2: {  	[bflag:$0x0] =	sbarrier.arrive $0xFFFF  }
0xc3: {  	p0 =	sne.s32 s3, $0x0;
	_ =	strace $0x90000050  }
0xc4: {  	s0 =	sadd.s32 @!p0 $0x100000, s0;
	[bflag:$0x2] =	sbarrier.arrive $0xFFFF  }
0xc5: {  	[sflag:s0] =	ssyncadd.tile.s32 @!p0 $0x1;
	_ =	shalt  }
.Lfunc_end2:
_tile_overlayer_lowered:
.L_overlay_start_2:
0xc6: {  	(tag) =	ssettag $0x2  }
0xc7: {  	s0 =	rddreg [dreg:$0x0];
	s2 =	stileid.u32  }
0xc8: {  	s1 =	rddreg [dreg:$0x1];
	p0 =	sne.s32 s2, $0x0  }
0xc9: {  	s3 =	rddreg [dreg:$0x2];
	[bflag:$0x3] =	sbarrier.arrive $0xFFFF;
	s2 =	simm.s32 @!p0 $0x1C03  }
0xca: {  	[timem:s3], [sflag:s2] =	dma.local @!p0 [hbm:s0], s1  }
0xcb: {  	s0 =	simm.s32 @!p0 $0x3  }
0xcc: {  	_ =	swait.ge @!p0 [sflag:s0], s1  }
0xcd: {  	s1 =	ssub.s32 @!p0 $0x0, s1;
	[sflag:s0] =	ssyncset.done @!p0 $0x0  }
0xce: {  	[sflag:s0] =	ssyncadd.s32 @!p0 s1  }
0xcf: {  	[bflag:$0x3] =	sbarrier.arrive $0xFFFF  }
0xd0: {  	_ =	shalt  }

// kernel: kernel.9.cloned.1.call-start
scs
__scs_entry_jumppad:
0x0: {  	(pc) =	sbr.rel $0x88, $3  }
0x1: {  	(tag) =	ssettag $0x0;
	lr =	simm.s32 $0x1  }
0x2: {  	[smem:$0x3F95] =	sst lr;
	_ =	strace $0xD0000000  }
0x3: {  	_ = 	snop  }
0x4: {  	_ = 	snop  }
0x5: {  	_ = 	snop  }
0x6: {  	_ = 	snop  }
0x7: {  	_ = 	snop  }
__scs_overlays_trampoline_lowered:
0x8: {  	[smem:$0x3FA4] =	sst s0  }
0x9: {  	[smem:$0x3FA5] =	sst s1  }
0xa: {  	[smem:$0x3FA6] =	sst s2  }
0xb: {  	[smem:$0x3FA7] =	sst s3  }
0xc: {  	[smem:$0x3FA8] =	sst s4  }
0xd: {  	[smem:$0x3FA9] =	sst s5  }
0xe: {  	[smem:$0x3FAA] =	sst s6  }
0xf: {  	[smem:$0x3FAB] =	sst s7  }
0x10: {  	[smem:$0x3FAC] =	sst s8  }
0x11: {  	[smem:$0x3FAD] =	sst s9;
	s0 =	simm.s32 @!p0 $0x0  }
0x12: {  	s1 =	sld [smem:$0x3F93];
	s0 =	simm.s32 @p0 $0x1  }
0x13: {  	[smem:$0x3FAE] =	sst s0;
	s0 =	simm.s32 @!p1 $0x0  }
0x14: {  	s2 =	sld [smem:$0x3F92];
	s0 =	simm.s32 @p1 $0x1  }
0x15: {  	[smem:$0x3FAF] =	sst s0;
	s0 =	simm.s32 @!p2 $0x0  }
0x16: {  	s3 =	sld [smem:$0x3FDB];
	s0 =	simm.s32 @p2 $0x1  }
0x17: {  	s4 =	simm.s32 $0x1BF5;
	[smem:$0x3FB1] =	sst s0  }
0x18: {  	s0 =	sld [smem:$0x3F94];
	_ =	swait.ge [sflag:s4], $0x0  }
0x19: {  	s7 =	sld [smem:$0x3F95]  }
0x1a: {  	s8 =	sadd.s32 $0xFFFFE003, lr  }
0x1b: {  	s9 =	sadd.s32 $0xFFFFFEF7, lr;
	s5 =	simm.s32 $0xFFFFFFFF;
	p2 =	slt.u32 s8, $0xFFFFF086  }
0x1c: {  	p1 =	slt.u32 s9, $0xF7A;
	s5 =	simm.s32 @!p2 $0x0  }
0x1d: {  	s5 =	simm.s32 @p1 $0x1;
	p0 =	seq.s32 s7, s2  }
0x1e: {  	s7 =	smul.u32 @!p0 $0xF7A, s2;
	p2 =	seq.s32 @!p0 s5, $0x0  }
0x1f: {  	s9 =	smul.u32 $0xF7A, s1;
	s8 =	simm.s32 @!p0 $0x1BF5;
	p2 =	por !p2, p0  }
0x20: {  	[sflag:s8] =	ssyncset.s32 @!p0 $0xFFFFF086;
	s6 =	sadd.s32 @!p0 s3, s7;
	s7 =	simm.s32 @!p0 $0x108  }
0x21: {  	s3 =	sadd.s32 s3, s9;
	s6 =	sadd.s32 @!p0 $0x88, s6;
	s7 =	simm.s32 @p2 $0x1082  }
0x22: {  	[simem:s7], [sflag:s8] =	dma.local @!p0 [hbm:s6], $0xF7A  }
0x23: {  	s9 =	sor.u32 $0xD0000000, s2;
	s6 =	simm.s32 $0x108;
	_ =	swait.ge @!p0 [sflag:s8], $0x0  }
0x24: {  	s3 =	sadd.s32 $0x88, s3;
	s6 =	simm.s32 @!p1 $0x1082;
	[sflag:s4] =	ssyncset.s32 $0xFFFFF086  }
0x25: {  	[simem:s6], [sflag:s4] =	dma.local [hbm:s3], $0xF7A  }
0x26: {  	[smem:$0x3F95] =	sst s1;
	(tag) =	ssettag s2;
	_ =	strace s9  }
0x27: {  	s1 =	sld [smem:$0x3FA5]  }
0x28: {  	s2 =	sld [smem:$0x3FA6]  }
0x29: {  	s4 =	sld [smem:$0x3FA8]  }
0x2a: {  	p0 =	seq.s32 s5, $0x0;
	s5 =	sld [smem:$0x3FA9]  }
0x2b: {  	s6 =	sld [smem:$0x3FAA]  }
0x2c: {  	s7 =	sld [smem:$0x3FAB]  }
0x2d: {  	s3 =	simm.s32 $0x108;
	s8 =	sld [smem:$0x3FAC]  }
0x2e: {  	s3 =	simm.s32 @!p0 $0x1082;
	s9 =	sld [smem:$0x3FAD]  }
0x2f: {  	lr =	sadd.s32 s0, s3;
	s0 =	sld [smem:$0x3FA4]  }
0x30: {  	s3 =	sld [smem:$0x3FA7]  }
0x31: {  	[smem:$0x3FB0] =	sst s10  }
0x32: {  	s10 =	sld [smem:$0x3FAE];
	_ =	sdelay $0x3  }
0x33: {  	p0 =	seq.s32 s10, $0x1;
	s10 =	sld [smem:$0x3FB0];
	_ =	sdelay $0x3  }
0x34: {  	[smem:$0x3FB0] =	sst s10  }
0x35: {  	s10 =	sld [smem:$0x3FAF];
	_ =	sdelay $0x3  }
0x36: {  	p1 =	seq.s32 s10, $0x1;
	s10 =	sld [smem:$0x3FB0];
	_ =	sdelay $0x3  }
0x37: {  	[smem:$0x3FB0] =	sst s10  }
0x38: {  	s10 =	sld [smem:$0x3FB1]  }
0x39: {  	_ = 	snop;
	(pc) =	sbr.ind lr, $3  }
0x3a: {  	_ = 	snop  }
0x3b: {  	_ = 	snop  }
0x3c: {  	p2 =	seq.s32 s10, $0x1;
	s10 =	sld [smem:$0x3FB0]  }
0x3d: {  	_ =	shalt  }
0x3e: {  	_ =	shalt  }
0x3f: {  	_ =	shalt  }
0x40: {  	_ =	shalt  }
0x41: {  	_ =	shalt  }
0x42: {  	_ =	shalt  }
0x43: {  	_ =	shalt  }
0x44: {  	_ =	shalt  }
0x45: {  	_ =	shalt  }
0x46: {  	_ =	shalt  }
0x47: {  	_ =	shalt  }
0x48: {  	_ =	shalt  }
0x49: {  	_ =	shalt  }
0x4a: {  	_ =	shalt  }
0x4b: {  	_ =	shalt  }
0x4c: {  	_ =	shalt  }
0x4d: {  	_ =	shalt  }
0x4e: {  	_ =	shalt  }
0x4f: {  	_ =	shalt  }
0x50: {  	_ =	shalt  }
0x51: {  	_ =	shalt  }
0x52: {  	_ =	shalt  }
0x53: {  	_ =	shalt  }
0x54: {  	_ =	shalt  }
0x55: {  	_ =	shalt  }
0x56: {  	_ =	shalt  }
0x57: {  	_ =	shalt  }
0x58: {  	_ =	shalt  }
0x59: {  	_ =	shalt  }
0x5a: {  	_ =	shalt  }
0x5b: {  	_ =	shalt  }
0x5c: {  	_ =	shalt  }
0x5d: {  	_ =	shalt  }
0x5e: {  	_ =	shalt  }
0x5f: {  	_ =	shalt  }
0x60: {  	_ =	shalt  }
0x61: {  	_ =	shalt  }
0x62: {  	_ =	shalt  }
0x63: {  	_ =	shalt  }
0x64: {  	_ =	shalt  }
0x65: {  	_ =	shalt  }
0x66: {  	_ =	shalt  }
0x67: {  	_ =	shalt  }
0x68: {  	_ =	shalt  }
0x69: {  	_ =	shalt  }
0x6a: {  	_ =	shalt  }
0x6b: {  	_ =	shalt  }
0x6c: {  	_ =	shalt  }
0x6d: {  	_ =	shalt  }
0x6e: {  	_ =	shalt  }
0x6f: {  	_ =	shalt  }
0x70: {  	_ =	shalt  }
0x71: {  	_ =	shalt  }
0x72: {  	_ =	shalt  }
0x73: {  	_ =	shalt  }
0x74: {  	_ =	shalt  }
0x75: {  	_ =	shalt  }
0x76: {  	_ =	shalt  }
0x77: {  	_ =	shalt  }
0x78: {  	_ =	shalt  }
0x79: {  	_ =	shalt  }
0x7a: {  	_ =	shalt  }
0x7b: {  	_ =	shalt  }
0x7c: {  	_ =	shalt  }
0x7d: {  	_ =	shalt  }
0x7e: {  	_ =	shalt  }
0x7f: {  	_ =	shalt  }
0x80: {  	_ =	shalt  }
0x81: {  	_ =	shalt  }
0x82: {  	_ =	shalt  }
0x83: {  	_ =	shalt  }
0x84: {  	_ =	shalt  }
0x85: {  	_ =	shalt  }
0x86: {  	_ =	shalt  }
0x87: {  	_ =	shalt  }
.Lfunc_end0:
.L_simem_size_0:
called_computation_lowered:
.L_overlay_start_0:
0x88: {  	s2 =	sld [smem:$0x3FD9]  }
0x89: {  	s3 =	sld [smem:$0x3FFE];
	_ =	sdelay $0x1  }
0x8a: {  	s1 =	srdreg.scid  }
0x8b: {  	s0 =	sand.u32 $0x1, s1  }
0x8c: {  	s17 =	sshll.u32 s0, $0xA;
	s2 =	sadd.s32 s3, s2  }
0x8d: {  	s2 =	sadd.s32 s2, s17  }
0x8e: {  	[smem:$0x3FBC] =	sst s2  }
0x8f: {  	_ = 	snop  }
0x90: {  	(tm) =	ssettm $0x1  }
0x91: {  	s18 =	sld [smem:$0x3FFB];
	_ =	sdelay $0x3  }
0x92: {  	_ =	strace s18  }
0x93: {  	s2 =	sld [smem:$0x3FFC];
	_ =	sdelay $0x3  }
0x94: {  	_ =	strace s2  }
0x95: {  	s2 =	sld [smem:$0x3FFD];
	_ =	sdelay $0x3  }
0x96: {  	_ =	strace s2  }
0x97: {  	_ =	strace $0x8FFFFFFF  }
0x98: {  	s19 =	sld [smem:$0x3FDB];
	_ =	sdelay $0x1  }
0x99: {  	s20 =	simm.s32 $_scs_section_size  }
0x9a: {  	s4 =	simm.s32 $_size__tile_overlayer_lowered;
	s5 =	simm.s32 $_tile_overlayer_lowered  }
0x9b: {  	s6 =	simm.s32 $0x1BFF;
	s21 =	sshll.u32 s5, $0x1;
	s3 =	sadd.s32 s20, s19  }
0x9c: {  	s22 =	simm.s32 $0x0;
	s4 =	sshll.u32 s4, $0x1;
	s5 =	sadd.s32 s21, s3  }
0x9d: {  	[timem:s22], [sflag:s6] =	dma.local [hbm:s5], s4  }
0x9e: {  	_ =	swait.ge [sflag:s6], s4  }
0x9f: {  	s4 =	ssub.s32 $0x0, s4;
	[sflag:s6] =	ssyncset.done $0x0  }
0xa0: {  	[sflag:s6] =	ssyncadd.s32 s4;
	_ =	sdelay $0x1  }
0xa1: {  	s23 =	simm.s32 $0x1B8B  }
0xa2: {  	_ =	swait.ge [sflag:s23], $0x1  }
0xa3: {  	[sflag:s23] =	ssyncset.done $0x0  }
0xa4: {  	[sflag:s23] =	ssyncadd.s32 $0xFFFFFFFF  }
0xa5: {  	s4 =	sld [smem:$0x0]  }
0xa6: {  	s5 =	sand.u32 $0xFFFFFFFE, s1  }
0xa7: {  	p0 =	sne.s32 s1, s5  }
0xa8: {  	s5 =	sshll.u32 @p0 s5, $0xE  }
0xa9: {  	s5 =	sadd.s32 @p0 $0x11B8D, s5;
	s6 =	sshll.u32 @p0 s4, $0x11  }
0xaa: {  	s5 =	sor.u32 @p0 s6, s5  }
0xab: {  	[sflag:s5] =	ssyncadd.remote.s32 @p0 $0x1;
	_ =	sdelay $0x1  }
0xac: {  	s5 =	simm.s32 @p0 $0x1B8D  }
0xad: {  	_ =	swait.eq @p0 [sflag:s5], $0x1  }
0xae: {  	[sflag:s5] =	ssyncadd.s32 @p0 $0xFFFFFFFF  }
0xaf: {  	s6 =	sshll.u32 @!p0 s1, $0xE  }
0xb0: {  	s6 =	sor.u32 @!p0 $0x4000, s6;
	s5 =	simm.s32 @!p0 $0x1B8D  }
0xb1: {  	s4 =	sshll.u32 @!p0 s4, $0x11;
	s6 =	sadd.s32 @!p0 $0x11B8D, s6;
	_ =	swait.eq @!p0 [sflag:s5], $0x1  }
0xb2: {  	s4 =	sor.u32 @!p0 s4, s6;
	[sflag:s5] =	ssyncadd.s32 @!p0 $0xFFFFFFFF  }
0xb3: {  	s25 =	simm.s32 $0x1B8E;
	s24 =	sld [smem:$0x3FFE];
	[sflag:s4] =	ssyncadd.remote.s32 @!p0 $0x1  }
0xb4: {  	s26 =	simm.s32 $execute0_lowered;
	[smem:$0x3FD2] =	sst s25  }
0xb5: {  	s5 =	sshll.u32 s26, $0x1;
	_ =	strace $0x80000049;
	[dreg:$0x1] =	wrdreg $0xFFFFFFFF  }
0xb6: {  	s28 =	simm.s32 $_size_execute0_lowered;
	s3 =	sadd.s32 s3, s5;
	[dreg:$0x0] =	wrdreg $0x0  }
0xb7: {  	s5 =	sshll.u32 s28, $0x1;
	[dreg:$0x2] =	wrdreg s3  }
0xb8: {  	[dreg:$0x3] =	wrdreg s5  }
0xb9: {  	[dreg:$0x4] =	wrdreg $0xC0  }
0xba: {  	_ =	task [dreg:s22], $0x5FFFF  }
0xbb: {  	[dreg:$0x1] =	wrdreg $0xFFFFFFFF  }
0xbc: {  	[dreg:$0x0] =	wrdreg $0x60  }
0xbd: {  	[dreg:$0x2] =	wrdreg s24  }
0xbe: {  	[dreg:$0x3] =	wrdreg $0x68000  }
0xbf: {  	[dreg:$0x4] =	wrdreg $0x9  }
0xc0: {  	_ =	task.clear_ibuf [dreg:s22], $0x5FFFF;
	_ =	strace $0x90000049  }
0xc1: {  	s29 =	simm.s32 $0x9;
	_ =	strace $0x8000004B  }
0xc2: {  	_ =	swait.ge [sflag:s29], $0x1  }
0xc3: {  	[sflag:s29] =	ssyncadd.s32 $0xFFFFFFFF  }
0xc4: {  	_ =	strace $0x9000004B  }
0xc5: {  	_ =	sfence  }
0xc6: {  	s30 =	sld [smem:$0x0];
	_ =	sdelay $0x2  }
0xc7: {  	s31 =	sshll.u32 s1, $0xD;
	s1 =	sshrl.u32 s1, $0x2  }
0xc8: {  	s4 =	sand.u32 $0x4000, s31;
	s1 =	sadd.s32 s1, s30  }
0xc9: {  	s0 =	sor.u32 s4, s0;
	s1 =	sshll.u32 s1, $0x11  }
0xca: {  	s0 =	sor.u32 s1, s0  }
0xcb: {  	s0 =	sadd.s32 $0x8F2B, s0  }
0xcc: {  	[sflag:s0] =	ssyncadd.remote.s32 $0x1  }
0xcd: {  	_ =	sfence.sel $0xFFFF  }
0xce: {  	[dreg:$0x0] =	wrdreg $0xFFFFFFFF;
	(pc) =	sbr.abs _section_cstart, $3  }
0xcf: {  	[dreg:$0x1] =	wrdreg $0xFFFFFFFF  }
0xd0: {  	_ =	task.clear_ibuf [dreg:s22], $0x2FFFF;
	_ =	strace $0x9FFFFFFF  }
0xd1: {  	(tm) =	ssettm $0x7FFFFFFF  }
tec
execute0_lowered:
.L_overlay_start_1:
0x0: {  	(tag) =	ssettag $0x1  }
0x1: {  	s0 =	srdreg.scid;
	s10 =	rddreg [dreg:$0x0]  }
0x2: {  	s2 =	rddreg [dreg:$0x1];
	s3 =	simm.s32 $0x0;
	s12 =	simm.s32 $0x90200  }
0x3: {  	s14 =	simm.s32 $0x80;
	s17 =	simm.s32 $0x0;
	s7 =	sand.u32 $0x1, s0  }
0x4: {  	s0 =	stileid.u32;
	[smem:$0x7FF] =	sst s3;
	s1 =	sshll.u32 s7, $0x4  }
0x5: {  	s5 =	smul.u32 $0x4F000, s0;
	s6 =	ssub.s32 $0x2, s7;
	p0 =	seq.s32 s7, $0x1  }
0x6: {  	s13 =	smul.u32 $0x2780, s0;
	s15 =	sshll.u32 s0, $0x6;
	s4 =	sor.u32 s0, s1  }
0x7: {  	s1 =	rddreg [dreg:$0x2];
	_ =	strace $0x8000004A;
	s8 =	sshrl.u32 s6, $0x1  }
0x8: {  	s12 =	simm.s32 @!p0 $0x68A00;
	s4 =	smul.u32 $0x500, s4;
	s5 =	sshrl.u32 s5, $0x2  }
0x9: {  	s15 =	sor.u32 $0x1C01, s15;
	s11 =	ssub.s32 s6, s8;
	s5 =	sadd.s32 s5, s2  }
0xa: {  	s12 =	sadd.s32 s12, s10;
	s4 =	sadd.s32 s4, s10;
	s6 =	sadd.s32 $0x4000, s5  }
0xb: {  	s7 =	sadd.s32 $0x8000, s5;
	s8 =	sadd.s32 $0xC000, s5;
	s9 =	sadd.s32 $0x10000, s5  }
0xc: {  	s10 =	smax.u32 s11, $0x1;
	s11 =	sadd.s32 s12, s13;
	s12 =	simm.s32 $0x1  }
0xd: {  	v0 =	vimm.f32 $0.0e+00;
	v1 =	vimm.f32 $1.000000000e+00;
	s13 =	simm.s32 $0x2800;
	s16 =	sshrl.u32 s5, $0x3;
	s4 =	sadd.s32 $0xFA00, s4  }
.LBB2_1:
0xe: {  	[tilespmem:s3], [sflag:$0x1] =	stream.linear.gather [hbm4b:s4+s3], $0x2800, $0x38;
	[tilespmem:$0x1A400] =	vst v63  }
0xf: {  	_ =	swait.ge [sflag:s12], $0x2800  }
0x10: {  	[sflag:s12] =	ssyncset.done $0x0  }
0x11: {  	s18 =	simm.s32 $0x0;
	s19 =	simm.s32 $0x200;
	[sflag:s12] =	ssyncadd.s32 $0xFFFFD800  }
.LBB2_2:
0x12: {  	p0 =	sne.s32 s19, $0xFE00;
	[tilespmem:s18+$0x2870] =	vst v0  }
0x13: {  	[tilespmem:s18+$0x2800] =	vst v0  }
0x14: {  	[tilespmem:s18+$0x2810] =	vst v0  }
.Ltmp0:
0x15: {  	[tilespmem:s18+$0x2820] =	vst v0;
	(pc) =	sbr.rel @p0 .LBB2_2-.Ltmp0, $4  }
0x16: {  	[tilespmem:s18+$0x2830] =	vst v0  }
0x17: {  	[tilespmem:s18+$0x2840] =	vst v0  }
0x18: {  	[tilespmem:s18+$0x2850] =	vst v0  }
0x19: {  	[tilespmem:s18+$0x2860] =	vst v0;
	s18 =	sshra.s32 s19, $0x2;
	s19 =	sadd.s32 $0x200, s19  }
0x1a: {  	[tilespmem:s18+$0x2870] =	vst v0  }
0x1b: {  	[tilespmem:s18+$0x2800] =	vst v0  }
0x1c: {  	[tilespmem:s18+$0x2810] =	vst v0  }
0x1d: {  	[tilespmem:s18+$0x2820] =	vst v0  }
0x1e: {  	[tilespmem:s18+$0x2830] =	vst v0  }
0x1f: {  	[tilespmem:s18+$0x2840] =	vst v0  }
0x20: {  	[tilespmem:s18+$0x2850] =	vst v0  }
0x21: {  	[tilespmem:s18+$0x2860] =	vst v0  }
0x22: {  	[spmem:s5] =	stream.linear.scatter [tilespmem:s13], [sflag:$0x1], $0x4000, $0x38;
	[tilespmem:$0x1A400] =	vst v63  }
0x23: {  	_ =	swait.ge [sflag:s12], $0x4000  }
0x24: {  	[sflag:s12] =	ssyncset.done $0x0  }
0x25: {  	[sflag:s12] =	ssyncadd.s32 $0xFFFFC000  }
0x26: {  	[spmem:s6] =	stream.linear.scatter [tilespmem:s13], [sflag:$0x1], $0x4000, $0x38;
	[tilespmem:$0x1A400] =	vst v63  }
0x27: {  	_ =	swait.ge [sflag:s12], $0x4000  }
0x28: {  	[sflag:s12] =	ssyncset.done $0x0  }
0x29: {  	[sflag:s12] =	ssyncadd.s32 $0xFFFFC000  }
0x2a: {  	[spmem:s7] =	stream.linear.scatter [tilespmem:s13], [sflag:$0x1], $0x4000, $0x38;
	[tilespmem:$0x1A400] =	vst v63  }
0x2b: {  	_ =	swait.ge [sflag:s12], $0x4000  }
0x2c: {  	[sflag:s12] =	ssyncset.done $0x0  }
0x2d: {  	[sflag:s12] =	ssyncadd.s32 $0xFFFFC000  }
0x2e: {  	[spmem:s8] =	stream.linear.scatter [tilespmem:s13], [sflag:$0x1], $0x4000, $0x38;
	[tilespmem:$0x1A400] =	vst v63  }
0x2f: {  	_ =	swait.ge [sflag:s12], $0x4000  }
0x30: {  	[sflag:s12] =	ssyncset.done $0x0  }
0x31: {  	[sflag:s12] =	ssyncadd.s32 $0xFFFFC000  }
0x32: {  	[spmem:s9] =	stream.linear.scatter [tilespmem:s13], [sflag:$0x1], $0x3C00, $0x38;
	[tilespmem:$0x1A400] =	vst v63  }
0x33: {  	_ =	swait.ge [sflag:s12], $0x3C00  }
0x34: {  	[sflag:s12] =	ssyncset.done $0x0  }
0x35: {  	s18 =	simm.s32 $0x0;
	s19 =	simm.s32 $0x200;
	[sflag:s12] =	ssyncadd.s32 $0xFFFFC400  }
.LBB2_4:
0x36: {  	p0 =	sne.s32 s19, $0xFE00;
	[tilespmem:s18+$0x2870] =	vst v1  }
0x37: {  	[tilespmem:s18+$0x2800] =	vst v1  }
0x38: {  	[tilespmem:s18+$0x2810] =	vst v1  }
.Ltmp1:
0x39: {  	[tilespmem:s18+$0x2820] =	vst v1;
	(pc) =	sbr.rel @p0 .LBB2_4-.Ltmp1, $4  }
0x3a: {  	[tilespmem:s18+$0x2830] =	vst v1  }
0x3b: {  	[tilespmem:s18+$0x2840] =	vst v1  }
0x3c: {  	[tilespmem:s18+$0x2850] =	vst v1  }
0x3d: {  	[tilespmem:s18+$0x2860] =	vst v1;
	s18 =	sshra.s32 s19, $0x2;
	s19 =	sadd.s32 $0x200, s19  }
0x3e: {  	[tilespmem:s18+$0x2870] =	vst v1  }
0x3f: {  	[tilespmem:s18+$0x2800] =	vst v1  }
0x40: {  	[tilespmem:s18+$0x2810] =	vst v1  }
0x41: {  	[tilespmem:s18+$0x2820] =	vst v1  }
0x42: {  	[tilespmem:s18+$0x2830] =	vst v1  }
0x43: {  	[tilespmem:s18+$0x2840] =	vst v1  }
0x44: {  	[tilespmem:s18+$0x2850] =	vst v1  }
0x45: {  	[tilespmem:s18+$0x2860] =	vst v1  }
0x46: {  	s31 =	simm.s32 $0x0;
	[bflag:$0x0] =	sbarrier.arrive $0xFFFF  }
0x47: {  	[spmem:s2] =	stream.indirect.scatter.add.f32 [tilespmem:s13], [sflag:$0x1], $0x80, s31, s14, $0xb8;
	[tilespmem:$0x1A400] =	vst v63  }
0x48: {  	_ =	swait.ge [sflag:s12], $0x4000  }
0x49: {  	s18 =	simm.s32 $0x200;
	[sflag:s12] =	ssyncset.done $0x0  }
.LBB2_6:
0x4a: {  	s19 =	sshra.s32 s18, $0x2;
	[sflag:s12] =	ssyncadd.s32 $0xFFFFC000;
	p0 =	sne.s32 s18, $0x9E00  }
0x4b: {  	[spmem:s2] =	stream.indirect.scatter.add.f32 [tilespmem:s13], [sflag:$0x1], $0x80, s19, s14, $0xb8;
	[tilespmem:$0x1A400] =	vst v63  }
.Ltmp2:
0x4c: {  	_ = 	snop;
	(pc) =	sbr.rel @p0 .LBB2_6-.Ltmp2, $4  }
0x4d: {  	_ = 	snop  }
0x4e: {  	s18 =	sadd.s32 $0x200, s18  }
0x4f: {  	_ =	swait.ge [sflag:s12], $0x4000  }
0x50: {  	[sflag:s12] =	ssyncset.done $0x0  }
0x51: {  	s17 =	sadd.s32 $0x1, s17  }
0x52: {  	[sflag:s12] =	ssyncadd.s32 $0xFFFFC000;
	p0 =	sne.s32 s17, s10  }
.Ltmp3:
0x53: {  	[bflag:$0x0] =	sbarrier.arrive $0xFFFF;
	(pc) =	sbr.rel @p0 .LBB2_1-.Ltmp3, $4  }
0x54: {  	[hbm:s11], [sflag:s15] =	dma.local [spmem:s16], $0x2780  }
0x55: {  	_ =	swait.ge [sflag:s12], $0x2780  }
0x56: {  	[sflag:s12] =	ssyncset.done $0x0  }
0x57: {  	[sflag:s12] =	ssyncadd.s32 $0xFFFFD880  }
0x58: {  	_ =	sfence.sel $0x180000  }
0x59: {  	[bflag:$0x0] =	sbarrier.arrive $0xFFFF  }
0x5a: {  	p0 =	sne.s32 s0, $0x0;
	_ =	strace $0x9000004A  }
0x5b: {  	s0 =	sadd.s32 @!p0 $0x100000, s1;
	[bflag:$0x2] =	sbarrier.arrive $0xFFFF  }
0x5c: {  	[sflag:s0] =	ssyncadd.tile.s32 @!p0 $0x1;
	_ =	shalt  }
.Lfunc_end2:
_tile_overlayer_lowered:
.L_overlay_start_2:
0x5d: {  	(tag) =	ssettag $0x2  }
0x5e: {  	s0 =	rddreg [dreg:$0x0];
	s2 =	stileid.u32  }
0x5f: {  	s1 =	rddreg [dreg:$0x1];
	p0 =	sne.s32 s2, $0x0  }
0x60: {  	s3 =	rddreg [dreg:$0x2];
	[bflag:$0x3] =	sbarrier.arrive $0xFFFF;
	s2 =	simm.s32 @!p0 $0x1C01  }
0x61: {  	[timem:s3], [sflag:s2] =	dma.local @!p0 [hbm:s0], s1  }
0x62: {  	s0 =	simm.s32 @!p0 $0x1  }
0x63: {  	_ =	swait.ge @!p0 [sflag:s0], s1  }
0x64: {  	s1 =	ssub.s32 @!p0 $0x0, s1;
	[sflag:s0] =	ssyncset.done @!p0 $0x0  }
0x65: {  	[sflag:s0] =	ssyncadd.s32 @!p0 s1  }
0x66: {  	[bflag:$0x3] =	sbarrier.arrive $0xFFFF  }
0x67: {  	_ =	shalt  }

</sc_bundles>
